<compile_context>
chip_gen: v7x
topology: tpu7x:2x2x1
jax: 0.10.2.dev20260603
libtpu: 0.0.44.dev20260713+nightly
codegen_flags: <defaults>
</compile_context>

<pallas_src>
import functools
import math

import jax
import jax.numpy as jnp
from jax import lax
from jax.experimental import pallas as pl
from jax.experimental.pallas import tpu as pltpu
from jax.experimental.pallas import tpu_sc as plsc

B = 4096
S = 200
EMB = 32
SCALE = math.sqrt(float(EMB))
NW = 32
BPW = B // NW
TOK_PW = BPW * S
SLAB = EMB * B
TILE = 1024
CH_STRIDE = 32 * TILE


def _emb_body(tok_hbm, table_hbm, out_hbm, tok_v, idx0, idx1, rows0, rows1,
              rpad, tbuf0, tbuf1, gsem0, gsem1, wsem0, wsem1):
    wid = lax.axis_index("s") * 2 + lax.axis_index("c")
    tok_base = wid * TOK_PW

    pltpu.sync_copy(tok_hbm.at[pl.ds(tok_base, TOK_PW)], tok_v)

    ci = lax.iota(jnp.int32, 16)
    jb = ci * S
    NR = 2 * BPW
    ROUNDS = S // 2

    def build_idx(rnd, idx_v):
        s0 = 2 * rnd
        for h in range(2):
            for m in range(8):
                t16 = plsc.load_gather(tok_v, [jb + (m * 16 * S + s0 + h)])
                idx_v[pl.ds(h * BPW + m * 16, 16)] = t16

    def transpose_rows(rows_v, tbuf):
        def rp_body(m, _):
            rb16 = 16 * m
            vals = []
            for j in range(16):
                vals.append(rows_v[rb16 + j, pl.ds(0, 16)])
                vals.append(rows_v[rb16 + j, pl.ds(16, 16)])
            for j in range(16):
                rpad[pl.ds((rb16 + j) * 33, 16)] = vals[2 * j]
                rpad[pl.ds((rb16 + j) * 33 + 16, 16)] = vals[2 * j + 1]
            return 0
        lax.fori_loop(0, NR // 16, rp_body, 0)

        def m_body(m, _):
            rib33 = (ci + 16 * m) * 33
            vals = [plsc.load_gather(rpad, [rib33 + c]) * SCALE
                    for c in range(EMB)]
            half = m // 8
            bl = 16 * m - 128 * half
            for c in range(EMB):
                tbuf[pl.ds(half * 4 * TILE
                           + (c // 8) * TILE + (c % 8) * 128 + bl, 16)] = vals[c]
            return 0
        lax.fori_loop(0, NR // 16, m_body, 0)

    def issue_writes(rnd, tbuf, wsem):
        for h in range(2):
            base = (2 * rnd + h) * SLAB + wid * TILE
            for ch in range(4):
                pltpu.async_copy(
                    tbuf.at[pl.ds(h * 4 * TILE + ch * TILE, TILE)],
                    out_hbm.at[pl.ds(base + ch * CH_STRIDE, TILE)], wsem)

    def drain_writes(wsem, tbuf):
        pltpu.make_async_copy(out_hbm.at[pl.ds(0, 8 * TILE)], tbuf, wsem).wait()

    build_idx(0, idx0)
    pltpu.async_copy(table_hbm.at[idx0], rows0, gsem0)

    def pair_body(t, _):
        r0 = 2 * t
        build_idx(r0 + 1, idx1)
        pltpu.async_copy(table_hbm.at[idx1], rows1, gsem1)
        pltpu.make_async_copy(table_hbm.at[idx0], rows0, gsem0).wait()

        transpose_rows(rows0, tbuf0)
        issue_writes(r0, tbuf0, wsem0)

        build_idx(jnp.minimum(r0 + 2, ROUNDS - 2), idx0)
        pltpu.async_copy(table_hbm.at[idx0], rows0, gsem0)
        pltpu.make_async_copy(table_hbm.at[idx1], rows1, gsem1).wait()

        transpose_rows(rows1, tbuf1)
        issue_writes(r0 + 1, tbuf1, wsem1)
        drain_writes(wsem0, tbuf0)
        drain_writes(wsem1, tbuf1)
        return 0

    lax.fori_loop(0, ROUNDS // 2, pair_body, 0)
    pltpu.make_async_copy(table_hbm.at[idx0], rows0, gsem0).wait()


V = 1000000
RBLK = 256
NBLK = V // RBLK
VTAIL = NBLK * RBLK


def _relayout_body(tab_t, out_hbm, vb0, vb1, vbp, tout0, tout1, vtail,
                   touttail, gsem0, gsem1, wsem0, wsem1):
    wid = lax.axis_index("s") * 2 + lax.axis_index("c")
    ci = lax.iota(jnp.int32, 16)

    def transpose_blk(vb, tout, nrows):
        stride = nrows + 1

        def rp_body(c, _):
            vals = [vb[c, pl.ds(16 * i, 16)] for i in range(nrows // 16)]
            for i in range(nrows // 16):
                vbp[pl.ds(c * stride + 16 * i, 16)] = vals[i]
            return 0
        lax.fori_loop(0, EMB, rp_body, 0)

        base0 = ci * stride
        base1 = (ci + 16) * stride

        def g_body(m, _):
            rb = 16 * m
            vals = []
            for j in range(16):
                vals.append(plsc.load_gather(vbp, [base0 + (rb + j)]))
                vals.append(plsc.load_gather(vbp, [base1 + (rb + j)]))
            for j in range(16):
                tout[pl.ds((rb + j) * EMB, 16)] = vals[2 * j]
                tout[pl.ds((rb + j) * EMB + 16, 16)] = vals[2 * j + 1]
            return 0
        lax.fori_loop(0, nrows // 16, g_body, 0)

    def blk_id(i):
        return jnp.minimum(wid + 32 * i, NBLK - 1)

    def fetch(i, vb, gsem):
        pltpu.async_copy(tab_t.at[:, pl.ds(blk_id(i) * RBLK, RBLK)], vb, gsem)

    def put(i, tout, wsem):
        pltpu.async_copy(tout, out_hbm.at[pl.ds(blk_id(i) * RBLK * EMB,
                                                RBLK * EMB)], wsem)

    def drain(wsem, tout):
        pltpu.make_async_copy(out_hbm.at[pl.ds(0, RBLK * EMB)], tout, wsem).wait()

    fetch(0, vb0, gsem0)
    niter = NBLK // 32 + 1

    def pair_body(t, _):
        i0 = 2 * t
        fetch(i0 + 1, vb1, gsem1)
        pltpu.make_async_copy(tab_t.at[:, pl.ds(0, RBLK)], vb0, gsem0).wait()
        transpose_blk(vb0, tout0, RBLK)
        put(i0, tout0, wsem0)
        fetch(i0 + 2, vb0, gsem0)
        pltpu.make_async_copy(tab_t.at[:, pl.ds(0, RBLK)], vb1, gsem1).wait()
        transpose_blk(vb1, tout1, RBLK)
        put(i0 + 1, tout1, wsem1)
        drain(wsem0, tout0)
        drain(wsem1, tout1)
        return 0

    lax.fori_loop(0, (niter + 1) // 2, pair_body, 0)
    pltpu.make_async_copy(tab_t.at[:, pl.ds(0, RBLK)], vb0, gsem0).wait()
    pltpu.sync_copy(tab_t.at[:, pl.ds(VTAIL, V - VTAIL)], vtail)
    transpose_blk(vtail, touttail, V - VTAIL)
    pltpu.sync_copy(touttail,
                    out_hbm.at[pl.ds(VTAIL * EMB, (V - VTAIL) * EMB)])


def _relayout_table(embedding_weight):
    mesh = plsc.VectorSubcoreMesh(core_axis_name="c", subcore_axis_name="s")
    run = functools.partial(
        pl.kernel,
        mesh=mesh,
        out_type=jax.ShapeDtypeStruct((V * EMB,), jnp.float32),
        scratch_types=[
            pltpu.VMEM((EMB, RBLK), jnp.float32),
            pltpu.VMEM((EMB, RBLK), jnp.float32),
            pltpu.VMEM((EMB * (RBLK + 1),), jnp.float32),
            pltpu.VMEM((RBLK * EMB,), jnp.float32),
            pltpu.VMEM((RBLK * EMB,), jnp.float32),
            pltpu.VMEM((EMB, V - VTAIL), jnp.float32),
            pltpu.VMEM(((V - VTAIL) * EMB,), jnp.float32),
            pltpu.SemaphoreType.DMA,
            pltpu.SemaphoreType.DMA,
            pltpu.SemaphoreType.DMA,
            pltpu.SemaphoreType.DMA,
        ],
        compiler_params=pltpu.CompilerParams(
            use_tc_tiling_on_sc=True, needs_layout_passes=False),
    )(_relayout_body)
    return run(embedding_weight.T)


@jax.jit
def kernel(tokens, embedding_weight):
    tok_flat = tokens.reshape(B * S).astype(jnp.int32)
    table_lin = _relayout_table(embedding_weight).reshape(V, EMB)
    mesh = plsc.VectorSubcoreMesh(core_axis_name="c", subcore_axis_name="s")
    run = functools.partial(
        pl.kernel,
        mesh=mesh,
        out_type=jax.ShapeDtypeStruct((B * S * EMB,), jnp.float32),
        scratch_types=[
            pltpu.VMEM((TOK_PW,), jnp.int32),
            pltpu.VMEM((2 * BPW,), jnp.int32),
            pltpu.VMEM((2 * BPW,), jnp.int32),
            pltpu.VMEM((2 * BPW, EMB), jnp.float32),
            pltpu.VMEM((2 * BPW, EMB), jnp.float32),
            pltpu.VMEM((2 * BPW * 33,), jnp.float32),
            pltpu.VMEM((8 * TILE,), jnp.float32),
            pltpu.VMEM((8 * TILE,), jnp.float32),
            pltpu.SemaphoreType.DMA,
            pltpu.SemaphoreType.DMA,
            pltpu.SemaphoreType.DMA,
            pltpu.SemaphoreType.DMA,
        ],
        compiler_params=pltpu.CompilerParams(
            use_tc_tiling_on_sc=False, needs_layout_passes=False),
    )(_emb_body)
    flat = run(tok_flat, table_lin)
    flat5 = flat.reshape(S, 4, B // 128, 8, 128)
    return flat5.transpose(2, 4, 0, 1, 3).reshape(B, S, EMB)

# --- scband reference (transcript-rebuilt; emitter-appended) ---
"""Pipeline reference for scband-token-embedding-69853348102286 (READ-ONLY COPY).

The authoritative reference and input builder live on the scoring server;
editing this copy changes nothing except your own understanding.
"""

import math
import jax, jax.numpy as jnp
import numpy as np

VOCAB_SIZE = 1000000
EMB_SIZE = 32

def setup_inputs(seed: int = 0) -> dict:
    key = jax.random.key(seed)
    k_tok, k_emb = jax.random.split(key)
    tokens = jax.random.randint(k_tok, (4096, 200), 0, VOCAB_SIZE, dtype=jnp.int64 if jax.config.jax_enable_x64 else jnp.int32)
    embedding_weight = jax.random.normal(k_emb, (VOCAB_SIZE, EMB_SIZE), dtype=jnp.float32)
    return {"tokens": tokens, "embedding_weight": embedding_weight}

def reference(tokens, embedding_weight):
    # torch.nn.Embedding lookup: table[idx]
    emb = jnp.take(embedding_weight, tokens.astype(jnp.int32), axis=0)
    return emb * math.sqrt(EMB_SIZE)

if __name__ == "__main__":
    import jax
    _d = setup_inputs()
    print(jax.jit(kernel)(*tuple(_d.values())))

</pallas_src>

<mosaic_0001>
#map = affine_map<(d0, d1) -> (0, 0)>
#map1 = affine_map<(d0, d1) -> (0)>
module attributes {stable_mosaic.version = 14 : i64} {
  func.func @_relayout_body(%arg0: i32, %arg1: i32, %arg2: memref<32x1000000xf32, #tpu.memory_space<hbm>>, %arg3: memref<32000000xf32, #tpu.memory_space<hbm>>, %arg4: memref<32x256xf32, #tpu.memory_space<vmem>>, %arg5: memref<32x256xf32, #tpu.memory_space<vmem>>, %arg6: memref<8224xf32, #tpu.memory_space<vmem>>, %arg7: memref<8192xf32, #tpu.memory_space<vmem>>, %arg8: memref<8192xf32, #tpu.memory_space<vmem>>, %arg9: memref<32x64xf32, #tpu.memory_space<vmem>>, %arg10: memref<2048xf32, #tpu.memory_space<vmem>>, %arg11: memref<!tpu.dma_semaphore, #tpu.memory_space<semaphore_mem>>, %arg12: memref<!tpu.dma_semaphore, #tpu.memory_space<semaphore_mem>>, %arg13: memref<!tpu.dma_semaphore, #tpu.memory_space<semaphore_mem>>, %arg14: memref<!tpu.dma_semaphore, #tpu.memory_space<semaphore_mem>>) attributes {dimension_semantics = [#tpu.dimension_semantics<core_parallel>, #tpu.dimension_semantics<subcore_parallel>], iteration_bounds = array<i64: 2, 16>, scalar_prefetch = 0 : i64, scratch_operands = 11 : i64, tpu.core_type = #tpu.core_type<sc_vector_subcore>, window_params = [{transform_indices = #map}, {transform_indices = #map1}]} {
    %mul3A = arith.constant 2 : i32
    %mul3A_0 = arith.muli %arg1, %mul3A : i32
    %add3A = arith.addi %mul3A_0, %arg0 : i32
    %iota3A = tpu.iota {dimensions = array<i32: 0>} : vector<16xi32>
    %add3A_1 = arith.constant 0 : i32
    %add3A_2 = arith.addi %add3A, %add3A_1 : i32
    %min3A = arith.constant 3905 : i32
    %min3A_3 = arith.minsi %add3A_2, %min3A : i32
    %mul3A_4 = arith.constant 256 : i32
    %mul3A_5 = arith.muli %min3A_3, %mul3A_4 : i32
    %dma_start3A = arith.constant 0 : i32
    %dma_start3A_6 = tpu.memref_slice %arg2[%dma_start3A, %mul3A_5] : memref<32x1000000xf32, #tpu.memory_space<hbm>> -> memref<32x256xf32, #tpu.memory_space<hbm>>
    %dma_start3A_7 = arith.constant 0 : i32
    %dma_start3A_8 = tpu.memref_slice %arg2[%dma_start3A_7, %mul3A_5] : memref<32x1000000xf32, #tpu.memory_space<hbm>> -> memref<32x256xf32, #tpu.memory_space<hbm>>
    tpu.enqueue_dma source(%dma_start3A_8 : memref<32x256xf32, #tpu.memory_space<hbm>>) target(%arg4 : memref<32x256xf32, #tpu.memory_space<vmem>>) target_semaphore(%arg11 : memref<!tpu.dma_semaphore, #tpu.memory_space<semaphore_mem>>)
    %scan3A = arith.constant 0 : i32
    %scan3A_9 = arith.constant 0 : i32
    %scan3A_10 = arith.constant 62 : i32
    %scan3A_11 = arith.addi %scan3A_9, %scan3A_10 : i32
    %scan3A_12 = arith.constant 1 : i32
    %scan3A_13 = scf.for %scan3A_43 = %scan3A_9 to %scan3A_11 step %scan3A_12 iter_args(%scan3A_44 = %scan3A) -> (i32)  : i32 {
      %mul3A_45 = arith.constant 2 : i32
      %mul3A_46 = arith.muli %mul3A_45, %scan3A_43 : i32
      %add3A_47 = arith.constant 1 : i32
      %add3A_48 = arith.addi %mul3A_46, %add3A_47 : i32
      %mul3A_49 = arith.constant 32 : i32
      %mul3A_50 = arith.muli %mul3A_49, %add3A_48 : i32
      %add3A_51 = arith.addi %add3A, %mul3A_50 : i32
      %min3A_52 = arith.constant 3905 : i32
      %min3A_53 = arith.minsi %add3A_51, %min3A_52 : i32
      %mul3A_54 = arith.constant 256 : i32
      %mul3A_55 = arith.muli %min3A_53, %mul3A_54 : i32
      %dma_start3A_56 = arith.constant 0 : i32
      %dma_start3A_57 = tpu.memref_slice %arg2[%dma_start3A_56, %mul3A_55] : memref<32x1000000xf32, #tpu.memory_space<hbm>> -> memref<32x256xf32, #tpu.memory_space<hbm>>
      %dma_start3A_58 = arith.constant 0 : i32
      %dma_start3A_59 = tpu.memref_slice %arg2[%dma_start3A_58, %mul3A_55] : memref<32x1000000xf32, #tpu.memory_space<hbm>> -> memref<32x256xf32, #tpu.memory_space<hbm>>
      tpu.enqueue_dma source(%dma_start3A_59 : memref<32x256xf32, #tpu.memory_space<hbm>>) target(%arg5 : memref<32x256xf32, #tpu.memory_space<vmem>>) target_semaphore(%arg12 : memref<!tpu.dma_semaphore, #tpu.memory_space<semaphore_mem>>)
      %dma_wait3A_60 = arith.constant 0 : i32
      %dma_wait3A_61 = arith.constant 0 : i32
      %dma_wait3A_62 = tpu.memref_slice %arg2[%dma_wait3A_60, %dma_wait3A_61] : memref<32x1000000xf32, #tpu.memory_space<hbm>> -> memref<32x256xf32, #tpu.memory_space<hbm>>
      %dma_wait3A_63 = arith.constant 0 : i32
      %dma_wait3A_64 = arith.constant 0 : i32
      %dma_wait3A_65 = tpu.memref_slice %arg2[%dma_wait3A_63, %dma_wait3A_64] : memref<32x1000000xf32, #tpu.memory_space<hbm>> -> memref<32x256xf32, #tpu.memory_space<hbm>>
      tpu.wait_dma2 semaphore(%arg11 : memref<!tpu.dma_semaphore, #tpu.memory_space<semaphore_mem>>) src(%dma_wait3A_65 : memref<32x256xf32, #tpu.memory_space<hbm>>) dst(%arg4 : memref<32x256xf32, #tpu.memory_space<vmem>>)
      %scan3A_66 = arith.constant 0 : i32
      %scan3A_67 = arith.constant 0 : i32
      %scan3A_68 = arith.constant 32 : i32
      %scan3A_69 = arith.addi %scan3A_67, %scan3A_68 : i32
      %scan3A_70 = arith.constant 1 : i32
      %scan3A_71 = scf.for %scan3A_164 = %scan3A_67 to %scan3A_69 step %scan3A_70 iter_args(%scan3A_165 = %scan3A_66) -> (i32)  : i32 {
        %get3A = arith.index_cast %scan3A_164 : i32 to index
        %get3A_166 = arith.constant 0 : index
        %get3A_167 = tpu.vector_load %arg4[%get3A, %get3A_166] {strides = array<i32>} : memref<32x256xf32, #tpu.memory_space<vmem>>, vector<16xf32>,
        %get3A_168 = arith.index_cast %scan3A_164 : i32 to index
        %get3A_169 = arith.constant 16 : index
        %get3A_170 = tpu.vector_load %arg4[%get3A_168, %get3A_169] {strides = array<i32>} : memref<32x256xf32, #tpu.memory_space<vmem>>, vector<16xf32>,
        %get3A_171 = arith.index_cast %scan3A_164 : i32 to index
        %get3A_172 = arith.constant 32 : index
        %get3A_173 = tpu.vector_load %arg4[%get3A_171, %get3A_172] {strides = array<i32>} : memref<32x256xf32, #tpu.memory_space<vmem>>, vector<16xf32>,
        %get3A_174 = arith.index_cast %scan3A_164 : i32 to index
        %get3A_175 = arith.constant 48 : index
        %get3A_176 = tpu.vector_load %arg4[%get3A_174, %get3A_175] {strides = array<i32>} : memref<32x256xf32, #tpu.memory_space<vmem>>, vector<16xf32>,
        %get3A_177 = arith.index_cast %scan3A_164 : i32 to index
        %get3A_178 = arith.constant 64 : index
        %get3A_179 = tpu.vector_load %arg4[%get3A_177, %get3A_178] {strides = array<i32>} : memref<32x256xf32, #tpu.memory_space<vmem>>, vector<16xf32>,
        %get3A_180 = arith.index_cast %scan3A_164 : i32 to index
        %get3A_181 = arith.constant 80 : index
        %get3A_182 = tpu.vector_load %arg4[%get3A_180, %get3A_181] {strides = array<i32>} : memref<32x256xf32, #tpu.memory_space<vmem>>, vector<16xf32>,
        %get3A_183 = arith.index_cast %scan3A_164 : i32 to index
        %get3A_184 = arith.constant 96 : index
        %get3A_185 = tpu.vector_load %arg4[%get3A_183, %get3A_184] {strides = array<i32>} : memref<32x256xf32, #tpu.memory_space<vmem>>, vector<16xf32>,
        %get3A_186 = arith.index_cast %scan3A_164 : i32 to index
        %get3A_187 = arith.constant 112 : index
        %get3A_188 = tpu.vector_load %arg4[%get3A_186, %get3A_187] {strides = array<i32>} : memref<32x256xf32, #tpu.memory_space<vmem>>, vector<16xf32>,
        %get3A_189 = arith.index_cast %scan3A_164 : i32 to index
        %get3A_190 = arith.constant 128 : index
        %get3A_191 = tpu.vector_load %arg4[%get3A_189, %get3A_190] {strides = array<i32>} : memref<32x256xf32, #tpu.memory_space<vmem>>, vector<16xf32>,
        %get3A_192 = arith.index_cast %scan3A_164 : i32 to index
        %get3A_193 = arith.constant 144 : index
        %get3A_194 = tpu.vector_load %arg4[%get3A_192, %get3A_193] {strides = array<i32>} : memref<32x256xf32, #tpu.memory_space<vmem>>, vector<16xf32>,
        %get3A_195 = arith.index_cast %scan3A_164 : i32 to index
        %get3A_196 = arith.constant 160 : index
        %get3A_197 = tpu.vector_load %arg4[%get3A_195, %get3A_196] {strides = array<i32>} : memref<32x256xf32, #tpu.memory_space<vmem>>, vector<16xf32>,
        %get3A_198 = arith.index_cast %scan3A_164 : i32 to index
        %get3A_199 = arith.constant 176 : index
        %get3A_200 = tpu.vector_load %arg4[%get3A_198, %get3A_199] {strides = array<i32>} : memref<32x256xf32, #tpu.memory_space<vmem>>, vector<16xf32>,
        %get3A_201 = arith.index_cast %scan3A_164 : i32 to index
        %get3A_202 = arith.constant 192 : index
        %get3A_203 = tpu.vector_load %arg4[%get3A_201, %get3A_202] {strides = array<i32>} : memref<32x256xf32, #tpu.memory_space<vmem>>, vector<16xf32>,
        %get3A_204 = arith.index_cast %scan3A_164 : i32 to index
        %get3A_205 = arith.constant 208 : index
        %get3A_206 = tpu.vector_load %arg4[%get3A_204, %get3A_205] {strides = array<i32>} : memref<32x256xf32, #tpu.memory_space<vmem>>, vector<16xf32>,
        %get3A_207 = arith.index_cast %scan3A_164 : i32 to index
        %get3A_208 = arith.constant 224 : index
        %get3A_209 = tpu.vector_load %arg4[%get3A_207, %get3A_208] {strides = array<i32>} : memref<32x256xf32, #tpu.memory_space<vmem>>, vector<16xf32>,
        %get3A_210 = arith.index_cast %scan3A_164 : i32 to index
        %get3A_211 = arith.constant 240 : index
        %get3A_212 = tpu.vector_load %arg4[%get3A_210, %get3A_211] {strides = array<i32>} : memref<32x256xf32, #tpu.memory_space<vmem>>, vector<16xf32>,
        %mul3A_213 = arith.constant 257 : i32
        %mul3A_214 = arith.muli %scan3A_164, %mul3A_213 : i32
        %add3A_215 = arith.constant 0 : i32
        %add3A_216 = arith.addi %mul3A_214, %add3A_215 : i32
        %swap3A = arith.index_cast %add3A_216 : i32 to index
        %swap3A_217 = tpu.vector_load %arg6[%swap3A] {strides = array<i32>} : memref<8224xf32, #tpu.memory_space<vmem>>, vector<16xf32>,
        tpu.vector_store %arg6[%swap3A], %get3A_167 {strides = array<i32>} : memref<8224xf32, #tpu.memory_space<vmem>>, vector<16xf32>,
        %mul3A_218 = arith.constant 257 : i32
        %mul3A_219 = arith.muli %scan3A_164, %mul3A_218 : i32
        %add3A_220 = arith.constant 16 : i32
        %add3A_221 = arith.addi %mul3A_219, %add3A_220 : i32
        %swap3A_222 = arith.index_cast %add3A_221 : i32 to index
        %swap3A_223 = tpu.vector_load %arg6[%swap3A_222] {strides = array<i32>} : memref<8224xf32, #tpu.memory_space<vmem>>, vector<16xf32>,
        tpu.vector_store %arg6[%swap3A_222], %get3A_170 {strides = array<i32>} : memref<8224xf32, #tpu.memory_space<vmem>>, vector<16xf32>,
        %mul3A_224 = arith.constant 257 : i32
        %mul3A_225 = arith.muli %scan3A_164, %mul3A_224 : i32
        %add3A_226 = arith.constant 32 : i32
        %add3A_227 = arith.addi %mul3A_225, %add3A_226 : i32
        %swap3A_228 = arith.index_cast %add3A_227 : i32 to index
        %swap3A_229 = tpu.vector_load %arg6[%swap3A_228] {strides = array<i32>} : memref<8224xf32, #tpu.memory_space<vmem>>, vector<16xf32>,
        tpu.vector_store %arg6[%swap3A_228], %get3A_173 {strides = array<i32>} : memref<8224xf32, #tpu.memory_space<vmem>>, vector<16xf32>,
        %mul3A_230 = arith.constant 257 : i32
        %mul3A_231 = arith.muli %scan3A_164, %mul3A_230 : i32
        %add3A_232 = arith.constant 48 : i32
        %add3A_233 = arith.addi %mul3A_231, %add3A_232 : i32
        %swap3A_234 = arith.index_cast %add3A_233 : i32 to index
        %swap3A_235 = tpu.vector_load %arg6[%swap3A_234] {strides = array<i32>} : memref<8224xf32, #tpu.memory_space<vmem>>, vector<16xf32>,
        tpu.vector_store %arg6[%swap3A_234], %get3A_176 {strides = array<i32>} : memref<8224xf32, #tpu.memory_space<vmem>>, vector<16xf32>,
        %mul3A_236 = arith.constant 257 : i32
        %mul3A_237 = arith.muli %scan3A_164, %mul3A_236 : i32
        %add3A_238 = arith.constant 64 : i32
        %add3A_239 = arith.addi %mul3A_237, %add3A_238 : i32
        %swap3A_240 = arith.index_cast %add3A_239 : i32 to index
        %swap3A_241 = tpu.vector_load %arg6[%swap3A_240] {strides = array<i32>} : memref<8224xf32, #tpu.memory_space<vmem>>, vector<16xf32>,
        tpu.vector_store %arg6[%swap3A_240], %get3A_179 {strides = array<i32>} : memref<8224xf32, #tpu.memory_space<vmem>>, vector<16xf32>,
        %mul3A_242 = arith.constant 257 : i32
        %mul3A_243 = arith.muli %scan3A_164, %mul3A_242 : i32
        %add3A_244 = arith.constant 80 : i32
        %add3A_245 = arith.addi %mul3A_243, %add3A_244 : i32
        %swap3A_246 = arith.index_cast %add3A_245 : i32 to index
        %swap3A_247 = tpu.vector_load %arg6[%swap3A_246] {strides = array<i32>} : memref<8224xf32, #tpu.memory_space<vmem>>, vector<16xf32>,
        tpu.vector_store %arg6[%swap3A_246], %get3A_182 {strides = array<i32>} : memref<8224xf32, #tpu.memory_space<vmem>>, vector<16xf32>,
        %mul3A_248 = arith.constant 257 : i32
        %mul3A_249 = arith.muli %scan3A_164, %mul3A_248 : i32
        %add3A_250 = arith.constant 96 : i32
        %add3A_251 = arith.addi %mul3A_249, %add3A_250 : i32
        %swap3A_252 = arith.index_cast %add3A_251 : i32 to index
        %swap3A_253 = tpu.vector_load %arg6[%swap3A_252] {strides = array<i32>} : memref<8224xf32, #tpu.memory_space<vmem>>, vector<16xf32>,
        tpu.vector_store %arg6[%swap3A_252], %get3A_185 {strides = array<i32>} : memref<8224xf32, #tpu.memory_space<vmem>>, vector<16xf32>,
        %mul3A_254 = arith.constant 257 : i32
        %mul3A_255 = arith.muli %scan3A_164, %mul3A_254 : i32
        %add3A_256 = arith.constant 112 : i32
        %add3A_257 = arith.addi %mul3A_255, %add3A_256 : i32
        %swap3A_258 = arith.index_cast %add3A_257 : i32 to index
        %swap3A_259 = tpu.vector_load %arg6[%swap3A_258] {strides = array<i32>} : memref<8224xf32, #tpu.memory_space<vmem>>, vector<16xf32>,
        tpu.vector_store %arg6[%swap3A_258], %get3A_188 {strides = array<i32>} : memref<8224xf32, #tpu.memory_space<vmem>>, vector<16xf32>,
        %mul3A_260 = arith.constant 257 : i32
        %mul3A_261 = arith.muli %scan3A_164, %mul3A_260 : i32
        %add3A_262 = arith.constant 128 : i32
        %add3A_263 = arith.addi %mul3A_261, %add3A_262 : i32
        %swap3A_264 = arith.index_cast %add3A_263 : i32 to index
        %swap3A_265 = tpu.vector_load %arg6[%swap3A_264] {strides = array<i32>} : memref<8224xf32, #tpu.memory_space<vmem>>, vector<16xf32>,
        tpu.vector_store %arg6[%swap3A_264], %get3A_191 {strides = array<i32>} : memref<8224xf32, #tpu.memory_space<vmem>>, vector<16xf32>,
        %mul3A_266 = arith.constant 257 : i32
        %mul3A_267 = arith.muli %scan3A_164, %mul3A_266 : i32
        %add3A_268 = arith.constant 144 : i32
        %add3A_269 = arith.addi %mul3A_267, %add3A_268 : i32
        %swap3A_270 = arith.index_cast %add3A_269 : i32 to index
        %swap3A_271 = tpu.vector_load %arg6[%swap3A_270] {strides = array<i32>} : memref<8224xf32, #tpu.memory_space<vmem>>, vector<16xf32>,
        tpu.vector_store %arg6[%swap3A_270], %get3A_194 {strides = array<i32>} : memref<8224xf32, #tpu.memory_space<vmem>>, vector<16xf32>,
        %mul3A_272 = arith.constant 257 : i32
        %mul3A_273 = arith.muli %scan3A_164, %mul3A_272 : i32
        %add3A_274 = arith.constant 160 : i32
        %add3A_275 = arith.addi %mul3A_273, %add3A_274 : i32
        %swap3A_276 = arith.index_cast %add3A_275 : i32 to index
        %swap3A_277 = tpu.vector_load %arg6[%swap3A_276] {strides = array<i32>} : memref<8224xf32, #tpu.memory_space<vmem>>, vector<16xf32>,
        tpu.vector_store %arg6[%swap3A_276], %get3A_197 {strides = array<i32>} : memref<8224xf32, #tpu.memory_space<vmem>>, vector<16xf32>,
        %mul3A_278 = arith.constant 257 : i32
        %mul3A_279 = arith.muli %scan3A_164, %mul3A_278 : i32
        %add3A_280 = arith.constant 176 : i32
        %add3A_281 = arith.addi %mul3A_279, %add3A_280 : i32
        %swap3A_282 = arith.index_cast %add3A_281 : i32 to index
        %swap3A_283 = tpu.vector_load %arg6[%swap3A_282] {strides = array<i32>} : memref<8224xf32, #tpu.memory_space<vmem>>, vector<16xf32>,
        tpu.vector_store %arg6[%swap3A_282], %get3A_200 {strides = array<i32>} : memref<8224xf32, #tpu.memory_space<vmem>>, vector<16xf32>,
        %mul3A_284 = arith.constant 257 : i32
        %mul3A_285 = arith.muli %scan3A_164, %mul3A_284 : i32
        %add3A_286 = arith.constant 192 : i32
        %add3A_287 = arith.addi %mul3A_285, %add3A_286 : i32
        %swap3A_288 = arith.index_cast %add3A_287 : i32 to index
        %swap3A_289 = tpu.vector_load %arg6[%swap3A_288] {strides = array<i32>} : memref<8224xf32, #tpu.memory_space<vmem>>, vector<16xf32>,
        tpu.vector_store %arg6[%swap3A_288], %get3A_203 {strides = array<i32>} : memref<8224xf32, #tpu.memory_space<vmem>>, vector<16xf32>,
        %mul3A_290 = arith.constant 257 : i32
        %mul3A_291 = arith.muli %scan3A_164, %mul3A_290 : i32
        %add3A_292 = arith.constant 208 : i32
        %add3A_293 = arith.addi %mul3A_291, %add3A_292 : i32
        %swap3A_294 = arith.index_cast %add3A_293 : i32 to index
        %swap3A_295 = tpu.vector_load %arg6[%swap3A_294] {strides = array<i32>} : memref<8224xf32, #tpu.memory_space<vmem>>, vector<16xf32>,
        tpu.vector_store %arg6[%swap3A_294], %get3A_206 {strides = array<i32>} : memref<8224xf32, #tpu.memory_space<vmem>>, vector<16xf32>,
        %mul3A_296 = arith.constant 257 : i32
        %mul3A_297 = arith.muli %scan3A_164, %mul3A_296 : i32
        %add3A_298 = arith.constant 224 : i32
        %add3A_299 = arith.addi %mul3A_297, %add3A_298 : i32
        %swap3A_300 = arith.index_cast %add3A_299 : i32 to index
        %swap3A_301 = tpu.vector_load %arg6[%swap3A_300] {strides = array<i32>} : memref<8224xf32, #tpu.memory_space<vmem>>, vector<16xf32>,
        tpu.vector_store %arg6[%swap3A_300], %get3A_209 {strides = array<i32>} : memref<8224xf32, #tpu.memory_space<vmem>>, vector<16xf32>,
        %mul3A_302 = arith.constant 257 : i32
        %mul3A_303 = arith.muli %scan3A_164, %mul3A_302 : i32
        %add3A_304 = arith.constant 240 : i32
        %add3A_305 = arith.addi %mul3A_303, %add3A_304 : i32
        %swap3A_306 = arith.index_cast %add3A_305 : i32 to index
        %swap3A_307 = tpu.vector_load %arg6[%swap3A_306] {strides = array<i32>} : memref<8224xf32, #tpu.memory_space<vmem>>, vector<16xf32>,
        tpu.vector_store %arg6[%swap3A_306], %get3A_212 {strides = array<i32>} : memref<8224xf32, #tpu.memory_space<vmem>>, vector<16xf32>,
        %scan3A_308 = arith.constant 0 : i32
        scf.yield %scan3A_308 : i32
      }
      %scan3A_72 = arith.constant 32 : i32
      %mul3A_73 = arith.constant 257 : i32
      %mul3A_74 = vector.broadcast %mul3A_73 : i32 to vector<16xi32>
      %mul3A_75 = arith.muli %iota3A, %mul3A_74 : vector<16xi32>
      %add3A_76 = arith.constant 16 : i32
      %add3A_77 = vector.broadcast %add3A_76 : i32 to vector<16xi32>
      %add3A_78 = arith.addi %iota3A, %add3A_77 : vector<16xi32>
      %mul3A_79 = arith.constant 257 : i32
      %mul3A_80 = vector.broadcast %mul3A_79 : i32 to vector<16xi32>
      %mul3A_81 = arith.muli %add3A_78, %mul3A_80 : vector<16xi32>
      %scan3A_82 = arith.constant 0 : i32
      %scan3A_83 = arith.constant 0 : i32
      %scan3A_84 = arith.constant 16 : i32
      %scan3A_85 = arith.addi %scan3A_83, %scan3A_84 : i32
      %scan3A_86 = arith.constant 1 : i32
      %scan3A_87 = scf.for %scan3A_164 = %scan3A_83 to %scan3A_85 step %scan3A_86 iter_args(%scan3A_165 = %scan3A_82) -> (i32)  : i32 {
        %mul3A_166 = arith.constant 16 : i32
        %mul3A_167 = arith.muli %mul3A_166, %scan3A_164 : i32
        %add3A_168 = arith.constant 0 : i32
        %add3A_169 = arith.addi %mul3A_167, %add3A_168 : i32
        %add3A_170 = vector.broadcast %add3A_169 : i32 to vector<16xi32>
        %add3A_171 = arith.addi %mul3A_75, %add3A_170 : vector<16xi32>
        %gather3A = tpu.vector_load_idx %arg6[%add3A_171] : memref<8224xf32, #tpu.memory_space<vmem>>[vector<16xi32>], vector<16xf32>,
        %add3A_172 = arith.constant 0 : i32
        %add3A_173 = arith.addi %mul3A_167, %add3A_172 : i32
        %add3A_174 = vector.broadcast %add3A_173 : i32 to vector<16xi32>
        %add3A_175 = arith.addi %mul3A_81, %add3A_174 : vector<16xi32>
        %gather3A_176 = tpu.vector_load_idx %arg6[%add3A_175] : memref<8224xf32, #tpu.memory_space<vmem>>[vector<16xi32>], vector<16xf32>,
        %add3A_177 = arith.constant 1 : i32
        %add3A_178 = arith.addi %mul3A_167, %add3A_177 : i32
        %add3A_179 = vector.broadcast %add3A_178 : i32 to vector<16xi32>
        %add3A_180 = arith.addi %mul3A_75, %add3A_179 : vector<16xi32>
        %gather3A_181 = tpu.vector_load_idx %arg6[%add3A_180] : memref<8224xf32, #tpu.memory_space<vmem>>[vector<16xi32>], vector<16xf32>,
        %add3A_182 = arith.constant 1 : i32
        %add3A_183 = arith.addi %mul3A_167, %add3A_182 : i32
        %add3A_184 = vector.broadcast %add3A_183 : i32 to vector<16xi32>
        %add3A_185 = arith.addi %mul3A_81, %add3A_184 : vector<16xi32>
        %gather3A_186 = tpu.vector_load_idx %arg6[%add3A_185] : memref<8224xf32, #tpu.memory_space<vmem>>[vector<16xi32>], vector<16xf32>,
        %add3A_187 = arith.constant 2 : i32
        %add3A_188 = arith.addi %mul3A_167, %add3A_187 : i32
        %add3A_189 = vector.broadcast %add3A_188 : i32 to vector<16xi32>
        %add3A_190 = arith.addi %mul3A_75, %add3A_189 : vector<16xi32>
        %gather3A_191 = tpu.vector_load_idx %arg6[%add3A_190] : memref<8224xf32, #tpu.memory_space<vmem>>[vector<16xi32>], vector<16xf32>,
        %add3A_192 = arith.constant 2 : i32
        %add3A_193 = arith.addi %mul3A_167, %add3A_192 : i32
        %add3A_194 = vector.broadcast %add3A_193 : i32 to vector<16xi32>
        %add3A_195 = arith.addi %mul3A_81, %add3A_194 : vector<16xi32>
        %gather3A_196 = tpu.vector_load_idx %arg6[%add3A_195] : memref<8224xf32, #tpu.memory_space<vmem>>[vector<16xi32>], vector<16xf32>,
        %add3A_197 = arith.constant 3 : i32
        %add3A_198 = arith.addi %mul3A_167, %add3A_197 : i32
        %add3A_199 = vector.broadcast %add3A_198 : i32 to vector<16xi32>
        %add3A_200 = arith.addi %mul3A_75, %add3A_199 : vector<16xi32>
        %gather3A_201 = tpu.vector_load_idx %arg6[%add3A_200] : memref<8224xf32, #tpu.memory_space<vmem>>[vector<16xi32>], vector<16xf32>,
        %add3A_202 = arith.constant 3 : i32
        %add3A_203 = arith.addi %mul3A_167, %add3A_202 : i32
        %add3A_204 = vector.broadcast %add3A_203 : i32 to vector<16xi32>
        %add3A_205 = arith.addi %mul3A_81, %add3A_204 : vector<16xi32>
        %gather3A_206 = tpu.vector_load_idx %arg6[%add3A_205] : memref<8224xf32, #tpu.memory_space<vmem>>[vector<16xi32>], vector<16xf32>,
        %add3A_207 = arith.constant 4 : i32
        %add3A_208 = arith.addi %mul3A_167, %add3A_207 : i32
        %add3A_209 = vector.broadcast %add3A_208 : i32 to vector<16xi32>
        %add3A_210 = arith.addi %mul3A_75, %add3A_209 : vector<16xi32>
        %gather3A_211 = tpu.vector_load_idx %arg6[%add3A_210] : memref<8224xf32, #tpu.memory_space<vmem>>[vector<16xi32>], vector<16xf32>,
        %add3A_212 = arith.constant 4 : i32
        %add3A_213 = arith.addi %mul3A_167, %add3A_212 : i32
        %add3A_214 = vector.broadcast %add3A_213 : i32 to vector<16xi32>
        %add3A_215 = arith.addi %mul3A_81, %add3A_214 : vector<16xi32>
        %gather3A_216 = tpu.vector_load_idx %arg6[%add3A_215] : memref<8224xf32, #tpu.memory_space<vmem>>[vector<16xi32>], vector<16xf32>,
        %add3A_217 = arith.constant 5 : i32
        %add3A_218 = arith.addi %mul3A_167, %add3A_217 : i32
        %add3A_219 = vector.broadcast %add3A_218 : i32 to vector<16xi32>
        %add3A_220 = arith.addi %mul3A_75, %add3A_219 : vector<16xi32>
        %gather3A_221 = tpu.vector_load_idx %arg6[%add3A_220] : memref<8224xf32, #tpu.memory_space<vmem>>[vector<16xi32>], vector<16xf32>,
        %add3A_222 = arith.constant 5 : i32
        %add3A_223 = arith.addi %mul3A_167, %add3A_222 : i32
        %add3A_224 = vector.broadcast %add3A_223 : i32 to vector<16xi32>
        %add3A_225 = arith.addi %mul3A_81, %add3A_224 : vector<16xi32>
        %gather3A_226 = tpu.vector_load_idx %arg6[%add3A_225] : memref<8224xf32, #tpu.memory_space<vmem>>[vector<16xi32>], vector<16xf32>,
        %add3A_227 = arith.constant 6 : i32
        %add3A_228 = arith.addi %mul3A_167, %add3A_227 : i32
        %add3A_229 = vector.broadcast %add3A_228 : i32 to vector<16xi32>
        %add3A_230 = arith.addi %mul3A_75, %add3A_229 : vector<16xi32>
        %gather3A_231 = tpu.vector_load_idx %arg6[%add3A_230] : memref<8224xf32, #tpu.memory_space<vmem>>[vector<16xi32>], vector<16xf32>,
        %add3A_232 = arith.constant 6 : i32
        %add3A_233 = arith.addi %mul3A_167, %add3A_232 : i32
        %add3A_234 = vector.broadcast %add3A_233 : i32 to vector<16xi32>
        %add3A_235 = arith.addi %mul3A_81, %add3A_234 : vector<16xi32>
        %gather3A_236 = tpu.vector_load_idx %arg6[%add3A_235] : memref<8224xf32, #tpu.memory_space<vmem>>[vector<16xi32>], vector<16xf32>,
        %add3A_237 = arith.constant 7 : i32
        %add3A_238 = arith.addi %mul3A_167, %add3A_237 : i32
        %add3A_239 = vector.broadcast %add3A_238 : i32 to vector<16xi32>
        %add3A_240 = arith.addi %mul3A_75, %add3A_239 : vector<16xi32>
        %gather3A_241 = tpu.vector_load_idx %arg6[%add3A_240] : memref<8224xf32, #tpu.memory_space<vmem>>[vector<16xi32>], vector<16xf32>,
        %add3A_242 = arith.constant 7 : i32
        %add3A_243 = arith.addi %mul3A_167, %add3A_242 : i32
        %add3A_244 = vector.broadcast %add3A_243 : i32 to vector<16xi32>
        %add3A_245 = arith.addi %mul3A_81, %add3A_244 : vector<16xi32>
        %gather3A_246 = tpu.vector_load_idx %arg6[%add3A_245] : memref<8224xf32, #tpu.memory_space<vmem>>[vector<16xi32>], vector<16xf32>,
        %add3A_247 = arith.constant 8 : i32
        %add3A_248 = arith.addi %mul3A_167, %add3A_247 : i32
        %add3A_249 = vector.broadcast %add3A_248 : i32 to vector<16xi32>
        %add3A_250 = arith.addi %mul3A_75, %add3A_249 : vector<16xi32>
        %gather3A_251 = tpu.vector_load_idx %arg6[%add3A_250] : memref<8224xf32, #tpu.memory_space<vmem>>[vector<16xi32>], vector<16xf32>,
        %add3A_252 = arith.constant 8 : i32
        %add3A_253 = arith.addi %mul3A_167, %add3A_252 : i32
        %add3A_254 = vector.broadcast %add3A_253 : i32 to vector<16xi32>
        %add3A_255 = arith.addi %mul3A_81, %add3A_254 : vector<16xi32>
        %gather3A_256 = tpu.vector_load_idx %arg6[%add3A_255] : memref<8224xf32, #tpu.memory_space<vmem>>[vector<16xi32>], vector<16xf32>,
        %add3A_257 = arith.constant 9 : i32
        %add3A_258 = arith.addi %mul3A_167, %add3A_257 : i32
        %add3A_259 = vector.broadcast %add3A_258 : i32 to vector<16xi32>
        %add3A_260 = arith.addi %mul3A_75, %add3A_259 : vector<16xi32>
        %gather3A_261 = tpu.vector_load_idx %arg6[%add3A_260] : memref<8224xf32, #tpu.memory_space<vmem>>[vector<16xi32>], vector<16xf32>,
        %add3A_262 = arith.constant 9 : i32
        %add3A_263 = arith.addi %mul3A_167, %add3A_262 : i32
        %add3A_264 = vector.broadcast %add3A_263 : i32 to vector<16xi32>
        %add3A_265 = arith.addi %mul3A_81, %add3A_264 : vector<16xi32>
        %gather3A_266 = tpu.vector_load_idx %arg6[%add3A_265] : memref<8224xf32, #tpu.memory_space<vmem>>[vector<16xi32>], vector<16xf32>,
        %add3A_267 = arith.constant 10 : i32
        %add3A_268 = arith.addi %mul3A_167, %add3A_267 : i32
        %add3A_269 = vector.broadcast %add3A_268 : i32 to vector<16xi32>
        %add3A_270 = arith.addi %mul3A_75, %add3A_269 : vector<16xi32>
        %gather3A_271 = tpu.vector_load_idx %arg6[%add3A_270] : memref<8224xf32, #tpu.memory_space<vmem>>[vector<16xi32>], vector<16xf32>,
        %add3A_272 = arith.constant 10 : i32
        %add3A_273 = arith.addi %mul3A_167, %add3A_272 : i32
        %add3A_274 = vector.broadcast %add3A_273 : i32 to vector<16xi32>
        %add3A_275 = arith.addi %mul3A_81, %add3A_274 : vector<16xi32>
        %gather3A_276 = tpu.vector_load_idx %arg6[%add3A_275] : memref<8224xf32, #tpu.memory_space<vmem>>[vector<16xi32>], vector<16xf32>,
        %add3A_277 = arith.constant 11 : i32
        %add3A_278 = arith.addi %mul3A_167, %add3A_277 : i32
        %add3A_279 = vector.broadcast %add3A_278 : i32 to vector<16xi32>
        %add3A_280 = arith.addi %mul3A_75, %add3A_279 : vector<16xi32>
        %gather3A_281 = tpu.vector_load_idx %arg6[%add3A_280] : memref<8224xf32, #tpu.memory_space<vmem>>[vector<16xi32>], vector<16xf32>,
        %add3A_282 = arith.constant 11 : i32
        %add3A_283 = arith.addi %mul3A_167, %add3A_282 : i32
        %add3A_284 = vector.broadcast %add3A_283 : i32 to vector<16xi32>
        %add3A_285 = arith.addi %mul3A_81, %add3A_284 : vector<16xi32>
        %gather3A_286 = tpu.vector_load_idx %arg6[%add3A_285] : memref<8224xf32, #tpu.memory_space<vmem>>[vector<16xi32>], vector<16xf32>,
        %add3A_287 = arith.constant 12 : i32
        %add3A_288 = arith.addi %mul3A_167, %add3A_287 : i32
        %add3A_289 = vector.broadcast %add3A_288 : i32 to vector<16xi32>
        %add3A_290 = arith.addi %mul3A_75, %add3A_289 : vector<16xi32>
        %gather3A_291 = tpu.vector_load_idx %arg6[%add3A_290] : memref<8224xf32, #tpu.memory_space<vmem>>[vector<16xi32>], vector<16xf32>,
        %add3A_292 = arith.constant 12 : i32
        %add3A_293 = arith.addi %mul3A_167, %add3A_292 : i32
        %add3A_294 = vector.broadcast %add3A_293 : i32 to vector<16xi32>
        %add3A_295 = arith.addi %mul3A_81, %add3A_294 : vector<16xi32>
        %gather3A_296 = tpu.vector_load_idx %arg6[%add3A_295] : memref<8224xf32, #tpu.memory_space<vmem>>[vector<16xi32>], vector<16xf32>,
        %add3A_297 = arith.constant 13 : i32
        %add3A_298 = arith.addi %mul3A_167, %add3A_297 : i32
        %add3A_299 = vector.broadcast %add3A_298 : i32 to vector<16xi32>
        %add3A_300 = arith.addi %mul3A_75, %add3A_299 : vector<16xi32>
        %gather3A_301 = tpu.vector_load_idx %arg6[%add3A_300] : memref<8224xf32, #tpu.memory_space<vmem>>[vector<16xi32>], vector<16xf32>,
        %add3A_302 = arith.constant 13 : i32
        %add3A_303 = arith.addi %mul3A_167, %add3A_302 : i32
        %add3A_304 = vector.broadcast %add3A_303 : i32 to vector<16xi32>
        %add3A_305 = arith.addi %mul3A_81, %add3A_304 : vector<16xi32>
        %gather3A_306 = tpu.vector_load_idx %arg6[%add3A_305] : memref<8224xf32, #tpu.memory_space<vmem>>[vector<16xi32>], vector<16xf32>,
        %add3A_307 = arith.constant 14 : i32
        %add3A_308 = arith.addi %mul3A_167, %add3A_307 : i32
        %add3A_309 = vector.broadcast %add3A_308 : i32 to vector<16xi32>
        %add3A_310 = arith.addi %mul3A_75, %add3A_309 : vector<16xi32>
        %gather3A_311 = tpu.vector_load_idx %arg6[%add3A_310] : memref<8224xf32, #tpu.memory_space<vmem>>[vector<16xi32>], vector<16xf32>,
        %add3A_312 = arith.constant 14 : i32
        %add3A_313 = arith.addi %mul3A_167, %add3A_312 : i32
        %add3A_314 = vector.broadcast %add3A_313 : i32 to vector<16xi32>
        %add3A_315 = arith.addi %mul3A_81, %add3A_314 : vector<16xi32>
        %gather3A_316 = tpu.vector_load_idx %arg6[%add3A_315] : memref<8224xf32, #tpu.memory_space<vmem>>[vector<16xi32>], vector<16xf32>,
        %add3A_317 = arith.constant 15 : i32
        %add3A_318 = arith.addi %mul3A_167, %add3A_317 : i32
        %add3A_319 = vector.broadcast %add3A_318 : i32 to vector<16xi32>
        %add3A_320 = arith.addi %mul3A_75, %add3A_319 : vector<16xi32>
        %gather3A_321 = tpu.vector_load_idx %arg6[%add3A_320] : memref<8224xf32, #tpu.memory_space<vmem>>[vector<16xi32>], vector<16xf32>,
        %add3A_322 = arith.constant 15 : i32
        %add3A_323 = arith.addi %mul3A_167, %add3A_322 : i32
        %add3A_324 = vector.broadcast %add3A_323 : i32 to vector<16xi32>
        %add3A_325 = arith.addi %mul3A_81, %add3A_324 : vector<16xi32>
        %gather3A_326 = tpu.vector_load_idx %arg6[%add3A_325] : memref<8224xf32, #tpu.memory_space<vmem>>[vector<16xi32>], vector<16xf32>,
        %add3A_327 = arith.constant 0 : i32
        %add3A_328 = arith.addi %mul3A_167, %add3A_327 : i32
        %mul3A_329 = arith.constant 32 : i32
        %mul3A_330 = arith.muli %add3A_328, %mul3A_329 : i32
        %swap3A = arith.index_cast %mul3A_330 : i32 to index
        %swap3A_331 = tpu.vector_load %arg7[%swap3A] {strides = array<i32>} : memref<8192xf32, #tpu.memory_space<vmem>>, vector<16xf32>,
        tpu.vector_store %arg7[%swap3A], %gather3A {strides = array<i32>} : memref<8192xf32, #tpu.memory_space<vmem>>, vector<16xf32>,
        %add3A_332 = arith.constant 0 : i32
        %add3A_333 = arith.addi %mul3A_167, %add3A_332 : i32
        %mul3A_334 = arith.constant 32 : i32
        %mul3A_335 = arith.muli %add3A_333, %mul3A_334 : i32
        %add3A_336 = arith.constant 16 : i32
        %add3A_337 = arith.addi %mul3A_335, %add3A_336 : i32
        %swap3A_338 = arith.index_cast %add3A_337 : i32 to index
        %swap3A_339 = tpu.vector_load %arg7[%swap3A_338] {strides = array<i32>} : memref<8192xf32, #tpu.memory_space<vmem>>, vector<16xf32>,
        tpu.vector_store %arg7[%swap3A_338], %gather3A_176 {strides = array<i32>} : memref<8192xf32, #tpu.memory_space<vmem>>, vector<16xf32>,
        %add3A_340 = arith.constant 1 : i32
        %add3A_341 = arith.addi %mul3A_167, %add3A_340 : i32
        %mul3A_342 = arith.constant 32 : i32
        %mul3A_343 = arith.muli %add3A_341, %mul3A_342 : i32
        %swap3A_344 = arith.index_cast %mul3A_343 : i32 to index
        %swap3A_345 = tpu.vector_load %arg7[%swap3A_344] {strides = array<i32>} : memref<8192xf32, #tpu.memory_space<vmem>>, vector<16xf32>,
        tpu.vector_store %arg7[%swap3A_344], %gather3A_181 {strides = array<i32>} : memref<8192xf32, #tpu.memory_space<vmem>>, vector<16xf32>,
        %add3A_346 = arith.constant 1 : i32
        %add3A_347 = arith.addi %mul3A_167, %add3A_346 : i32
        %mul3A_348 = arith.constant 32 : i32
        %mul3A_349 = arith.muli %add3A_347, %mul3A_348 : i32
        %add3A_350 = arith.constant 16 : i32
        %add3A_351 = arith.addi %mul3A_349, %add3A_350 : i32
        %swap3A_352 = arith.index_cast %add3A_351 : i32 to index
        %swap3A_353 = tpu.vector_load %arg7[%swap3A_352] {strides = array<i32>} : memref<8192xf32, #tpu.memory_space<vmem>>, vector<16xf32>,
        tpu.vector_store %arg7[%swap3A_352], %gather3A_186 {strides = array<i32>} : memref<8192xf32, #tpu.memory_space<vmem>>, vector<16xf32>,
        %add3A_354 = arith.constant 2 : i32
        %add3A_355 = arith.addi %mul3A_167, %add3A_354 : i32
        %mul3A_356 = arith.constant 32 : i32
        %mul3A_357 = arith.muli %add3A_355, %mul3A_356 : i32
        %swap3A_358 = arith.index_cast %mul3A_357 : i32 to index
        %swap3A_359 = tpu.vector_load %arg7[%swap3A_358] {strides = array<i32>} : memref<8192xf32, #tpu.memory_space<vmem>>, vector<16xf32>,
        tpu.vector_store %arg7[%swap3A_358], %gather3A_191 {strides = array<i32>} : memref<8192xf32, #tpu.memory_space<vmem>>, vector<16xf32>,
        %add3A_360 = arith.constant 2 : i32
        %add3A_361 = arith.addi %mul3A_167, %add3A_360 : i32
        %mul3A_362 = arith.constant 32 : i32
        %mul3A_363 = arith.muli %add3A_361, %mul3A_362 : i32
        %add3A_364 = arith.constant 16 : i32
        %add3A_365 = arith.addi %mul3A_363, %add3A_364 : i32
        %swap3A_366 = arith.index_cast %add3A_365 : i32 to index
        %swap3A_367 = tpu.vector_load %arg7[%swap3A_366] {strides = array<i32>} : memref<8192xf32, #tpu.memory_space<vmem>>, vector<16xf32>,
        tpu.vector_store %arg7[%swap3A_366], %gather3A_196 {strides = array<i32>} : memref<8192xf32, #tpu.memory_space<vmem>>, vector<16xf32>,
        %add3A_368 = arith.constant 3 : i32
        %add3A_369 = arith.addi %mul3A_167, %add3A_368 : i32
        %mul3A_370 = arith.constant 32 : i32
        %mul3A_371 = arith.muli %add3A_369, %mul3A_370 : i32
        %swap3A_372 = arith.index_cast %mul3A_371 : i32 to index
        %swap3A_373 = tpu.vector_load %arg7[%swap3A_372] {strides = array<i32>} : memref<8192xf32, #tpu.memory_space<vmem>>, vector<16xf32>,
        tpu.vector_store %arg7[%swap3A_372], %gather3A_201 {strides = array<i32>} : memref<8192xf32, #tpu.memory_space<vmem>>, vector<16xf32>,
        %add3A_374 = arith.constant 3 : i32
        %add3A_375 = arith.addi %mul3A_167, %add3A_374 : i32
        %mul3A_376 = arith.constant 32 : i32
        %mul3A_377 = arith.muli %add3A_375, %mul3A_376 : i32
        %add3A_378 = arith.constant 16 : i32
        %add3A_379 = arith.addi %mul3A_377, %add3A_378 : i32
        %swap3A_380 = arith.index_cast %add3A_379 : i32 to index
        %swap3A_381 = tpu.vector_load %arg7[%swap3A_380] {strides = array<i32>} : memref<8192xf32, #tpu.memory_space<vmem>>, vector<16xf32>,
        tpu.vector_store %arg7[%swap3A_380], %gather3A_206 {strides = array<i32>} : memref<8192xf32, #tpu.memory_space<vmem>>, vector<16xf32>,
        %add3A_382 = arith.constant 4 : i32
        %add3A_383 = arith.addi %mul3A_167, %add3A_382 : i32
        %mul3A_384 = arith.constant 32 : i32
        %mul3A_385 = arith.muli %add3A_383, %mul3A_384 : i32
        %swap3A_386 = arith.index_cast %mul3A_385 : i32 to index
        %swap3A_387 = tpu.vector_load %arg7[%swap3A_386] {strides = array<i32>} : memref<8192xf32, #tpu.memory_space<vmem>>, vector<16xf32>,
        tpu.vector_store %arg7[%swap3A_386], %gather3A_211 {strides = array<i32>} : memref<8192xf32, #tpu.memory_space<vmem>>, vector<16xf32>,
        %add3A_388 = arith.constant 4 : i32
        %add3A_389 = arith.addi %mul3A_167, %add3A_388 : i32
        %mul3A_390 = arith.constant 32 : i32
        %mul3A_391 = arith.muli %add3A_389, %mul3A_390 : i32
        %add3A_392 = arith.constant 16 : i32
        %add3A_393 = arith.addi %mul3A_391, %add3A_392 : i32
        %swap3A_394 = arith.index_cast %add3A_393 : i32 to index
        %swap3A_395 = tpu.vector_load %arg7[%swap3A_394] {strides = array<i32>} : memref<8192xf32, #tpu.memory_space<vmem>>, vector<16xf32>,
        tpu.vector_store %arg7[%swap3A_394], %gather3A_216 {strides = array<i32>} : memref<8192xf32, #tpu.memory_space<vmem>>, vector<16xf32>,
        %add3A_396 = arith.constant 5 : i32
        %add3A_397 = arith.addi %mul3A_167, %add3A_396 : i32
        %mul3A_398 = arith.constant 32 : i32
        %mul3A_399 = arith.muli %add3A_397, %mul3A_398 : i32
        %swap3A_400 = arith.index_cast %mul3A_399 : i32 to index
        %swap3A_401 = tpu.vector_load %arg7[%swap3A_400] {strides = array<i32>} : memref<8192xf32, #tpu.memory_space<vmem>>, vector<16xf32>,
        tpu.vector_store %arg7[%swap3A_400], %gather3A_221 {strides = array<i32>} : memref<8192xf32, #tpu.memory_space<vmem>>, vector<16xf32>,
        %add3A_402 = arith.constant 5 : i32
        %add3A_403 = arith.addi %mul3A_167, %add3A_402 : i32
        %mul3A_404 = arith.constant 32 : i32
        %mul3A_405 = arith.muli %add3A_403, %mul3A_404 : i32
        %add3A_406 = arith.constant 16 : i32
        %add3A_407 = arith.addi %mul3A_405, %add3A_406 : i32
        %swap3A_408 = arith.index_cast %add3A_407 : i32 to index
        %swap3A_409 = tpu.vector_load %arg7[%swap3A_408] {strides = array<i32>} : memref<8192xf32, #tpu.memory_space<vmem>>, vector<16xf32>,
        tpu.vector_store %arg7[%swap3A_408], %gather3A_226 {strides = array<i32>} : memref<8192xf32, #tpu.memory_space<vmem>>, vector<16xf32>,
        %add3A_410 = arith.constant 6 : i32
        %add3A_411 = arith.addi %mul3A_167, %add3A_410 : i32
        %mul3A_412 = arith.constant 32 : i32
        %mul3A_413 = arith.muli %add3A_411, %mul3A_412 : i32
        %swap3A_414 = arith.index_cast %mul3A_413 : i32 to index
        %swap3A_415 = tpu.vector_load %arg7[%swap3A_414] {strides = array<i32>} : memref<8192xf32, #tpu.memory_space<vmem>>, vector<16xf32>,
        tpu.vector_store %arg7[%swap3A_414], %gather3A_231 {strides = array<i32>} : memref<8192xf32, #tpu.memory_space<vmem>>, vector<16xf32>,
        %add3A_416 = arith.constant 6 : i32
        %add3A_417 = arith.addi %mul3A_167, %add3A_416 : i32
        %mul3A_418 = arith.constant 32 : i32
        %mul3A_419 = arith.muli %add3A_417, %mul3A_418 : i32
        %add3A_420 = arith.constant 16 : i32
        %add3A_421 = arith.addi %mul3A_419, %add3A_420 : i32
        %swap3A_422 = arith.index_cast %add3A_421 : i32 to index
        %swap3A_423 = tpu.vector_load %arg7[%swap3A_422] {strides = array<i32>} : memref<8192xf32, #tpu.memory_space<vmem>>, vector<16xf32>,
        tpu.vector_store %arg7[%swap3A_422], %gather3A_236 {strides = array<i32>} : memref<8192xf32, #tpu.memory_space<vmem>>, vector<16xf32>,
        %add3A_424 = arith.constant 7 : i32
        %add3A_425 = arith.addi %mul3A_167, %add3A_424 : i32
        %mul3A_426 = arith.constant 32 : i32
        %mul3A_427 = arith.muli %add3A_425, %mul3A_426 : i32
        %swap3A_428 = arith.index_cast %mul3A_427 : i32 to index
        %swap3A_429 = tpu.vector_load %arg7[%swap3A_428] {strides = array<i32>} : memref<8192xf32, #tpu.memory_space<vmem>>, vector<16xf32>,
        tpu.vector_store %arg7[%swap3A_428], %gather3A_241 {strides = array<i32>} : memref<8192xf32, #tpu.memory_space<vmem>>, vector<16xf32>,
        %add3A_430 = arith.constant 7 : i32
        %add3A_431 = arith.addi %mul3A_167, %add3A_430 : i32
        %mul3A_432 = arith.constant 32 : i32
        %mul3A_433 = arith.muli %add3A_431, %mul3A_432 : i32
        %add3A_434 = arith.constant 16 : i32
        %add3A_435 = arith.addi %mul3A_433, %add3A_434 : i32
        %swap3A_436 = arith.index_cast %add3A_435 : i32 to index
        %swap3A_437 = tpu.vector_load %arg7[%swap3A_436] {strides = array<i32>} : memref<8192xf32, #tpu.memory_space<vmem>>, vector<16xf32>,
        tpu.vector_store %arg7[%swap3A_436], %gather3A_246 {strides = array<i32>} : memref<8192xf32, #tpu.memory_space<vmem>>, vector<16xf32>,
        %add3A_438 = arith.constant 8 : i32
        %add3A_439 = arith.addi %mul3A_167, %add3A_438 : i32
        %mul3A_440 = arith.constant 32 : i32
        %mul3A_441 = arith.muli %add3A_439, %mul3A_440 : i32
        %swap3A_442 = arith.index_cast %mul3A_441 : i32 to index
        %swap3A_443 = tpu.vector_load %arg7[%swap3A_442] {strides = array<i32>} : memref<8192xf32, #tpu.memory_space<vmem>>, vector<16xf32>,
        tpu.vector_store %arg7[%swap3A_442], %gather3A_251 {strides = array<i32>} : memref<8192xf32, #tpu.memory_space<vmem>>, vector<16xf32>,
        %add3A_444 = arith.constant 8 : i32
        %add3A_445 = arith.addi %mul3A_167, %add3A_444 : i32
        %mul3A_446 = arith.constant 32 : i32
        %mul3A_447 = arith.muli %add3A_445, %mul3A_446 : i32
        %add3A_448 = arith.constant 16 : i32
        %add3A_449 = arith.addi %mul3A_447, %add3A_448 : i32
        %swap3A_450 = arith.index_cast %add3A_449 : i32 to index
        %swap3A_451 = tpu.vector_load %arg7[%swap3A_450] {strides = array<i32>} : memref<8192xf32, #tpu.memory_space<vmem>>, vector<16xf32>,
        tpu.vector_store %arg7[%swap3A_450], %gather3A_256 {strides = array<i32>} : memref<8192xf32, #tpu.memory_space<vmem>>, vector<16xf32>,
        %add3A_452 = arith.constant 9 : i32
        %add3A_453 = arith.addi %mul3A_167, %add3A_452 : i32
        %mul3A_454 = arith.constant 32 : i32
        %mul3A_455 = arith.muli %add3A_453, %mul3A_454 : i32
        %swap3A_456 = arith.index_cast %mul3A_455 : i32 to index
        %swap3A_457 = tpu.vector_load %arg7[%swap3A_456] {strides = array<i32>} : memref<8192xf32, #tpu.memory_space<vmem>>, vector<16xf32>,
        tpu.vector_store %arg7[%swap3A_456], %gather3A_261 {strides = array<i32>} : memref<8192xf32, #tpu.memory_space<vmem>>, vector<16xf32>,
        %add3A_458 = arith.constant 9 : i32
        %add3A_459 = arith.addi %mul3A_167, %add3A_458 : i32
        %mul3A_460 = arith.constant 32 : i32
        %mul3A_461 = arith.muli %add3A_459, %mul3A_460 : i32
        %add3A_462 = arith.constant 16 : i32
        %add3A_463 = arith.addi %mul3A_461, %add3A_462 : i32
        %swap3A_464 = arith.index_cast %add3A_463 : i32 to index
        %swap3A_465 = tpu.vector_load %arg7[%swap3A_464] {strides = array<i32>} : memref<8192xf32, #tpu.memory_space<vmem>>, vector<16xf32>,
        tpu.vector_store %arg7[%swap3A_464], %gather3A_266 {strides = array<i32>} : memref<8192xf32, #tpu.memory_space<vmem>>, vector<16xf32>,
        %add3A_466 = arith.constant 10 : i32
        %add3A_467 = arith.addi %mul3A_167, %add3A_466 : i32
        %mul3A_468 = arith.constant 32 : i32
        %mul3A_469 = arith.muli %add3A_467, %mul3A_468 : i32
        %swap3A_470 = arith.index_cast %mul3A_469 : i32 to index
        %swap3A_471 = tpu.vector_load %arg7[%swap3A_470] {strides = array<i32>} : memref<8192xf32, #tpu.memory_space<vmem>>, vector<16xf32>,
        tpu.vector_store %arg7[%swap3A_470], %gather3A_271 {strides = array<i32>} : memref<8192xf32, #tpu.memory_space<vmem>>, vector<16xf32>,
        %add3A_472 = arith.constant 10 : i32
        %add3A_473 = arith.addi %mul3A_167, %add3A_472 : i32
        %mul3A_474 = arith.constant 32 : i32
        %mul3A_475 = arith.muli %add3A_473, %mul3A_474 : i32
        %add3A_476 = arith.constant 16 : i32
        %add3A_477 = arith.addi %mul3A_475, %add3A_476 : i32
        %swap3A_478 = arith.index_cast %add3A_477 : i32 to index
        %swap3A_479 = tpu.vector_load %arg7[%swap3A_478] {strides = array<i32>} : memref<8192xf32, #tpu.memory_space<vmem>>, vector<16xf32>,
        tpu.vector_store %arg7[%swap3A_478], %gather3A_276 {strides = array<i32>} : memref<8192xf32, #tpu.memory_space<vmem>>, vector<16xf32>,
        %add3A_480 = arith.constant 11 : i32
        %add3A_481 = arith.addi %mul3A_167, %add3A_480 : i32
        %mul3A_482 = arith.constant 32 : i32
        %mul3A_483 = arith.muli %add3A_481, %mul3A_482 : i32
        %swap3A_484 = arith.index_cast %mul3A_483 : i32 to index
        %swap3A_485 = tpu.vector_load %arg7[%swap3A_484] {strides = array<i32>} : memref<8192xf32, #tpu.memory_space<vmem>>, vector<16xf32>,
        tpu.vector_store %arg7[%swap3A_484], %gather3A_281 {strides = array<i32>} : memref<8192xf32, #tpu.memory_space<vmem>>, vector<16xf32>,
        %add3A_486 = arith.constant 11 : i32
        %add3A_487 = arith.addi %mul3A_167, %add3A_486 : i32
        %mul3A_488 = arith.constant 32 : i32
        %mul3A_489 = arith.muli %add3A_487, %mul3A_488 : i32
        %add3A_490 = arith.constant 16 : i32
        %add3A_491 = arith.addi %mul3A_489, %add3A_490 : i32
        %swap3A_492 = arith.index_cast %add3A_491 : i32 to index
        %swap3A_493 = tpu.vector_load %arg7[%swap3A_492] {strides = array<i32>} : memref<8192xf32, #tpu.memory_space<vmem>>, vector<16xf32>,
        tpu.vector_store %arg7[%swap3A_492], %gather3A_286 {strides = array<i32>} : memref<8192xf32, #tpu.memory_space<vmem>>, vector<16xf32>,
        %add3A_494 = arith.constant 12 : i32
        %add3A_495 = arith.addi %mul3A_167, %add3A_494 : i32
        %mul3A_496 = arith.constant 32 : i32
        %mul3A_497 = arith.muli %add3A_495, %mul3A_496 : i32
        %swap3A_498 = arith.index_cast %mul3A_497 : i32 to index
        %swap3A_499 = tpu.vector_load %arg7[%swap3A_498] {strides = array<i32>} : memref<8192xf32, #tpu.memory_space<vmem>>, vector<16xf32>,
        tpu.vector_store %arg7[%swap3A_498], %gather3A_291 {strides = array<i32>} : memref<8192xf32, #tpu.memory_space<vmem>>, vector<16xf32>,
        %add3A_500 = arith.constant 12 : i32
        %add3A_501 = arith.addi %mul3A_167, %add3A_500 : i32
        %mul3A_502 = arith.constant 32 : i32
        %mul3A_503 = arith.muli %add3A_501, %mul3A_502 : i32
        %add3A_504 = arith.constant 16 : i32
        %add3A_505 = arith.addi %mul3A_503, %add3A_504 : i32
        %swap3A_506 = arith.index_cast %add3A_505 : i32 to index
        %swap3A_507 = tpu.vector_load %arg7[%swap3A_506] {strides = array<i32>} : memref<8192xf32, #tpu.memory_space<vmem>>, vector<16xf32>,
        tpu.vector_store %arg7[%swap3A_506], %gather3A_296 {strides = array<i32>} : memref<8192xf32, #tpu.memory_space<vmem>>, vector<16xf32>,
        %add3A_508 = arith.constant 13 : i32
        %add3A_509 = arith.addi %mul3A_167, %add3A_508 : i32
        %mul3A_510 = arith.constant 32 : i32
        %mul3A_511 = arith.muli %add3A_509, %mul3A_510 : i32
        %swap3A_512 = arith.index_cast %mul3A_511 : i32 to index
        %swap3A_513 = tpu.vector_load %arg7[%swap3A_512] {strides = array<i32>} : memref<8192xf32, #tpu.memory_space<vmem>>, vector<16xf32>,
        tpu.vector_store %arg7[%swap3A_512], %gather3A_301 {strides = array<i32>} : memref<8192xf32, #tpu.memory_space<vmem>>, vector<16xf32>,
        %add3A_514 = arith.constant 13 : i32
        %add3A_515 = arith.addi %mul3A_167, %add3A_514 : i32
        %mul3A_516 = arith.constant 32 : i32
        %mul3A_517 = arith.muli %add3A_515, %mul3A_516 : i32
        %add3A_518 = arith.constant 16 : i32
        %add3A_519 = arith.addi %mul3A_517, %add3A_518 : i32
        %swap3A_520 = arith.index_cast %add3A_519 : i32 to index
        %swap3A_521 = tpu.vector_load %arg7[%swap3A_520] {strides = array<i32>} : memref<8192xf32, #tpu.memory_space<vmem>>, vector<16xf32>,
        tpu.vector_store %arg7[%swap3A_520], %gather3A_306 {strides = array<i32>} : memref<8192xf32, #tpu.memory_space<vmem>>, vector<16xf32>,
        %add3A_522 = arith.constant 14 : i32
        %add3A_523 = arith.addi %mul3A_167, %add3A_522 : i32
        %mul3A_524 = arith.constant 32 : i32
        %mul3A_525 = arith.muli %add3A_523, %mul3A_524 : i32
        %swap3A_526 = arith.index_cast %mul3A_525 : i32 to index
        %swap3A_527 = tpu.vector_load %arg7[%swap3A_526] {strides = array<i32>} : memref<8192xf32, #tpu.memory_space<vmem>>, vector<16xf32>,
        tpu.vector_store %arg7[%swap3A_526], %gather3A_311 {strides = array<i32>} : memref<8192xf32, #tpu.memory_space<vmem>>, vector<16xf32>,
        %add3A_528 = arith.constant 14 : i32
        %add3A_529 = arith.addi %mul3A_167, %add3A_528 : i32
        %mul3A_530 = arith.constant 32 : i32
        %mul3A_531 = arith.muli %add3A_529, %mul3A_530 : i32
        %add3A_532 = arith.constant 16 : i32
        %add3A_533 = arith.addi %mul3A_531, %add3A_532 : i32
        %swap3A_534 = arith.index_cast %add3A_533 : i32 to index
        %swap3A_535 = tpu.vector_load %arg7[%swap3A_534] {strides = array<i32>} : memref<8192xf32, #tpu.memory_space<vmem>>, vector<16xf32>,
        tpu.vector_store %arg7[%swap3A_534], %gather3A_316 {strides = array<i32>} : memref<8192xf32, #tpu.memory_space<vmem>>, vector<16xf32>,
        %add3A_536 = arith.constant 15 : i32
        %add3A_537 = arith.addi %mul3A_167, %add3A_536 : i32
        %mul3A_538 = arith.constant 32 : i32
        %mul3A_539 = arith.muli %add3A_537, %mul3A_538 : i32
        %swap3A_540 = arith.index_cast %mul3A_539 : i32 to index
        %swap3A_541 = tpu.vector_load %arg7[%swap3A_540] {strides = array<i32>} : memref<8192xf32, #tpu.memory_space<vmem>>, vector<16xf32>,
        tpu.vector_store %arg7[%swap3A_540], %gather3A_321 {strides = array<i32>} : memref<8192xf32, #tpu.memory_space<vmem>>, vector<16xf32>,
        %add3A_542 = arith.constant 15 : i32
        %add3A_543 = arith.addi %mul3A_167, %add3A_542 : i32
        %mul3A_544 = arith.constant 32 : i32
        %mul3A_545 = arith.muli %add3A_543, %mul3A_544 : i32
        %add3A_546 = arith.constant 16 : i32
        %add3A_547 = arith.addi %mul3A_545, %add3A_546 : i32
        %swap3A_548 = arith.index_cast %add3A_547 : i32 to index
        %swap3A_549 = tpu.vector_load %arg7[%swap3A_548] {strides = array<i32>} : memref<8192xf32, #tpu.memory_space<vmem>>, vector<16xf32>,
        tpu.vector_store %arg7[%swap3A_548], %gather3A_326 {strides = array<i32>} : memref<8192xf32, #tpu.memory_space<vmem>>, vector<16xf32>,
        %scan3A_550 = arith.constant 0 : i32
        scf.yield %scan3A_550 : i32
      }
      %scan3A_88 = arith.constant 16 : i32
      %mul3A_89 = arith.constant 32 : i32
      %mul3A_90 = arith.muli %mul3A_89, %mul3A_46 : i32
      %add3A_91 = arith.addi %add3A, %mul3A_90 : i32
      %min3A_92 = arith.constant 3905 : i32
      %min3A_93 = arith.minsi %add3A_91, %min3A_92 : i32
      %mul3A_94 = arith.constant 256 : i32
      %mul3A_95 = arith.muli %min3A_93, %mul3A_94 : i32
      %mul3A_96 = arith.constant 32 : i32
      %mul3A_97 = arith.muli %mul3A_95, %mul3A_96 : i32
      %dma_start3A_98 = tpu.memref_slice %arg3[%mul3A_97] : memref<32000000xf32, #tpu.memory_space<hbm>> -> memref<8192xf32, #tpu.memory_space<hbm>>
      %dma_start3A_99 = tpu.memref_slice %arg3[%mul3A_97] : memref<32000000xf32, #tpu.memory_space<hbm>> -> memref<8192xf32, #tpu.memory_space<hbm>>
      tpu.enqueue_dma source(%arg7 : memref<8192xf32, #tpu.memory_space<vmem>>) target(%dma_start3A_99 : memref<8192xf32, #tpu.memory_space<hbm>>) target_semaphore(%arg13 : memref<!tpu.dma_semaphore, #tpu.memory_space<semaphore_mem>>)
      %add3A_100 = arith.constant 2 : i32
      %add3A_101 = arith.addi %mul3A_46, %add3A_100 : i32
      %mul3A_102 = arith.constant 32 : i32
      %mul3A_103 = arith.muli %mul3A_102, %add3A_101 : i32
      %add3A_104 = arith.addi %add3A, %mul3A_103 : i32
      %min3A_105 = arith.constant 3905 : i32
      %min3A_106 = arith.minsi %add3A_104, %min3A_105 : i32
      %mul3A_107 = arith.constant 256 : i32
      %mul3A_108 = arith.muli %min3A_106, %mul3A_107 : i32
      %dma_start3A_109 = arith.constant 0 : i32
      %dma_start3A_110 = tpu.memref_slice %arg2[%dma_start3A_109, %mul3A_108] : memref<32x1000000xf32, #tpu.memory_space<hbm>> -> memref<32x256xf32, #tpu.memory_space<hbm>>
      %dma_start3A_111 = arith.constant 0 : i32
      %dma_start3A_112 = tpu.memref_slice %arg2[%dma_start3A_111, %mul3A_108] : memref<32x1000000xf32, #tpu.memory_space<hbm>> -> memref<32x256xf32, #tpu.memory_space<hbm>>
      tpu.enqueue_dma source(%dma_start3A_112 : memref<32x256xf32, #tpu.memory_space<hbm>>) target(%arg4 : memref<32x256xf32, #tpu.memory_space<vmem>>) target_semaphore(%arg11 : memref<!tpu.dma_semaphore, #tpu.memory_space<semaphore_mem>>)
      %dma_wait3A_113 = arith.constant 0 : i32
      %dma_wait3A_114 = arith.constant 0 : i32
      %dma_wait3A_115 = tpu.memref_slice %arg2[%dma_wait3A_113, %dma_wait3A_114] : memref<32x1000000xf32, #tpu.memory_space<hbm>> -> memref<32x256xf32, #tpu.memory_space<hbm>>
      %dma_wait3A_116 = arith.constant 0 : i32
      %dma_wait3A_117 = arith.constant 0 : i32
      %dma_wait3A_118 = tpu.memref_slice %arg2[%dma_wait3A_116, %dma_wait3A_117] : memref<32x1000000xf32, #tpu.memory_space<hbm>> -> memref<32x256xf32, #tpu.memory_space<hbm>>
      tpu.wait_dma2 semaphore(%arg12 : memref<!tpu.dma_semaphore, #tpu.memory_space<semaphore_mem>>) src(%dma_wait3A_118 : memref<32x256xf32, #tpu.memory_space<hbm>>) dst(%arg5 : memref<32x256xf32, #tpu.memory_space<vmem>>)
      %scan3A_119 = arith.constant 0 : i32
      %scan3A_120 = arith.constant 0 : i32
      %scan3A_121 = arith.constant 32 : i32
      %scan3A_122 = arith.addi %scan3A_120, %scan3A_121 : i32
      %scan3A_123 = arith.constant 1 : i32
      %scan3A_124 = scf.for %scan3A_164 = %scan3A_120 to %scan3A_122 step %scan3A_123 iter_args(%scan3A_165 = %scan3A_119) -> (i32)  : i32 {
        %get3A = arith.index_cast %scan3A_164 : i32 to index
        %get3A_166 = arith.constant 0 : index
        %get3A_167 = tpu.vector_load %arg5[%get3A, %get3A_166] {strides = array<i32>} : memref<32x256xf32, #tpu.memory_space<vmem>>, vector<16xf32>,
        %get3A_168 = arith.index_cast %scan3A_164 : i32 to index
        %get3A_169 = arith.constant 16 : index
        %get3A_170 = tpu.vector_load %arg5[%get3A_168, %get3A_169] {strides = array<i32>} : memref<32x256xf32, #tpu.memory_space<vmem>>, vector<16xf32>,
        %get3A_171 = arith.index_cast %scan3A_164 : i32 to index
        %get3A_172 = arith.constant 32 : index
        %get3A_173 = tpu.vector_load %arg5[%get3A_171, %get3A_172] {strides = array<i32>} : memref<32x256xf32, #tpu.memory_space<vmem>>, vector<16xf32>,
        %get3A_174 = arith.index_cast %scan3A_164 : i32 to index
        %get3A_175 = arith.constant 48 : index
        %get3A_176 = tpu.vector_load %arg5[%get3A_174, %get3A_175] {strides = array<i32>} : memref<32x256xf32, #tpu.memory_space<vmem>>, vector<16xf32>,
        %get3A_177 = arith.index_cast %scan3A_164 : i32 to index
        %get3A_178 = arith.constant 64 : index
        %get3A_179 = tpu.vector_load %arg5[%get3A_177, %get3A_178] {strides = array<i32>} : memref<32x256xf32, #tpu.memory_space<vmem>>, vector<16xf32>,
        %get3A_180 = arith.index_cast %scan3A_164 : i32 to index
        %get3A_181 = arith.constant 80 : index
        %get3A_182 = tpu.vector_load %arg5[%get3A_180, %get3A_181] {strides = array<i32>} : memref<32x256xf32, #tpu.memory_space<vmem>>, vector<16xf32>,
        %get3A_183 = arith.index_cast %scan3A_164 : i32 to index
        %get3A_184 = arith.constant 96 : index
        %get3A_185 = tpu.vector_load %arg5[%get3A_183, %get3A_184] {strides = array<i32>} : memref<32x256xf32, #tpu.memory_space<vmem>>, vector<16xf32>,
        %get3A_186 = arith.index_cast %scan3A_164 : i32 to index
        %get3A_187 = arith.constant 112 : index
        %get3A_188 = tpu.vector_load %arg5[%get3A_186, %get3A_187] {strides = array<i32>} : memref<32x256xf32, #tpu.memory_space<vmem>>, vector<16xf32>,
        %get3A_189 = arith.index_cast %scan3A_164 : i32 to index
        %get3A_190 = arith.constant 128 : index
        %get3A_191 = tpu.vector_load %arg5[%get3A_189, %get3A_190] {strides = array<i32>} : memref<32x256xf32, #tpu.memory_space<vmem>>, vector<16xf32>,
        %get3A_192 = arith.index_cast %scan3A_164 : i32 to index
        %get3A_193 = arith.constant 144 : index
        %get3A_194 = tpu.vector_load %arg5[%get3A_192, %get3A_193] {strides = array<i32>} : memref<32x256xf32, #tpu.memory_space<vmem>>, vector<16xf32>,
        %get3A_195 = arith.index_cast %scan3A_164 : i32 to index
        %get3A_196 = arith.constant 160 : index
        %get3A_197 = tpu.vector_load %arg5[%get3A_195, %get3A_196] {strides = array<i32>} : memref<32x256xf32, #tpu.memory_space<vmem>>, vector<16xf32>,
        %get3A_198 = arith.index_cast %scan3A_164 : i32 to index
        %get3A_199 = arith.constant 176 : index
        %get3A_200 = tpu.vector_load %arg5[%get3A_198, %get3A_199] {strides = array<i32>} : memref<32x256xf32, #tpu.memory_space<vmem>>, vector<16xf32>,
        %get3A_201 = arith.index_cast %scan3A_164 : i32 to index
        %get3A_202 = arith.constant 192 : index
        %get3A_203 = tpu.vector_load %arg5[%get3A_201, %get3A_202] {strides = array<i32>} : memref<32x256xf32, #tpu.memory_space<vmem>>, vector<16xf32>,
        %get3A_204 = arith.index_cast %scan3A_164 : i32 to index
        %get3A_205 = arith.constant 208 : index
        %get3A_206 = tpu.vector_load %arg5[%get3A_204, %get3A_205] {strides = array<i32>} : memref<32x256xf32, #tpu.memory_space<vmem>>, vector<16xf32>,
        %get3A_207 = arith.index_cast %scan3A_164 : i32 to index
        %get3A_208 = arith.constant 224 : index
        %get3A_209 = tpu.vector_load %arg5[%get3A_207, %get3A_208] {strides = array<i32>} : memref<32x256xf32, #tpu.memory_space<vmem>>, vector<16xf32>,
        %get3A_210 = arith.index_cast %scan3A_164 : i32 to index
        %get3A_211 = arith.constant 240 : index
        %get3A_212 = tpu.vector_load %arg5[%get3A_210, %get3A_211] {strides = array<i32>} : memref<32x256xf32, #tpu.memory_space<vmem>>, vector<16xf32>,
        %mul3A_213 = arith.constant 257 : i32
        %mul3A_214 = arith.muli %scan3A_164, %mul3A_213 : i32
        %add3A_215 = arith.constant 0 : i32
        %add3A_216 = arith.addi %mul3A_214, %add3A_215 : i32
        %swap3A = arith.index_cast %add3A_216 : i32 to index
        %swap3A_217 = tpu.vector_load %arg6[%swap3A] {strides = array<i32>} : memref<8224xf32, #tpu.memory_space<vmem>>, vector<16xf32>,
        tpu.vector_store %arg6[%swap3A], %get3A_167 {strides = array<i32>} : memref<8224xf32, #tpu.memory_space<vmem>>, vector<16xf32>,
        %mul3A_218 = arith.constant 257 : i32
        %mul3A_219 = arith.muli %scan3A_164, %mul3A_218 : i32
        %add3A_220 = arith.constant 16 : i32
        %add3A_221 = arith.addi %mul3A_219, %add3A_220 : i32
        %swap3A_222 = arith.index_cast %add3A_221 : i32 to index
        %swap3A_223 = tpu.vector_load %arg6[%swap3A_222] {strides = array<i32>} : memref<8224xf32, #tpu.memory_space<vmem>>, vector<16xf32>,
        tpu.vector_store %arg6[%swap3A_222], %get3A_170 {strides = array<i32>} : memref<8224xf32, #tpu.memory_space<vmem>>, vector<16xf32>,
        %mul3A_224 = arith.constant 257 : i32
        %mul3A_225 = arith.muli %scan3A_164, %mul3A_224 : i32
        %add3A_226 = arith.constant 32 : i32
        %add3A_227 = arith.addi %mul3A_225, %add3A_226 : i32
        %swap3A_228 = arith.index_cast %add3A_227 : i32 to index
        %swap3A_229 = tpu.vector_load %arg6[%swap3A_228] {strides = array<i32>} : memref<8224xf32, #tpu.memory_space<vmem>>, vector<16xf32>,
        tpu.vector_store %arg6[%swap3A_228], %get3A_173 {strides = array<i32>} : memref<8224xf32, #tpu.memory_space<vmem>>, vector<16xf32>,
        %mul3A_230 = arith.constant 257 : i32
        %mul3A_231 = arith.muli %scan3A_164, %mul3A_230 : i32
        %add3A_232 = arith.constant 48 : i32
        %add3A_233 = arith.addi %mul3A_231, %add3A_232 : i32
        %swap3A_234 = arith.index_cast %add3A_233 : i32 to index
        %swap3A_235 = tpu.vector_load %arg6[%swap3A_234] {strides = array<i32>} : memref<8224xf32, #tpu.memory_space<vmem>>, vector<16xf32>,
        tpu.vector_store %arg6[%swap3A_234], %get3A_176 {strides = array<i32>} : memref<8224xf32, #tpu.memory_space<vmem>>, vector<16xf32>,
        %mul3A_236 = arith.constant 257 : i32
        %mul3A_237 = arith.muli %scan3A_164, %mul3A_236 : i32
        %add3A_238 = arith.constant 64 : i32
        %add3A_239 = arith.addi %mul3A_237, %add3A_238 : i32
        %swap3A_240 = arith.index_cast %add3A_239 : i32 to index
        %swap3A_241 = tpu.vector_load %arg6[%swap3A_240] {strides = array<i32>} : memref<8224xf32, #tpu.memory_space<vmem>>, vector<16xf32>,
        tpu.vector_store %arg6[%swap3A_240], %get3A_179 {strides = array<i32>} : memref<8224xf32, #tpu.memory_space<vmem>>, vector<16xf32>,
        %mul3A_242 = arith.constant 257 : i32
        %mul3A_243 = arith.muli %scan3A_164, %mul3A_242 : i32
        %add3A_244 = arith.constant 80 : i32
        %add3A_245 = arith.addi %mul3A_243, %add3A_244 : i32
        %swap3A_246 = arith.index_cast %add3A_245 : i32 to index
        %swap3A_247 = tpu.vector_load %arg6[%swap3A_246] {strides = array<i32>} : memref<8224xf32, #tpu.memory_space<vmem>>, vector<16xf32>,
        tpu.vector_store %arg6[%swap3A_246], %get3A_182 {strides = array<i32>} : memref<8224xf32, #tpu.memory_space<vmem>>, vector<16xf32>,
        %mul3A_248 = arith.constant 257 : i32
        %mul3A_249 = arith.muli %scan3A_164, %mul3A_248 : i32
        %add3A_250 = arith.constant 96 : i32
        %add3A_251 = arith.addi %mul3A_249, %add3A_250 : i32
        %swap3A_252 = arith.index_cast %add3A_251 : i32 to index
        %swap3A_253 = tpu.vector_load %arg6[%swap3A_252] {strides = array<i32>} : memref<8224xf32, #tpu.memory_space<vmem>>, vector<16xf32>,
        tpu.vector_store %arg6[%swap3A_252], %get3A_185 {strides = array<i32>} : memref<8224xf32, #tpu.memory_space<vmem>>, vector<16xf32>,
        %mul3A_254 = arith.constant 257 : i32
        %mul3A_255 = arith.muli %scan3A_164, %mul3A_254 : i32
        %add3A_256 = arith.constant 112 : i32
        %add3A_257 = arith.addi %mul3A_255, %add3A_256 : i32
        %swap3A_258 = arith.index_cast %add3A_257 : i32 to index
        %swap3A_259 = tpu.vector_load %arg6[%swap3A_258] {strides = array<i32>} : memref<8224xf32, #tpu.memory_space<vmem>>, vector<16xf32>,
        tpu.vector_store %arg6[%swap3A_258], %get3A_188 {strides = array<i32>} : memref<8224xf32, #tpu.memory_space<vmem>>, vector<16xf32>,
        %mul3A_260 = arith.constant 257 : i32
        %mul3A_261 = arith.muli %scan3A_164, %mul3A_260 : i32
        %add3A_262 = arith.constant 128 : i32
        %add3A_263 = arith.addi %mul3A_261, %add3A_262 : i32
        %swap3A_264 = arith.index_cast %add3A_263 : i32 to index
        %swap3A_265 = tpu.vector_load %arg6[%swap3A_264] {strides = array<i32>} : memref<8224xf32, #tpu.memory_space<vmem>>, vector<16xf32>,
        tpu.vector_store %arg6[%swap3A_264], %get3A_191 {strides = array<i32>} : memref<8224xf32, #tpu.memory_space<vmem>>, vector<16xf32>,
        %mul3A_266 = arith.constant 257 : i32
        %mul3A_267 = arith.muli %scan3A_164, %mul3A_266 : i32
        %add3A_268 = arith.constant 144 : i32
        %add3A_269 = arith.addi %mul3A_267, %add3A_268 : i32
        %swap3A_270 = arith.index_cast %add3A_269 : i32 to index
        %swap3A_271 = tpu.vector_load %arg6[%swap3A_270] {strides = array<i32>} : memref<8224xf32, #tpu.memory_space<vmem>>, vector<16xf32>,
        tpu.vector_store %arg6[%swap3A_270], %get3A_194 {strides = array<i32>} : memref<8224xf32, #tpu.memory_space<vmem>>, vector<16xf32>,
        %mul3A_272 = arith.constant 257 : i32
        %mul3A_273 = arith.muli %scan3A_164, %mul3A_272 : i32
        %add3A_274 = arith.constant 160 : i32
        %add3A_275 = arith.addi %mul3A_273, %add3A_274 : i32
        %swap3A_276 = arith.index_cast %add3A_275 : i32 to index
        %swap3A_277 = tpu.vector_load %arg6[%swap3A_276] {strides = array<i32>} : memref<8224xf32, #tpu.memory_space<vmem>>, vector<16xf32>,
        tpu.vector_store %arg6[%swap3A_276], %get3A_197 {strides = array<i32>} : memref<8224xf32, #tpu.memory_space<vmem>>, vector<16xf32>,
        %mul3A_278 = arith.constant 257 : i32
        %mul3A_279 = arith.muli %scan3A_164, %mul3A_278 : i32
        %add3A_280 = arith.constant 176 : i32
        %add3A_281 = arith.addi %mul3A_279, %add3A_280 : i32
        %swap3A_282 = arith.index_cast %add3A_281 : i32 to index
        %swap3A_283 = tpu.vector_load %arg6[%swap3A_282] {strides = array<i32>} : memref<8224xf32, #tpu.memory_space<vmem>>, vector<16xf32>,
        tpu.vector_store %arg6[%swap3A_282], %get3A_200 {strides = array<i32>} : memref<8224xf32, #tpu.memory_space<vmem>>, vector<16xf32>,
        %mul3A_284 = arith.constant 257 : i32
        %mul3A_285 = arith.muli %scan3A_164, %mul3A_284 : i32
        %add3A_286 = arith.constant 192 : i32
        %add3A_287 = arith.addi %mul3A_285, %add3A_286 : i32
        %swap3A_288 = arith.index_cast %add3A_287 : i32 to index
        %swap3A_289 = tpu.vector_load %arg6[%swap3A_288] {strides = array<i32>} : memref<8224xf32, #tpu.memory_space<vmem>>, vector<16xf32>,
        tpu.vector_store %arg6[%swap3A_288], %get3A_203 {strides = array<i32>} : memref<8224xf32, #tpu.memory_space<vmem>>, vector<16xf32>,
        %mul3A_290 = arith.constant 257 : i32
        %mul3A_291 = arith.muli %scan3A_164, %mul3A_290 : i32
        %add3A_292 = arith.constant 208 : i32
        %add3A_293 = arith.addi %mul3A_291, %add3A_292 : i32
        %swap3A_294 = arith.index_cast %add3A_293 : i32 to index
        %swap3A_295 = tpu.vector_load %arg6[%swap3A_294] {strides = array<i32>} : memref<8224xf32, #tpu.memory_space<vmem>>, vector<16xf32>,
        tpu.vector_store %arg6[%swap3A_294], %get3A_206 {strides = array<i32>} : memref<8224xf32, #tpu.memory_space<vmem>>, vector<16xf32>,
        %mul3A_296 = arith.constant 257 : i32
        %mul3A_297 = arith.muli %scan3A_164, %mul3A_296 : i32
        %add3A_298 = arith.constant 224 : i32
        %add3A_299 = arith.addi %mul3A_297, %add3A_298 : i32
        %swap3A_300 = arith.index_cast %add3A_299 : i32 to index
        %swap3A_301 = tpu.vector_load %arg6[%swap3A_300] {strides = array<i32>} : memref<8224xf32, #tpu.memory_space<vmem>>, vector<16xf32>,
        tpu.vector_store %arg6[%swap3A_300], %get3A_209 {strides = array<i32>} : memref<8224xf32, #tpu.memory_space<vmem>>, vector<16xf32>,
        %mul3A_302 = arith.constant 257 : i32
        %mul3A_303 = arith.muli %scan3A_164, %mul3A_302 : i32
        %add3A_304 = arith.constant 240 : i32
        %add3A_305 = arith.addi %mul3A_303, %add3A_304 : i32
        %swap3A_306 = arith.index_cast %add3A_305 : i32 to index
        %swap3A_307 = tpu.vector_load %arg6[%swap3A_306] {strides = array<i32>} : memref<8224xf32, #tpu.memory_space<vmem>>, vector<16xf32>,
        tpu.vector_store %arg6[%swap3A_306], %get3A_212 {strides = array<i32>} : memref<8224xf32, #tpu.memory_space<vmem>>, vector<16xf32>,
        %scan3A_308 = arith.constant 0 : i32
        scf.yield %scan3A_308 : i32
      }
      %scan3A_125 = arith.constant 32 : i32
      %mul3A_126 = arith.constant 257 : i32
      %mul3A_127 = vector.broadcast %mul3A_126 : i32 to vector<16xi32>
      %mul3A_128 = arith.muli %iota3A, %mul3A_127 : vector<16xi32>
      %add3A_129 = arith.constant 16 : i32
      %add3A_130 = vector.broadcast %add3A_129 : i32 to vector<16xi32>
      %add3A_131 = arith.addi %iota3A, %add3A_130 : vector<16xi32>
      %mul3A_132 = arith.constant 257 : i32
      %mul3A_133 = vector.broadcast %mul3A_132 : i32 to vector<16xi32>
      %mul3A_134 = arith.muli %add3A_131, %mul3A_133 : vector<16xi32>
      %scan3A_135 = arith.constant 0 : i32
      %scan3A_136 = arith.constant 0 : i32
      %scan3A_137 = arith.constant 16 : i32
      %scan3A_138 = arith.addi %scan3A_136, %scan3A_137 : i32
      %scan3A_139 = arith.constant 1 : i32
      %scan3A_140 = scf.for %scan3A_164 = %scan3A_136 to %scan3A_138 step %scan3A_139 iter_args(%scan3A_165 = %scan3A_135) -> (i32)  : i32 {
        %mul3A_166 = arith.constant 16 : i32
        %mul3A_167 = arith.muli %mul3A_166, %scan3A_164 : i32
        %add3A_168 = arith.constant 0 : i32
        %add3A_169 = arith.addi %mul3A_167, %add3A_168 : i32
        %add3A_170 = vector.broadcast %add3A_169 : i32 to vector<16xi32>
        %add3A_171 = arith.addi %mul3A_128, %add3A_170 : vector<16xi32>
        %gather3A = tpu.vector_load_idx %arg6[%add3A_171] : memref<8224xf32, #tpu.memory_space<vmem>>[vector<16xi32>], vector<16xf32>,
        %add3A_172 = arith.constant 0 : i32
        %add3A_173 = arith.addi %mul3A_167, %add3A_172 : i32
        %add3A_174 = vector.broadcast %add3A_173 : i32 to vector<16xi32>
        %add3A_175 = arith.addi %mul3A_134, %add3A_174 : vector<16xi32>
        %gather3A_176 = tpu.vector_load_idx %arg6[%add3A_175] : memref<8224xf32, #tpu.memory_space<vmem>>[vector<16xi32>], vector<16xf32>,
        %add3A_177 = arith.constant 1 : i32
        %add3A_178 = arith.addi %mul3A_167, %add3A_177 : i32
        %add3A_179 = vector.broadcast %add3A_178 : i32 to vector<16xi32>
        %add3A_180 = arith.addi %mul3A_128, %add3A_179 : vector<16xi32>
        %gather3A_181 = tpu.vector_load_idx %arg6[%add3A_180] : memref<8224xf32, #tpu.memory_space<vmem>>[vector<16xi32>], vector<16xf32>,
        %add3A_182 = arith.constant 1 : i32
        %add3A_183 = arith.addi %mul3A_167, %add3A_182 : i32
        %add3A_184 = vector.broadcast %add3A_183 : i32 to vector<16xi32>
        %add3A_185 = arith.addi %mul3A_134, %add3A_184 : vector<16xi32>
        %gather3A_186 = tpu.vector_load_idx %arg6[%add3A_185] : memref<8224xf32, #tpu.memory_space<vmem>>[vector<16xi32>], vector<16xf32>,
        %add3A_187 = arith.constant 2 : i32
        %add3A_188 = arith.addi %mul3A_167, %add3A_187 : i32
        %add3A_189 = vector.broadcast %add3A_188 : i32 to vector<16xi32>
        %add3A_190 = arith.addi %mul3A_128, %add3A_189 : vector<16xi32>
        %gather3A_191 = tpu.vector_load_idx %arg6[%add3A_190] : memref<8224xf32, #tpu.memory_space<vmem>>[vector<16xi32>], vector<16xf32>,
        %add3A_192 = arith.constant 2 : i32
        %add3A_193 = arith.addi %mul3A_167, %add3A_192 : i32
        %add3A_194 = vector.broadcast %add3A_193 : i32 to vector<16xi32>
        %add3A_195 = arith.addi %mul3A_134, %add3A_194 : vector<16xi32>
        %gather3A_196 = tpu.vector_load_idx %arg6[%add3A_195] : memref<8224xf32, #tpu.memory_space<vmem>>[vector<16xi32>], vector<16xf32>,
        %add3A_197 = arith.constant 3 : i32
        %add3A_198 = arith.addi %mul3A_167, %add3A_197 : i32
        %add3A_199 = vector.broadcast %add3A_198 : i32 to vector<16xi32>
        %add3A_200 = arith.addi %mul3A_128, %add3A_199 : vector<16xi32>
        %gather3A_201 = tpu.vector_load_idx %arg6[%add3A_200] : memref<8224xf32, #tpu.memory_space<vmem>>[vector<16xi32>], vector<16xf32>,
        %add3A_202 = arith.constant 3 : i32
        %add3A_203 = arith.addi %mul3A_167, %add3A_202 : i32
        %add3A_204 = vector.broadcast %add3A_203 : i32 to vector<16xi32>
        %add3A_205 = arith.addi %mul3A_134, %add3A_204 : vector<16xi32>
        %gather3A_206 = tpu.vector_load_idx %arg6[%add3A_205] : memref<8224xf32, #tpu.memory_space<vmem>>[vector<16xi32>], vector<16xf32>,
        %add3A_207 = arith.constant 4 : i32
        %add3A_208 = arith.addi %mul3A_167, %add3A_207 : i32
        %add3A_209 = vector.broadcast %add3A_208 : i32 to vector<16xi32>
        %add3A_210 = arith.addi %mul3A_128, %add3A_209 : vector<16xi32>
        %gather3A_211 = tpu.vector_load_idx %arg6[%add3A_210] : memref<8224xf32, #tpu.memory_space<vmem>>[vector<16xi32>], vector<16xf32>,
        %add3A_212 = arith.constant 4 : i32
        %add3A_213 = arith.addi %mul3A_167, %add3A_212 : i32
        %add3A_214 = vector.broadcast %add3A_213 : i32 to vector<16xi32>
        %add3A_215 = arith.addi %mul3A_134, %add3A_214 : vector<16xi32>
        %gather3A_216 = tpu.vector_load_idx %arg6[%add3A_215] : memref<8224xf32, #tpu.memory_space<vmem>>[vector<16xi32>], vector<16xf32>,
        %add3A_217 = arith.constant 5 : i32
        %add3A_218 = arith.addi %mul3A_167, %add3A_217 : i32
        %add3A_219 = vector.broadcast %add3A_218 : i32 to vector<16xi32>
        %add3A_220 = arith.addi %mul3A_128, %add3A_219 : vector<16xi32>
        %gather3A_221 = tpu.vector_load_idx %arg6[%add3A_220] : memref<8224xf32, #tpu.memory_space<vmem>>[vector<16xi32>], vector<16xf32>,
        %add3A_222 = arith.constant 5 : i32
        %add3A_223 = arith.addi %mul3A_167, %add3A_222 : i32
        %add3A_224 = vector.broadcast %add3A_223 : i32 to vector<16xi32>
        %add3A_225 = arith.addi %mul3A_134, %add3A_224 : vector<16xi32>
        %gather3A_226 = tpu.vector_load_idx %arg6[%add3A_225] : memref<8224xf32, #tpu.memory_space<vmem>>[vector<16xi32>], vector<16xf32>,
        %add3A_227 = arith.constant 6 : i32
        %add3A_228 = arith.addi %mul3A_167, %add3A_227 : i32
        %add3A_229 = vector.broadcast %add3A_228 : i32 to vector<16xi32>
        %add3A_230 = arith.addi %mul3A_128, %add3A_229 : vector<16xi32>
        %gather3A_231 = tpu.vector_load_idx %arg6[%add3A_230] : memref<8224xf32, #tpu.memory_space<vmem>>[vector<16xi32>], vector<16xf32>,
        %add3A_232 = arith.constant 6 : i32
        %add3A_233 = arith.addi %mul3A_167, %add3A_232 : i32
        %add3A_234 = vector.broadcast %add3A_233 : i32 to vector<16xi32>
        %add3A_235 = arith.addi %mul3A_134, %add3A_234 : vector<16xi32>
        %gather3A_236 = tpu.vector_load_idx %arg6[%add3A_235] : memref<8224xf32, #tpu.memory_space<vmem>>[vector<16xi32>], vector<16xf32>,
        %add3A_237 = arith.constant 7 : i32
        %add3A_238 = arith.addi %mul3A_167, %add3A_237 : i32
        %add3A_239 = vector.broadcast %add3A_238 : i32 to vector<16xi32>
        %add3A_240 = arith.addi %mul3A_128, %add3A_239 : vector<16xi32>
        %gather3A_241 = tpu.vector_load_idx %arg6[%add3A_240] : memref<8224xf32, #tpu.memory_space<vmem>>[vector<16xi32>], vector<16xf32>,
        %add3A_242 = arith.constant 7 : i32
        %add3A_243 = arith.addi %mul3A_167, %add3A_242 : i32
        %add3A_244 = vector.broadcast %add3A_243 : i32 to vector<16xi32>
        %add3A_245 = arith.addi %mul3A_134, %add3A_244 : vector<16xi32>
        %gather3A_246 = tpu.vector_load_idx %arg6[%add3A_245] : memref<8224xf32, #tpu.memory_space<vmem>>[vector<16xi32>], vector<16xf32>,
        %add3A_247 = arith.constant 8 : i32
        %add3A_248 = arith.addi %mul3A_167, %add3A_247 : i32
        %add3A_249 = vector.broadcast %add3A_248 : i32 to vector<16xi32>
        %add3A_250 = arith.addi %mul3A_128, %add3A_249 : vector<16xi32>
        %gather3A_251 = tpu.vector_load_idx %arg6[%add3A_250] : memref<8224xf32, #tpu.memory_space<vmem>>[vector<16xi32>], vector<16xf32>,
        %add3A_252 = arith.constant 8 : i32
        %add3A_253 = arith.addi %mul3A_167, %add3A_252 : i32
        %add3A_254 = vector.broadcast %add3A_253 : i32 to vector<16xi32>
        %add3A_255 = arith.addi %mul3A_134, %add3A_254 : vector<16xi32>
        %gather3A_256 = tpu.vector_load_idx %arg6[%add3A_255] : memref<8224xf32, #tpu.memory_space<vmem>>[vector<16xi32>], vector<16xf32>,
        %add3A_257 = arith.constant 9 : i32
        %add3A_258 = arith.addi %mul3A_167, %add3A_257 : i32
        %add3A_259 = vector.broadcast %add3A_258 : i32 to vector<16xi32>
        %add3A_260 = arith.addi %mul3A_128, %add3A_259 : vector<16xi32>
        %gather3A_261 = tpu.vector_load_idx %arg6[%add3A_260] : memref<8224xf32, #tpu.memory_space<vmem>>[vector<16xi32>], vector<16xf32>,
        %add3A_262 = arith.constant 9 : i32
        %add3A_263 = arith.addi %mul3A_167, %add3A_262 : i32
        %add3A_264 = vector.broadcast %add3A_263 : i32 to vector<16xi32>
        %add3A_265 = arith.addi %mul3A_134, %add3A_264 : vector<16xi32>
        %gather3A_266 = tpu.vector_load_idx %arg6[%add3A_265] : memref<8224xf32, #tpu.memory_space<vmem>>[vector<16xi32>], vector<16xf32>,
        %add3A_267 = arith.constant 10 : i32
        %add3A_268 = arith.addi %mul3A_167, %add3A_267 : i32
        %add3A_269 = vector.broadcast %add3A_268 : i32 to vector<16xi32>
        %add3A_270 = arith.addi %mul3A_128, %add3A_269 : vector<16xi32>
        %gather3A_271 = tpu.vector_load_idx %arg6[%add3A_270] : memref<8224xf32, #tpu.memory_space<vmem>>[vector<16xi32>], vector<16xf32>,
        %add3A_272 = arith.constant 10 : i32
        %add3A_273 = arith.addi %mul3A_167, %add3A_272 : i32
        %add3A_274 = vector.broadcast %add3A_273 : i32 to vector<16xi32>
        %add3A_275 = arith.addi %mul3A_134, %add3A_274 : vector<16xi32>
        %gather3A_276 = tpu.vector_load_idx %arg6[%add3A_275] : memref<8224xf32, #tpu.memory_space<vmem>>[vector<16xi32>], vector<16xf32>,
        %add3A_277 = arith.constant 11 : i32
        %add3A_278 = arith.addi %mul3A_167, %add3A_277 : i32
        %add3A_279 = vector.broadcast %add3A_278 : i32 to vector<16xi32>
        %add3A_280 = arith.addi %mul3A_128, %add3A_279 : vector<16xi32>
        %gather3A_281 = tpu.vector_load_idx %arg6[%add3A_280] : memref<8224xf32, #tpu.memory_space<vmem>>[vector<16xi32>], vector<16xf32>,
        %add3A_282 = arith.constant 11 : i32
        %add3A_283 = arith.addi %mul3A_167, %add3A_282 : i32
        %add3A_284 = vector.broadcast %add3A_283 : i32 to vector<16xi32>
        %add3A_285 = arith.addi %mul3A_134, %add3A_284 : vector<16xi32>
        %gather3A_286 = tpu.vector_load_idx %arg6[%add3A_285] : memref<8224xf32, #tpu.memory_space<vmem>>[vector<16xi32>], vector<16xf32>,
        %add3A_287 = arith.constant 12 : i32
        %add3A_288 = arith.addi %mul3A_167, %add3A_287 : i32
        %add3A_289 = vector.broadcast %add3A_288 : i32 to vector<16xi32>
        %add3A_290 = arith.addi %mul3A_128, %add3A_289 : vector<16xi32>
        %gather3A_291 = tpu.vector_load_idx %arg6[%add3A_290] : memref<8224xf32, #tpu.memory_space<vmem>>[vector<16xi32>], vector<16xf32>,
        %add3A_292 = arith.constant 12 : i32
        %add3A_293 = arith.addi %mul3A_167, %add3A_292 : i32
        %add3A_294 = vector.broadcast %add3A_293 : i32 to vector<16xi32>
        %add3A_295 = arith.addi %mul3A_134, %add3A_294 : vector<16xi32>
        %gather3A_296 = tpu.vector_load_idx %arg6[%add3A_295] : memref<8224xf32, #tpu.memory_space<vmem>>[vector<16xi32>], vector<16xf32>,
        %add3A_297 = arith.constant 13 : i32
        %add3A_298 = arith.addi %mul3A_167, %add3A_297 : i32
        %add3A_299 = vector.broadcast %add3A_298 : i32 to vector<16xi32>
        %add3A_300 = arith.addi %mul3A_128, %add3A_299 : vector<16xi32>
        %gather3A_301 = tpu.vector_load_idx %arg6[%add3A_300] : memref<8224xf32, #tpu.memory_space<vmem>>[vector<16xi32>], vector<16xf32>,
        %add3A_302 = arith.constant 13 : i32
        %add3A_303 = arith.addi %mul3A_167, %add3A_302 : i32
        %add3A_304 = vector.broadcast %add3A_303 : i32 to vector<16xi32>
        %add3A_305 = arith.addi %mul3A_134, %add3A_304 : vector<16xi32>
        %gather3A_306 = tpu.vector_load_idx %arg6[%add3A_305] : memref<8224xf32, #tpu.memory_space<vmem>>[vector<16xi32>], vector<16xf32>,
        %add3A_307 = arith.constant 14 : i32
        %add3A_308 = arith.addi %mul3A_167, %add3A_307 : i32
        %add3A_309 = vector.broadcast %add3A_308 : i32 to vector<16xi32>
        %add3A_310 = arith.addi %mul3A_128, %add3A_309 : vector<16xi32>
        %gather3A_311 = tpu.vector_load_idx %arg6[%add3A_310] : memref<8224xf32, #tpu.memory_space<vmem>>[vector<16xi32>], vector<16xf32>,
        %add3A_312 = arith.constant 14 : i32
        %add3A_313 = arith.addi %mul3A_167, %add3A_312 : i32
        %add3A_314 = vector.broadcast %add3A_313 : i32 to vector<16xi32>
        %add3A_315 = arith.addi %mul3A_134, %add3A_314 : vector<16xi32>
        %gather3A_316 = tpu.vector_load_idx %arg6[%add3A_315] : memref<8224xf32, #tpu.memory_space<vmem>>[vector<16xi32>], vector<16xf32>,
        %add3A_317 = arith.constant 15 : i32
        %add3A_318 = arith.addi %mul3A_167, %add3A_317 : i32
        %add3A_319 = vector.broadcast %add3A_318 : i32 to vector<16xi32>
        %add3A_320 = arith.addi %mul3A_128, %add3A_319 : vector<16xi32>
        %gather3A_321 = tpu.vector_load_idx %arg6[%add3A_320] : memref<8224xf32, #tpu.memory_space<vmem>>[vector<16xi32>], vector<16xf32>,
        %add3A_322 = arith.constant 15 : i32
        %add3A_323 = arith.addi %mul3A_167, %add3A_322 : i32
        %add3A_324 = vector.broadcast %add3A_323 : i32 to vector<16xi32>
        %add3A_325 = arith.addi %mul3A_134, %add3A_324 : vector<16xi32>
        %gather3A_326 = tpu.vector_load_idx %arg6[%add3A_325] : memref<8224xf32, #tpu.memory_space<vmem>>[vector<16xi32>], vector<16xf32>,
        %add3A_327 = arith.constant 0 : i32
        %add3A_328 = arith.addi %mul3A_167, %add3A_327 : i32
        %mul3A_329 = arith.constant 32 : i32
        %mul3A_330 = arith.muli %add3A_328, %mul3A_329 : i32
        %swap3A = arith.index_cast %mul3A_330 : i32 to index
        %swap3A_331 = tpu.vector_load %arg8[%swap3A] {strides = array<i32>} : memref<8192xf32, #tpu.memory_space<vmem>>, vector<16xf32>,
        tpu.vector_store %arg8[%swap3A], %gather3A {strides = array<i32>} : memref<8192xf32, #tpu.memory_space<vmem>>, vector<16xf32>,
        %add3A_332 = arith.constant 0 : i32
        %add3A_333 = arith.addi %mul3A_167, %add3A_332 : i32
        %mul3A_334 = arith.constant 32 : i32
        %mul3A_335 = arith.muli %add3A_333, %mul3A_334 : i32
        %add3A_336 = arith.constant 16 : i32
        %add3A_337 = arith.addi %mul3A_335, %add3A_336 : i32
        %swap3A_338 = arith.index_cast %add3A_337 : i32 to index
        %swap3A_339 = tpu.vector_load %arg8[%swap3A_338] {strides = array<i32>} : memref<8192xf32, #tpu.memory_space<vmem>>, vector<16xf32>,
        tpu.vector_store %arg8[%swap3A_338], %gather3A_176 {strides = array<i32>} : memref<8192xf32, #tpu.memory_space<vmem>>, vector<16xf32>,
        %add3A_340 = arith.constant 1 : i32
        %add3A_341 = arith.addi %mul3A_167, %add3A_340 : i32
        %mul3A_342 = arith.constant 32 : i32
        %mul3A_343 = arith.muli %add3A_341, %mul3A_342 : i32
        %swap3A_344 = arith.index_cast %mul3A_343 : i32 to index
        %swap3A_345 = tpu.vector_load %arg8[%swap3A_344] {strides = array<i32>} : memref<8192xf32, #tpu.memory_space<vmem>>, vector<16xf32>,
        tpu.vector_store %arg8[%swap3A_344], %gather3A_181 {strides = array<i32>} : memref<8192xf32, #tpu.memory_space<vmem>>, vector<16xf32>,
        %add3A_346 = arith.constant 1 : i32
        %add3A_347 = arith.addi %mul3A_167, %add3A_346 : i32
        %mul3A_348 = arith.constant 32 : i32
        %mul3A_349 = arith.muli %add3A_347, %mul3A_348 : i32
        %add3A_350 = arith.constant 16 : i32
        %add3A_351 = arith.addi %mul3A_349, %add3A_350 : i32
        %swap3A_352 = arith.index_cast %add3A_351 : i32 to index
        %swap3A_353 = tpu.vector_load %arg8[%swap3A_352] {strides = array<i32>} : memref<8192xf32, #tpu.memory_space<vmem>>, vector<16xf32>,
        tpu.vector_store %arg8[%swap3A_352], %gather3A_186 {strides = array<i32>} : memref<8192xf32, #tpu.memory_space<vmem>>, vector<16xf32>,
        %add3A_354 = arith.constant 2 : i32
        %add3A_355 = arith.addi %mul3A_167, %add3A_354 : i32
        %mul3A_356 = arith.constant 32 : i32
        %mul3A_357 = arith.muli %add3A_355, %mul3A_356 : i32
        %swap3A_358 = arith.index_cast %mul3A_357 : i32 to index
        %swap3A_359 = tpu.vector_load %arg8[%swap3A_358] {strides = array<i32>} : memref<8192xf32, #tpu.memory_space<vmem>>, vector<16xf32>,
        tpu.vector_store %arg8[%swap3A_358], %gather3A_191 {strides = array<i32>} : memref<8192xf32, #tpu.memory_space<vmem>>, vector<16xf32>,
        %add3A_360 = arith.constant 2 : i32
        %add3A_361 = arith.addi %mul3A_167, %add3A_360 : i32
        %mul3A_362 = arith.constant 32 : i32
        %mul3A_363 = arith.muli %add3A_361, %mul3A_362 : i32
        %add3A_364 = arith.constant 16 : i32
        %add3A_365 = arith.addi %mul3A_363, %add3A_364 : i32
        %swap3A_366 = arith.index_cast %add3A_365 : i32 to index
        %swap3A_367 = tpu.vector_load %arg8[%swap3A_366] {strides = array<i32>} : memref<8192xf32, #tpu.memory_space<vmem>>, vector<16xf32>,
        tpu.vector_store %arg8[%swap3A_366], %gather3A_196 {strides = array<i32>} : memref<8192xf32, #tpu.memory_space<vmem>>, vector<16xf32>,
        %add3A_368 = arith.constant 3 : i32
        %add3A_369 = arith.addi %mul3A_167, %add3A_368 : i32
        %mul3A_370 = arith.constant 32 : i32
        %mul3A_371 = arith.muli %add3A_369, %mul3A_370 : i32
        %swap3A_372 = arith.index_cast %mul3A_371 : i32 to index
        %swap3A_373 = tpu.vector_load %arg8[%swap3A_372] {strides = array<i32>} : memref<8192xf32, #tpu.memory_space<vmem>>, vector<16xf32>,
        tpu.vector_store %arg8[%swap3A_372], %gather3A_201 {strides = array<i32>} : memref<8192xf32, #tpu.memory_space<vmem>>, vector<16xf32>,
        %add3A_374 = arith.constant 3 : i32
        %add3A_375 = arith.addi %mul3A_167, %add3A_374 : i32
        %mul3A_376 = arith.constant 32 : i32
        %mul3A_377 = arith.muli %add3A_375, %mul3A_376 : i32
        %add3A_378 = arith.constant 16 : i32
        %add3A_379 = arith.addi %mul3A_377, %add3A_378 : i32
        %swap3A_380 = arith.index_cast %add3A_379 : i32 to index
        %swap3A_381 = tpu.vector_load %arg8[%swap3A_380] {strides = array<i32>} : memref<8192xf32, #tpu.memory_space<vmem>>, vector<16xf32>,
        tpu.vector_store %arg8[%swap3A_380], %gather3A_206 {strides = array<i32>} : memref<8192xf32, #tpu.memory_space<vmem>>, vector<16xf32>,
        %add3A_382 = arith.constant 4 : i32
        %add3A_383 = arith.addi %mul3A_167, %add3A_382 : i32
        %mul3A_384 = arith.constant 32 : i32
        %mul3A_385 = arith.muli %add3A_383, %mul3A_384 : i32
        %swap3A_386 = arith.index_cast %mul3A_385 : i32 to index
        %swap3A_387 = tpu.vector_load %arg8[%swap3A_386] {strides = array<i32>} : memref<8192xf32, #tpu.memory_space<vmem>>, vector<16xf32>,
        tpu.vector_store %arg8[%swap3A_386], %gather3A_211 {strides = array<i32>} : memref<8192xf32, #tpu.memory_space<vmem>>, vector<16xf32>,
        %add3A_388 = arith.constant 4 : i32
        %add3A_389 = arith.addi %mul3A_167, %add3A_388 : i32
        %mul3A_390 = arith.constant 32 : i32
        %mul3A_391 = arith.muli %add3A_389, %mul3A_390 : i32
        %add3A_392 = arith.constant 16 : i32
        %add3A_393 = arith.addi %mul3A_391, %add3A_392 : i32
        %swap3A_394 = arith.index_cast %add3A_393 : i32 to index
        %swap3A_395 = tpu.vector_load %arg8[%swap3A_394] {strides = array<i32>} : memref<8192xf32, #tpu.memory_space<vmem>>, vector<16xf32>,
        tpu.vector_store %arg8[%swap3A_394], %gather3A_216 {strides = array<i32>} : memref<8192xf32, #tpu.memory_space<vmem>>, vector<16xf32>,
        %add3A_396 = arith.constant 5 : i32
        %add3A_397 = arith.addi %mul3A_167, %add3A_396 : i32
        %mul3A_398 = arith.constant 32 : i32
        %mul3A_399 = arith.muli %add3A_397, %mul3A_398 : i32
        %swap3A_400 = arith.index_cast %mul3A_399 : i32 to index
        %swap3A_401 = tpu.vector_load %arg8[%swap3A_400] {strides = array<i32>} : memref<8192xf32, #tpu.memory_space<vmem>>, vector<16xf32>,
        tpu.vector_store %arg8[%swap3A_400], %gather3A_221 {strides = array<i32>} : memref<8192xf32, #tpu.memory_space<vmem>>, vector<16xf32>,
        %add3A_402 = arith.constant 5 : i32
        %add3A_403 = arith.addi %mul3A_167, %add3A_402 : i32
        %mul3A_404 = arith.constant 32 : i32
        %mul3A_405 = arith.muli %add3A_403, %mul3A_404 : i32
        %add3A_406 = arith.constant 16 : i32
        %add3A_407 = arith.addi %mul3A_405, %add3A_406 : i32
        %swap3A_408 = arith.index_cast %add3A_407 : i32 to index
        %swap3A_409 = tpu.vector_load %arg8[%swap3A_408] {strides = array<i32>} : memref<8192xf32, #tpu.memory_space<vmem>>, vector<16xf32>,
        tpu.vector_store %arg8[%swap3A_408], %gather3A_226 {strides = array<i32>} : memref<8192xf32, #tpu.memory_space<vmem>>, vector<16xf32>,
        %add3A_410 = arith.constant 6 : i32
        %add3A_411 = arith.addi %mul3A_167, %add3A_410 : i32
        %mul3A_412 = arith.constant 32 : i32
        %mul3A_413 = arith.muli %add3A_411, %mul3A_412 : i32
        %swap3A_414 = arith.index_cast %mul3A_413 : i32 to index
        %swap3A_415 = tpu.vector_load %arg8[%swap3A_414] {strides = array<i32>} : memref<8192xf32, #tpu.memory_space<vmem>>, vector<16xf32>,
        tpu.vector_store %arg8[%swap3A_414], %gather3A_231 {strides = array<i32>} : memref<8192xf32, #tpu.memory_space<vmem>>, vector<16xf32>,
        %add3A_416 = arith.constant 6 : i32
        %add3A_417 = arith.addi %mul3A_167, %add3A_416 : i32
        %mul3A_418 = arith.constant 32 : i32
        %mul3A_419 = arith.muli %add3A_417, %mul3A_418 : i32
        %add3A_420 = arith.constant 16 : i32
        %add3A_421 = arith.addi %mul3A_419, %add3A_420 : i32
        %swap3A_422 = arith.index_cast %add3A_421 : i32 to index
        %swap3A_423 = tpu.vector_load %arg8[%swap3A_422] {strides = array<i32>} : memref<8192xf32, #tpu.memory_space<vmem>>, vector<16xf32>,
        tpu.vector_store %arg8[%swap3A_422], %gather3A_236 {strides = array<i32>} : memref<8192xf32, #tpu.memory_space<vmem>>, vector<16xf32>,
        %add3A_424 = arith.constant 7 : i32
        %add3A_425 = arith.addi %mul3A_167, %add3A_424 : i32
        %mul3A_426 = arith.constant 32 : i32
        %mul3A_427 = arith.muli %add3A_425, %mul3A_426 : i32
        %swap3A_428 = arith.index_cast %mul3A_427 : i32 to index
        %swap3A_429 = tpu.vector_load %arg8[%swap3A_428] {strides = array<i32>} : memref<8192xf32, #tpu.memory_space<vmem>>, vector<16xf32>,
        tpu.vector_store %arg8[%swap3A_428], %gather3A_241 {strides = array<i32>} : memref<8192xf32, #tpu.memory_space<vmem>>, vector<16xf32>,
        %add3A_430 = arith.constant 7 : i32
        %add3A_431 = arith.addi %mul3A_167, %add3A_430 : i32
        %mul3A_432 = arith.constant 32 : i32
        %mul3A_433 = arith.muli %add3A_431, %mul3A_432 : i32
        %add3A_434 = arith.constant 16 : i32
        %add3A_435 = arith.addi %mul3A_433, %add3A_434 : i32
        %swap3A_436 = arith.index_cast %add3A_435 : i32 to index
        %swap3A_437 = tpu.vector_load %arg8[%swap3A_436] {strides = array<i32>} : memref<8192xf32, #tpu.memory_space<vmem>>, vector<16xf32>,
        tpu.vector_store %arg8[%swap3A_436], %gather3A_246 {strides = array<i32>} : memref<8192xf32, #tpu.memory_space<vmem>>, vector<16xf32>,
        %add3A_438 = arith.constant 8 : i32
        %add3A_439 = arith.addi %mul3A_167, %add3A_438 : i32
        %mul3A_440 = arith.constant 32 : i32
        %mul3A_441 = arith.muli %add3A_439, %mul3A_440 : i32
        %swap3A_442 = arith.index_cast %mul3A_441 : i32 to index
        %swap3A_443 = tpu.vector_load %arg8[%swap3A_442] {strides = array<i32>} : memref<8192xf32, #tpu.memory_space<vmem>>, vector<16xf32>,
        tpu.vector_store %arg8[%swap3A_442], %gather3A_251 {strides = array<i32>} : memref<8192xf32, #tpu.memory_space<vmem>>, vector<16xf32>,
        %add3A_444 = arith.constant 8 : i32
        %add3A_445 = arith.addi %mul3A_167, %add3A_444 : i32
        %mul3A_446 = arith.constant 32 : i32
        %mul3A_447 = arith.muli %add3A_445, %mul3A_446 : i32
        %add3A_448 = arith.constant 16 : i32
        %add3A_449 = arith.addi %mul3A_447, %add3A_448 : i32
        %swap3A_450 = arith.index_cast %add3A_449 : i32 to index
        %swap3A_451 = tpu.vector_load %arg8[%swap3A_450] {strides = array<i32>} : memref<8192xf32, #tpu.memory_space<vmem>>, vector<16xf32>,
        tpu.vector_store %arg8[%swap3A_450], %gather3A_256 {strides = array<i32>} : memref<8192xf32, #tpu.memory_space<vmem>>, vector<16xf32>,
        %add3A_452 = arith.constant 9 : i32
        %add3A_453 = arith.addi %mul3A_167, %add3A_452 : i32
        %mul3A_454 = arith.constant 32 : i32
        %mul3A_455 = arith.muli %add3A_453, %mul3A_454 : i32
        %swap3A_456 = arith.index_cast %mul3A_455 : i32 to index
        %swap3A_457 = tpu.vector_load %arg8[%swap3A_456] {strides = array<i32>} : memref<8192xf32, #tpu.memory_space<vmem>>, vector<16xf32>,
        tpu.vector_store %arg8[%swap3A_456], %gather3A_261 {strides = array<i32>} : memref<8192xf32, #tpu.memory_space<vmem>>, vector<16xf32>,
        %add3A_458 = arith.constant 9 : i32
        %add3A_459 = arith.addi %mul3A_167, %add3A_458 : i32
        %mul3A_460 = arith.constant 32 : i32
        %mul3A_461 = arith.muli %add3A_459, %mul3A_460 : i32
        %add3A_462 = arith.constant 16 : i32
        %add3A_463 = arith.addi %mul3A_461, %add3A_462 : i32
        %swap3A_464 = arith.index_cast %add3A_463 : i32 to index
        %swap3A_465 = tpu.vector_load %arg8[%swap3A_464] {strides = array<i32>} : memref<8192xf32, #tpu.memory_space<vmem>>, vector<16xf32>,
        tpu.vector_store %arg8[%swap3A_464], %gather3A_266 {strides = array<i32>} : memref<8192xf32, #tpu.memory_space<vmem>>, vector<16xf32>,
        %add3A_466 = arith.constant 10 : i32
        %add3A_467 = arith.addi %mul3A_167, %add3A_466 : i32
        %mul3A_468 = arith.constant 32 : i32
        %mul3A_469 = arith.muli %add3A_467, %mul3A_468 : i32
        %swap3A_470 = arith.index_cast %mul3A_469 : i32 to index
        %swap3A_471 = tpu.vector_load %arg8[%swap3A_470] {strides = array<i32>} : memref<8192xf32, #tpu.memory_space<vmem>>, vector<16xf32>,
        tpu.vector_store %arg8[%swap3A_470], %gather3A_271 {strides = array<i32>} : memref<8192xf32, #tpu.memory_space<vmem>>, vector<16xf32>,
        %add3A_472 = arith.constant 10 : i32
        %add3A_473 = arith.addi %mul3A_167, %add3A_472 : i32
        %mul3A_474 = arith.constant 32 : i32
        %mul3A_475 = arith.muli %add3A_473, %mul3A_474 : i32
        %add3A_476 = arith.constant 16 : i32
        %add3A_477 = arith.addi %mul3A_475, %add3A_476 : i32
        %swap3A_478 = arith.index_cast %add3A_477 : i32 to index
        %swap3A_479 = tpu.vector_load %arg8[%swap3A_478] {strides = array<i32>} : memref<8192xf32, #tpu.memory_space<vmem>>, vector<16xf32>,
        tpu.vector_store %arg8[%swap3A_478], %gather3A_276 {strides = array<i32>} : memref<8192xf32, #tpu.memory_space<vmem>>, vector<16xf32>,
        %add3A_480 = arith.constant 11 : i32
        %add3A_481 = arith.addi %mul3A_167, %add3A_480 : i32
        %mul3A_482 = arith.constant 32 : i32
        %mul3A_483 = arith.muli %add3A_481, %mul3A_482 : i32
        %swap3A_484 = arith.index_cast %mul3A_483 : i32 to index
        %swap3A_485 = tpu.vector_load %arg8[%swap3A_484] {strides = array<i32>} : memref<8192xf32, #tpu.memory_space<vmem>>, vector<16xf32>,
        tpu.vector_store %arg8[%swap3A_484], %gather3A_281 {strides = array<i32>} : memref<8192xf32, #tpu.memory_space<vmem>>, vector<16xf32>,
        %add3A_486 = arith.constant 11 : i32
        %add3A_487 = arith.addi %mul3A_167, %add3A_486 : i32
        %mul3A_488 = arith.constant 32 : i32
        %mul3A_489 = arith.muli %add3A_487, %mul3A_488 : i32
        %add3A_490 = arith.constant 16 : i32
        %add3A_491 = arith.addi %mul3A_489, %add3A_490 : i32
        %swap3A_492 = arith.index_cast %add3A_491 : i32 to index
        %swap3A_493 = tpu.vector_load %arg8[%swap3A_492] {strides = array<i32>} : memref<8192xf32, #tpu.memory_space<vmem>>, vector<16xf32>,
        tpu.vector_store %arg8[%swap3A_492], %gather3A_286 {strides = array<i32>} : memref<8192xf32, #tpu.memory_space<vmem>>, vector<16xf32>,
        %add3A_494 = arith.constant 12 : i32
        %add3A_495 = arith.addi %mul3A_167, %add3A_494 : i32
        %mul3A_496 = arith.constant 32 : i32
        %mul3A_497 = arith.muli %add3A_495, %mul3A_496 : i32
        %swap3A_498 = arith.index_cast %mul3A_497 : i32 to index
        %swap3A_499 = tpu.vector_load %arg8[%swap3A_498] {strides = array<i32>} : memref<8192xf32, #tpu.memory_space<vmem>>, vector<16xf32>,
        tpu.vector_store %arg8[%swap3A_498], %gather3A_291 {strides = array<i32>} : memref<8192xf32, #tpu.memory_space<vmem>>, vector<16xf32>,
        %add3A_500 = arith.constant 12 : i32
        %add3A_501 = arith.addi %mul3A_167, %add3A_500 : i32
        %mul3A_502 = arith.constant 32 : i32
        %mul3A_503 = arith.muli %add3A_501, %mul3A_502 : i32
        %add3A_504 = arith.constant 16 : i32
        %add3A_505 = arith.addi %mul3A_503, %add3A_504 : i32
        %swap3A_506 = arith.index_cast %add3A_505 : i32 to index
        %swap3A_507 = tpu.vector_load %arg8[%swap3A_506] {strides = array<i32>} : memref<8192xf32, #tpu.memory_space<vmem>>, vector<16xf32>,
        tpu.vector_store %arg8[%swap3A_506], %gather3A_296 {strides = array<i32>} : memref<8192xf32, #tpu.memory_space<vmem>>, vector<16xf32>,
        %add3A_508 = arith.constant 13 : i32
        %add3A_509 = arith.addi %mul3A_167, %add3A_508 : i32
        %mul3A_510 = arith.constant 32 : i32
        %mul3A_511 = arith.muli %add3A_509, %mul3A_510 : i32
        %swap3A_512 = arith.index_cast %mul3A_511 : i32 to index
        %swap3A_513 = tpu.vector_load %arg8[%swap3A_512] {strides = array<i32>} : memref<8192xf32, #tpu.memory_space<vmem>>, vector<16xf32>,
        tpu.vector_store %arg8[%swap3A_512], %gather3A_301 {strides = array<i32>} : memref<8192xf32, #tpu.memory_space<vmem>>, vector<16xf32>,
        %add3A_514 = arith.constant 13 : i32
        %add3A_515 = arith.addi %mul3A_167, %add3A_514 : i32
        %mul3A_516 = arith.constant 32 : i32
        %mul3A_517 = arith.muli %add3A_515, %mul3A_516 : i32
        %add3A_518 = arith.constant 16 : i32
        %add3A_519 = arith.addi %mul3A_517, %add3A_518 : i32
        %swap3A_520 = arith.index_cast %add3A_519 : i32 to index
        %swap3A_521 = tpu.vector_load %arg8[%swap3A_520] {strides = array<i32>} : memref<8192xf32, #tpu.memory_space<vmem>>, vector<16xf32>,
        tpu.vector_store %arg8[%swap3A_520], %gather3A_306 {strides = array<i32>} : memref<8192xf32, #tpu.memory_space<vmem>>, vector<16xf32>,
        %add3A_522 = arith.constant 14 : i32
        %add3A_523 = arith.addi %mul3A_167, %add3A_522 : i32
        %mul3A_524 = arith.constant 32 : i32
        %mul3A_525 = arith.muli %add3A_523, %mul3A_524 : i32
        %swap3A_526 = arith.index_cast %mul3A_525 : i32 to index
        %swap3A_527 = tpu.vector_load %arg8[%swap3A_526] {strides = array<i32>} : memref<8192xf32, #tpu.memory_space<vmem>>, vector<16xf32>,
        tpu.vector_store %arg8[%swap3A_526], %gather3A_311 {strides = array<i32>} : memref<8192xf32, #tpu.memory_space<vmem>>, vector<16xf32>,
        %add3A_528 = arith.constant 14 : i32
        %add3A_529 = arith.addi %mul3A_167, %add3A_528 : i32
        %mul3A_530 = arith.constant 32 : i32
        %mul3A_531 = arith.muli %add3A_529, %mul3A_530 : i32
        %add3A_532 = arith.constant 16 : i32
        %add3A_533 = arith.addi %mul3A_531, %add3A_532 : i32
        %swap3A_534 = arith.index_cast %add3A_533 : i32 to index
        %swap3A_535 = tpu.vector_load %arg8[%swap3A_534] {strides = array<i32>} : memref<8192xf32, #tpu.memory_space<vmem>>, vector<16xf32>,
        tpu.vector_store %arg8[%swap3A_534], %gather3A_316 {strides = array<i32>} : memref<8192xf32, #tpu.memory_space<vmem>>, vector<16xf32>,
        %add3A_536 = arith.constant 15 : i32
        %add3A_537 = arith.addi %mul3A_167, %add3A_536 : i32
        %mul3A_538 = arith.constant 32 : i32
        %mul3A_539 = arith.muli %add3A_537, %mul3A_538 : i32
        %swap3A_540 = arith.index_cast %mul3A_539 : i32 to index
        %swap3A_541 = tpu.vector_load %arg8[%swap3A_540] {strides = array<i32>} : memref<8192xf32, #tpu.memory_space<vmem>>, vector<16xf32>,
        tpu.vector_store %arg8[%swap3A_540], %gather3A_321 {strides = array<i32>} : memref<8192xf32, #tpu.memory_space<vmem>>, vector<16xf32>,
        %add3A_542 = arith.constant 15 : i32
        %add3A_543 = arith.addi %mul3A_167, %add3A_542 : i32
        %mul3A_544 = arith.constant 32 : i32
        %mul3A_545 = arith.muli %add3A_543, %mul3A_544 : i32
        %add3A_546 = arith.constant 16 : i32
        %add3A_547 = arith.addi %mul3A_545, %add3A_546 : i32
        %swap3A_548 = arith.index_cast %add3A_547 : i32 to index
        %swap3A_549 = tpu.vector_load %arg8[%swap3A_548] {strides = array<i32>} : memref<8192xf32, #tpu.memory_space<vmem>>, vector<16xf32>,
        tpu.vector_store %arg8[%swap3A_548], %gather3A_326 {strides = array<i32>} : memref<8192xf32, #tpu.memory_space<vmem>>, vector<16xf32>,
        %scan3A_550 = arith.constant 0 : i32
        scf.yield %scan3A_550 : i32
      }
      %scan3A_141 = arith.constant 16 : i32
      %add3A_142 = arith.constant 1 : i32
      %add3A_143 = arith.addi %mul3A_46, %add3A_142 : i32
      %mul3A_144 = arith.constant 32 : i32
      %mul3A_145 = arith.muli %mul3A_144, %add3A_143 : i32
      %add3A_146 = arith.addi %add3A, %mul3A_145 : i32
      %min3A_147 = arith.constant 3905 : i32
      %min3A_148 = arith.minsi %add3A_146, %min3A_147 : i32
      %mul3A_149 = arith.constant 256 : i32
      %mul3A_150 = arith.muli %min3A_148, %mul3A_149 : i32
      %mul3A_151 = arith.constant 32 : i32
      %mul3A_152 = arith.muli %mul3A_150, %mul3A_151 : i32
      %dma_start3A_153 = tpu.memref_slice %arg3[%mul3A_152] : memref<32000000xf32, #tpu.memory_space<hbm>> -> memref<8192xf32, #tpu.memory_space<hbm>>
      %dma_start3A_154 = tpu.memref_slice %arg3[%mul3A_152] : memref<32000000xf32, #tpu.memory_space<hbm>> -> memref<8192xf32, #tpu.memory_space<hbm>>
      tpu.enqueue_dma source(%arg8 : memref<8192xf32, #tpu.memory_space<vmem>>) target(%dma_start3A_154 : memref<8192xf32, #tpu.memory_space<hbm>>) target_semaphore(%arg14 : memref<!tpu.dma_semaphore, #tpu.memory_space<semaphore_mem>>)
      %dma_wait3A_155 = arith.constant 0 : i32
      %dma_wait3A_156 = tpu.memref_slice %arg3[%dma_wait3A_155] : memref<32000000xf32, #tpu.memory_space<hbm>> -> memref<8192xf32, #tpu.memory_space<hbm>>
      %dma_wait3A_157 = arith.constant 0 : i32
      %dma_wait3A_158 = tpu.memref_slice %arg3[%dma_wait3A_157] : memref<32000000xf32, #tpu.memory_space<hbm>> -> memref<8192xf32, #tpu.memory_space<hbm>>
      tpu.wait_dma2 semaphore(%arg13 : memref<!tpu.dma_semaphore, #tpu.memory_space<semaphore_mem>>) src(%dma_wait3A_158 : memref<8192xf32, #tpu.memory_space<hbm>>) dst(%arg7 : memref<8192xf32, #tpu.memory_space<vmem>>)
      %dma_wait3A_159 = arith.constant 0 : i32
      %dma_wait3A_160 = tpu.memref_slice %arg3[%dma_wait3A_159] : memref<32000000xf32, #tpu.memory_space<hbm>> -> memref<8192xf32, #tpu.memory_space<hbm>>
      %dma_wait3A_161 = arith.constant 0 : i32
      %dma_wait3A_162 = tpu.memref_slice %arg3[%dma_wait3A_161] : memref<32000000xf32, #tpu.memory_space<hbm>> -> memref<8192xf32, #tpu.memory_space<hbm>>
      tpu.wait_dma2 semaphore(%arg14 : memref<!tpu.dma_semaphore, #tpu.memory_space<semaphore_mem>>) src(%dma_wait3A_162 : memref<8192xf32, #tpu.memory_space<hbm>>) dst(%arg8 : memref<8192xf32, #tpu.memory_space<vmem>>)
      %scan3A_163 = arith.constant 0 : i32
      scf.yield %scan3A_163 : i32
    }
    %scan3A_14 = arith.constant 62 : i32
    %dma_wait3A = arith.constant 0 : i32
    %dma_wait3A_15 = arith.constant 0 : i32
    %dma_wait3A_16 = tpu.memref_slice %arg2[%dma_wait3A, %dma_wait3A_15] : memref<32x1000000xf32, #tpu.memory_space<hbm>> -> memref<32x256xf32, #tpu.memory_space<hbm>>
    %dma_wait3A_17 = arith.constant 0 : i32
    %dma_wait3A_18 = arith.constant 0 : i32
    %dma_wait3A_19 = tpu.memref_slice %arg2[%dma_wait3A_17, %dma_wait3A_18] : memref<32x1000000xf32, #tpu.memory_space<hbm>> -> memref<32x256xf32, #tpu.memory_space<hbm>>
    tpu.wait_dma2 semaphore(%arg11 : memref<!tpu.dma_semaphore, #tpu.memory_space<semaphore_mem>>) src(%dma_wait3A_19 : memref<32x256xf32, #tpu.memory_space<hbm>>) dst(%arg4 : memref<32x256xf32, #tpu.memory_space<vmem>>)
    "tpu.region"() ({
      %run_scoped3A = tpu.sem_alloc : memref<!tpu.dma_semaphore, #tpu.memory_space<semaphore_mem>>
      %dma_start3A_43 = arith.constant 0 : i32
      %dma_start3A_44 = arith.constant 999936 : i32
      %dma_start3A_45 = tpu.memref_slice %arg2[%dma_start3A_43, %dma_start3A_44] : memref<32x1000000xf32, #tpu.memory_space<hbm>> -> memref<32x64xf32, #tpu.memory_space<hbm>>
      %dma_start3A_46 = arith.constant 0 : i32
      %dma_start3A_47 = arith.constant 999936 : i32
      %dma_start3A_48 = tpu.memref_slice %arg2[%dma_start3A_46, %dma_start3A_47] : memref<32x1000000xf32, #tpu.memory_space<hbm>> -> memref<32x64xf32, #tpu.memory_space<hbm>>
      tpu.enqueue_dma source(%dma_start3A_48 : memref<32x64xf32, #tpu.memory_space<hbm>>) target(%arg9 : memref<32x64xf32, #tpu.memory_space<vmem>>) target_semaphore(%run_scoped3A : memref<!tpu.dma_semaphore, #tpu.memory_space<semaphore_mem>>)
      %dma_wait3A_49 = arith.constant 0 : i32
      %dma_wait3A_50 = arith.constant 999936 : i32
      %dma_wait3A_51 = tpu.memref_slice %arg2[%dma_wait3A_49, %dma_wait3A_50] : memref<32x1000000xf32, #tpu.memory_space<hbm>> -> memref<32x64xf32, #tpu.memory_space<hbm>>
      %dma_wait3A_52 = arith.constant 0 : i32
      %dma_wait3A_53 = arith.constant 999936 : i32
      %dma_wait3A_54 = tpu.memref_slice %arg2[%dma_wait3A_52, %dma_wait3A_53] : memref<32x1000000xf32, #tpu.memory_space<hbm>> -> memref<32x64xf32, #tpu.memory_space<hbm>>
      tpu.wait_dma2 semaphore(%run_scoped3A : memref<!tpu.dma_semaphore, #tpu.memory_space<semaphore_mem>>) src(%dma_wait3A_54 : memref<32x64xf32, #tpu.memory_space<hbm>>) dst(%arg9 : memref<32x64xf32, #tpu.memory_space<vmem>>)
      tpu.yield
    }) : () -> ()
    %scan3A_20 = arith.constant 0 : i32
    %scan3A_21 = arith.constant 0 : i32
    %scan3A_22 = arith.constant 32 : i32
    %scan3A_23 = arith.addi %scan3A_21, %scan3A_22 : i32
    %scan3A_24 = arith.constant 1 : i32
    %scan3A_25 = scf.for %scan3A_43 = %scan3A_21 to %scan3A_23 step %scan3A_24 iter_args(%scan3A_44 = %scan3A_20) -> (i32)  : i32 {
      %get3A = arith.index_cast %scan3A_43 : i32 to index
      %get3A_45 = arith.constant 0 : index
      %get3A_46 = tpu.vector_load %arg9[%get3A, %get3A_45] {strides = array<i32>} : memref<32x64xf32, #tpu.memory_space<vmem>>, vector<16xf32>,
      %get3A_47 = arith.index_cast %scan3A_43 : i32 to index
      %get3A_48 = arith.constant 16 : index
      %get3A_49 = tpu.vector_load %arg9[%get3A_47, %get3A_48] {strides = array<i32>} : memref<32x64xf32, #tpu.memory_space<vmem>>, vector<16xf32>,
      %get3A_50 = arith.index_cast %scan3A_43 : i32 to index
      %get3A_51 = arith.constant 32 : index
      %get3A_52 = tpu.vector_load %arg9[%get3A_50, %get3A_51] {strides = array<i32>} : memref<32x64xf32, #tpu.memory_space<vmem>>, vector<16xf32>,
      %get3A_53 = arith.index_cast %scan3A_43 : i32 to index
      %get3A_54 = arith.constant 48 : index
      %get3A_55 = tpu.vector_load %arg9[%get3A_53, %get3A_54] {strides = array<i32>} : memref<32x64xf32, #tpu.memory_space<vmem>>, vector<16xf32>,
      %mul3A_56 = arith.constant 65 : i32
      %mul3A_57 = arith.muli %scan3A_43, %mul3A_56 : i32
      %add3A_58 = arith.constant 0 : i32
      %add3A_59 = arith.addi %mul3A_57, %add3A_58 : i32
      %swap3A = arith.index_cast %add3A_59 : i32 to index
      %swap3A_60 = tpu.vector_load %arg6[%swap3A] {strides = array<i32>} : memref<8224xf32, #tpu.memory_space<vmem>>, vector<16xf32>,
      tpu.vector_store %arg6[%swap3A], %get3A_46 {strides = array<i32>} : memref<8224xf32, #tpu.memory_space<vmem>>, vector<16xf32>,
      %mul3A_61 = arith.constant 65 : i32
      %mul3A_62 = arith.muli %scan3A_43, %mul3A_61 : i32
      %add3A_63 = arith.constant 16 : i32
      %add3A_64 = arith.addi %mul3A_62, %add3A_63 : i32
      %swap3A_65 = arith.index_cast %add3A_64 : i32 to index
      %swap3A_66 = tpu.vector_load %arg6[%swap3A_65] {strides = array<i32>} : memref<8224xf32, #tpu.memory_space<vmem>>, vector<16xf32>,
      tpu.vector_store %arg6[%swap3A_65], %get3A_49 {strides = array<i32>} : memref<8224xf32, #tpu.memory_space<vmem>>, vector<16xf32>,
      %mul3A_67 = arith.constant 65 : i32
      %mul3A_68 = arith.muli %scan3A_43, %mul3A_67 : i32
      %add3A_69 = arith.constant 32 : i32
      %add3A_70 = arith.addi %mul3A_68, %add3A_69 : i32
      %swap3A_71 = arith.index_cast %add3A_70 : i32 to index
      %swap3A_72 = tpu.vector_load %arg6[%swap3A_71] {strides = array<i32>} : memref<8224xf32, #tpu.memory_space<vmem>>, vector<16xf32>,
      tpu.vector_store %arg6[%swap3A_71], %get3A_52 {strides = array<i32>} : memref<8224xf32, #tpu.memory_space<vmem>>, vector<16xf32>,
      %mul3A_73 = arith.constant 65 : i32
      %mul3A_74 = arith.muli %scan3A_43, %mul3A_73 : i32
      %add3A_75 = arith.constant 48 : i32
      %add3A_76 = arith.addi %mul3A_74, %add3A_75 : i32
      %swap3A_77 = arith.index_cast %add3A_76 : i32 to index
      %swap3A_78 = tpu.vector_load %arg6[%swap3A_77] {strides = array<i32>} : memref<8224xf32, #tpu.memory_space<vmem>>, vector<16xf32>,
      tpu.vector_store %arg6[%swap3A_77], %get3A_55 {strides = array<i32>} : memref<8224xf32, #tpu.memory_space<vmem>>, vector<16xf32>,
      %scan3A_79 = arith.constant 0 : i32
      scf.yield %scan3A_79 : i32
    }
    %scan3A_26 = arith.constant 32 : i32
    %mul3A_27 = arith.constant 65 : i32
    %mul3A_28 = vector.broadcast %mul3A_27 : i32 to vector<16xi32>
    %mul3A_29 = arith.muli %iota3A, %mul3A_28 : vector<16xi32>
    %add3A_30 = arith.constant 16 : i32
    %add3A_31 = vector.broadcast %add3A_30 : i32 to vector<16xi32>
    %add3A_32 = arith.addi %iota3A, %add3A_31 : vector<16xi32>
    %mul3A_33 = arith.constant 65 : i32
    %mul3A_34 = vector.broadcast %mul3A_33 : i32 to vector<16xi32>
    %mul3A_35 = arith.muli %add3A_32, %mul3A_34 : vector<16xi32>
    %scan3A_36 = arith.constant 0 : i32
    %scan3A_37 = arith.constant 0 : i32
    %scan3A_38 = arith.constant 4 : i32
    %scan3A_39 = arith.addi %scan3A_37, %scan3A_38 : i32
    %scan3A_40 = arith.constant 1 : i32
    %scan3A_41 = scf.for %scan3A_43 = %scan3A_37 to %scan3A_39 step %scan3A_40 iter_args(%scan3A_44 = %scan3A_36) -> (i32)  : i32 {
      %mul3A_45 = arith.constant 16 : i32
      %mul3A_46 = arith.muli %mul3A_45, %scan3A_43 : i32
      %add3A_47 = arith.constant 0 : i32
      %add3A_48 = arith.addi %mul3A_46, %add3A_47 : i32
      %add3A_49 = vector.broadcast %add3A_48 : i32 to vector<16xi32>
      %add3A_50 = arith.addi %mul3A_29, %add3A_49 : vector<16xi32>
      %gather3A = tpu.vector_load_idx %arg6[%add3A_50] : memref<8224xf32, #tpu.memory_space<vmem>>[vector<16xi32>], vector<16xf32>,
      %add3A_51 = arith.constant 0 : i32
      %add3A_52 = arith.addi %mul3A_46, %add3A_51 : i32
      %add3A_53 = vector.broadcast %add3A_52 : i32 to vector<16xi32>
      %add3A_54 = arith.addi %mul3A_35, %add3A_53 : vector<16xi32>
      %gather3A_55 = tpu.vector_load_idx %arg6[%add3A_54] : memref<8224xf32, #tpu.memory_space<vmem>>[vector<16xi32>], vector<16xf32>,
      %add3A_56 = arith.constant 1 : i32
      %add3A_57 = arith.addi %mul3A_46, %add3A_56 : i32
      %add3A_58 = vector.broadcast %add3A_57 : i32 to vector<16xi32>
      %add3A_59 = arith.addi %mul3A_29, %add3A_58 : vector<16xi32>
      %gather3A_60 = tpu.vector_load_idx %arg6[%add3A_59] : memref<8224xf32, #tpu.memory_space<vmem>>[vector<16xi32>], vector<16xf32>,
      %add3A_61 = arith.constant 1 : i32
      %add3A_62 = arith.addi %mul3A_46, %add3A_61 : i32
      %add3A_63 = vector.broadcast %add3A_62 : i32 to vector<16xi32>
      %add3A_64 = arith.addi %mul3A_35, %add3A_63 : vector<16xi32>
      %gather3A_65 = tpu.vector_load_idx %arg6[%add3A_64] : memref<8224xf32, #tpu.memory_space<vmem>>[vector<16xi32>], vector<16xf32>,
      %add3A_66 = arith.constant 2 : i32
      %add3A_67 = arith.addi %mul3A_46, %add3A_66 : i32
      %add3A_68 = vector.broadcast %add3A_67 : i32 to vector<16xi32>
      %add3A_69 = arith.addi %mul3A_29, %add3A_68 : vector<16xi32>
      %gather3A_70 = tpu.vector_load_idx %arg6[%add3A_69] : memref<8224xf32, #tpu.memory_space<vmem>>[vector<16xi32>], vector<16xf32>,
      %add3A_71 = arith.constant 2 : i32
      %add3A_72 = arith.addi %mul3A_46, %add3A_71 : i32
      %add3A_73 = vector.broadcast %add3A_72 : i32 to vector<16xi32>
      %add3A_74 = arith.addi %mul3A_35, %add3A_73 : vector<16xi32>
      %gather3A_75 = tpu.vector_load_idx %arg6[%add3A_74] : memref<8224xf32, #tpu.memory_space<vmem>>[vector<16xi32>], vector<16xf32>,
      %add3A_76 = arith.constant 3 : i32
      %add3A_77 = arith.addi %mul3A_46, %add3A_76 : i32
      %add3A_78 = vector.broadcast %add3A_77 : i32 to vector<16xi32>
      %add3A_79 = arith.addi %mul3A_29, %add3A_78 : vector<16xi32>
      %gather3A_80 = tpu.vector_load_idx %arg6[%add3A_79] : memref<8224xf32, #tpu.memory_space<vmem>>[vector<16xi32>], vector<16xf32>,
      %add3A_81 = arith.constant 3 : i32
      %add3A_82 = arith.addi %mul3A_46, %add3A_81 : i32
      %add3A_83 = vector.broadcast %add3A_82 : i32 to vector<16xi32>
      %add3A_84 = arith.addi %mul3A_35, %add3A_83 : vector<16xi32>
      %gather3A_85 = tpu.vector_load_idx %arg6[%add3A_84] : memref<8224xf32, #tpu.memory_space<vmem>>[vector<16xi32>], vector<16xf32>,
      %add3A_86 = arith.constant 4 : i32
      %add3A_87 = arith.addi %mul3A_46, %add3A_86 : i32
      %add3A_88 = vector.broadcast %add3A_87 : i32 to vector<16xi32>
      %add3A_89 = arith.addi %mul3A_29, %add3A_88 : vector<16xi32>
      %gather3A_90 = tpu.vector_load_idx %arg6[%add3A_89] : memref<8224xf32, #tpu.memory_space<vmem>>[vector<16xi32>], vector<16xf32>,
      %add3A_91 = arith.constant 4 : i32
      %add3A_92 = arith.addi %mul3A_46, %add3A_91 : i32
      %add3A_93 = vector.broadcast %add3A_92 : i32 to vector<16xi32>
      %add3A_94 = arith.addi %mul3A_35, %add3A_93 : vector<16xi32>
      %gather3A_95 = tpu.vector_load_idx %arg6[%add3A_94] : memref<8224xf32, #tpu.memory_space<vmem>>[vector<16xi32>], vector<16xf32>,
      %add3A_96 = arith.constant 5 : i32
      %add3A_97 = arith.addi %mul3A_46, %add3A_96 : i32
      %add3A_98 = vector.broadcast %add3A_97 : i32 to vector<16xi32>
      %add3A_99 = arith.addi %mul3A_29, %add3A_98 : vector<16xi32>
      %gather3A_100 = tpu.vector_load_idx %arg6[%add3A_99] : memref<8224xf32, #tpu.memory_space<vmem>>[vector<16xi32>], vector<16xf32>,
      %add3A_101 = arith.constant 5 : i32
      %add3A_102 = arith.addi %mul3A_46, %add3A_101 : i32
      %add3A_103 = vector.broadcast %add3A_102 : i32 to vector<16xi32>
      %add3A_104 = arith.addi %mul3A_35, %add3A_103 : vector<16xi32>
      %gather3A_105 = tpu.vector_load_idx %arg6[%add3A_104] : memref<8224xf32, #tpu.memory_space<vmem>>[vector<16xi32>], vector<16xf32>,
      %add3A_106 = arith.constant 6 : i32
      %add3A_107 = arith.addi %mul3A_46, %add3A_106 : i32
      %add3A_108 = vector.broadcast %add3A_107 : i32 to vector<16xi32>
      %add3A_109 = arith.addi %mul3A_29, %add3A_108 : vector<16xi32>
      %gather3A_110 = tpu.vector_load_idx %arg6[%add3A_109] : memref<8224xf32, #tpu.memory_space<vmem>>[vector<16xi32>], vector<16xf32>,
      %add3A_111 = arith.constant 6 : i32
      %add3A_112 = arith.addi %mul3A_46, %add3A_111 : i32
      %add3A_113 = vector.broadcast %add3A_112 : i32 to vector<16xi32>
      %add3A_114 = arith.addi %mul3A_35, %add3A_113 : vector<16xi32>
      %gather3A_115 = tpu.vector_load_idx %arg6[%add3A_114] : memref<8224xf32, #tpu.memory_space<vmem>>[vector<16xi32>], vector<16xf32>,
      %add3A_116 = arith.constant 7 : i32
      %add3A_117 = arith.addi %mul3A_46, %add3A_116 : i32
      %add3A_118 = vector.broadcast %add3A_117 : i32 to vector<16xi32>
      %add3A_119 = arith.addi %mul3A_29, %add3A_118 : vector<16xi32>
      %gather3A_120 = tpu.vector_load_idx %arg6[%add3A_119] : memref<8224xf32, #tpu.memory_space<vmem>>[vector<16xi32>], vector<16xf32>,
      %add3A_121 = arith.constant 7 : i32
      %add3A_122 = arith.addi %mul3A_46, %add3A_121 : i32
      %add3A_123 = vector.broadcast %add3A_122 : i32 to vector<16xi32>
      %add3A_124 = arith.addi %mul3A_35, %add3A_123 : vector<16xi32>
      %gather3A_125 = tpu.vector_load_idx %arg6[%add3A_124] : memref<8224xf32, #tpu.memory_space<vmem>>[vector<16xi32>], vector<16xf32>,
      %add3A_126 = arith.constant 8 : i32
      %add3A_127 = arith.addi %mul3A_46, %add3A_126 : i32
      %add3A_128 = vector.broadcast %add3A_127 : i32 to vector<16xi32>
      %add3A_129 = arith.addi %mul3A_29, %add3A_128 : vector<16xi32>
      %gather3A_130 = tpu.vector_load_idx %arg6[%add3A_129] : memref<8224xf32, #tpu.memory_space<vmem>>[vector<16xi32>], vector<16xf32>,
      %add3A_131 = arith.constant 8 : i32
      %add3A_132 = arith.addi %mul3A_46, %add3A_131 : i32
      %add3A_133 = vector.broadcast %add3A_132 : i32 to vector<16xi32>
      %add3A_134 = arith.addi %mul3A_35, %add3A_133 : vector<16xi32>
      %gather3A_135 = tpu.vector_load_idx %arg6[%add3A_134] : memref<8224xf32, #tpu.memory_space<vmem>>[vector<16xi32>], vector<16xf32>,
      %add3A_136 = arith.constant 9 : i32
      %add3A_137 = arith.addi %mul3A_46, %add3A_136 : i32
      %add3A_138 = vector.broadcast %add3A_137 : i32 to vector<16xi32>
      %add3A_139 = arith.addi %mul3A_29, %add3A_138 : vector<16xi32>
      %gather3A_140 = tpu.vector_load_idx %arg6[%add3A_139] : memref<8224xf32, #tpu.memory_space<vmem>>[vector<16xi32>], vector<16xf32>,
      %add3A_141 = arith.constant 9 : i32
      %add3A_142 = arith.addi %mul3A_46, %add3A_141 : i32
      %add3A_143 = vector.broadcast %add3A_142 : i32 to vector<16xi32>
      %add3A_144 = arith.addi %mul3A_35, %add3A_143 : vector<16xi32>
      %gather3A_145 = tpu.vector_load_idx %arg6[%add3A_144] : memref<8224xf32, #tpu.memory_space<vmem>>[vector<16xi32>], vector<16xf32>,
      %add3A_146 = arith.constant 10 : i32
      %add3A_147 = arith.addi %mul3A_46, %add3A_146 : i32
      %add3A_148 = vector.broadcast %add3A_147 : i32 to vector<16xi32>
      %add3A_149 = arith.addi %mul3A_29, %add3A_148 : vector<16xi32>
      %gather3A_150 = tpu.vector_load_idx %arg6[%add3A_149] : memref<8224xf32, #tpu.memory_space<vmem>>[vector<16xi32>], vector<16xf32>,
      %add3A_151 = arith.constant 10 : i32
      %add3A_152 = arith.addi %mul3A_46, %add3A_151 : i32
      %add3A_153 = vector.broadcast %add3A_152 : i32 to vector<16xi32>
      %add3A_154 = arith.addi %mul3A_35, %add3A_153 : vector<16xi32>
      %gather3A_155 = tpu.vector_load_idx %arg6[%add3A_154] : memref<8224xf32, #tpu.memory_space<vmem>>[vector<16xi32>], vector<16xf32>,
      %add3A_156 = arith.constant 11 : i32
      %add3A_157 = arith.addi %mul3A_46, %add3A_156 : i32
      %add3A_158 = vector.broadcast %add3A_157 : i32 to vector<16xi32>
      %add3A_159 = arith.addi %mul3A_29, %add3A_158 : vector<16xi32>
      %gather3A_160 = tpu.vector_load_idx %arg6[%add3A_159] : memref<8224xf32, #tpu.memory_space<vmem>>[vector<16xi32>], vector<16xf32>,
      %add3A_161 = arith.constant 11 : i32
      %add3A_162 = arith.addi %mul3A_46, %add3A_161 : i32
      %add3A_163 = vector.broadcast %add3A_162 : i32 to vector<16xi32>
      %add3A_164 = arith.addi %mul3A_35, %add3A_163 : vector<16xi32>
      %gather3A_165 = tpu.vector_load_idx %arg6[%add3A_164] : memref<8224xf32, #tpu.memory_space<vmem>>[vector<16xi32>], vector<16xf32>,
      %add3A_166 = arith.constant 12 : i32
      %add3A_167 = arith.addi %mul3A_46, %add3A_166 : i32
      %add3A_168 = vector.broadcast %add3A_167 : i32 to vector<16xi32>
      %add3A_169 = arith.addi %mul3A_29, %add3A_168 : vector<16xi32>
      %gather3A_170 = tpu.vector_load_idx %arg6[%add3A_169] : memref<8224xf32, #tpu.memory_space<vmem>>[vector<16xi32>], vector<16xf32>,
      %add3A_171 = arith.constant 12 : i32
      %add3A_172 = arith.addi %mul3A_46, %add3A_171 : i32
      %add3A_173 = vector.broadcast %add3A_172 : i32 to vector<16xi32>
      %add3A_174 = arith.addi %mul3A_35, %add3A_173 : vector<16xi32>
      %gather3A_175 = tpu.vector_load_idx %arg6[%add3A_174] : memref<8224xf32, #tpu.memory_space<vmem>>[vector<16xi32>], vector<16xf32>,
      %add3A_176 = arith.constant 13 : i32
      %add3A_177 = arith.addi %mul3A_46, %add3A_176 : i32
      %add3A_178 = vector.broadcast %add3A_177 : i32 to vector<16xi32>
      %add3A_179 = arith.addi %mul3A_29, %add3A_178 : vector<16xi32>
      %gather3A_180 = tpu.vector_load_idx %arg6[%add3A_179] : memref<8224xf32, #tpu.memory_space<vmem>>[vector<16xi32>], vector<16xf32>,
      %add3A_181 = arith.constant 13 : i32
      %add3A_182 = arith.addi %mul3A_46, %add3A_181 : i32
      %add3A_183 = vector.broadcast %add3A_182 : i32 to vector<16xi32>
      %add3A_184 = arith.addi %mul3A_35, %add3A_183 : vector<16xi32>
      %gather3A_185 = tpu.vector_load_idx %arg6[%add3A_184] : memref<8224xf32, #tpu.memory_space<vmem>>[vector<16xi32>], vector<16xf32>,
      %add3A_186 = arith.constant 14 : i32
      %add3A_187 = arith.addi %mul3A_46, %add3A_186 : i32
      %add3A_188 = vector.broadcast %add3A_187 : i32 to vector<16xi32>
      %add3A_189 = arith.addi %mul3A_29, %add3A_188 : vector<16xi32>
      %gather3A_190 = tpu.vector_load_idx %arg6[%add3A_189] : memref<8224xf32, #tpu.memory_space<vmem>>[vector<16xi32>], vector<16xf32>,
      %add3A_191 = arith.constant 14 : i32
      %add3A_192 = arith.addi %mul3A_46, %add3A_191 : i32
      %add3A_193 = vector.broadcast %add3A_192 : i32 to vector<16xi32>
      %add3A_194 = arith.addi %mul3A_35, %add3A_193 : vector<16xi32>
      %gather3A_195 = tpu.vector_load_idx %arg6[%add3A_194] : memref<8224xf32, #tpu.memory_space<vmem>>[vector<16xi32>], vector<16xf32>,
      %add3A_196 = arith.constant 15 : i32
      %add3A_197 = arith.addi %mul3A_46, %add3A_196 : i32
      %add3A_198 = vector.broadcast %add3A_197 : i32 to vector<16xi32>
      %add3A_199 = arith.addi %mul3A_29, %add3A_198 : vector<16xi32>
      %gather3A_200 = tpu.vector_load_idx %arg6[%add3A_199] : memref<8224xf32, #tpu.memory_space<vmem>>[vector<16xi32>], vector<16xf32>,
      %add3A_201 = arith.constant 15 : i32
      %add3A_202 = arith.addi %mul3A_46, %add3A_201 : i32
      %add3A_203 = vector.broadcast %add3A_202 : i32 to vector<16xi32>
      %add3A_204 = arith.addi %mul3A_35, %add3A_203 : vector<16xi32>
      %gather3A_205 = tpu.vector_load_idx %arg6[%add3A_204] : memref<8224xf32, #tpu.memory_space<vmem>>[vector<16xi32>], vector<16xf32>,
      %add3A_206 = arith.constant 0 : i32
      %add3A_207 = arith.addi %mul3A_46, %add3A_206 : i32
      %mul3A_208 = arith.constant 32 : i32
      %mul3A_209 = arith.muli %add3A_207, %mul3A_208 : i32
      %swap3A = arith.index_cast %mul3A_209 : i32 to index
      %swap3A_210 = tpu.vector_load %arg10[%swap3A] {strides = array<i32>} : memref<2048xf32, #tpu.memory_space<vmem>>, vector<16xf32>,
      tpu.vector_store %arg10[%swap3A], %gather3A {strides = array<i32>} : memref<2048xf32, #tpu.memory_space<vmem>>, vector<16xf32>,
      %add3A_211 = arith.constant 0 : i32
      %add3A_212 = arith.addi %mul3A_46, %add3A_211 : i32
      %mul3A_213 = arith.constant 32 : i32
      %mul3A_214 = arith.muli %add3A_212, %mul3A_213 : i32
      %add3A_215 = arith.constant 16 : i32
      %add3A_216 = arith.addi %mul3A_214, %add3A_215 : i32
      %swap3A_217 = arith.index_cast %add3A_216 : i32 to index
      %swap3A_218 = tpu.vector_load %arg10[%swap3A_217] {strides = array<i32>} : memref<2048xf32, #tpu.memory_space<vmem>>, vector<16xf32>,
      tpu.vector_store %arg10[%swap3A_217], %gather3A_55 {strides = array<i32>} : memref<2048xf32, #tpu.memory_space<vmem>>, vector<16xf32>,
      %add3A_219 = arith.constant 1 : i32
      %add3A_220 = arith.addi %mul3A_46, %add3A_219 : i32
      %mul3A_221 = arith.constant 32 : i32
      %mul3A_222 = arith.muli %add3A_220, %mul3A_221 : i32
      %swap3A_223 = arith.index_cast %mul3A_222 : i32 to index
      %swap3A_224 = tpu.vector_load %arg10[%swap3A_223] {strides = array<i32>} : memref<2048xf32, #tpu.memory_space<vmem>>, vector<16xf32>,
      tpu.vector_store %arg10[%swap3A_223], %gather3A_60 {strides = array<i32>} : memref<2048xf32, #tpu.memory_space<vmem>>, vector<16xf32>,
      %add3A_225 = arith.constant 1 : i32
      %add3A_226 = arith.addi %mul3A_46, %add3A_225 : i32
      %mul3A_227 = arith.constant 32 : i32
      %mul3A_228 = arith.muli %add3A_226, %mul3A_227 : i32
      %add3A_229 = arith.constant 16 : i32
      %add3A_230 = arith.addi %mul3A_228, %add3A_229 : i32
      %swap3A_231 = arith.index_cast %add3A_230 : i32 to index
      %swap3A_232 = tpu.vector_load %arg10[%swap3A_231] {strides = array<i32>} : memref<2048xf32, #tpu.memory_space<vmem>>, vector<16xf32>,
      tpu.vector_store %arg10[%swap3A_231], %gather3A_65 {strides = array<i32>} : memref<2048xf32, #tpu.memory_space<vmem>>, vector<16xf32>,
      %add3A_233 = arith.constant 2 : i32
      %add3A_234 = arith.addi %mul3A_46, %add3A_233 : i32
      %mul3A_235 = arith.constant 32 : i32
      %mul3A_236 = arith.muli %add3A_234, %mul3A_235 : i32
      %swap3A_237 = arith.index_cast %mul3A_236 : i32 to index
      %swap3A_238 = tpu.vector_load %arg10[%swap3A_237] {strides = array<i32>} : memref<2048xf32, #tpu.memory_space<vmem>>, vector<16xf32>,
      tpu.vector_store %arg10[%swap3A_237], %gather3A_70 {strides = array<i32>} : memref<2048xf32, #tpu.memory_space<vmem>>, vector<16xf32>,
      %add3A_239 = arith.constant 2 : i32
      %add3A_240 = arith.addi %mul3A_46, %add3A_239 : i32
      %mul3A_241 = arith.constant 32 : i32
      %mul3A_242 = arith.muli %add3A_240, %mul3A_241 : i32
      %add3A_243 = arith.constant 16 : i32
      %add3A_244 = arith.addi %mul3A_242, %add3A_243 : i32
      %swap3A_245 = arith.index_cast %add3A_244 : i32 to index
      %swap3A_246 = tpu.vector_load %arg10[%swap3A_245] {strides = array<i32>} : memref<2048xf32, #tpu.memory_space<vmem>>, vector<16xf32>,
      tpu.vector_store %arg10[%swap3A_245], %gather3A_75 {strides = array<i32>} : memref<2048xf32, #tpu.memory_space<vmem>>, vector<16xf32>,
      %add3A_247 = arith.constant 3 : i32
      %add3A_248 = arith.addi %mul3A_46, %add3A_247 : i32
      %mul3A_249 = arith.constant 32 : i32
      %mul3A_250 = arith.muli %add3A_248, %mul3A_249 : i32
      %swap3A_251 = arith.index_cast %mul3A_250 : i32 to index
      %swap3A_252 = tpu.vector_load %arg10[%swap3A_251] {strides = array<i32>} : memref<2048xf32, #tpu.memory_space<vmem>>, vector<16xf32>,
      tpu.vector_store %arg10[%swap3A_251], %gather3A_80 {strides = array<i32>} : memref<2048xf32, #tpu.memory_space<vmem>>, vector<16xf32>,
      %add3A_253 = arith.constant 3 : i32
      %add3A_254 = arith.addi %mul3A_46, %add3A_253 : i32
      %mul3A_255 = arith.constant 32 : i32
      %mul3A_256 = arith.muli %add3A_254, %mul3A_255 : i32
      %add3A_257 = arith.constant 16 : i32
      %add3A_258 = arith.addi %mul3A_256, %add3A_257 : i32
      %swap3A_259 = arith.index_cast %add3A_258 : i32 to index
      %swap3A_260 = tpu.vector_load %arg10[%swap3A_259] {strides = array<i32>} : memref<2048xf32, #tpu.memory_space<vmem>>, vector<16xf32>,
      tpu.vector_store %arg10[%swap3A_259], %gather3A_85 {strides = array<i32>} : memref<2048xf32, #tpu.memory_space<vmem>>, vector<16xf32>,
      %add3A_261 = arith.constant 4 : i32
      %add3A_262 = arith.addi %mul3A_46, %add3A_261 : i32
      %mul3A_263 = arith.constant 32 : i32
      %mul3A_264 = arith.muli %add3A_262, %mul3A_263 : i32
      %swap3A_265 = arith.index_cast %mul3A_264 : i32 to index
      %swap3A_266 = tpu.vector_load %arg10[%swap3A_265] {strides = array<i32>} : memref<2048xf32, #tpu.memory_space<vmem>>, vector<16xf32>,
      tpu.vector_store %arg10[%swap3A_265], %gather3A_90 {strides = array<i32>} : memref<2048xf32, #tpu.memory_space<vmem>>, vector<16xf32>,
      %add3A_267 = arith.constant 4 : i32
      %add3A_268 = arith.addi %mul3A_46, %add3A_267 : i32
      %mul3A_269 = arith.constant 32 : i32
      %mul3A_270 = arith.muli %add3A_268, %mul3A_269 : i32
      %add3A_271 = arith.constant 16 : i32
      %add3A_272 = arith.addi %mul3A_270, %add3A_271 : i32
      %swap3A_273 = arith.index_cast %add3A_272 : i32 to index
      %swap3A_274 = tpu.vector_load %arg10[%swap3A_273] {strides = array<i32>} : memref<2048xf32, #tpu.memory_space<vmem>>, vector<16xf32>,
      tpu.vector_store %arg10[%swap3A_273], %gather3A_95 {strides = array<i32>} : memref<2048xf32, #tpu.memory_space<vmem>>, vector<16xf32>,
      %add3A_275 = arith.constant 5 : i32
      %add3A_276 = arith.addi %mul3A_46, %add3A_275 : i32
      %mul3A_277 = arith.constant 32 : i32
      %mul3A_278 = arith.muli %add3A_276, %mul3A_277 : i32
      %swap3A_279 = arith.index_cast %mul3A_278 : i32 to index
      %swap3A_280 = tpu.vector_load %arg10[%swap3A_279] {strides = array<i32>} : memref<2048xf32, #tpu.memory_space<vmem>>, vector<16xf32>,
      tpu.vector_store %arg10[%swap3A_279], %gather3A_100 {strides = array<i32>} : memref<2048xf32, #tpu.memory_space<vmem>>, vector<16xf32>,
      %add3A_281 = arith.constant 5 : i32
      %add3A_282 = arith.addi %mul3A_46, %add3A_281 : i32
      %mul3A_283 = arith.constant 32 : i32
      %mul3A_284 = arith.muli %add3A_282, %mul3A_283 : i32
      %add3A_285 = arith.constant 16 : i32
      %add3A_286 = arith.addi %mul3A_284, %add3A_285 : i32
      %swap3A_287 = arith.index_cast %add3A_286 : i32 to index
      %swap3A_288 = tpu.vector_load %arg10[%swap3A_287] {strides = array<i32>} : memref<2048xf32, #tpu.memory_space<vmem>>, vector<16xf32>,
      tpu.vector_store %arg10[%swap3A_287], %gather3A_105 {strides = array<i32>} : memref<2048xf32, #tpu.memory_space<vmem>>, vector<16xf32>,
      %add3A_289 = arith.constant 6 : i32
      %add3A_290 = arith.addi %mul3A_46, %add3A_289 : i32
      %mul3A_291 = arith.constant 32 : i32
      %mul3A_292 = arith.muli %add3A_290, %mul3A_291 : i32
      %swap3A_293 = arith.index_cast %mul3A_292 : i32 to index
      %swap3A_294 = tpu.vector_load %arg10[%swap3A_293] {strides = array<i32>} : memref<2048xf32, #tpu.memory_space<vmem>>, vector<16xf32>,
      tpu.vector_store %arg10[%swap3A_293], %gather3A_110 {strides = array<i32>} : memref<2048xf32, #tpu.memory_space<vmem>>, vector<16xf32>,
      %add3A_295 = arith.constant 6 : i32
      %add3A_296 = arith.addi %mul3A_46, %add3A_295 : i32
      %mul3A_297 = arith.constant 32 : i32
      %mul3A_298 = arith.muli %add3A_296, %mul3A_297 : i32
      %add3A_299 = arith.constant 16 : i32
      %add3A_300 = arith.addi %mul3A_298, %add3A_299 : i32
      %swap3A_301 = arith.index_cast %add3A_300 : i32 to index
      %swap3A_302 = tpu.vector_load %arg10[%swap3A_301] {strides = array<i32>} : memref<2048xf32, #tpu.memory_space<vmem>>, vector<16xf32>,
      tpu.vector_store %arg10[%swap3A_301], %gather3A_115 {strides = array<i32>} : memref<2048xf32, #tpu.memory_space<vmem>>, vector<16xf32>,
      %add3A_303 = arith.constant 7 : i32
      %add3A_304 = arith.addi %mul3A_46, %add3A_303 : i32
      %mul3A_305 = arith.constant 32 : i32
      %mul3A_306 = arith.muli %add3A_304, %mul3A_305 : i32
      %swap3A_307 = arith.index_cast %mul3A_306 : i32 to index
      %swap3A_308 = tpu.vector_load %arg10[%swap3A_307] {strides = array<i32>} : memref<2048xf32, #tpu.memory_space<vmem>>, vector<16xf32>,
      tpu.vector_store %arg10[%swap3A_307], %gather3A_120 {strides = array<i32>} : memref<2048xf32, #tpu.memory_space<vmem>>, vector<16xf32>,
      %add3A_309 = arith.constant 7 : i32
      %add3A_310 = arith.addi %mul3A_46, %add3A_309 : i32
      %mul3A_311 = arith.constant 32 : i32
      %mul3A_312 = arith.muli %add3A_310, %mul3A_311 : i32
      %add3A_313 = arith.constant 16 : i32
      %add3A_314 = arith.addi %mul3A_312, %add3A_313 : i32
      %swap3A_315 = arith.index_cast %add3A_314 : i32 to index
      %swap3A_316 = tpu.vector_load %arg10[%swap3A_315] {strides = array<i32>} : memref<2048xf32, #tpu.memory_space<vmem>>, vector<16xf32>,
      tpu.vector_store %arg10[%swap3A_315], %gather3A_125 {strides = array<i32>} : memref<2048xf32, #tpu.memory_space<vmem>>, vector<16xf32>,
      %add3A_317 = arith.constant 8 : i32
      %add3A_318 = arith.addi %mul3A_46, %add3A_317 : i32
      %mul3A_319 = arith.constant 32 : i32
      %mul3A_320 = arith.muli %add3A_318, %mul3A_319 : i32
      %swap3A_321 = arith.index_cast %mul3A_320 : i32 to index
      %swap3A_322 = tpu.vector_load %arg10[%swap3A_321] {strides = array<i32>} : memref<2048xf32, #tpu.memory_space<vmem>>, vector<16xf32>,
      tpu.vector_store %arg10[%swap3A_321], %gather3A_130 {strides = array<i32>} : memref<2048xf32, #tpu.memory_space<vmem>>, vector<16xf32>,
      %add3A_323 = arith.constant 8 : i32
      %add3A_324 = arith.addi %mul3A_46, %add3A_323 : i32
      %mul3A_325 = arith.constant 32 : i32
      %mul3A_326 = arith.muli %add3A_324, %mul3A_325 : i32
      %add3A_327 = arith.constant 16 : i32
      %add3A_328 = arith.addi %mul3A_326, %add3A_327 : i32
      %swap3A_329 = arith.index_cast %add3A_328 : i32 to index
      %swap3A_330 = tpu.vector_load %arg10[%swap3A_329] {strides = array<i32>} : memref<2048xf32, #tpu.memory_space<vmem>>, vector<16xf32>,
      tpu.vector_store %arg10[%swap3A_329], %gather3A_135 {strides = array<i32>} : memref<2048xf32, #tpu.memory_space<vmem>>, vector<16xf32>,
      %add3A_331 = arith.constant 9 : i32
      %add3A_332 = arith.addi %mul3A_46, %add3A_331 : i32
      %mul3A_333 = arith.constant 32 : i32
      %mul3A_334 = arith.muli %add3A_332, %mul3A_333 : i32
      %swap3A_335 = arith.index_cast %mul3A_334 : i32 to index
      %swap3A_336 = tpu.vector_load %arg10[%swap3A_335] {strides = array<i32>} : memref<2048xf32, #tpu.memory_space<vmem>>, vector<16xf32>,
      tpu.vector_store %arg10[%swap3A_335], %gather3A_140 {strides = array<i32>} : memref<2048xf32, #tpu.memory_space<vmem>>, vector<16xf32>,
      %add3A_337 = arith.constant 9 : i32
      %add3A_338 = arith.addi %mul3A_46, %add3A_337 : i32
      %mul3A_339 = arith.constant 32 : i32
      %mul3A_340 = arith.muli %add3A_338, %mul3A_339 : i32
      %add3A_341 = arith.constant 16 : i32
      %add3A_342 = arith.addi %mul3A_340, %add3A_341 : i32
      %swap3A_343 = arith.index_cast %add3A_342 : i32 to index
      %swap3A_344 = tpu.vector_load %arg10[%swap3A_343] {strides = array<i32>} : memref<2048xf32, #tpu.memory_space<vmem>>, vector<16xf32>,
      tpu.vector_store %arg10[%swap3A_343], %gather3A_145 {strides = array<i32>} : memref<2048xf32, #tpu.memory_space<vmem>>, vector<16xf32>,
      %add3A_345 = arith.constant 10 : i32
      %add3A_346 = arith.addi %mul3A_46, %add3A_345 : i32
      %mul3A_347 = arith.constant 32 : i32
      %mul3A_348 = arith.muli %add3A_346, %mul3A_347 : i32
      %swap3A_349 = arith.index_cast %mul3A_348 : i32 to index
      %swap3A_350 = tpu.vector_load %arg10[%swap3A_349] {strides = array<i32>} : memref<2048xf32, #tpu.memory_space<vmem>>, vector<16xf32>,
      tpu.vector_store %arg10[%swap3A_349], %gather3A_150 {strides = array<i32>} : memref<2048xf32, #tpu.memory_space<vmem>>, vector<16xf32>,
      %add3A_351 = arith.constant 10 : i32
      %add3A_352 = arith.addi %mul3A_46, %add3A_351 : i32
      %mul3A_353 = arith.constant 32 : i32
      %mul3A_354 = arith.muli %add3A_352, %mul3A_353 : i32
      %add3A_355 = arith.constant 16 : i32
      %add3A_356 = arith.addi %mul3A_354, %add3A_355 : i32
      %swap3A_357 = arith.index_cast %add3A_356 : i32 to index
      %swap3A_358 = tpu.vector_load %arg10[%swap3A_357] {strides = array<i32>} : memref<2048xf32, #tpu.memory_space<vmem>>, vector<16xf32>,
      tpu.vector_store %arg10[%swap3A_357], %gather3A_155 {strides = array<i32>} : memref<2048xf32, #tpu.memory_space<vmem>>, vector<16xf32>,
      %add3A_359 = arith.constant 11 : i32
      %add3A_360 = arith.addi %mul3A_46, %add3A_359 : i32
      %mul3A_361 = arith.constant 32 : i32
      %mul3A_362 = arith.muli %add3A_360, %mul3A_361 : i32
      %swap3A_363 = arith.index_cast %mul3A_362 : i32 to index
      %swap3A_364 = tpu.vector_load %arg10[%swap3A_363] {strides = array<i32>} : memref<2048xf32, #tpu.memory_space<vmem>>, vector<16xf32>,
      tpu.vector_store %arg10[%swap3A_363], %gather3A_160 {strides = array<i32>} : memref<2048xf32, #tpu.memory_space<vmem>>, vector<16xf32>,
      %add3A_365 = arith.constant 11 : i32
      %add3A_366 = arith.addi %mul3A_46, %add3A_365 : i32
      %mul3A_367 = arith.constant 32 : i32
      %mul3A_368 = arith.muli %add3A_366, %mul3A_367 : i32
      %add3A_369 = arith.constant 16 : i32
      %add3A_370 = arith.addi %mul3A_368, %add3A_369 : i32
      %swap3A_371 = arith.index_cast %add3A_370 : i32 to index
      %swap3A_372 = tpu.vector_load %arg10[%swap3A_371] {strides = array<i32>} : memref<2048xf32, #tpu.memory_space<vmem>>, vector<16xf32>,
      tpu.vector_store %arg10[%swap3A_371], %gather3A_165 {strides = array<i32>} : memref<2048xf32, #tpu.memory_space<vmem>>, vector<16xf32>,
      %add3A_373 = arith.constant 12 : i32
      %add3A_374 = arith.addi %mul3A_46, %add3A_373 : i32
      %mul3A_375 = arith.constant 32 : i32
      %mul3A_376 = arith.muli %add3A_374, %mul3A_375 : i32
      %swap3A_377 = arith.index_cast %mul3A_376 : i32 to index
      %swap3A_378 = tpu.vector_load %arg10[%swap3A_377] {strides = array<i32>} : memref<2048xf32, #tpu.memory_space<vmem>>, vector<16xf32>,
      tpu.vector_store %arg10[%swap3A_377], %gather3A_170 {strides = array<i32>} : memref<2048xf32, #tpu.memory_space<vmem>>, vector<16xf32>,
      %add3A_379 = arith.constant 12 : i32
      %add3A_380 = arith.addi %mul3A_46, %add3A_379 : i32
      %mul3A_381 = arith.constant 32 : i32
      %mul3A_382 = arith.muli %add3A_380, %mul3A_381 : i32
      %add3A_383 = arith.constant 16 : i32
      %add3A_384 = arith.addi %mul3A_382, %add3A_383 : i32
      %swap3A_385 = arith.index_cast %add3A_384 : i32 to index
      %swap3A_386 = tpu.vector_load %arg10[%swap3A_385] {strides = array<i32>} : memref<2048xf32, #tpu.memory_space<vmem>>, vector<16xf32>,
      tpu.vector_store %arg10[%swap3A_385], %gather3A_175 {strides = array<i32>} : memref<2048xf32, #tpu.memory_space<vmem>>, vector<16xf32>,
      %add3A_387 = arith.constant 13 : i32
      %add3A_388 = arith.addi %mul3A_46, %add3A_387 : i32
      %mul3A_389 = arith.constant 32 : i32
      %mul3A_390 = arith.muli %add3A_388, %mul3A_389 : i32
      %swap3A_391 = arith.index_cast %mul3A_390 : i32 to index
      %swap3A_392 = tpu.vector_load %arg10[%swap3A_391] {strides = array<i32>} : memref<2048xf32, #tpu.memory_space<vmem>>, vector<16xf32>,
      tpu.vector_store %arg10[%swap3A_391], %gather3A_180 {strides = array<i32>} : memref<2048xf32, #tpu.memory_space<vmem>>, vector<16xf32>,
      %add3A_393 = arith.constant 13 : i32
      %add3A_394 = arith.addi %mul3A_46, %add3A_393 : i32
      %mul3A_395 = arith.constant 32 : i32
      %mul3A_396 = arith.muli %add3A_394, %mul3A_395 : i32
      %add3A_397 = arith.constant 16 : i32
      %add3A_398 = arith.addi %mul3A_396, %add3A_397 : i32
      %swap3A_399 = arith.index_cast %add3A_398 : i32 to index
      %swap3A_400 = tpu.vector_load %arg10[%swap3A_399] {strides = array<i32>} : memref<2048xf32, #tpu.memory_space<vmem>>, vector<16xf32>,
      tpu.vector_store %arg10[%swap3A_399], %gather3A_185 {strides = array<i32>} : memref<2048xf32, #tpu.memory_space<vmem>>, vector<16xf32>,
      %add3A_401 = arith.constant 14 : i32
      %add3A_402 = arith.addi %mul3A_46, %add3A_401 : i32
      %mul3A_403 = arith.constant 32 : i32
      %mul3A_404 = arith.muli %add3A_402, %mul3A_403 : i32
      %swap3A_405 = arith.index_cast %mul3A_404 : i32 to index
      %swap3A_406 = tpu.vector_load %arg10[%swap3A_405] {strides = array<i32>} : memref<2048xf32, #tpu.memory_space<vmem>>, vector<16xf32>,
      tpu.vector_store %arg10[%swap3A_405], %gather3A_190 {strides = array<i32>} : memref<2048xf32, #tpu.memory_space<vmem>>, vector<16xf32>,
      %add3A_407 = arith.constant 14 : i32
      %add3A_408 = arith.addi %mul3A_46, %add3A_407 : i32
      %mul3A_409 = arith.constant 32 : i32
      %mul3A_410 = arith.muli %add3A_408, %mul3A_409 : i32
      %add3A_411 = arith.constant 16 : i32
      %add3A_412 = arith.addi %mul3A_410, %add3A_411 : i32
      %swap3A_413 = arith.index_cast %add3A_412 : i32 to index
      %swap3A_414 = tpu.vector_load %arg10[%swap3A_413] {strides = array<i32>} : memref<2048xf32, #tpu.memory_space<vmem>>, vector<16xf32>,
      tpu.vector_store %arg10[%swap3A_413], %gather3A_195 {strides = array<i32>} : memref<2048xf32, #tpu.memory_space<vmem>>, vector<16xf32>,
      %add3A_415 = arith.constant 15 : i32
      %add3A_416 = arith.addi %mul3A_46, %add3A_415 : i32
      %mul3A_417 = arith.constant 32 : i32
      %mul3A_418 = arith.muli %add3A_416, %mul3A_417 : i32
      %swap3A_419 = arith.index_cast %mul3A_418 : i32 to index
      %swap3A_420 = tpu.vector_load %arg10[%swap3A_419] {strides = array<i32>} : memref<2048xf32, #tpu.memory_space<vmem>>, vector<16xf32>,
      tpu.vector_store %arg10[%swap3A_419], %gather3A_200 {strides = array<i32>} : memref<2048xf32, #tpu.memory_space<vmem>>, vector<16xf32>,
      %add3A_421 = arith.constant 15 : i32
      %add3A_422 = arith.addi %mul3A_46, %add3A_421 : i32
      %mul3A_423 = arith.constant 32 : i32
      %mul3A_424 = arith.muli %add3A_422, %mul3A_423 : i32
      %add3A_425 = arith.constant 16 : i32
      %add3A_426 = arith.addi %mul3A_424, %add3A_425 : i32
      %swap3A_427 = arith.index_cast %add3A_426 : i32 to index
      %swap3A_428 = tpu.vector_load %arg10[%swap3A_427] {strides = array<i32>} : memref<2048xf32, #tpu.memory_space<vmem>>, vector<16xf32>,
      tpu.vector_store %arg10[%swap3A_427], %gather3A_205 {strides = array<i32>} : memref<2048xf32, #tpu.memory_space<vmem>>, vector<16xf32>,
      %scan3A_429 = arith.constant 0 : i32
      scf.yield %scan3A_429 : i32
    }
    %scan3A_42 = arith.constant 4 : i32
    "tpu.region"() ({
      %run_scoped3A = tpu.sem_alloc : memref<!tpu.dma_semaphore, #tpu.memory_space<semaphore_mem>>
      %dma_start3A_43 = arith.constant 31997952 : i32
      %dma_start3A_44 = tpu.memref_slice %arg3[%dma_start3A_43] : memref<32000000xf32, #tpu.memory_space<hbm>> -> memref<2048xf32, #tpu.memory_space<hbm>>
      %dma_start3A_45 = arith.constant 31997952 : i32
      %dma_start3A_46 = tpu.memref_slice %arg3[%dma_start3A_45] : memref<32000000xf32, #tpu.memory_space<hbm>> -> memref<2048xf32, #tpu.memory_space<hbm>>
      tpu.enqueue_dma source(%arg10 : memref<2048xf32, #tpu.memory_space<vmem>>) target(%dma_start3A_46 : memref<2048xf32, #tpu.memory_space<hbm>>) target_semaphore(%run_scoped3A : memref<!tpu.dma_semaphore, #tpu.memory_space<semaphore_mem>>)
      %dma_wait3A_47 = arith.constant 31997952 : i32
      %dma_wait3A_48 = tpu.memref_slice %arg3[%dma_wait3A_47] : memref<32000000xf32, #tpu.memory_space<hbm>> -> memref<2048xf32, #tpu.memory_space<hbm>>
      %dma_wait3A_49 = arith.constant 31997952 : i32
      %dma_wait3A_50 = tpu.memref_slice %arg3[%dma_wait3A_49] : memref<32000000xf32, #tpu.memory_space<hbm>> -> memref<2048xf32, #tpu.memory_space<hbm>>
      tpu.wait_dma2 semaphore(%run_scoped3A : memref<!tpu.dma_semaphore, #tpu.memory_space<semaphore_mem>>) src(%arg10 : memref<2048xf32, #tpu.memory_space<vmem>>) dst(%dma_wait3A_50 : memref<2048xf32, #tpu.memory_space<hbm>>)
      tpu.yield
    }) : () -> ()
    return
  }
}

#map = affine_map<(d0, d1) -> (0)>
#map1 = affine_map<(d0, d1) -> (0, 0)>
module attributes {stable_mosaic.version = 14 : i64} {
  func.func @_emb_body(%arg0: i32, %arg1: i32, %arg2: memref<819200xi32, #tpu.memory_space<hbm>>, %arg3: memref<1000000x32xf32, #tpu.memory_space<hbm>>, %arg4: memref<26214400xf32, #tpu.memory_space<hbm>>, %arg5: memref<25600xi32, #tpu.memory_space<vmem>>, %arg6: memref<256xi32, #tpu.memory_space<vmem>>, %arg7: memref<256xi32, #tpu.memory_space<vmem>>, %arg8: memref<256x32xf32, #tpu.memory_space<vmem>>, %arg9: memref<256x32xf32, #tpu.memory_space<vmem>>, %arg10: memref<8448xf32, #tpu.memory_space<vmem>>, %arg11: memref<8192xf32, #tpu.memory_space<vmem>>, %arg12: memref<8192xf32, #tpu.memory_space<vmem>>, %arg13: memref<!tpu.dma_semaphore, #tpu.memory_space<semaphore_mem>>, %arg14: memref<!tpu.dma_semaphore, #tpu.memory_space<semaphore_mem>>, %arg15: memref<!tpu.dma_semaphore, #tpu.memory_space<semaphore_mem>>, %arg16: memref<!tpu.dma_semaphore, #tpu.memory_space<semaphore_mem>>) attributes {dimension_semantics = [#tpu.dimension_semantics<core_parallel>, #tpu.dimension_semantics<subcore_parallel>], iteration_bounds = array<i64: 2, 16>, scalar_prefetch = 0 : i64, scratch_operands = 12 : i64, tpu.core_type = #tpu.core_type<sc_vector_subcore>, window_params = [{transform_indices = #map}, {transform_indices = #map1}, {transform_indices = #map}]} {
    %mul3A = arith.constant 2 : i32
    %mul3A_0 = arith.muli %arg1, %mul3A : i32
    %add3A = arith.addi %mul3A_0, %arg0 : i32
    %mul3A_1 = arith.constant 25600 : i32
    %mul3A_2 = arith.muli %add3A, %mul3A_1 : i32
    "tpu.region"() ({
      %run_scoped3A = tpu.sem_alloc : memref<!tpu.dma_semaphore, #tpu.memory_space<semaphore_mem>>
      %dma_start3A_110 = tpu.memref_slice %arg2[%mul3A_2] : memref<819200xi32, #tpu.memory_space<hbm>> -> memref<25600xi32, #tpu.memory_space<hbm>>
      %dma_start3A_111 = tpu.memref_slice %arg2[%mul3A_2] : memref<819200xi32, #tpu.memory_space<hbm>> -> memref<25600xi32, #tpu.memory_space<hbm>>
      tpu.enqueue_dma source(%dma_start3A_111 : memref<25600xi32, #tpu.memory_space<hbm>>) target(%arg5 : memref<25600xi32, #tpu.memory_space<vmem>>) target_semaphore(%run_scoped3A : memref<!tpu.dma_semaphore, #tpu.memory_space<semaphore_mem>>)
      %dma_wait3A_112 = tpu.memref_slice %arg2[%mul3A_2] : memref<819200xi32, #tpu.memory_space<hbm>> -> memref<25600xi32, #tpu.memory_space<hbm>>
      %dma_wait3A_113 = tpu.memref_slice %arg2[%mul3A_2] : memref<819200xi32, #tpu.memory_space<hbm>> -> memref<25600xi32, #tpu.memory_space<hbm>>
      tpu.wait_dma2 semaphore(%run_scoped3A : memref<!tpu.dma_semaphore, #tpu.memory_space<semaphore_mem>>) src(%dma_wait3A_113 : memref<25600xi32, #tpu.memory_space<hbm>>) dst(%arg5 : memref<25600xi32, #tpu.memory_space<vmem>>)
      tpu.yield
    }) : () -> ()
    %iota3A = tpu.iota {dimensions = array<i32: 0>} : vector<16xi32>
    %mul3A_3 = arith.constant 200 : i32
    %mul3A_4 = vector.broadcast %mul3A_3 : i32 to vector<16xi32>
    %mul3A_5 = arith.muli %iota3A, %mul3A_4 : vector<16xi32>
    %add3A_6 = arith.constant 0 : i32
    %add3A_7 = vector.broadcast %add3A_6 : i32 to vector<16xi32>
    %add3A_8 = arith.addi %mul3A_5, %add3A_7 : vector<16xi32>
    %gather3A = tpu.vector_load_idx %arg5[%add3A_8] : memref<25600xi32, #tpu.memory_space<vmem>>[vector<16xi32>], vector<16xi32>,
    %swap3A = arith.constant 0 : index
    %swap3A_9 = tpu.vector_load %arg6[%swap3A] {strides = array<i32>} : memref<256xi32, #tpu.memory_space<vmem>>, vector<16xi32>,
    tpu.vector_store %arg6[%swap3A], %gather3A {strides = array<i32>} : memref<256xi32, #tpu.memory_space<vmem>>, vector<16xi32>,
    %add3A_10 = arith.constant 3200 : i32
    %add3A_11 = vector.broadcast %add3A_10 : i32 to vector<16xi32>
    %add3A_12 = arith.addi %mul3A_5, %add3A_11 : vector<16xi32>
    %gather3A_13 = tpu.vector_load_idx %arg5[%add3A_12] : memref<25600xi32, #tpu.memory_space<vmem>>[vector<16xi32>], vector<16xi32>,
    %swap3A_14 = arith.constant 16 : index
    %swap3A_15 = tpu.vector_load %arg6[%swap3A_14] {strides = array<i32>} : memref<256xi32, #tpu.memory_space<vmem>>, vector<16xi32>,
    tpu.vector_store %arg6[%swap3A_14], %gather3A_13 {strides = array<i32>} : memref<256xi32, #tpu.memory_space<vmem>>, vector<16xi32>,
    %add3A_16 = arith.constant 6400 : i32
    %add3A_17 = vector.broadcast %add3A_16 : i32 to vector<16xi32>
    %add3A_18 = arith.addi %mul3A_5, %add3A_17 : vector<16xi32>
    %gather3A_19 = tpu.vector_load_idx %arg5[%add3A_18] : memref<25600xi32, #tpu.memory_space<vmem>>[vector<16xi32>], vector<16xi32>,
    %swap3A_20 = arith.constant 32 : index
    %swap3A_21 = tpu.vector_load %arg6[%swap3A_20] {strides = array<i32>} : memref<256xi32, #tpu.memory_space<vmem>>, vector<16xi32>,
    tpu.vector_store %arg6[%swap3A_20], %gather3A_19 {strides = array<i32>} : memref<256xi32, #tpu.memory_space<vmem>>, vector<16xi32>,
    %add3A_22 = arith.constant 9600 : i32
    %add3A_23 = vector.broadcast %add3A_22 : i32 to vector<16xi32>
    %add3A_24 = arith.addi %mul3A_5, %add3A_23 : vector<16xi32>
    %gather3A_25 = tpu.vector_load_idx %arg5[%add3A_24] : memref<25600xi32, #tpu.memory_space<vmem>>[vector<16xi32>], vector<16xi32>,
    %swap3A_26 = arith.constant 48 : index
    %swap3A_27 = tpu.vector_load %arg6[%swap3A_26] {strides = array<i32>} : memref<256xi32, #tpu.memory_space<vmem>>, vector<16xi32>,
    tpu.vector_store %arg6[%swap3A_26], %gather3A_25 {strides = array<i32>} : memref<256xi32, #tpu.memory_space<vmem>>, vector<16xi32>,
    %add3A_28 = arith.constant 12800 : i32
    %add3A_29 = vector.broadcast %add3A_28 : i32 to vector<16xi32>
    %add3A_30 = arith.addi %mul3A_5, %add3A_29 : vector<16xi32>
    %gather3A_31 = tpu.vector_load_idx %arg5[%add3A_30] : memref<25600xi32, #tpu.memory_space<vmem>>[vector<16xi32>], vector<16xi32>,
    %swap3A_32 = arith.constant 64 : index
    %swap3A_33 = tpu.vector_load %arg6[%swap3A_32] {strides = array<i32>} : memref<256xi32, #tpu.memory_space<vmem>>, vector<16xi32>,
    tpu.vector_store %arg6[%swap3A_32], %gather3A_31 {strides = array<i32>} : memref<256xi32, #tpu.memory_space<vmem>>, vector<16xi32>,
    %add3A_34 = arith.constant 16000 : i32
    %add3A_35 = vector.broadcast %add3A_34 : i32 to vector<16xi32>
    %add3A_36 = arith.addi %mul3A_5, %add3A_35 : vector<16xi32>
    %gather3A_37 = tpu.vector_load_idx %arg5[%add3A_36] : memref<25600xi32, #tpu.memory_space<vmem>>[vector<16xi32>], vector<16xi32>,
    %swap3A_38 = arith.constant 80 : index
    %swap3A_39 = tpu.vector_load %arg6[%swap3A_38] {strides = array<i32>} : memref<256xi32, #tpu.memory_space<vmem>>, vector<16xi32>,
    tpu.vector_store %arg6[%swap3A_38], %gather3A_37 {strides = array<i32>} : memref<256xi32, #tpu.memory_space<vmem>>, vector<16xi32>,
    %add3A_40 = arith.constant 19200 : i32
    %add3A_41 = vector.broadcast %add3A_40 : i32 to vector<16xi32>
    %add3A_42 = arith.addi %mul3A_5, %add3A_41 : vector<16xi32>
    %gather3A_43 = tpu.vector_load_idx %arg5[%add3A_42] : memref<25600xi32, #tpu.memory_space<vmem>>[vector<16xi32>], vector<16xi32>,
    %swap3A_44 = arith.constant 96 : index
    %swap3A_45 = tpu.vector_load %arg6[%swap3A_44] {strides = array<i32>} : memref<256xi32, #tpu.memory_space<vmem>>, vector<16xi32>,
    tpu.vector_store %arg6[%swap3A_44], %gather3A_43 {strides = array<i32>} : memref<256xi32, #tpu.memory_space<vmem>>, vector<16xi32>,
    %add3A_46 = arith.constant 22400 : i32
    %add3A_47 = vector.broadcast %add3A_46 : i32 to vector<16xi32>
    %add3A_48 = arith.addi %mul3A_5, %add3A_47 : vector<16xi32>
    %gather3A_49 = tpu.vector_load_idx %arg5[%add3A_48] : memref<25600xi32, #tpu.memory_space<vmem>>[vector<16xi32>], vector<16xi32>,
    %swap3A_50 = arith.constant 112 : index
    %swap3A_51 = tpu.vector_load %arg6[%swap3A_50] {strides = array<i32>} : memref<256xi32, #tpu.memory_space<vmem>>, vector<16xi32>,
    tpu.vector_store %arg6[%swap3A_50], %gather3A_49 {strides = array<i32>} : memref<256xi32, #tpu.memory_space<vmem>>, vector<16xi32>,
    %add3A_52 = arith.constant 1 : i32
    %add3A_53 = vector.broadcast %add3A_52 : i32 to vector<16xi32>
    %add3A_54 = arith.addi %mul3A_5, %add3A_53 : vector<16xi32>
    %gather3A_55 = tpu.vector_load_idx %arg5[%add3A_54] : memref<25600xi32, #tpu.memory_space<vmem>>[vector<16xi32>], vector<16xi32>,
    %swap3A_56 = arith.constant 128 : index
    %swap3A_57 = tpu.vector_load %arg6[%swap3A_56] {strides = array<i32>} : memref<256xi32, #tpu.memory_space<vmem>>, vector<16xi32>,
    tpu.vector_store %arg6[%swap3A_56], %gather3A_55 {strides = array<i32>} : memref<256xi32, #tpu.memory_space<vmem>>, vector<16xi32>,
    %add3A_58 = arith.constant 3201 : i32
    %add3A_59 = vector.broadcast %add3A_58 : i32 to vector<16xi32>
    %add3A_60 = arith.addi %mul3A_5, %add3A_59 : vector<16xi32>
    %gather3A_61 = tpu.vector_load_idx %arg5[%add3A_60] : memref<25600xi32, #tpu.memory_space<vmem>>[vector<16xi32>], vector<16xi32>,
    %swap3A_62 = arith.constant 144 : index
    %swap3A_63 = tpu.vector_load %arg6[%swap3A_62] {strides = array<i32>} : memref<256xi32, #tpu.memory_space<vmem>>, vector<16xi32>,
    tpu.vector_store %arg6[%swap3A_62], %gather3A_61 {strides = array<i32>} : memref<256xi32, #tpu.memory_space<vmem>>, vector<16xi32>,
    %add3A_64 = arith.constant 6401 : i32
    %add3A_65 = vector.broadcast %add3A_64 : i32 to vector<16xi32>
    %add3A_66 = arith.addi %mul3A_5, %add3A_65 : vector<16xi32>
    %gather3A_67 = tpu.vector_load_idx %arg5[%add3A_66] : memref<25600xi32, #tpu.memory_space<vmem>>[vector<16xi32>], vector<16xi32>,
    %swap3A_68 = arith.constant 160 : index
    %swap3A_69 = tpu.vector_load %arg6[%swap3A_68] {strides = array<i32>} : memref<256xi32, #tpu.memory_space<vmem>>, vector<16xi32>,
    tpu.vector_store %arg6[%swap3A_68], %gather3A_67 {strides = array<i32>} : memref<256xi32, #tpu.memory_space<vmem>>, vector<16xi32>,
    %add3A_70 = arith.constant 9601 : i32
    %add3A_71 = vector.broadcast %add3A_70 : i32 to vector<16xi32>
    %add3A_72 = arith.addi %mul3A_5, %add3A_71 : vector<16xi32>
    %gather3A_73 = tpu.vector_load_idx %arg5[%add3A_72] : memref<25600xi32, #tpu.memory_space<vmem>>[vector<16xi32>], vector<16xi32>,
    %swap3A_74 = arith.constant 176 : index
    %swap3A_75 = tpu.vector_load %arg6[%swap3A_74] {strides = array<i32>} : memref<256xi32, #tpu.memory_space<vmem>>, vector<16xi32>,
    tpu.vector_store %arg6[%swap3A_74], %gather3A_73 {strides = array<i32>} : memref<256xi32, #tpu.memory_space<vmem>>, vector<16xi32>,
    %add3A_76 = arith.constant 12801 : i32
    %add3A_77 = vector.broadcast %add3A_76 : i32 to vector<16xi32>
    %add3A_78 = arith.addi %mul3A_5, %add3A_77 : vector<16xi32>
    %gather3A_79 = tpu.vector_load_idx %arg5[%add3A_78] : memref<25600xi32, #tpu.memory_space<vmem>>[vector<16xi32>], vector<16xi32>,
    %swap3A_80 = arith.constant 192 : index
    %swap3A_81 = tpu.vector_load %arg6[%swap3A_80] {strides = array<i32>} : memref<256xi32, #tpu.memory_space<vmem>>, vector<16xi32>,
    tpu.vector_store %arg6[%swap3A_80], %gather3A_79 {strides = array<i32>} : memref<256xi32, #tpu.memory_space<vmem>>, vector<16xi32>,
    %add3A_82 = arith.constant 16001 : i32
    %add3A_83 = vector.broadcast %add3A_82 : i32 to vector<16xi32>
    %add3A_84 = arith.addi %mul3A_5, %add3A_83 : vector<16xi32>
    %gather3A_85 = tpu.vector_load_idx %arg5[%add3A_84] : memref<25600xi32, #tpu.memory_space<vmem>>[vector<16xi32>], vector<16xi32>,
    %swap3A_86 = arith.constant 208 : index
    %swap3A_87 = tpu.vector_load %arg6[%swap3A_86] {strides = array<i32>} : memref<256xi32, #tpu.memory_space<vmem>>, vector<16xi32>,
    tpu.vector_store %arg6[%swap3A_86], %gather3A_85 {strides = array<i32>} : memref<256xi32, #tpu.memory_space<vmem>>, vector<16xi32>,
    %add3A_88 = arith.constant 19201 : i32
    %add3A_89 = vector.broadcast %add3A_88 : i32 to vector<16xi32>
    %add3A_90 = arith.addi %mul3A_5, %add3A_89 : vector<16xi32>
    %gather3A_91 = tpu.vector_load_idx %arg5[%add3A_90] : memref<25600xi32, #tpu.memory_space<vmem>>[vector<16xi32>], vector<16xi32>,
    %swap3A_92 = arith.constant 224 : index
    %swap3A_93 = tpu.vector_load %arg6[%swap3A_92] {strides = array<i32>} : memref<256xi32, #tpu.memory_space<vmem>>, vector<16xi32>,
    tpu.vector_store %arg6[%swap3A_92], %gather3A_91 {strides = array<i32>} : memref<256xi32, #tpu.memory_space<vmem>>, vector<16xi32>,
    %add3A_94 = arith.constant 22401 : i32
    %add3A_95 = vector.broadcast %add3A_94 : i32 to vector<16xi32>
    %add3A_96 = arith.addi %mul3A_5, %add3A_95 : vector<16xi32>
    %gather3A_97 = tpu.vector_load_idx %arg5[%add3A_96] : memref<25600xi32, #tpu.memory_space<vmem>>[vector<16xi32>], vector<16xi32>,
    %swap3A_98 = arith.constant 240 : index
    %swap3A_99 = tpu.vector_load %arg6[%swap3A_98] {strides = array<i32>} : memref<256xi32, #tpu.memory_space<vmem>>, vector<16xi32>,
    tpu.vector_store %arg6[%swap3A_98], %gather3A_97 {strides = array<i32>} : memref<256xi32, #tpu.memory_space<vmem>>, vector<16xi32>,
    %dma_start3A = arith.constant 0 : i32
    %dma_start3A_100 = arith.constant 0 : i32
    %dma_start3A_101 = tpu.memref_slice %arg3[%dma_start3A, %dma_start3A_100] : memref<1000000x32xf32, #tpu.memory_space<hbm>> -> memref<1000000x32xf32, #tpu.memory_space<hbm>>
    tpu.enqueue_indirect_dma source(%dma_start3A_101 : memref<1000000x32xf32, #tpu.memory_space<hbm>>) target(%arg8 : memref<256x32xf32, #tpu.memory_space<vmem>>) offsets(%arg6 : memref<256xi32, #tpu.memory_space<vmem>>) semaphore(%arg13 : memref<!tpu.dma_semaphore, #tpu.memory_space<semaphore_mem>>)
    %scan3A = arith.constant 0 : i32
    %scan3A_102 = arith.constant 0 : i32
    %scan3A_103 = arith.constant 50 : i32
    %scan3A_104 = arith.addi %scan3A_102, %scan3A_103 : i32
    %scan3A_105 = arith.constant 1 : i32
    %scan3A_106 = scf.for %scan3A_110 = %scan3A_102 to %scan3A_104 step %scan3A_105 iter_args(%scan3A_111 = %scan3A) -> (i32)  : i32 {
      %mul3A_112 = arith.constant 2 : i32
      %mul3A_113 = arith.muli %mul3A_112, %scan3A_110 : i32
      %add3A_114 = arith.constant 1 : i32
      %add3A_115 = arith.addi %mul3A_113, %add3A_114 : i32
      %mul3A_116 = arith.constant 2 : i32
      %mul3A_117 = arith.muli %mul3A_116, %add3A_115 : i32
      %add3A_118 = arith.constant 0 : i32
      %add3A_119 = arith.addi %add3A_118, %mul3A_117 : i32
      %add3A_120 = arith.constant 0 : i32
      %add3A_121 = arith.addi %add3A_119, %add3A_120 : i32
      %add3A_122 = vector.broadcast %add3A_121 : i32 to vector<16xi32>
      %add3A_123 = arith.addi %mul3A_5, %add3A_122 : vector<16xi32>
      %gather3A_124 = tpu.vector_load_idx %arg5[%add3A_123] : memref<25600xi32, #tpu.memory_space<vmem>>[vector<16xi32>], vector<16xi32>,
      %swap3A_125 = arith.constant 0 : index
      %swap3A_126 = tpu.vector_load %arg7[%swap3A_125] {strides = array<i32>} : memref<256xi32, #tpu.memory_space<vmem>>, vector<16xi32>,
      tpu.vector_store %arg7[%swap3A_125], %gather3A_124 {strides = array<i32>} : memref<256xi32, #tpu.memory_space<vmem>>, vector<16xi32>,
      %add3A_127 = arith.constant 3200 : i32
      %add3A_128 = arith.addi %add3A_127, %mul3A_117 : i32
      %add3A_129 = arith.constant 0 : i32
      %add3A_130 = arith.addi %add3A_128, %add3A_129 : i32
      %add3A_131 = vector.broadcast %add3A_130 : i32 to vector<16xi32>
      %add3A_132 = arith.addi %mul3A_5, %add3A_131 : vector<16xi32>
      %gather3A_133 = tpu.vector_load_idx %arg5[%add3A_132] : memref<25600xi32, #tpu.memory_space<vmem>>[vector<16xi32>], vector<16xi32>,
      %swap3A_134 = arith.constant 16 : index
      %swap3A_135 = tpu.vector_load %arg7[%swap3A_134] {strides = array<i32>} : memref<256xi32, #tpu.memory_space<vmem>>, vector<16xi32>,
      tpu.vector_store %arg7[%swap3A_134], %gather3A_133 {strides = array<i32>} : memref<256xi32, #tpu.memory_space<vmem>>, vector<16xi32>,
      %add3A_136 = arith.constant 6400 : i32
      %add3A_137 = arith.addi %add3A_136, %mul3A_117 : i32
      %add3A_138 = arith.constant 0 : i32
      %add3A_139 = arith.addi %add3A_137, %add3A_138 : i32
      %add3A_140 = vector.broadcast %add3A_139 : i32 to vector<16xi32>
      %add3A_141 = arith.addi %mul3A_5, %add3A_140 : vector<16xi32>
      %gather3A_142 = tpu.vector_load_idx %arg5[%add3A_141] : memref<25600xi32, #tpu.memory_space<vmem>>[vector<16xi32>], vector<16xi32>,
      %swap3A_143 = arith.constant 32 : index
      %swap3A_144 = tpu.vector_load %arg7[%swap3A_143] {strides = array<i32>} : memref<256xi32, #tpu.memory_space<vmem>>, vector<16xi32>,
      tpu.vector_store %arg7[%swap3A_143], %gather3A_142 {strides = array<i32>} : memref<256xi32, #tpu.memory_space<vmem>>, vector<16xi32>,
      %add3A_145 = arith.constant 9600 : i32
      %add3A_146 = arith.addi %add3A_145, %mul3A_117 : i32
      %add3A_147 = arith.constant 0 : i32
      %add3A_148 = arith.addi %add3A_146, %add3A_147 : i32
      %add3A_149 = vector.broadcast %add3A_148 : i32 to vector<16xi32>
      %add3A_150 = arith.addi %mul3A_5, %add3A_149 : vector<16xi32>
      %gather3A_151 = tpu.vector_load_idx %arg5[%add3A_150] : memref<25600xi32, #tpu.memory_space<vmem>>[vector<16xi32>], vector<16xi32>,
      %swap3A_152 = arith.constant 48 : index
      %swap3A_153 = tpu.vector_load %arg7[%swap3A_152] {strides = array<i32>} : memref<256xi32, #tpu.memory_space<vmem>>, vector<16xi32>,
      tpu.vector_store %arg7[%swap3A_152], %gather3A_151 {strides = array<i32>} : memref<256xi32, #tpu.memory_space<vmem>>, vector<16xi32>,
      %add3A_154 = arith.constant 12800 : i32
      %add3A_155 = arith.addi %add3A_154, %mul3A_117 : i32
      %add3A_156 = arith.constant 0 : i32
      %add3A_157 = arith.addi %add3A_155, %add3A_156 : i32
      %add3A_158 = vector.broadcast %add3A_157 : i32 to vector<16xi32>
      %add3A_159 = arith.addi %mul3A_5, %add3A_158 : vector<16xi32>
      %gather3A_160 = tpu.vector_load_idx %arg5[%add3A_159] : memref<25600xi32, #tpu.memory_space<vmem>>[vector<16xi32>], vector<16xi32>,
      %swap3A_161 = arith.constant 64 : index
      %swap3A_162 = tpu.vector_load %arg7[%swap3A_161] {strides = array<i32>} : memref<256xi32, #tpu.memory_space<vmem>>, vector<16xi32>,
      tpu.vector_store %arg7[%swap3A_161], %gather3A_160 {strides = array<i32>} : memref<256xi32, #tpu.memory_space<vmem>>, vector<16xi32>,
      %add3A_163 = arith.constant 16000 : i32
      %add3A_164 = arith.addi %add3A_163, %mul3A_117 : i32
      %add3A_165 = arith.constant 0 : i32
      %add3A_166 = arith.addi %add3A_164, %add3A_165 : i32
      %add3A_167 = vector.broadcast %add3A_166 : i32 to vector<16xi32>
      %add3A_168 = arith.addi %mul3A_5, %add3A_167 : vector<16xi32>
      %gather3A_169 = tpu.vector_load_idx %arg5[%add3A_168] : memref<25600xi32, #tpu.memory_space<vmem>>[vector<16xi32>], vector<16xi32>,
      %swap3A_170 = arith.constant 80 : index
      %swap3A_171 = tpu.vector_load %arg7[%swap3A_170] {strides = array<i32>} : memref<256xi32, #tpu.memory_space<vmem>>, vector<16xi32>,
      tpu.vector_store %arg7[%swap3A_170], %gather3A_169 {strides = array<i32>} : memref<256xi32, #tpu.memory_space<vmem>>, vector<16xi32>,
      %add3A_172 = arith.constant 19200 : i32
      %add3A_173 = arith.addi %add3A_172, %mul3A_117 : i32
      %add3A_174 = arith.constant 0 : i32
      %add3A_175 = arith.addi %add3A_173, %add3A_174 : i32
      %add3A_176 = vector.broadcast %add3A_175 : i32 to vector<16xi32>
      %add3A_177 = arith.addi %mul3A_5, %add3A_176 : vector<16xi32>
      %gather3A_178 = tpu.vector_load_idx %arg5[%add3A_177] : memref<25600xi32, #tpu.memory_space<vmem>>[vector<16xi32>], vector<16xi32>,
      %swap3A_179 = arith.constant 96 : index
      %swap3A_180 = tpu.vector_load %arg7[%swap3A_179] {strides = array<i32>} : memref<256xi32, #tpu.memory_space<vmem>>, vector<16xi32>,
      tpu.vector_store %arg7[%swap3A_179], %gather3A_178 {strides = array<i32>} : memref<256xi32, #tpu.memory_space<vmem>>, vector<16xi32>,
      %add3A_181 = arith.constant 22400 : i32
      %add3A_182 = arith.addi %add3A_181, %mul3A_117 : i32
      %add3A_183 = arith.constant 0 : i32
      %add3A_184 = arith.addi %add3A_182, %add3A_183 : i32
      %add3A_185 = vector.broadcast %add3A_184 : i32 to vector<16xi32>
      %add3A_186 = arith.addi %mul3A_5, %add3A_185 : vector<16xi32>
      %gather3A_187 = tpu.vector_load_idx %arg5[%add3A_186] : memref<25600xi32, #tpu.memory_space<vmem>>[vector<16xi32>], vector<16xi32>,
      %swap3A_188 = arith.constant 112 : index
      %swap3A_189 = tpu.vector_load %arg7[%swap3A_188] {strides = array<i32>} : memref<256xi32, #tpu.memory_space<vmem>>, vector<16xi32>,
      tpu.vector_store %arg7[%swap3A_188], %gather3A_187 {strides = array<i32>} : memref<256xi32, #tpu.memory_space<vmem>>, vector<16xi32>,
      %add3A_190 = arith.constant 0 : i32
      %add3A_191 = arith.addi %add3A_190, %mul3A_117 : i32
      %add3A_192 = arith.constant 1 : i32
      %add3A_193 = arith.addi %add3A_191, %add3A_192 : i32
      %add3A_194 = vector.broadcast %add3A_193 : i32 to vector<16xi32>
      %add3A_195 = arith.addi %mul3A_5, %add3A_194 : vector<16xi32>
      %gather3A_196 = tpu.vector_load_idx %arg5[%add3A_195] : memref<25600xi32, #tpu.memory_space<vmem>>[vector<16xi32>], vector<16xi32>,
      %swap3A_197 = arith.constant 128 : index
      %swap3A_198 = tpu.vector_load %arg7[%swap3A_197] {strides = array<i32>} : memref<256xi32, #tpu.memory_space<vmem>>, vector<16xi32>,
      tpu.vector_store %arg7[%swap3A_197], %gather3A_196 {strides = array<i32>} : memref<256xi32, #tpu.memory_space<vmem>>, vector<16xi32>,
      %add3A_199 = arith.constant 3200 : i32
      %add3A_200 = arith.addi %add3A_199, %mul3A_117 : i32
      %add3A_201 = arith.constant 1 : i32
      %add3A_202 = arith.addi %add3A_200, %add3A_201 : i32
      %add3A_203 = vector.broadcast %add3A_202 : i32 to vector<16xi32>
      %add3A_204 = arith.addi %mul3A_5, %add3A_203 : vector<16xi32>
      %gather3A_205 = tpu.vector_load_idx %arg5[%add3A_204] : memref<25600xi32, #tpu.memory_space<vmem>>[vector<16xi32>], vector<16xi32>,
      %swap3A_206 = arith.constant 144 : index
      %swap3A_207 = tpu.vector_load %arg7[%swap3A_206] {strides = array<i32>} : memref<256xi32, #tpu.memory_space<vmem>>, vector<16xi32>,
      tpu.vector_store %arg7[%swap3A_206], %gather3A_205 {strides = array<i32>} : memref<256xi32, #tpu.memory_space<vmem>>, vector<16xi32>,
      %add3A_208 = arith.constant 6400 : i32
      %add3A_209 = arith.addi %add3A_208, %mul3A_117 : i32
      %add3A_210 = arith.constant 1 : i32
      %add3A_211 = arith.addi %add3A_209, %add3A_210 : i32
      %add3A_212 = vector.broadcast %add3A_211 : i32 to vector<16xi32>
      %add3A_213 = arith.addi %mul3A_5, %add3A_212 : vector<16xi32>
      %gather3A_214 = tpu.vector_load_idx %arg5[%add3A_213] : memref<25600xi32, #tpu.memory_space<vmem>>[vector<16xi32>], vector<16xi32>,
      %swap3A_215 = arith.constant 160 : index
      %swap3A_216 = tpu.vector_load %arg7[%swap3A_215] {strides = array<i32>} : memref<256xi32, #tpu.memory_space<vmem>>, vector<16xi32>,
      tpu.vector_store %arg7[%swap3A_215], %gather3A_214 {strides = array<i32>} : memref<256xi32, #tpu.memory_space<vmem>>, vector<16xi32>,
      %add3A_217 = arith.constant 9600 : i32
      %add3A_218 = arith.addi %add3A_217, %mul3A_117 : i32
      %add3A_219 = arith.constant 1 : i32
      %add3A_220 = arith.addi %add3A_218, %add3A_219 : i32
      %add3A_221 = vector.broadcast %add3A_220 : i32 to vector<16xi32>
      %add3A_222 = arith.addi %mul3A_5, %add3A_221 : vector<16xi32>
      %gather3A_223 = tpu.vector_load_idx %arg5[%add3A_222] : memref<25600xi32, #tpu.memory_space<vmem>>[vector<16xi32>], vector<16xi32>,
      %swap3A_224 = arith.constant 176 : index
      %swap3A_225 = tpu.vector_load %arg7[%swap3A_224] {strides = array<i32>} : memref<256xi32, #tpu.memory_space<vmem>>, vector<16xi32>,
      tpu.vector_store %arg7[%swap3A_224], %gather3A_223 {strides = array<i32>} : memref<256xi32, #tpu.memory_space<vmem>>, vector<16xi32>,
      %add3A_226 = arith.constant 12800 : i32
      %add3A_227 = arith.addi %add3A_226, %mul3A_117 : i32
      %add3A_228 = arith.constant 1 : i32
      %add3A_229 = arith.addi %add3A_227, %add3A_228 : i32
      %add3A_230 = vector.broadcast %add3A_229 : i32 to vector<16xi32>
      %add3A_231 = arith.addi %mul3A_5, %add3A_230 : vector<16xi32>
      %gather3A_232 = tpu.vector_load_idx %arg5[%add3A_231] : memref<25600xi32, #tpu.memory_space<vmem>>[vector<16xi32>], vector<16xi32>,
      %swap3A_233 = arith.constant 192 : index
      %swap3A_234 = tpu.vector_load %arg7[%swap3A_233] {strides = array<i32>} : memref<256xi32, #tpu.memory_space<vmem>>, vector<16xi32>,
      tpu.vector_store %arg7[%swap3A_233], %gather3A_232 {strides = array<i32>} : memref<256xi32, #tpu.memory_space<vmem>>, vector<16xi32>,
      %add3A_235 = arith.constant 16000 : i32
      %add3A_236 = arith.addi %add3A_235, %mul3A_117 : i32
      %add3A_237 = arith.constant 1 : i32
      %add3A_238 = arith.addi %add3A_236, %add3A_237 : i32
      %add3A_239 = vector.broadcast %add3A_238 : i32 to vector<16xi32>
      %add3A_240 = arith.addi %mul3A_5, %add3A_239 : vector<16xi32>
      %gather3A_241 = tpu.vector_load_idx %arg5[%add3A_240] : memref<25600xi32, #tpu.memory_space<vmem>>[vector<16xi32>], vector<16xi32>,
      %swap3A_242 = arith.constant 208 : index
      %swap3A_243 = tpu.vector_load %arg7[%swap3A_242] {strides = array<i32>} : memref<256xi32, #tpu.memory_space<vmem>>, vector<16xi32>,
      tpu.vector_store %arg7[%swap3A_242], %gather3A_241 {strides = array<i32>} : memref<256xi32, #tpu.memory_space<vmem>>, vector<16xi32>,
      %add3A_244 = arith.constant 19200 : i32
      %add3A_245 = arith.addi %add3A_244, %mul3A_117 : i32
      %add3A_246 = arith.constant 1 : i32
      %add3A_247 = arith.addi %add3A_245, %add3A_246 : i32
      %add3A_248 = vector.broadcast %add3A_247 : i32 to vector<16xi32>
      %add3A_249 = arith.addi %mul3A_5, %add3A_248 : vector<16xi32>
      %gather3A_250 = tpu.vector_load_idx %arg5[%add3A_249] : memref<25600xi32, #tpu.memory_space<vmem>>[vector<16xi32>], vector<16xi32>,
      %swap3A_251 = arith.constant 224 : index
      %swap3A_252 = tpu.vector_load %arg7[%swap3A_251] {strides = array<i32>} : memref<256xi32, #tpu.memory_space<vmem>>, vector<16xi32>,
      tpu.vector_store %arg7[%swap3A_251], %gather3A_250 {strides = array<i32>} : memref<256xi32, #tpu.memory_space<vmem>>, vector<16xi32>,
      %add3A_253 = arith.constant 22400 : i32
      %add3A_254 = arith.addi %add3A_253, %mul3A_117 : i32
      %add3A_255 = arith.constant 1 : i32
      %add3A_256 = arith.addi %add3A_254, %add3A_255 : i32
      %add3A_257 = vector.broadcast %add3A_256 : i32 to vector<16xi32>
      %add3A_258 = arith.addi %mul3A_5, %add3A_257 : vector<16xi32>
      %gather3A_259 = tpu.vector_load_idx %arg5[%add3A_258] : memref<25600xi32, #tpu.memory_space<vmem>>[vector<16xi32>], vector<16xi32>,
      %swap3A_260 = arith.constant 240 : index
      %swap3A_261 = tpu.vector_load %arg7[%swap3A_260] {strides = array<i32>} : memref<256xi32, #tpu.memory_space<vmem>>, vector<16xi32>,
      tpu.vector_store %arg7[%swap3A_260], %gather3A_259 {strides = array<i32>} : memref<256xi32, #tpu.memory_space<vmem>>, vector<16xi32>,
      %dma_start3A_262 = arith.constant 0 : i32
      %dma_start3A_263 = arith.constant 0 : i32
      %dma_start3A_264 = tpu.memref_slice %arg3[%dma_start3A_262, %dma_start3A_263] : memref<1000000x32xf32, #tpu.memory_space<hbm>> -> memref<1000000x32xf32, #tpu.memory_space<hbm>>
      tpu.enqueue_indirect_dma source(%dma_start3A_264 : memref<1000000x32xf32, #tpu.memory_space<hbm>>) target(%arg9 : memref<256x32xf32, #tpu.memory_space<vmem>>) offsets(%arg7 : memref<256xi32, #tpu.memory_space<vmem>>) semaphore(%arg14 : memref<!tpu.dma_semaphore, #tpu.memory_space<semaphore_mem>>)
      %dma_wait3A_265 = arith.constant 0 : i32
      %dma_wait3A_266 = arith.constant 0 : i32
      %dma_wait3A_267 = tpu.memref_slice %arg3[%dma_wait3A_265, %dma_wait3A_266] : memref<1000000x32xf32, #tpu.memory_space<hbm>> -> memref<1000000x32xf32, #tpu.memory_space<hbm>>
      tpu.wait_indirect_dma semaphore(%arg13 : memref<!tpu.dma_semaphore, #tpu.memory_space<semaphore_mem>>) src(%dma_wait3A_267 : memref<1000000x32xf32, #tpu.memory_space<hbm>>) dst(%arg8 : memref<256x32xf32, #tpu.memory_space<vmem>>)
      %scan3A_268 = arith.constant 0 : i32
      %scan3A_269 = arith.constant 0 : i32
      %scan3A_270 = arith.constant 16 : i32
      %scan3A_271 = arith.addi %scan3A_269, %scan3A_270 : i32
      %scan3A_272 = arith.constant 1 : i32
      %scan3A_273 = scf.for %scan3A_626 = %scan3A_269 to %scan3A_271 step %scan3A_272 iter_args(%scan3A_627 = %scan3A_268) -> (i32)  : i32 {
        %mul3A_628 = arith.constant 16 : i32
        %mul3A_629 = arith.muli %mul3A_628, %scan3A_626 : i32
        %add3A_630 = arith.constant 0 : i32
        %add3A_631 = arith.addi %mul3A_629, %add3A_630 : i32
        %get3A = arith.index_cast %add3A_631 : i32 to index
        %get3A_632 = arith.constant 0 : index
        %get3A_633 = tpu.vector_load %arg8[%get3A, %get3A_632] {strides = array<i32>} : memref<256x32xf32, #tpu.memory_space<vmem>>, vector<16xf32>,
        %add3A_634 = arith.constant 0 : i32
        %add3A_635 = arith.addi %mul3A_629, %add3A_634 : i32
        %get3A_636 = arith.index_cast %add3A_635 : i32 to index
        %get3A_637 = arith.constant 16 : index
        %get3A_638 = tpu.vector_load %arg8[%get3A_636, %get3A_637] {strides = array<i32>} : memref<256x32xf32, #tpu.memory_space<vmem>>, vector<16xf32>,
        %add3A_639 = arith.constant 1 : i32
        %add3A_640 = arith.addi %mul3A_629, %add3A_639 : i32
        %get3A_641 = arith.index_cast %add3A_640 : i32 to index
        %get3A_642 = arith.constant 0 : index
        %get3A_643 = tpu.vector_load %arg8[%get3A_641, %get3A_642] {strides = array<i32>} : memref<256x32xf32, #tpu.memory_space<vmem>>, vector<16xf32>,
        %add3A_644 = arith.constant 1 : i32
        %add3A_645 = arith.addi %mul3A_629, %add3A_644 : i32
        %get3A_646 = arith.index_cast %add3A_645 : i32 to index
        %get3A_647 = arith.constant 16 : index
        %get3A_648 = tpu.vector_load %arg8[%get3A_646, %get3A_647] {strides = array<i32>} : memref<256x32xf32, #tpu.memory_space<vmem>>, vector<16xf32>,
        %add3A_649 = arith.constant 2 : i32
        %add3A_650 = arith.addi %mul3A_629, %add3A_649 : i32
        %get3A_651 = arith.index_cast %add3A_650 : i32 to index
        %get3A_652 = arith.constant 0 : index
        %get3A_653 = tpu.vector_load %arg8[%get3A_651, %get3A_652] {strides = array<i32>} : memref<256x32xf32, #tpu.memory_space<vmem>>, vector<16xf32>,
        %add3A_654 = arith.constant 2 : i32
        %add3A_655 = arith.addi %mul3A_629, %add3A_654 : i32
        %get3A_656 = arith.index_cast %add3A_655 : i32 to index
        %get3A_657 = arith.constant 16 : index
        %get3A_658 = tpu.vector_load %arg8[%get3A_656, %get3A_657] {strides = array<i32>} : memref<256x32xf32, #tpu.memory_space<vmem>>, vector<16xf32>,
        %add3A_659 = arith.constant 3 : i32
        %add3A_660 = arith.addi %mul3A_629, %add3A_659 : i32
        %get3A_661 = arith.index_cast %add3A_660 : i32 to index
        %get3A_662 = arith.constant 0 : index
        %get3A_663 = tpu.vector_load %arg8[%get3A_661, %get3A_662] {strides = array<i32>} : memref<256x32xf32, #tpu.memory_space<vmem>>, vector<16xf32>,
        %add3A_664 = arith.constant 3 : i32
        %add3A_665 = arith.addi %mul3A_629, %add3A_664 : i32
        %get3A_666 = arith.index_cast %add3A_665 : i32 to index
        %get3A_667 = arith.constant 16 : index
        %get3A_668 = tpu.vector_load %arg8[%get3A_666, %get3A_667] {strides = array<i32>} : memref<256x32xf32, #tpu.memory_space<vmem>>, vector<16xf32>,
        %add3A_669 = arith.constant 4 : i32
        %add3A_670 = arith.addi %mul3A_629, %add3A_669 : i32
        %get3A_671 = arith.index_cast %add3A_670 : i32 to index
        %get3A_672 = arith.constant 0 : index
        %get3A_673 = tpu.vector_load %arg8[%get3A_671, %get3A_672] {strides = array<i32>} : memref<256x32xf32, #tpu.memory_space<vmem>>, vector<16xf32>,
        %add3A_674 = arith.constant 4 : i32
        %add3A_675 = arith.addi %mul3A_629, %add3A_674 : i32
        %get3A_676 = arith.index_cast %add3A_675 : i32 to index
        %get3A_677 = arith.constant 16 : index
        %get3A_678 = tpu.vector_load %arg8[%get3A_676, %get3A_677] {strides = array<i32>} : memref<256x32xf32, #tpu.memory_space<vmem>>, vector<16xf32>,
        %add3A_679 = arith.constant 5 : i32
        %add3A_680 = arith.addi %mul3A_629, %add3A_679 : i32
        %get3A_681 = arith.index_cast %add3A_680 : i32 to index
        %get3A_682 = arith.constant 0 : index
        %get3A_683 = tpu.vector_load %arg8[%get3A_681, %get3A_682] {strides = array<i32>} : memref<256x32xf32, #tpu.memory_space<vmem>>, vector<16xf32>,
        %add3A_684 = arith.constant 5 : i32
        %add3A_685 = arith.addi %mul3A_629, %add3A_684 : i32
        %get3A_686 = arith.index_cast %add3A_685 : i32 to index
        %get3A_687 = arith.constant 16 : index
        %get3A_688 = tpu.vector_load %arg8[%get3A_686, %get3A_687] {strides = array<i32>} : memref<256x32xf32, #tpu.memory_space<vmem>>, vector<16xf32>,
        %add3A_689 = arith.constant 6 : i32
        %add3A_690 = arith.addi %mul3A_629, %add3A_689 : i32
        %get3A_691 = arith.index_cast %add3A_690 : i32 to index
        %get3A_692 = arith.constant 0 : index
        %get3A_693 = tpu.vector_load %arg8[%get3A_691, %get3A_692] {strides = array<i32>} : memref<256x32xf32, #tpu.memory_space<vmem>>, vector<16xf32>,
        %add3A_694 = arith.constant 6 : i32
        %add3A_695 = arith.addi %mul3A_629, %add3A_694 : i32
        %get3A_696 = arith.index_cast %add3A_695 : i32 to index
        %get3A_697 = arith.constant 16 : index
        %get3A_698 = tpu.vector_load %arg8[%get3A_696, %get3A_697] {strides = array<i32>} : memref<256x32xf32, #tpu.memory_space<vmem>>, vector<16xf32>,
        %add3A_699 = arith.constant 7 : i32
        %add3A_700 = arith.addi %mul3A_629, %add3A_699 : i32
        %get3A_701 = arith.index_cast %add3A_700 : i32 to index
        %get3A_702 = arith.constant 0 : index
        %get3A_703 = tpu.vector_load %arg8[%get3A_701, %get3A_702] {strides = array<i32>} : memref<256x32xf32, #tpu.memory_space<vmem>>, vector<16xf32>,
        %add3A_704 = arith.constant 7 : i32
        %add3A_705 = arith.addi %mul3A_629, %add3A_704 : i32
        %get3A_706 = arith.index_cast %add3A_705 : i32 to index
        %get3A_707 = arith.constant 16 : index
        %get3A_708 = tpu.vector_load %arg8[%get3A_706, %get3A_707] {strides = array<i32>} : memref<256x32xf32, #tpu.memory_space<vmem>>, vector<16xf32>,
        %add3A_709 = arith.constant 8 : i32
        %add3A_710 = arith.addi %mul3A_629, %add3A_709 : i32
        %get3A_711 = arith.index_cast %add3A_710 : i32 to index
        %get3A_712 = arith.constant 0 : index
        %get3A_713 = tpu.vector_load %arg8[%get3A_711, %get3A_712] {strides = array<i32>} : memref<256x32xf32, #tpu.memory_space<vmem>>, vector<16xf32>,
        %add3A_714 = arith.constant 8 : i32
        %add3A_715 = arith.addi %mul3A_629, %add3A_714 : i32
        %get3A_716 = arith.index_cast %add3A_715 : i32 to index
        %get3A_717 = arith.constant 16 : index
        %get3A_718 = tpu.vector_load %arg8[%get3A_716, %get3A_717] {strides = array<i32>} : memref<256x32xf32, #tpu.memory_space<vmem>>, vector<16xf32>,
        %add3A_719 = arith.constant 9 : i32
        %add3A_720 = arith.addi %mul3A_629, %add3A_719 : i32
        %get3A_721 = arith.index_cast %add3A_720 : i32 to index
        %get3A_722 = arith.constant 0 : index
        %get3A_723 = tpu.vector_load %arg8[%get3A_721, %get3A_722] {strides = array<i32>} : memref<256x32xf32, #tpu.memory_space<vmem>>, vector<16xf32>,
        %add3A_724 = arith.constant 9 : i32
        %add3A_725 = arith.addi %mul3A_629, %add3A_724 : i32
        %get3A_726 = arith.index_cast %add3A_725 : i32 to index
        %get3A_727 = arith.constant 16 : index
        %get3A_728 = tpu.vector_load %arg8[%get3A_726, %get3A_727] {strides = array<i32>} : memref<256x32xf32, #tpu.memory_space<vmem>>, vector<16xf32>,
        %add3A_729 = arith.constant 10 : i32
        %add3A_730 = arith.addi %mul3A_629, %add3A_729 : i32
        %get3A_731 = arith.index_cast %add3A_730 : i32 to index
        %get3A_732 = arith.constant 0 : index
        %get3A_733 = tpu.vector_load %arg8[%get3A_731, %get3A_732] {strides = array<i32>} : memref<256x32xf32, #tpu.memory_space<vmem>>, vector<16xf32>,
        %add3A_734 = arith.constant 10 : i32
        %add3A_735 = arith.addi %mul3A_629, %add3A_734 : i32
        %get3A_736 = arith.index_cast %add3A_735 : i32 to index
        %get3A_737 = arith.constant 16 : index
        %get3A_738 = tpu.vector_load %arg8[%get3A_736, %get3A_737] {strides = array<i32>} : memref<256x32xf32, #tpu.memory_space<vmem>>, vector<16xf32>,
        %add3A_739 = arith.constant 11 : i32
        %add3A_740 = arith.addi %mul3A_629, %add3A_739 : i32
        %get3A_741 = arith.index_cast %add3A_740 : i32 to index
        %get3A_742 = arith.constant 0 : index
        %get3A_743 = tpu.vector_load %arg8[%get3A_741, %get3A_742] {strides = array<i32>} : memref<256x32xf32, #tpu.memory_space<vmem>>, vector<16xf32>,
        %add3A_744 = arith.constant 11 : i32
        %add3A_745 = arith.addi %mul3A_629, %add3A_744 : i32
        %get3A_746 = arith.index_cast %add3A_745 : i32 to index
        %get3A_747 = arith.constant 16 : index
        %get3A_748 = tpu.vector_load %arg8[%get3A_746, %get3A_747] {strides = array<i32>} : memref<256x32xf32, #tpu.memory_space<vmem>>, vector<16xf32>,
        %add3A_749 = arith.constant 12 : i32
        %add3A_750 = arith.addi %mul3A_629, %add3A_749 : i32
        %get3A_751 = arith.index_cast %add3A_750 : i32 to index
        %get3A_752 = arith.constant 0 : index
        %get3A_753 = tpu.vector_load %arg8[%get3A_751, %get3A_752] {strides = array<i32>} : memref<256x32xf32, #tpu.memory_space<vmem>>, vector<16xf32>,
        %add3A_754 = arith.constant 12 : i32
        %add3A_755 = arith.addi %mul3A_629, %add3A_754 : i32
        %get3A_756 = arith.index_cast %add3A_755 : i32 to index
        %get3A_757 = arith.constant 16 : index
        %get3A_758 = tpu.vector_load %arg8[%get3A_756, %get3A_757] {strides = array<i32>} : memref<256x32xf32, #tpu.memory_space<vmem>>, vector<16xf32>,
        %add3A_759 = arith.constant 13 : i32
        %add3A_760 = arith.addi %mul3A_629, %add3A_759 : i32
        %get3A_761 = arith.index_cast %add3A_760 : i32 to index
        %get3A_762 = arith.constant 0 : index
        %get3A_763 = tpu.vector_load %arg8[%get3A_761, %get3A_762] {strides = array<i32>} : memref<256x32xf32, #tpu.memory_space<vmem>>, vector<16xf32>,
        %add3A_764 = arith.constant 13 : i32
        %add3A_765 = arith.addi %mul3A_629, %add3A_764 : i32
        %get3A_766 = arith.index_cast %add3A_765 : i32 to index
        %get3A_767 = arith.constant 16 : index
        %get3A_768 = tpu.vector_load %arg8[%get3A_766, %get3A_767] {strides = array<i32>} : memref<256x32xf32, #tpu.memory_space<vmem>>, vector<16xf32>,
        %add3A_769 = arith.constant 14 : i32
        %add3A_770 = arith.addi %mul3A_629, %add3A_769 : i32
        %get3A_771 = arith.index_cast %add3A_770 : i32 to index
        %get3A_772 = arith.constant 0 : index
        %get3A_773 = tpu.vector_load %arg8[%get3A_771, %get3A_772] {strides = array<i32>} : memref<256x32xf32, #tpu.memory_space<vmem>>, vector<16xf32>,
        %add3A_774 = arith.constant 14 : i32
        %add3A_775 = arith.addi %mul3A_629, %add3A_774 : i32
        %get3A_776 = arith.index_cast %add3A_775 : i32 to index
        %get3A_777 = arith.constant 16 : index
        %get3A_778 = tpu.vector_load %arg8[%get3A_776, %get3A_777] {strides = array<i32>} : memref<256x32xf32, #tpu.memory_space<vmem>>, vector<16xf32>,
        %add3A_779 = arith.constant 15 : i32
        %add3A_780 = arith.addi %mul3A_629, %add3A_779 : i32
        %get3A_781 = arith.index_cast %add3A_780 : i32 to index
        %get3A_782 = arith.constant 0 : index
        %get3A_783 = tpu.vector_load %arg8[%get3A_781, %get3A_782] {strides = array<i32>} : memref<256x32xf32, #tpu.memory_space<vmem>>, vector<16xf32>,
        %add3A_784 = arith.constant 15 : i32
        %add3A_785 = arith.addi %mul3A_629, %add3A_784 : i32
        %get3A_786 = arith.index_cast %add3A_785 : i32 to index
        %get3A_787 = arith.constant 16 : index
        %get3A_788 = tpu.vector_load %arg8[%get3A_786, %get3A_787] {strides = array<i32>} : memref<256x32xf32, #tpu.memory_space<vmem>>, vector<16xf32>,
        %add3A_789 = arith.constant 0 : i32
        %add3A_790 = arith.addi %mul3A_629, %add3A_789 : i32
        %mul3A_791 = arith.constant 33 : i32
        %mul3A_792 = arith.muli %add3A_790, %mul3A_791 : i32
        %swap3A_793 = arith.index_cast %mul3A_792 : i32 to index
        %swap3A_794 = tpu.vector_load %arg10[%swap3A_793] {strides = array<i32>} : memref<8448xf32, #tpu.memory_space<vmem>>, vector<16xf32>,
        tpu.vector_store %arg10[%swap3A_793], %get3A_633 {strides = array<i32>} : memref<8448xf32, #tpu.memory_space<vmem>>, vector<16xf32>,
        %add3A_795 = arith.constant 0 : i32
        %add3A_796 = arith.addi %mul3A_629, %add3A_795 : i32
        %mul3A_797 = arith.constant 33 : i32
        %mul3A_798 = arith.muli %add3A_796, %mul3A_797 : i32
        %add3A_799 = arith.constant 16 : i32
        %add3A_800 = arith.addi %mul3A_798, %add3A_799 : i32
        %swap3A_801 = arith.index_cast %add3A_800 : i32 to index
        %swap3A_802 = tpu.vector_load %arg10[%swap3A_801] {strides = array<i32>} : memref<8448xf32, #tpu.memory_space<vmem>>, vector<16xf32>,
        tpu.vector_store %arg10[%swap3A_801], %get3A_638 {strides = array<i32>} : memref<8448xf32, #tpu.memory_space<vmem>>, vector<16xf32>,
        %add3A_803 = arith.constant 1 : i32
        %add3A_804 = arith.addi %mul3A_629, %add3A_803 : i32
        %mul3A_805 = arith.constant 33 : i32
        %mul3A_806 = arith.muli %add3A_804, %mul3A_805 : i32
        %swap3A_807 = arith.index_cast %mul3A_806 : i32 to index
        %swap3A_808 = tpu.vector_load %arg10[%swap3A_807] {strides = array<i32>} : memref<8448xf32, #tpu.memory_space<vmem>>, vector<16xf32>,
        tpu.vector_store %arg10[%swap3A_807], %get3A_643 {strides = array<i32>} : memref<8448xf32, #tpu.memory_space<vmem>>, vector<16xf32>,
        %add3A_809 = arith.constant 1 : i32
        %add3A_810 = arith.addi %mul3A_629, %add3A_809 : i32
        %mul3A_811 = arith.constant 33 : i32
        %mul3A_812 = arith.muli %add3A_810, %mul3A_811 : i32
        %add3A_813 = arith.constant 16 : i32
        %add3A_814 = arith.addi %mul3A_812, %add3A_813 : i32
        %swap3A_815 = arith.index_cast %add3A_814 : i32 to index
        %swap3A_816 = tpu.vector_load %arg10[%swap3A_815] {strides = array<i32>} : memref<8448xf32, #tpu.memory_space<vmem>>, vector<16xf32>,
        tpu.vector_store %arg10[%swap3A_815], %get3A_648 {strides = array<i32>} : memref<8448xf32, #tpu.memory_space<vmem>>, vector<16xf32>,
        %add3A_817 = arith.constant 2 : i32
        %add3A_818 = arith.addi %mul3A_629, %add3A_817 : i32
        %mul3A_819 = arith.constant 33 : i32
        %mul3A_820 = arith.muli %add3A_818, %mul3A_819 : i32
        %swap3A_821 = arith.index_cast %mul3A_820 : i32 to index
        %swap3A_822 = tpu.vector_load %arg10[%swap3A_821] {strides = array<i32>} : memref<8448xf32, #tpu.memory_space<vmem>>, vector<16xf32>,
        tpu.vector_store %arg10[%swap3A_821], %get3A_653 {strides = array<i32>} : memref<8448xf32, #tpu.memory_space<vmem>>, vector<16xf32>,
        %add3A_823 = arith.constant 2 : i32
        %add3A_824 = arith.addi %mul3A_629, %add3A_823 : i32
        %mul3A_825 = arith.constant 33 : i32
        %mul3A_826 = arith.muli %add3A_824, %mul3A_825 : i32
        %add3A_827 = arith.constant 16 : i32
        %add3A_828 = arith.addi %mul3A_826, %add3A_827 : i32
        %swap3A_829 = arith.index_cast %add3A_828 : i32 to index
        %swap3A_830 = tpu.vector_load %arg10[%swap3A_829] {strides = array<i32>} : memref<8448xf32, #tpu.memory_space<vmem>>, vector<16xf32>,
        tpu.vector_store %arg10[%swap3A_829], %get3A_658 {strides = array<i32>} : memref<8448xf32, #tpu.memory_space<vmem>>, vector<16xf32>,
        %add3A_831 = arith.constant 3 : i32
        %add3A_832 = arith.addi %mul3A_629, %add3A_831 : i32
        %mul3A_833 = arith.constant 33 : i32
        %mul3A_834 = arith.muli %add3A_832, %mul3A_833 : i32
        %swap3A_835 = arith.index_cast %mul3A_834 : i32 to index
        %swap3A_836 = tpu.vector_load %arg10[%swap3A_835] {strides = array<i32>} : memref<8448xf32, #tpu.memory_space<vmem>>, vector<16xf32>,
        tpu.vector_store %arg10[%swap3A_835], %get3A_663 {strides = array<i32>} : memref<8448xf32, #tpu.memory_space<vmem>>, vector<16xf32>,
        %add3A_837 = arith.constant 3 : i32
        %add3A_838 = arith.addi %mul3A_629, %add3A_837 : i32
        %mul3A_839 = arith.constant 33 : i32
        %mul3A_840 = arith.muli %add3A_838, %mul3A_839 : i32
        %add3A_841 = arith.constant 16 : i32
        %add3A_842 = arith.addi %mul3A_840, %add3A_841 : i32
        %swap3A_843 = arith.index_cast %add3A_842 : i32 to index
        %swap3A_844 = tpu.vector_load %arg10[%swap3A_843] {strides = array<i32>} : memref<8448xf32, #tpu.memory_space<vmem>>, vector<16xf32>,
        tpu.vector_store %arg10[%swap3A_843], %get3A_668 {strides = array<i32>} : memref<8448xf32, #tpu.memory_space<vmem>>, vector<16xf32>,
        %add3A_845 = arith.constant 4 : i32
        %add3A_846 = arith.addi %mul3A_629, %add3A_845 : i32
        %mul3A_847 = arith.constant 33 : i32
        %mul3A_848 = arith.muli %add3A_846, %mul3A_847 : i32
        %swap3A_849 = arith.index_cast %mul3A_848 : i32 to index
        %swap3A_850 = tpu.vector_load %arg10[%swap3A_849] {strides = array<i32>} : memref<8448xf32, #tpu.memory_space<vmem>>, vector<16xf32>,
        tpu.vector_store %arg10[%swap3A_849], %get3A_673 {strides = array<i32>} : memref<8448xf32, #tpu.memory_space<vmem>>, vector<16xf32>,
        %add3A_851 = arith.constant 4 : i32
        %add3A_852 = arith.addi %mul3A_629, %add3A_851 : i32
        %mul3A_853 = arith.constant 33 : i32
        %mul3A_854 = arith.muli %add3A_852, %mul3A_853 : i32
        %add3A_855 = arith.constant 16 : i32
        %add3A_856 = arith.addi %mul3A_854, %add3A_855 : i32
        %swap3A_857 = arith.index_cast %add3A_856 : i32 to index
        %swap3A_858 = tpu.vector_load %arg10[%swap3A_857] {strides = array<i32>} : memref<8448xf32, #tpu.memory_space<vmem>>, vector<16xf32>,
        tpu.vector_store %arg10[%swap3A_857], %get3A_678 {strides = array<i32>} : memref<8448xf32, #tpu.memory_space<vmem>>, vector<16xf32>,
        %add3A_859 = arith.constant 5 : i32
        %add3A_860 = arith.addi %mul3A_629, %add3A_859 : i32
        %mul3A_861 = arith.constant 33 : i32
        %mul3A_862 = arith.muli %add3A_860, %mul3A_861 : i32
        %swap3A_863 = arith.index_cast %mul3A_862 : i32 to index
        %swap3A_864 = tpu.vector_load %arg10[%swap3A_863] {strides = array<i32>} : memref<8448xf32, #tpu.memory_space<vmem>>, vector<16xf32>,
        tpu.vector_store %arg10[%swap3A_863], %get3A_683 {strides = array<i32>} : memref<8448xf32, #tpu.memory_space<vmem>>, vector<16xf32>,
        %add3A_865 = arith.constant 5 : i32
        %add3A_866 = arith.addi %mul3A_629, %add3A_865 : i32
        %mul3A_867 = arith.constant 33 : i32
        %mul3A_868 = arith.muli %add3A_866, %mul3A_867 : i32
        %add3A_869 = arith.constant 16 : i32
        %add3A_870 = arith.addi %mul3A_868, %add3A_869 : i32
        %swap3A_871 = arith.index_cast %add3A_870 : i32 to index
        %swap3A_872 = tpu.vector_load %arg10[%swap3A_871] {strides = array<i32>} : memref<8448xf32, #tpu.memory_space<vmem>>, vector<16xf32>,
        tpu.vector_store %arg10[%swap3A_871], %get3A_688 {strides = array<i32>} : memref<8448xf32, #tpu.memory_space<vmem>>, vector<16xf32>,
        %add3A_873 = arith.constant 6 : i32
        %add3A_874 = arith.addi %mul3A_629, %add3A_873 : i32
        %mul3A_875 = arith.constant 33 : i32
        %mul3A_876 = arith.muli %add3A_874, %mul3A_875 : i32
        %swap3A_877 = arith.index_cast %mul3A_876 : i32 to index
        %swap3A_878 = tpu.vector_load %arg10[%swap3A_877] {strides = array<i32>} : memref<8448xf32, #tpu.memory_space<vmem>>, vector<16xf32>,
        tpu.vector_store %arg10[%swap3A_877], %get3A_693 {strides = array<i32>} : memref<8448xf32, #tpu.memory_space<vmem>>, vector<16xf32>,
        %add3A_879 = arith.constant 6 : i32
        %add3A_880 = arith.addi %mul3A_629, %add3A_879 : i32
        %mul3A_881 = arith.constant 33 : i32
        %mul3A_882 = arith.muli %add3A_880, %mul3A_881 : i32
        %add3A_883 = arith.constant 16 : i32
        %add3A_884 = arith.addi %mul3A_882, %add3A_883 : i32
        %swap3A_885 = arith.index_cast %add3A_884 : i32 to index
        %swap3A_886 = tpu.vector_load %arg10[%swap3A_885] {strides = array<i32>} : memref<8448xf32, #tpu.memory_space<vmem>>, vector<16xf32>,
        tpu.vector_store %arg10[%swap3A_885], %get3A_698 {strides = array<i32>} : memref<8448xf32, #tpu.memory_space<vmem>>, vector<16xf32>,
        %add3A_887 = arith.constant 7 : i32
        %add3A_888 = arith.addi %mul3A_629, %add3A_887 : i32
        %mul3A_889 = arith.constant 33 : i32
        %mul3A_890 = arith.muli %add3A_888, %mul3A_889 : i32
        %swap3A_891 = arith.index_cast %mul3A_890 : i32 to index
        %swap3A_892 = tpu.vector_load %arg10[%swap3A_891] {strides = array<i32>} : memref<8448xf32, #tpu.memory_space<vmem>>, vector<16xf32>,
        tpu.vector_store %arg10[%swap3A_891], %get3A_703 {strides = array<i32>} : memref<8448xf32, #tpu.memory_space<vmem>>, vector<16xf32>,
        %add3A_893 = arith.constant 7 : i32
        %add3A_894 = arith.addi %mul3A_629, %add3A_893 : i32
        %mul3A_895 = arith.constant 33 : i32
        %mul3A_896 = arith.muli %add3A_894, %mul3A_895 : i32
        %add3A_897 = arith.constant 16 : i32
        %add3A_898 = arith.addi %mul3A_896, %add3A_897 : i32
        %swap3A_899 = arith.index_cast %add3A_898 : i32 to index
        %swap3A_900 = tpu.vector_load %arg10[%swap3A_899] {strides = array<i32>} : memref<8448xf32, #tpu.memory_space<vmem>>, vector<16xf32>,
        tpu.vector_store %arg10[%swap3A_899], %get3A_708 {strides = array<i32>} : memref<8448xf32, #tpu.memory_space<vmem>>, vector<16xf32>,
        %add3A_901 = arith.constant 8 : i32
        %add3A_902 = arith.addi %mul3A_629, %add3A_901 : i32
        %mul3A_903 = arith.constant 33 : i32
        %mul3A_904 = arith.muli %add3A_902, %mul3A_903 : i32
        %swap3A_905 = arith.index_cast %mul3A_904 : i32 to index
        %swap3A_906 = tpu.vector_load %arg10[%swap3A_905] {strides = array<i32>} : memref<8448xf32, #tpu.memory_space<vmem>>, vector<16xf32>,
        tpu.vector_store %arg10[%swap3A_905], %get3A_713 {strides = array<i32>} : memref<8448xf32, #tpu.memory_space<vmem>>, vector<16xf32>,
        %add3A_907 = arith.constant 8 : i32
        %add3A_908 = arith.addi %mul3A_629, %add3A_907 : i32
        %mul3A_909 = arith.constant 33 : i32
        %mul3A_910 = arith.muli %add3A_908, %mul3A_909 : i32
        %add3A_911 = arith.constant 16 : i32
        %add3A_912 = arith.addi %mul3A_910, %add3A_911 : i32
        %swap3A_913 = arith.index_cast %add3A_912 : i32 to index
        %swap3A_914 = tpu.vector_load %arg10[%swap3A_913] {strides = array<i32>} : memref<8448xf32, #tpu.memory_space<vmem>>, vector<16xf32>,
        tpu.vector_store %arg10[%swap3A_913], %get3A_718 {strides = array<i32>} : memref<8448xf32, #tpu.memory_space<vmem>>, vector<16xf32>,
        %add3A_915 = arith.constant 9 : i32
        %add3A_916 = arith.addi %mul3A_629, %add3A_915 : i32
        %mul3A_917 = arith.constant 33 : i32
        %mul3A_918 = arith.muli %add3A_916, %mul3A_917 : i32
        %swap3A_919 = arith.index_cast %mul3A_918 : i32 to index
        %swap3A_920 = tpu.vector_load %arg10[%swap3A_919] {strides = array<i32>} : memref<8448xf32, #tpu.memory_space<vmem>>, vector<16xf32>,
        tpu.vector_store %arg10[%swap3A_919], %get3A_723 {strides = array<i32>} : memref<8448xf32, #tpu.memory_space<vmem>>, vector<16xf32>,
        %add3A_921 = arith.constant 9 : i32
        %add3A_922 = arith.addi %mul3A_629, %add3A_921 : i32
        %mul3A_923 = arith.constant 33 : i32
        %mul3A_924 = arith.muli %add3A_922, %mul3A_923 : i32
        %add3A_925 = arith.constant 16 : i32
        %add3A_926 = arith.addi %mul3A_924, %add3A_925 : i32
        %swap3A_927 = arith.index_cast %add3A_926 : i32 to index
        %swap3A_928 = tpu.vector_load %arg10[%swap3A_927] {strides = array<i32>} : memref<8448xf32, #tpu.memory_space<vmem>>, vector<16xf32>,
        tpu.vector_store %arg10[%swap3A_927], %get3A_728 {strides = array<i32>} : memref<8448xf32, #tpu.memory_space<vmem>>, vector<16xf32>,
        %add3A_929 = arith.constant 10 : i32
        %add3A_930 = arith.addi %mul3A_629, %add3A_929 : i32
        %mul3A_931 = arith.constant 33 : i32
        %mul3A_932 = arith.muli %add3A_930, %mul3A_931 : i32
        %swap3A_933 = arith.index_cast %mul3A_932 : i32 to index
        %swap3A_934 = tpu.vector_load %arg10[%swap3A_933] {strides = array<i32>} : memref<8448xf32, #tpu.memory_space<vmem>>, vector<16xf32>,
        tpu.vector_store %arg10[%swap3A_933], %get3A_733 {strides = array<i32>} : memref<8448xf32, #tpu.memory_space<vmem>>, vector<16xf32>,
        %add3A_935 = arith.constant 10 : i32
        %add3A_936 = arith.addi %mul3A_629, %add3A_935 : i32
        %mul3A_937 = arith.constant 33 : i32
        %mul3A_938 = arith.muli %add3A_936, %mul3A_937 : i32
        %add3A_939 = arith.constant 16 : i32
        %add3A_940 = arith.addi %mul3A_938, %add3A_939 : i32
        %swap3A_941 = arith.index_cast %add3A_940 : i32 to index
        %swap3A_942 = tpu.vector_load %arg10[%swap3A_941] {strides = array<i32>} : memref<8448xf32, #tpu.memory_space<vmem>>, vector<16xf32>,
        tpu.vector_store %arg10[%swap3A_941], %get3A_738 {strides = array<i32>} : memref<8448xf32, #tpu.memory_space<vmem>>, vector<16xf32>,
        %add3A_943 = arith.constant 11 : i32
        %add3A_944 = arith.addi %mul3A_629, %add3A_943 : i32
        %mul3A_945 = arith.constant 33 : i32
        %mul3A_946 = arith.muli %add3A_944, %mul3A_945 : i32
        %swap3A_947 = arith.index_cast %mul3A_946 : i32 to index
        %swap3A_948 = tpu.vector_load %arg10[%swap3A_947] {strides = array<i32>} : memref<8448xf32, #tpu.memory_space<vmem>>, vector<16xf32>,
        tpu.vector_store %arg10[%swap3A_947], %get3A_743 {strides = array<i32>} : memref<8448xf32, #tpu.memory_space<vmem>>, vector<16xf32>,
        %add3A_949 = arith.constant 11 : i32
        %add3A_950 = arith.addi %mul3A_629, %add3A_949 : i32
        %mul3A_951 = arith.constant 33 : i32
        %mul3A_952 = arith.muli %add3A_950, %mul3A_951 : i32
        %add3A_953 = arith.constant 16 : i32
        %add3A_954 = arith.addi %mul3A_952, %add3A_953 : i32
        %swap3A_955 = arith.index_cast %add3A_954 : i32 to index
        %swap3A_956 = tpu.vector_load %arg10[%swap3A_955] {strides = array<i32>} : memref<8448xf32, #tpu.memory_space<vmem>>, vector<16xf32>,
        tpu.vector_store %arg10[%swap3A_955], %get3A_748 {strides = array<i32>} : memref<8448xf32, #tpu.memory_space<vmem>>, vector<16xf32>,
        %add3A_957 = arith.constant 12 : i32
        %add3A_958 = arith.addi %mul3A_629, %add3A_957 : i32
        %mul3A_959 = arith.constant 33 : i32
        %mul3A_960 = arith.muli %add3A_958, %mul3A_959 : i32
        %swap3A_961 = arith.index_cast %mul3A_960 : i32 to index
        %swap3A_962 = tpu.vector_load %arg10[%swap3A_961] {strides = array<i32>} : memref<8448xf32, #tpu.memory_space<vmem>>, vector<16xf32>,
        tpu.vector_store %arg10[%swap3A_961], %get3A_753 {strides = array<i32>} : memref<8448xf32, #tpu.memory_space<vmem>>, vector<16xf32>,
        %add3A_963 = arith.constant 12 : i32
        %add3A_964 = arith.addi %mul3A_629, %add3A_963 : i32
        %mul3A_965 = arith.constant 33 : i32
        %mul3A_966 = arith.muli %add3A_964, %mul3A_965 : i32
        %add3A_967 = arith.constant 16 : i32
        %add3A_968 = arith.addi %mul3A_966, %add3A_967 : i32
        %swap3A_969 = arith.index_cast %add3A_968 : i32 to index
        %swap3A_970 = tpu.vector_load %arg10[%swap3A_969] {strides = array<i32>} : memref<8448xf32, #tpu.memory_space<vmem>>, vector<16xf32>,
        tpu.vector_store %arg10[%swap3A_969], %get3A_758 {strides = array<i32>} : memref<8448xf32, #tpu.memory_space<vmem>>, vector<16xf32>,
        %add3A_971 = arith.constant 13 : i32
        %add3A_972 = arith.addi %mul3A_629, %add3A_971 : i32
        %mul3A_973 = arith.constant 33 : i32
        %mul3A_974 = arith.muli %add3A_972, %mul3A_973 : i32
        %swap3A_975 = arith.index_cast %mul3A_974 : i32 to index
        %swap3A_976 = tpu.vector_load %arg10[%swap3A_975] {strides = array<i32>} : memref<8448xf32, #tpu.memory_space<vmem>>, vector<16xf32>,
        tpu.vector_store %arg10[%swap3A_975], %get3A_763 {strides = array<i32>} : memref<8448xf32, #tpu.memory_space<vmem>>, vector<16xf32>,
        %add3A_977 = arith.constant 13 : i32
        %add3A_978 = arith.addi %mul3A_629, %add3A_977 : i32
        %mul3A_979 = arith.constant 33 : i32
        %mul3A_980 = arith.muli %add3A_978, %mul3A_979 : i32
        %add3A_981 = arith.constant 16 : i32
        %add3A_982 = arith.addi %mul3A_980, %add3A_981 : i32
        %swap3A_983 = arith.index_cast %add3A_982 : i32 to index
        %swap3A_984 = tpu.vector_load %arg10[%swap3A_983] {strides = array<i32>} : memref<8448xf32, #tpu.memory_space<vmem>>, vector<16xf32>,
        tpu.vector_store %arg10[%swap3A_983], %get3A_768 {strides = array<i32>} : memref<8448xf32, #tpu.memory_space<vmem>>, vector<16xf32>,
        %add3A_985 = arith.constant 14 : i32
        %add3A_986 = arith.addi %mul3A_629, %add3A_985 : i32
        %mul3A_987 = arith.constant 33 : i32
        %mul3A_988 = arith.muli %add3A_986, %mul3A_987 : i32
        %swap3A_989 = arith.index_cast %mul3A_988 : i32 to index
        %swap3A_990 = tpu.vector_load %arg10[%swap3A_989] {strides = array<i32>} : memref<8448xf32, #tpu.memory_space<vmem>>, vector<16xf32>,
        tpu.vector_store %arg10[%swap3A_989], %get3A_773 {strides = array<i32>} : memref<8448xf32, #tpu.memory_space<vmem>>, vector<16xf32>,
        %add3A_991 = arith.constant 14 : i32
        %add3A_992 = arith.addi %mul3A_629, %add3A_991 : i32
        %mul3A_993 = arith.constant 33 : i32
        %mul3A_994 = arith.muli %add3A_992, %mul3A_993 : i32
        %add3A_995 = arith.constant 16 : i32
        %add3A_996 = arith.addi %mul3A_994, %add3A_995 : i32
        %swap3A_997 = arith.index_cast %add3A_996 : i32 to index
        %swap3A_998 = tpu.vector_load %arg10[%swap3A_997] {strides = array<i32>} : memref<8448xf32, #tpu.memory_space<vmem>>, vector<16xf32>,
        tpu.vector_store %arg10[%swap3A_997], %get3A_778 {strides = array<i32>} : memref<8448xf32, #tpu.memory_space<vmem>>, vector<16xf32>,
        %add3A_999 = arith.constant 15 : i32
        %add3A_1000 = arith.addi %mul3A_629, %add3A_999 : i32
        %mul3A_1001 = arith.constant 33 : i32
        %mul3A_1002 = arith.muli %add3A_1000, %mul3A_1001 : i32
        %swap3A_1003 = arith.index_cast %mul3A_1002 : i32 to index
        %swap3A_1004 = tpu.vector_load %arg10[%swap3A_1003] {strides = array<i32>} : memref<8448xf32, #tpu.memory_space<vmem>>, vector<16xf32>,
        tpu.vector_store %arg10[%swap3A_1003], %get3A_783 {strides = array<i32>} : memref<8448xf32, #tpu.memory_space<vmem>>, vector<16xf32>,
        %add3A_1005 = arith.constant 15 : i32
        %add3A_1006 = arith.addi %mul3A_629, %add3A_1005 : i32
        %mul3A_1007 = arith.constant 33 : i32
        %mul3A_1008 = arith.muli %add3A_1006, %mul3A_1007 : i32
        %add3A_1009 = arith.constant 16 : i32
        %add3A_1010 = arith.addi %mul3A_1008, %add3A_1009 : i32
        %swap3A_1011 = arith.index_cast %add3A_1010 : i32 to index
        %swap3A_1012 = tpu.vector_load %arg10[%swap3A_1011] {strides = array<i32>} : memref<8448xf32, #tpu.memory_space<vmem>>, vector<16xf32>,
        tpu.vector_store %arg10[%swap3A_1011], %get3A_788 {strides = array<i32>} : memref<8448xf32, #tpu.memory_space<vmem>>, vector<16xf32>,
        %scan3A_1013 = arith.constant 0 : i32
        scf.yield %scan3A_1013 : i32
      }
      %scan3A_274 = arith.constant 16 : i32
      %scan3A_275 = arith.constant 0 : i32
      %scan3A_276 = arith.constant 0 : i32
      %scan3A_277 = arith.constant 16 : i32
      %scan3A_278 = arith.addi %scan3A_276, %scan3A_277 : i32
      %scan3A_279 = arith.constant 1 : i32
      %scan3A_280 = scf.for %scan3A_626 = %scan3A_276 to %scan3A_278 step %scan3A_279 iter_args(%scan3A_627 = %scan3A_275) -> (i32)  : i32 {
        %mul3A_628 = arith.constant 16 : i32
        %mul3A_629 = arith.muli %mul3A_628, %scan3A_626 : i32
        %add3A_630 = vector.broadcast %mul3A_629 : i32 to vector<16xi32>
        %add3A_631 = arith.addi %iota3A, %add3A_630 : vector<16xi32>
        %mul3A_632 = arith.constant 33 : i32
        %mul3A_633 = vector.broadcast %mul3A_632 : i32 to vector<16xi32>
        %mul3A_634 = arith.muli %add3A_631, %mul3A_633 : vector<16xi32>
        %add3A_635 = arith.constant 0 : i32
        %add3A_636 = vector.broadcast %add3A_635 : i32 to vector<16xi32>
        %add3A_637 = arith.addi %mul3A_634, %add3A_636 : vector<16xi32>
        %gather3A_638 = tpu.vector_load_idx %arg10[%add3A_637] : memref<8448xf32, #tpu.memory_space<vmem>>[vector<16xi32>], vector<16xf32>,
        %mul3A_639 = arith.constant 5.65685415 : f32
        %mul3A_640 = vector.broadcast %mul3A_639 : f32 to vector<16xf32>
        %mul3A_641 = arith.mulf %gather3A_638, %mul3A_640 : vector<16xf32>
        %add3A_642 = arith.constant 1 : i32
        %add3A_643 = vector.broadcast %add3A_642 : i32 to vector<16xi32>
        %add3A_644 = arith.addi %mul3A_634, %add3A_643 : vector<16xi32>
        %gather3A_645 = tpu.vector_load_idx %arg10[%add3A_644] : memref<8448xf32, #tpu.memory_space<vmem>>[vector<16xi32>], vector<16xf32>,
        %mul3A_646 = arith.constant 5.65685415 : f32
        %mul3A_647 = vector.broadcast %mul3A_646 : f32 to vector<16xf32>
        %mul3A_648 = arith.mulf %gather3A_645, %mul3A_647 : vector<16xf32>
        %add3A_649 = arith.constant 2 : i32
        %add3A_650 = vector.broadcast %add3A_649 : i32 to vector<16xi32>
        %add3A_651 = arith.addi %mul3A_634, %add3A_650 : vector<16xi32>
        %gather3A_652 = tpu.vector_load_idx %arg10[%add3A_651] : memref<8448xf32, #tpu.memory_space<vmem>>[vector<16xi32>], vector<16xf32>,
        %mul3A_653 = arith.constant 5.65685415 : f32
        %mul3A_654 = vector.broadcast %mul3A_653 : f32 to vector<16xf32>
        %mul3A_655 = arith.mulf %gather3A_652, %mul3A_654 : vector<16xf32>
        %add3A_656 = arith.constant 3 : i32
        %add3A_657 = vector.broadcast %add3A_656 : i32 to vector<16xi32>
        %add3A_658 = arith.addi %mul3A_634, %add3A_657 : vector<16xi32>
        %gather3A_659 = tpu.vector_load_idx %arg10[%add3A_658] : memref<8448xf32, #tpu.memory_space<vmem>>[vector<16xi32>], vector<16xf32>,
        %mul3A_660 = arith.constant 5.65685415 : f32
        %mul3A_661 = vector.broadcast %mul3A_660 : f32 to vector<16xf32>
        %mul3A_662 = arith.mulf %gather3A_659, %mul3A_661 : vector<16xf32>
        %add3A_663 = arith.constant 4 : i32
        %add3A_664 = vector.broadcast %add3A_663 : i32 to vector<16xi32>
        %add3A_665 = arith.addi %mul3A_634, %add3A_664 : vector<16xi32>
        %gather3A_666 = tpu.vector_load_idx %arg10[%add3A_665] : memref<8448xf32, #tpu.memory_space<vmem>>[vector<16xi32>], vector<16xf32>,
        %mul3A_667 = arith.constant 5.65685415 : f32
        %mul3A_668 = vector.broadcast %mul3A_667 : f32 to vector<16xf32>
        %mul3A_669 = arith.mulf %gather3A_666, %mul3A_668 : vector<16xf32>
        %add3A_670 = arith.constant 5 : i32
        %add3A_671 = vector.broadcast %add3A_670 : i32 to vector<16xi32>
        %add3A_672 = arith.addi %mul3A_634, %add3A_671 : vector<16xi32>
        %gather3A_673 = tpu.vector_load_idx %arg10[%add3A_672] : memref<8448xf32, #tpu.memory_space<vmem>>[vector<16xi32>], vector<16xf32>,
        %mul3A_674 = arith.constant 5.65685415 : f32
        %mul3A_675 = vector.broadcast %mul3A_674 : f32 to vector<16xf32>
        %mul3A_676 = arith.mulf %gather3A_673, %mul3A_675 : vector<16xf32>
        %add3A_677 = arith.constant 6 : i32
        %add3A_678 = vector.broadcast %add3A_677 : i32 to vector<16xi32>
        %add3A_679 = arith.addi %mul3A_634, %add3A_678 : vector<16xi32>
        %gather3A_680 = tpu.vector_load_idx %arg10[%add3A_679] : memref<8448xf32, #tpu.memory_space<vmem>>[vector<16xi32>], vector<16xf32>,
        %mul3A_681 = arith.constant 5.65685415 : f32
        %mul3A_682 = vector.broadcast %mul3A_681 : f32 to vector<16xf32>
        %mul3A_683 = arith.mulf %gather3A_680, %mul3A_682 : vector<16xf32>
        %add3A_684 = arith.constant 7 : i32
        %add3A_685 = vector.broadcast %add3A_684 : i32 to vector<16xi32>
        %add3A_686 = arith.addi %mul3A_634, %add3A_685 : vector<16xi32>
        %gather3A_687 = tpu.vector_load_idx %arg10[%add3A_686] : memref<8448xf32, #tpu.memory_space<vmem>>[vector<16xi32>], vector<16xf32>,
        %mul3A_688 = arith.constant 5.65685415 : f32
        %mul3A_689 = vector.broadcast %mul3A_688 : f32 to vector<16xf32>
        %mul3A_690 = arith.mulf %gather3A_687, %mul3A_689 : vector<16xf32>
        %add3A_691 = arith.constant 8 : i32
        %add3A_692 = vector.broadcast %add3A_691 : i32 to vector<16xi32>
        %add3A_693 = arith.addi %mul3A_634, %add3A_692 : vector<16xi32>
        %gather3A_694 = tpu.vector_load_idx %arg10[%add3A_693] : memref<8448xf32, #tpu.memory_space<vmem>>[vector<16xi32>], vector<16xf32>,
        %mul3A_695 = arith.constant 5.65685415 : f32
        %mul3A_696 = vector.broadcast %mul3A_695 : f32 to vector<16xf32>
        %mul3A_697 = arith.mulf %gather3A_694, %mul3A_696 : vector<16xf32>
        %add3A_698 = arith.constant 9 : i32
        %add3A_699 = vector.broadcast %add3A_698 : i32 to vector<16xi32>
        %add3A_700 = arith.addi %mul3A_634, %add3A_699 : vector<16xi32>
        %gather3A_701 = tpu.vector_load_idx %arg10[%add3A_700] : memref<8448xf32, #tpu.memory_space<vmem>>[vector<16xi32>], vector<16xf32>,
        %mul3A_702 = arith.constant 5.65685415 : f32
        %mul3A_703 = vector.broadcast %mul3A_702 : f32 to vector<16xf32>
        %mul3A_704 = arith.mulf %gather3A_701, %mul3A_703 : vector<16xf32>
        %add3A_705 = arith.constant 10 : i32
        %add3A_706 = vector.broadcast %add3A_705 : i32 to vector<16xi32>
        %add3A_707 = arith.addi %mul3A_634, %add3A_706 : vector<16xi32>
        %gather3A_708 = tpu.vector_load_idx %arg10[%add3A_707] : memref<8448xf32, #tpu.memory_space<vmem>>[vector<16xi32>], vector<16xf32>,
        %mul3A_709 = arith.constant 5.65685415 : f32
        %mul3A_710 = vector.broadcast %mul3A_709 : f32 to vector<16xf32>
        %mul3A_711 = arith.mulf %gather3A_708, %mul3A_710 : vector<16xf32>
        %add3A_712 = arith.constant 11 : i32
        %add3A_713 = vector.broadcast %add3A_712 : i32 to vector<16xi32>
        %add3A_714 = arith.addi %mul3A_634, %add3A_713 : vector<16xi32>
        %gather3A_715 = tpu.vector_load_idx %arg10[%add3A_714] : memref<8448xf32, #tpu.memory_space<vmem>>[vector<16xi32>], vector<16xf32>,
        %mul3A_716 = arith.constant 5.65685415 : f32
        %mul3A_717 = vector.broadcast %mul3A_716 : f32 to vector<16xf32>
        %mul3A_718 = arith.mulf %gather3A_715, %mul3A_717 : vector<16xf32>
        %add3A_719 = arith.constant 12 : i32
        %add3A_720 = vector.broadcast %add3A_719 : i32 to vector<16xi32>
        %add3A_721 = arith.addi %mul3A_634, %add3A_720 : vector<16xi32>
        %gather3A_722 = tpu.vector_load_idx %arg10[%add3A_721] : memref<8448xf32, #tpu.memory_space<vmem>>[vector<16xi32>], vector<16xf32>,
        %mul3A_723 = arith.constant 5.65685415 : f32
        %mul3A_724 = vector.broadcast %mul3A_723 : f32 to vector<16xf32>
        %mul3A_725 = arith.mulf %gather3A_722, %mul3A_724 : vector<16xf32>
        %add3A_726 = arith.constant 13 : i32
        %add3A_727 = vector.broadcast %add3A_726 : i32 to vector<16xi32>
        %add3A_728 = arith.addi %mul3A_634, %add3A_727 : vector<16xi32>
        %gather3A_729 = tpu.vector_load_idx %arg10[%add3A_728] : memref<8448xf32, #tpu.memory_space<vmem>>[vector<16xi32>], vector<16xf32>,
        %mul3A_730 = arith.constant 5.65685415 : f32
        %mul3A_731 = vector.broadcast %mul3A_730 : f32 to vector<16xf32>
        %mul3A_732 = arith.mulf %gather3A_729, %mul3A_731 : vector<16xf32>
        %add3A_733 = arith.constant 14 : i32
        %add3A_734 = vector.broadcast %add3A_733 : i32 to vector<16xi32>
        %add3A_735 = arith.addi %mul3A_634, %add3A_734 : vector<16xi32>
        %gather3A_736 = tpu.vector_load_idx %arg10[%add3A_735] : memref<8448xf32, #tpu.memory_space<vmem>>[vector<16xi32>], vector<16xf32>,
        %mul3A_737 = arith.constant 5.65685415 : f32
        %mul3A_738 = vector.broadcast %mul3A_737 : f32 to vector<16xf32>
        %mul3A_739 = arith.mulf %gather3A_736, %mul3A_738 : vector<16xf32>
        %add3A_740 = arith.constant 15 : i32
        %add3A_741 = vector.broadcast %add3A_740 : i32 to vector<16xi32>
        %add3A_742 = arith.addi %mul3A_634, %add3A_741 : vector<16xi32>
        %gather3A_743 = tpu.vector_load_idx %arg10[%add3A_742] : memref<8448xf32, #tpu.memory_space<vmem>>[vector<16xi32>], vector<16xf32>,
        %mul3A_744 = arith.constant 5.65685415 : f32
        %mul3A_745 = vector.broadcast %mul3A_744 : f32 to vector<16xf32>
        %mul3A_746 = arith.mulf %gather3A_743, %mul3A_745 : vector<16xf32>
        %add3A_747 = arith.constant 16 : i32
        %add3A_748 = vector.broadcast %add3A_747 : i32 to vector<16xi32>
        %add3A_749 = arith.addi %mul3A_634, %add3A_748 : vector<16xi32>
        %gather3A_750 = tpu.vector_load_idx %arg10[%add3A_749] : memref<8448xf32, #tpu.memory_space<vmem>>[vector<16xi32>], vector<16xf32>,
        %mul3A_751 = arith.constant 5.65685415 : f32
        %mul3A_752 = vector.broadcast %mul3A_751 : f32 to vector<16xf32>
        %mul3A_753 = arith.mulf %gather3A_750, %mul3A_752 : vector<16xf32>
        %add3A_754 = arith.constant 17 : i32
        %add3A_755 = vector.broadcast %add3A_754 : i32 to vector<16xi32>
        %add3A_756 = arith.addi %mul3A_634, %add3A_755 : vector<16xi32>
        %gather3A_757 = tpu.vector_load_idx %arg10[%add3A_756] : memref<8448xf32, #tpu.memory_space<vmem>>[vector<16xi32>], vector<16xf32>,
        %mul3A_758 = arith.constant 5.65685415 : f32
        %mul3A_759 = vector.broadcast %mul3A_758 : f32 to vector<16xf32>
        %mul3A_760 = arith.mulf %gather3A_757, %mul3A_759 : vector<16xf32>
        %add3A_761 = arith.constant 18 : i32
        %add3A_762 = vector.broadcast %add3A_761 : i32 to vector<16xi32>
        %add3A_763 = arith.addi %mul3A_634, %add3A_762 : vector<16xi32>
        %gather3A_764 = tpu.vector_load_idx %arg10[%add3A_763] : memref<8448xf32, #tpu.memory_space<vmem>>[vector<16xi32>], vector<16xf32>,
        %mul3A_765 = arith.constant 5.65685415 : f32
        %mul3A_766 = vector.broadcast %mul3A_765 : f32 to vector<16xf32>
        %mul3A_767 = arith.mulf %gather3A_764, %mul3A_766 : vector<16xf32>
        %add3A_768 = arith.constant 19 : i32
        %add3A_769 = vector.broadcast %add3A_768 : i32 to vector<16xi32>
        %add3A_770 = arith.addi %mul3A_634, %add3A_769 : vector<16xi32>
        %gather3A_771 = tpu.vector_load_idx %arg10[%add3A_770] : memref<8448xf32, #tpu.memory_space<vmem>>[vector<16xi32>], vector<16xf32>,
        %mul3A_772 = arith.constant 5.65685415 : f32
        %mul3A_773 = vector.broadcast %mul3A_772 : f32 to vector<16xf32>
        %mul3A_774 = arith.mulf %gather3A_771, %mul3A_773 : vector<16xf32>
        %add3A_775 = arith.constant 20 : i32
        %add3A_776 = vector.broadcast %add3A_775 : i32 to vector<16xi32>
        %add3A_777 = arith.addi %mul3A_634, %add3A_776 : vector<16xi32>
        %gather3A_778 = tpu.vector_load_idx %arg10[%add3A_777] : memref<8448xf32, #tpu.memory_space<vmem>>[vector<16xi32>], vector<16xf32>,
        %mul3A_779 = arith.constant 5.65685415 : f32
        %mul3A_780 = vector.broadcast %mul3A_779 : f32 to vector<16xf32>
        %mul3A_781 = arith.mulf %gather3A_778, %mul3A_780 : vector<16xf32>
        %add3A_782 = arith.constant 21 : i32
        %add3A_783 = vector.broadcast %add3A_782 : i32 to vector<16xi32>
        %add3A_784 = arith.addi %mul3A_634, %add3A_783 : vector<16xi32>
        %gather3A_785 = tpu.vector_load_idx %arg10[%add3A_784] : memref<8448xf32, #tpu.memory_space<vmem>>[vector<16xi32>], vector<16xf32>,
        %mul3A_786 = arith.constant 5.65685415 : f32
        %mul3A_787 = vector.broadcast %mul3A_786 : f32 to vector<16xf32>
        %mul3A_788 = arith.mulf %gather3A_785, %mul3A_787 : vector<16xf32>
        %add3A_789 = arith.constant 22 : i32
        %add3A_790 = vector.broadcast %add3A_789 : i32 to vector<16xi32>
        %add3A_791 = arith.addi %mul3A_634, %add3A_790 : vector<16xi32>
        %gather3A_792 = tpu.vector_load_idx %arg10[%add3A_791] : memref<8448xf32, #tpu.memory_space<vmem>>[vector<16xi32>], vector<16xf32>,
        %mul3A_793 = arith.constant 5.65685415 : f32
        %mul3A_794 = vector.broadcast %mul3A_793 : f32 to vector<16xf32>
        %mul3A_795 = arith.mulf %gather3A_792, %mul3A_794 : vector<16xf32>
        %add3A_796 = arith.constant 23 : i32
        %add3A_797 = vector.broadcast %add3A_796 : i32 to vector<16xi32>
        %add3A_798 = arith.addi %mul3A_634, %add3A_797 : vector<16xi32>
        %gather3A_799 = tpu.vector_load_idx %arg10[%add3A_798] : memref<8448xf32, #tpu.memory_space<vmem>>[vector<16xi32>], vector<16xf32>,
        %mul3A_800 = arith.constant 5.65685415 : f32
        %mul3A_801 = vector.broadcast %mul3A_800 : f32 to vector<16xf32>
        %mul3A_802 = arith.mulf %gather3A_799, %mul3A_801 : vector<16xf32>
        %add3A_803 = arith.constant 24 : i32
        %add3A_804 = vector.broadcast %add3A_803 : i32 to vector<16xi32>
        %add3A_805 = arith.addi %mul3A_634, %add3A_804 : vector<16xi32>
        %gather3A_806 = tpu.vector_load_idx %arg10[%add3A_805] : memref<8448xf32, #tpu.memory_space<vmem>>[vector<16xi32>], vector<16xf32>,
        %mul3A_807 = arith.constant 5.65685415 : f32
        %mul3A_808 = vector.broadcast %mul3A_807 : f32 to vector<16xf32>
        %mul3A_809 = arith.mulf %gather3A_806, %mul3A_808 : vector<16xf32>
        %add3A_810 = arith.constant 25 : i32
        %add3A_811 = vector.broadcast %add3A_810 : i32 to vector<16xi32>
        %add3A_812 = arith.addi %mul3A_634, %add3A_811 : vector<16xi32>
        %gather3A_813 = tpu.vector_load_idx %arg10[%add3A_812] : memref<8448xf32, #tpu.memory_space<vmem>>[vector<16xi32>], vector<16xf32>,
        %mul3A_814 = arith.constant 5.65685415 : f32
        %mul3A_815 = vector.broadcast %mul3A_814 : f32 to vector<16xf32>
        %mul3A_816 = arith.mulf %gather3A_813, %mul3A_815 : vector<16xf32>
        %add3A_817 = arith.constant 26 : i32
        %add3A_818 = vector.broadcast %add3A_817 : i32 to vector<16xi32>
        %add3A_819 = arith.addi %mul3A_634, %add3A_818 : vector<16xi32>
        %gather3A_820 = tpu.vector_load_idx %arg10[%add3A_819] : memref<8448xf32, #tpu.memory_space<vmem>>[vector<16xi32>], vector<16xf32>,
        %mul3A_821 = arith.constant 5.65685415 : f32
        %mul3A_822 = vector.broadcast %mul3A_821 : f32 to vector<16xf32>
        %mul3A_823 = arith.mulf %gather3A_820, %mul3A_822 : vector<16xf32>
        %add3A_824 = arith.constant 27 : i32
        %add3A_825 = vector.broadcast %add3A_824 : i32 to vector<16xi32>
        %add3A_826 = arith.addi %mul3A_634, %add3A_825 : vector<16xi32>
        %gather3A_827 = tpu.vector_load_idx %arg10[%add3A_826] : memref<8448xf32, #tpu.memory_space<vmem>>[vector<16xi32>], vector<16xf32>,
        %mul3A_828 = arith.constant 5.65685415 : f32
        %mul3A_829 = vector.broadcast %mul3A_828 : f32 to vector<16xf32>
        %mul3A_830 = arith.mulf %gather3A_827, %mul3A_829 : vector<16xf32>
        %add3A_831 = arith.constant 28 : i32
        %add3A_832 = vector.broadcast %add3A_831 : i32 to vector<16xi32>
        %add3A_833 = arith.addi %mul3A_634, %add3A_832 : vector<16xi32>
        %gather3A_834 = tpu.vector_load_idx %arg10[%add3A_833] : memref<8448xf32, #tpu.memory_space<vmem>>[vector<16xi32>], vector<16xf32>,
        %mul3A_835 = arith.constant 5.65685415 : f32
        %mul3A_836 = vector.broadcast %mul3A_835 : f32 to vector<16xf32>
        %mul3A_837 = arith.mulf %gather3A_834, %mul3A_836 : vector<16xf32>
        %add3A_838 = arith.constant 29 : i32
        %add3A_839 = vector.broadcast %add3A_838 : i32 to vector<16xi32>
        %add3A_840 = arith.addi %mul3A_634, %add3A_839 : vector<16xi32>
        %gather3A_841 = tpu.vector_load_idx %arg10[%add3A_840] : memref<8448xf32, #tpu.memory_space<vmem>>[vector<16xi32>], vector<16xf32>,
        %mul3A_842 = arith.constant 5.65685415 : f32
        %mul3A_843 = vector.broadcast %mul3A_842 : f32 to vector<16xf32>
        %mul3A_844 = arith.mulf %gather3A_841, %mul3A_843 : vector<16xf32>
        %add3A_845 = arith.constant 30 : i32
        %add3A_846 = vector.broadcast %add3A_845 : i32 to vector<16xi32>
        %add3A_847 = arith.addi %mul3A_634, %add3A_846 : vector<16xi32>
        %gather3A_848 = tpu.vector_load_idx %arg10[%add3A_847] : memref<8448xf32, #tpu.memory_space<vmem>>[vector<16xi32>], vector<16xf32>,
        %mul3A_849 = arith.constant 5.65685415 : f32
        %mul3A_850 = vector.broadcast %mul3A_849 : f32 to vector<16xf32>
        %mul3A_851 = arith.mulf %gather3A_848, %mul3A_850 : vector<16xf32>
        %add3A_852 = arith.constant 31 : i32
        %add3A_853 = vector.broadcast %add3A_852 : i32 to vector<16xi32>
        %add3A_854 = arith.addi %mul3A_634, %add3A_853 : vector<16xi32>
        %gather3A_855 = tpu.vector_load_idx %arg10[%add3A_854] : memref<8448xf32, #tpu.memory_space<vmem>>[vector<16xi32>], vector<16xf32>,
        %mul3A_856 = arith.constant 5.65685415 : f32
        %mul3A_857 = vector.broadcast %mul3A_856 : f32 to vector<16xf32>
        %mul3A_858 = arith.mulf %gather3A_855, %mul3A_857 : vector<16xf32>
        %jit3A = arith.constant 8 : i32
        %div3A = arith.divsi %scan3A_626, %jit3A : i32
        %sign3A = arith.constant 0 : i32
        %sign3A_859 = arith.cmpi sgt, %scan3A_626, %sign3A : i32
        %sign3A_860 = arith.extui %sign3A_859 : i1 to i32
        %sign3A_861 = arith.constant 0 : i32
        %sign3A_862 = arith.cmpi slt, %scan3A_626, %sign3A_861 : i32
        %sign3A_863 = arith.extui %sign3A_862 : i1 to i32
        %sign3A_864 = arith.subi %sign3A_860, %sign3A_863 : i32
        %sign3A_865 = arith.constant 0 : i32
        %sign3A_866 = arith.cmpi sgt, %jit3A, %sign3A_865 : i32
        %sign3A_867 = arith.extui %sign3A_866 : i1 to i32
        %sign3A_868 = arith.constant 0 : i32
        %sign3A_869 = arith.cmpi slt, %jit3A, %sign3A_868 : i32
        %sign3A_870 = arith.extui %sign3A_869 : i1 to i32
        %sign3A_871 = arith.subi %sign3A_867, %sign3A_870 : i32
        %ne3A = arith.cmpi ne, %sign3A_864, %sign3A_871 : i32
        %rem3A = arith.remsi %scan3A_626, %jit3A : i32
        %ne3A_872 = arith.constant 0 : i32
        %ne3A_873 = arith.cmpi ne, %rem3A, %ne3A_872 : i32
        %and3A = arith.andi %ne3A, %ne3A_873 : i1
        %sub3A = arith.constant 1 : i32
        %sub3A_874 = arith.subi %div3A, %sub3A : i32
        %select_n3A = arith.select %and3A, %sub3A_874, %div3A : i32
        %mul3A_875 = arith.constant 16 : i32
        %mul3A_876 = arith.muli %mul3A_875, %scan3A_626 : i32
        %mul3A_877 = arith.constant 128 : i32
        %mul3A_878 = arith.muli %mul3A_877, %select_n3A : i32
        %sub3A_879 = arith.subi %mul3A_876, %mul3A_878 : i32
        %mul3A_880 = arith.constant 4 : i32
        %mul3A_881 = arith.muli %select_n3A, %mul3A_880 : i32
        %mul3A_882 = arith.constant 1024 : i32
        %mul3A_883 = arith.muli %mul3A_881, %mul3A_882 : i32
        %add3A_884 = arith.constant 0 : i32
        %add3A_885 = arith.addi %mul3A_883, %add3A_884 : i32
        %add3A_886 = arith.constant 0 : i32
        %add3A_887 = arith.addi %add3A_885, %add3A_886 : i32
        %add3A_888 = arith.addi %add3A_887, %sub3A_879 : i32
        %swap3A_889 = arith.index_cast %add3A_888 : i32 to index
        %swap3A_890 = tpu.vector_load %arg11[%swap3A_889] {strides = array<i32>} : memref<8192xf32, #tpu.memory_space<vmem>>, vector<16xf32>,
        tpu.vector_store %arg11[%swap3A_889], %mul3A_641 {strides = array<i32>} : memref<8192xf32, #tpu.memory_space<vmem>>, vector<16xf32>,
        %mul3A_891 = arith.constant 4 : i32
        %mul3A_892 = arith.muli %select_n3A, %mul3A_891 : i32
        %mul3A_893 = arith.constant 1024 : i32
        %mul3A_894 = arith.muli %mul3A_892, %mul3A_893 : i32
        %add3A_895 = arith.constant 0 : i32
        %add3A_896 = arith.addi %mul3A_894, %add3A_895 : i32
        %add3A_897 = arith.constant 128 : i32
        %add3A_898 = arith.addi %add3A_896, %add3A_897 : i32
        %add3A_899 = arith.addi %add3A_898, %sub3A_879 : i32
        %swap3A_900 = arith.index_cast %add3A_899 : i32 to index
        %swap3A_901 = tpu.vector_load %arg11[%swap3A_900] {strides = array<i32>} : memref<8192xf32, #tpu.memory_space<vmem>>, vector<16xf32>,
        tpu.vector_store %arg11[%swap3A_900], %mul3A_648 {strides = array<i32>} : memref<8192xf32, #tpu.memory_space<vmem>>, vector<16xf32>,
        %mul3A_902 = arith.constant 4 : i32
        %mul3A_903 = arith.muli %select_n3A, %mul3A_902 : i32
        %mul3A_904 = arith.constant 1024 : i32
        %mul3A_905 = arith.muli %mul3A_903, %mul3A_904 : i32
        %add3A_906 = arith.constant 0 : i32
        %add3A_907 = arith.addi %mul3A_905, %add3A_906 : i32
        %add3A_908 = arith.constant 256 : i32
        %add3A_909 = arith.addi %add3A_907, %add3A_908 : i32
        %add3A_910 = arith.addi %add3A_909, %sub3A_879 : i32
        %swap3A_911 = arith.index_cast %add3A_910 : i32 to index
        %swap3A_912 = tpu.vector_load %arg11[%swap3A_911] {strides = array<i32>} : memref<8192xf32, #tpu.memory_space<vmem>>, vector<16xf32>,
        tpu.vector_store %arg11[%swap3A_911], %mul3A_655 {strides = array<i32>} : memref<8192xf32, #tpu.memory_space<vmem>>, vector<16xf32>,
        %mul3A_913 = arith.constant 4 : i32
        %mul3A_914 = arith.muli %select_n3A, %mul3A_913 : i32
        %mul3A_915 = arith.constant 1024 : i32
        %mul3A_916 = arith.muli %mul3A_914, %mul3A_915 : i32
        %add3A_917 = arith.constant 0 : i32
        %add3A_918 = arith.addi %mul3A_916, %add3A_917 : i32
        %add3A_919 = arith.constant 384 : i32
        %add3A_920 = arith.addi %add3A_918, %add3A_919 : i32
        %add3A_921 = arith.addi %add3A_920, %sub3A_879 : i32
        %swap3A_922 = arith.index_cast %add3A_921 : i32 to index
        %swap3A_923 = tpu.vector_load %arg11[%swap3A_922] {strides = array<i32>} : memref<8192xf32, #tpu.memory_space<vmem>>, vector<16xf32>,
        tpu.vector_store %arg11[%swap3A_922], %mul3A_662 {strides = array<i32>} : memref<8192xf32, #tpu.memory_space<vmem>>, vector<16xf32>,
        %mul3A_924 = arith.constant 4 : i32
        %mul3A_925 = arith.muli %select_n3A, %mul3A_924 : i32
        %mul3A_926 = arith.constant 1024 : i32
        %mul3A_927 = arith.muli %mul3A_925, %mul3A_926 : i32
        %add3A_928 = arith.constant 0 : i32
        %add3A_929 = arith.addi %mul3A_927, %add3A_928 : i32
        %add3A_930 = arith.constant 512 : i32
        %add3A_931 = arith.addi %add3A_929, %add3A_930 : i32
        %add3A_932 = arith.addi %add3A_931, %sub3A_879 : i32
        %swap3A_933 = arith.index_cast %add3A_932 : i32 to index
        %swap3A_934 = tpu.vector_load %arg11[%swap3A_933] {strides = array<i32>} : memref<8192xf32, #tpu.memory_space<vmem>>, vector<16xf32>,
        tpu.vector_store %arg11[%swap3A_933], %mul3A_669 {strides = array<i32>} : memref<8192xf32, #tpu.memory_space<vmem>>, vector<16xf32>,
        %mul3A_935 = arith.constant 4 : i32
        %mul3A_936 = arith.muli %select_n3A, %mul3A_935 : i32
        %mul3A_937 = arith.constant 1024 : i32
        %mul3A_938 = arith.muli %mul3A_936, %mul3A_937 : i32
        %add3A_939 = arith.constant 0 : i32
        %add3A_940 = arith.addi %mul3A_938, %add3A_939 : i32
        %add3A_941 = arith.constant 640 : i32
        %add3A_942 = arith.addi %add3A_940, %add3A_941 : i32
        %add3A_943 = arith.addi %add3A_942, %sub3A_879 : i32
        %swap3A_944 = arith.index_cast %add3A_943 : i32 to index
        %swap3A_945 = tpu.vector_load %arg11[%swap3A_944] {strides = array<i32>} : memref<8192xf32, #tpu.memory_space<vmem>>, vector<16xf32>,
        tpu.vector_store %arg11[%swap3A_944], %mul3A_676 {strides = array<i32>} : memref<8192xf32, #tpu.memory_space<vmem>>, vector<16xf32>,
        %mul3A_946 = arith.constant 4 : i32
        %mul3A_947 = arith.muli %select_n3A, %mul3A_946 : i32
        %mul3A_948 = arith.constant 1024 : i32
        %mul3A_949 = arith.muli %mul3A_947, %mul3A_948 : i32
        %add3A_950 = arith.constant 0 : i32
        %add3A_951 = arith.addi %mul3A_949, %add3A_950 : i32
        %add3A_952 = arith.constant 768 : i32
        %add3A_953 = arith.addi %add3A_951, %add3A_952 : i32
        %add3A_954 = arith.addi %add3A_953, %sub3A_879 : i32
        %swap3A_955 = arith.index_cast %add3A_954 : i32 to index
        %swap3A_956 = tpu.vector_load %arg11[%swap3A_955] {strides = array<i32>} : memref<8192xf32, #tpu.memory_space<vmem>>, vector<16xf32>,
        tpu.vector_store %arg11[%swap3A_955], %mul3A_683 {strides = array<i32>} : memref<8192xf32, #tpu.memory_space<vmem>>, vector<16xf32>,
        %mul3A_957 = arith.constant 4 : i32
        %mul3A_958 = arith.muli %select_n3A, %mul3A_957 : i32
        %mul3A_959 = arith.constant 1024 : i32
        %mul3A_960 = arith.muli %mul3A_958, %mul3A_959 : i32
        %add3A_961 = arith.constant 0 : i32
        %add3A_962 = arith.addi %mul3A_960, %add3A_961 : i32
        %add3A_963 = arith.constant 896 : i32
        %add3A_964 = arith.addi %add3A_962, %add3A_963 : i32
        %add3A_965 = arith.addi %add3A_964, %sub3A_879 : i32
        %swap3A_966 = arith.index_cast %add3A_965 : i32 to index
        %swap3A_967 = tpu.vector_load %arg11[%swap3A_966] {strides = array<i32>} : memref<8192xf32, #tpu.memory_space<vmem>>, vector<16xf32>,
        tpu.vector_store %arg11[%swap3A_966], %mul3A_690 {strides = array<i32>} : memref<8192xf32, #tpu.memory_space<vmem>>, vector<16xf32>,
        %mul3A_968 = arith.constant 4 : i32
        %mul3A_969 = arith.muli %select_n3A, %mul3A_968 : i32
        %mul3A_970 = arith.constant 1024 : i32
        %mul3A_971 = arith.muli %mul3A_969, %mul3A_970 : i32
        %add3A_972 = arith.constant 1024 : i32
        %add3A_973 = arith.addi %mul3A_971, %add3A_972 : i32
        %add3A_974 = arith.constant 0 : i32
        %add3A_975 = arith.addi %add3A_973, %add3A_974 : i32
        %add3A_976 = arith.addi %add3A_975, %sub3A_879 : i32
        %swap3A_977 = arith.index_cast %add3A_976 : i32 to index
        %swap3A_978 = tpu.vector_load %arg11[%swap3A_977] {strides = array<i32>} : memref<8192xf32, #tpu.memory_space<vmem>>, vector<16xf32>,
        tpu.vector_store %arg11[%swap3A_977], %mul3A_697 {strides = array<i32>} : memref<8192xf32, #tpu.memory_space<vmem>>, vector<16xf32>,
        %mul3A_979 = arith.constant 4 : i32
        %mul3A_980 = arith.muli %select_n3A, %mul3A_979 : i32
        %mul3A_981 = arith.constant 1024 : i32
        %mul3A_982 = arith.muli %mul3A_980, %mul3A_981 : i32
        %add3A_983 = arith.constant 1024 : i32
        %add3A_984 = arith.addi %mul3A_982, %add3A_983 : i32
        %add3A_985 = arith.constant 128 : i32
        %add3A_986 = arith.addi %add3A_984, %add3A_985 : i32
        %add3A_987 = arith.addi %add3A_986, %sub3A_879 : i32
        %swap3A_988 = arith.index_cast %add3A_987 : i32 to index
        %swap3A_989 = tpu.vector_load %arg11[%swap3A_988] {strides = array<i32>} : memref<8192xf32, #tpu.memory_space<vmem>>, vector<16xf32>,
        tpu.vector_store %arg11[%swap3A_988], %mul3A_704 {strides = array<i32>} : memref<8192xf32, #tpu.memory_space<vmem>>, vector<16xf32>,
        %mul3A_990 = arith.constant 4 : i32
        %mul3A_991 = arith.muli %select_n3A, %mul3A_990 : i32
        %mul3A_992 = arith.constant 1024 : i32
        %mul3A_993 = arith.muli %mul3A_991, %mul3A_992 : i32
        %add3A_994 = arith.constant 1024 : i32
        %add3A_995 = arith.addi %mul3A_993, %add3A_994 : i32
        %add3A_996 = arith.constant 256 : i32
        %add3A_997 = arith.addi %add3A_995, %add3A_996 : i32
        %add3A_998 = arith.addi %add3A_997, %sub3A_879 : i32
        %swap3A_999 = arith.index_cast %add3A_998 : i32 to index
        %swap3A_1000 = tpu.vector_load %arg11[%swap3A_999] {strides = array<i32>} : memref<8192xf32, #tpu.memory_space<vmem>>, vector<16xf32>,
        tpu.vector_store %arg11[%swap3A_999], %mul3A_711 {strides = array<i32>} : memref<8192xf32, #tpu.memory_space<vmem>>, vector<16xf32>,
        %mul3A_1001 = arith.constant 4 : i32
        %mul3A_1002 = arith.muli %select_n3A, %mul3A_1001 : i32
        %mul3A_1003 = arith.constant 1024 : i32
        %mul3A_1004 = arith.muli %mul3A_1002, %mul3A_1003 : i32
        %add3A_1005 = arith.constant 1024 : i32
        %add3A_1006 = arith.addi %mul3A_1004, %add3A_1005 : i32
        %add3A_1007 = arith.constant 384 : i32
        %add3A_1008 = arith.addi %add3A_1006, %add3A_1007 : i32
        %add3A_1009 = arith.addi %add3A_1008, %sub3A_879 : i32
        %swap3A_1010 = arith.index_cast %add3A_1009 : i32 to index
        %swap3A_1011 = tpu.vector_load %arg11[%swap3A_1010] {strides = array<i32>} : memref<8192xf32, #tpu.memory_space<vmem>>, vector<16xf32>,
        tpu.vector_store %arg11[%swap3A_1010], %mul3A_718 {strides = array<i32>} : memref<8192xf32, #tpu.memory_space<vmem>>, vector<16xf32>,
        %mul3A_1012 = arith.constant 4 : i32
        %mul3A_1013 = arith.muli %select_n3A, %mul3A_1012 : i32
        %mul3A_1014 = arith.constant 1024 : i32
        %mul3A_1015 = arith.muli %mul3A_1013, %mul3A_1014 : i32
        %add3A_1016 = arith.constant 1024 : i32
        %add3A_1017 = arith.addi %mul3A_1015, %add3A_1016 : i32
        %add3A_1018 = arith.constant 512 : i32
        %add3A_1019 = arith.addi %add3A_1017, %add3A_1018 : i32
        %add3A_1020 = arith.addi %add3A_1019, %sub3A_879 : i32
        %swap3A_1021 = arith.index_cast %add3A_1020 : i32 to index
        %swap3A_1022 = tpu.vector_load %arg11[%swap3A_1021] {strides = array<i32>} : memref<8192xf32, #tpu.memory_space<vmem>>, vector<16xf32>,
        tpu.vector_store %arg11[%swap3A_1021], %mul3A_725 {strides = array<i32>} : memref<8192xf32, #tpu.memory_space<vmem>>, vector<16xf32>,
        %mul3A_1023 = arith.constant 4 : i32
        %mul3A_1024 = arith.muli %select_n3A, %mul3A_1023 : i32
        %mul3A_1025 = arith.constant 1024 : i32
        %mul3A_1026 = arith.muli %mul3A_1024, %mul3A_1025 : i32
        %add3A_1027 = arith.constant 1024 : i32
        %add3A_1028 = arith.addi %mul3A_1026, %add3A_1027 : i32
        %add3A_1029 = arith.constant 640 : i32
        %add3A_1030 = arith.addi %add3A_1028, %add3A_1029 : i32
        %add3A_1031 = arith.addi %add3A_1030, %sub3A_879 : i32
        %swap3A_1032 = arith.index_cast %add3A_1031 : i32 to index
        %swap3A_1033 = tpu.vector_load %arg11[%swap3A_1032] {strides = array<i32>} : memref<8192xf32, #tpu.memory_space<vmem>>, vector<16xf32>,
        tpu.vector_store %arg11[%swap3A_1032], %mul3A_732 {strides = array<i32>} : memref<8192xf32, #tpu.memory_space<vmem>>, vector<16xf32>,
        %mul3A_1034 = arith.constant 4 : i32
        %mul3A_1035 = arith.muli %select_n3A, %mul3A_1034 : i32
        %mul3A_1036 = arith.constant 1024 : i32
        %mul3A_1037 = arith.muli %mul3A_1035, %mul3A_1036 : i32
        %add3A_1038 = arith.constant 1024 : i32
        %add3A_1039 = arith.addi %mul3A_1037, %add3A_1038 : i32
        %add3A_1040 = arith.constant 768 : i32
        %add3A_1041 = arith.addi %add3A_1039, %add3A_1040 : i32
        %add3A_1042 = arith.addi %add3A_1041, %sub3A_879 : i32
        %swap3A_1043 = arith.index_cast %add3A_1042 : i32 to index
        %swap3A_1044 = tpu.vector_load %arg11[%swap3A_1043] {strides = array<i32>} : memref<8192xf32, #tpu.memory_space<vmem>>, vector<16xf32>,
        tpu.vector_store %arg11[%swap3A_1043], %mul3A_739 {strides = array<i32>} : memref<8192xf32, #tpu.memory_space<vmem>>, vector<16xf32>,
        %mul3A_1045 = arith.constant 4 : i32
        %mul3A_1046 = arith.muli %select_n3A, %mul3A_1045 : i32
        %mul3A_1047 = arith.constant 1024 : i32
        %mul3A_1048 = arith.muli %mul3A_1046, %mul3A_1047 : i32
        %add3A_1049 = arith.constant 1024 : i32
        %add3A_1050 = arith.addi %mul3A_1048, %add3A_1049 : i32
        %add3A_1051 = arith.constant 896 : i32
        %add3A_1052 = arith.addi %add3A_1050, %add3A_1051 : i32
        %add3A_1053 = arith.addi %add3A_1052, %sub3A_879 : i32
        %swap3A_1054 = arith.index_cast %add3A_1053 : i32 to index
        %swap3A_1055 = tpu.vector_load %arg11[%swap3A_1054] {strides = array<i32>} : memref<8192xf32, #tpu.memory_space<vmem>>, vector<16xf32>,
        tpu.vector_store %arg11[%swap3A_1054], %mul3A_746 {strides = array<i32>} : memref<8192xf32, #tpu.memory_space<vmem>>, vector<16xf32>,
        %mul3A_1056 = arith.constant 4 : i32
        %mul3A_1057 = arith.muli %select_n3A, %mul3A_1056 : i32
        %mul3A_1058 = arith.constant 1024 : i32
        %mul3A_1059 = arith.muli %mul3A_1057, %mul3A_1058 : i32
        %add3A_1060 = arith.constant 2048 : i32
        %add3A_1061 = arith.addi %mul3A_1059, %add3A_1060 : i32
        %add3A_1062 = arith.constant 0 : i32
        %add3A_1063 = arith.addi %add3A_1061, %add3A_1062 : i32
        %add3A_1064 = arith.addi %add3A_1063, %sub3A_879 : i32
        %swap3A_1065 = arith.index_cast %add3A_1064 : i32 to index
        %swap3A_1066 = tpu.vector_load %arg11[%swap3A_1065] {strides = array<i32>} : memref<8192xf32, #tpu.memory_space<vmem>>, vector<16xf32>,
        tpu.vector_store %arg11[%swap3A_1065], %mul3A_753 {strides = array<i32>} : memref<8192xf32, #tpu.memory_space<vmem>>, vector<16xf32>,
        %mul3A_1067 = arith.constant 4 : i32
        %mul3A_1068 = arith.muli %select_n3A, %mul3A_1067 : i32
        %mul3A_1069 = arith.constant 1024 : i32
        %mul3A_1070 = arith.muli %mul3A_1068, %mul3A_1069 : i32
        %add3A_1071 = arith.constant 2048 : i32
        %add3A_1072 = arith.addi %mul3A_1070, %add3A_1071 : i32
        %add3A_1073 = arith.constant 128 : i32
        %add3A_1074 = arith.addi %add3A_1072, %add3A_1073 : i32
        %add3A_1075 = arith.addi %add3A_1074, %sub3A_879 : i32
        %swap3A_1076 = arith.index_cast %add3A_1075 : i32 to index
        %swap3A_1077 = tpu.vector_load %arg11[%swap3A_1076] {strides = array<i32>} : memref<8192xf32, #tpu.memory_space<vmem>>, vector<16xf32>,
        tpu.vector_store %arg11[%swap3A_1076], %mul3A_760 {strides = array<i32>} : memref<8192xf32, #tpu.memory_space<vmem>>, vector<16xf32>,
        %mul3A_1078 = arith.constant 4 : i32
        %mul3A_1079 = arith.muli %select_n3A, %mul3A_1078 : i32
        %mul3A_1080 = arith.constant 1024 : i32
        %mul3A_1081 = arith.muli %mul3A_1079, %mul3A_1080 : i32
        %add3A_1082 = arith.constant 2048 : i32
        %add3A_1083 = arith.addi %mul3A_1081, %add3A_1082 : i32
        %add3A_1084 = arith.constant 256 : i32
        %add3A_1085 = arith.addi %add3A_1083, %add3A_1084 : i32
        %add3A_1086 = arith.addi %add3A_1085, %sub3A_879 : i32
        %swap3A_1087 = arith.index_cast %add3A_1086 : i32 to index
        %swap3A_1088 = tpu.vector_load %arg11[%swap3A_1087] {strides = array<i32>} : memref<8192xf32, #tpu.memory_space<vmem>>, vector<16xf32>,
        tpu.vector_store %arg11[%swap3A_1087], %mul3A_767 {strides = array<i32>} : memref<8192xf32, #tpu.memory_space<vmem>>, vector<16xf32>,
        %mul3A_1089 = arith.constant 4 : i32
        %mul3A_1090 = arith.muli %select_n3A, %mul3A_1089 : i32
        %mul3A_1091 = arith.constant 1024 : i32
        %mul3A_1092 = arith.muli %mul3A_1090, %mul3A_1091 : i32
        %add3A_1093 = arith.constant 2048 : i32
        %add3A_1094 = arith.addi %mul3A_1092, %add3A_1093 : i32
        %add3A_1095 = arith.constant 384 : i32
        %add3A_1096 = arith.addi %add3A_1094, %add3A_1095 : i32
        %add3A_1097 = arith.addi %add3A_1096, %sub3A_879 : i32
        %swap3A_1098 = arith.index_cast %add3A_1097 : i32 to index
        %swap3A_1099 = tpu.vector_load %arg11[%swap3A_1098] {strides = array<i32>} : memref<8192xf32, #tpu.memory_space<vmem>>, vector<16xf32>,
        tpu.vector_store %arg11[%swap3A_1098], %mul3A_774 {strides = array<i32>} : memref<8192xf32, #tpu.memory_space<vmem>>, vector<16xf32>,
        %mul3A_1100 = arith.constant 4 : i32
        %mul3A_1101 = arith.muli %select_n3A, %mul3A_1100 : i32
        %mul3A_1102 = arith.constant 1024 : i32
        %mul3A_1103 = arith.muli %mul3A_1101, %mul3A_1102 : i32
        %add3A_1104 = arith.constant 2048 : i32
        %add3A_1105 = arith.addi %mul3A_1103, %add3A_1104 : i32
        %add3A_1106 = arith.constant 512 : i32
        %add3A_1107 = arith.addi %add3A_1105, %add3A_1106 : i32
        %add3A_1108 = arith.addi %add3A_1107, %sub3A_879 : i32
        %swap3A_1109 = arith.index_cast %add3A_1108 : i32 to index
        %swap3A_1110 = tpu.vector_load %arg11[%swap3A_1109] {strides = array<i32>} : memref<8192xf32, #tpu.memory_space<vmem>>, vector<16xf32>,
        tpu.vector_store %arg11[%swap3A_1109], %mul3A_781 {strides = array<i32>} : memref<8192xf32, #tpu.memory_space<vmem>>, vector<16xf32>,
        %mul3A_1111 = arith.constant 4 : i32
        %mul3A_1112 = arith.muli %select_n3A, %mul3A_1111 : i32
        %mul3A_1113 = arith.constant 1024 : i32
        %mul3A_1114 = arith.muli %mul3A_1112, %mul3A_1113 : i32
        %add3A_1115 = arith.constant 2048 : i32
        %add3A_1116 = arith.addi %mul3A_1114, %add3A_1115 : i32
        %add3A_1117 = arith.constant 640 : i32
        %add3A_1118 = arith.addi %add3A_1116, %add3A_1117 : i32
        %add3A_1119 = arith.addi %add3A_1118, %sub3A_879 : i32
        %swap3A_1120 = arith.index_cast %add3A_1119 : i32 to index
        %swap3A_1121 = tpu.vector_load %arg11[%swap3A_1120] {strides = array<i32>} : memref<8192xf32, #tpu.memory_space<vmem>>, vector<16xf32>,
        tpu.vector_store %arg11[%swap3A_1120], %mul3A_788 {strides = array<i32>} : memref<8192xf32, #tpu.memory_space<vmem>>, vector<16xf32>,
        %mul3A_1122 = arith.constant 4 : i32
        %mul3A_1123 = arith.muli %select_n3A, %mul3A_1122 : i32
        %mul3A_1124 = arith.constant 1024 : i32
        %mul3A_1125 = arith.muli %mul3A_1123, %mul3A_1124 : i32
        %add3A_1126 = arith.constant 2048 : i32
        %add3A_1127 = arith.addi %mul3A_1125, %add3A_1126 : i32
        %add3A_1128 = arith.constant 768 : i32
        %add3A_1129 = arith.addi %add3A_1127, %add3A_1128 : i32
        %add3A_1130 = arith.addi %add3A_1129, %sub3A_879 : i32
        %swap3A_1131 = arith.index_cast %add3A_1130 : i32 to index
        %swap3A_1132 = tpu.vector_load %arg11[%swap3A_1131] {strides = array<i32>} : memref<8192xf32, #tpu.memory_space<vmem>>, vector<16xf32>,
        tpu.vector_store %arg11[%swap3A_1131], %mul3A_795 {strides = array<i32>} : memref<8192xf32, #tpu.memory_space<vmem>>, vector<16xf32>,
        %mul3A_1133 = arith.constant 4 : i32
        %mul3A_1134 = arith.muli %select_n3A, %mul3A_1133 : i32
        %mul3A_1135 = arith.constant 1024 : i32
        %mul3A_1136 = arith.muli %mul3A_1134, %mul3A_1135 : i32
        %add3A_1137 = arith.constant 2048 : i32
        %add3A_1138 = arith.addi %mul3A_1136, %add3A_1137 : i32
        %add3A_1139 = arith.constant 896 : i32
        %add3A_1140 = arith.addi %add3A_1138, %add3A_1139 : i32
        %add3A_1141 = arith.addi %add3A_1140, %sub3A_879 : i32
        %swap3A_1142 = arith.index_cast %add3A_1141 : i32 to index
        %swap3A_1143 = tpu.vector_load %arg11[%swap3A_1142] {strides = array<i32>} : memref<8192xf32, #tpu.memory_space<vmem>>, vector<16xf32>,
        tpu.vector_store %arg11[%swap3A_1142], %mul3A_802 {strides = array<i32>} : memref<8192xf32, #tpu.memory_space<vmem>>, vector<16xf32>,
        %mul3A_1144 = arith.constant 4 : i32
        %mul3A_1145 = arith.muli %select_n3A, %mul3A_1144 : i32
        %mul3A_1146 = arith.constant 1024 : i32
        %mul3A_1147 = arith.muli %mul3A_1145, %mul3A_1146 : i32
        %add3A_1148 = arith.constant 3072 : i32
        %add3A_1149 = arith.addi %mul3A_1147, %add3A_1148 : i32
        %add3A_1150 = arith.constant 0 : i32
        %add3A_1151 = arith.addi %add3A_1149, %add3A_1150 : i32
        %add3A_1152 = arith.addi %add3A_1151, %sub3A_879 : i32
        %swap3A_1153 = arith.index_cast %add3A_1152 : i32 to index
        %swap3A_1154 = tpu.vector_load %arg11[%swap3A_1153] {strides = array<i32>} : memref<8192xf32, #tpu.memory_space<vmem>>, vector<16xf32>,
        tpu.vector_store %arg11[%swap3A_1153], %mul3A_809 {strides = array<i32>} : memref<8192xf32, #tpu.memory_space<vmem>>, vector<16xf32>,
        %mul3A_1155 = arith.constant 4 : i32
        %mul3A_1156 = arith.muli %select_n3A, %mul3A_1155 : i32
        %mul3A_1157 = arith.constant 1024 : i32
        %mul3A_1158 = arith.muli %mul3A_1156, %mul3A_1157 : i32
        %add3A_1159 = arith.constant 3072 : i32
        %add3A_1160 = arith.addi %mul3A_1158, %add3A_1159 : i32
        %add3A_1161 = arith.constant 128 : i32
        %add3A_1162 = arith.addi %add3A_1160, %add3A_1161 : i32
        %add3A_1163 = arith.addi %add3A_1162, %sub3A_879 : i32
        %swap3A_1164 = arith.index_cast %add3A_1163 : i32 to index
        %swap3A_1165 = tpu.vector_load %arg11[%swap3A_1164] {strides = array<i32>} : memref<8192xf32, #tpu.memory_space<vmem>>, vector<16xf32>,
        tpu.vector_store %arg11[%swap3A_1164], %mul3A_816 {strides = array<i32>} : memref<8192xf32, #tpu.memory_space<vmem>>, vector<16xf32>,
        %mul3A_1166 = arith.constant 4 : i32
        %mul3A_1167 = arith.muli %select_n3A, %mul3A_1166 : i32
        %mul3A_1168 = arith.constant 1024 : i32
        %mul3A_1169 = arith.muli %mul3A_1167, %mul3A_1168 : i32
        %add3A_1170 = arith.constant 3072 : i32
        %add3A_1171 = arith.addi %mul3A_1169, %add3A_1170 : i32
        %add3A_1172 = arith.constant 256 : i32
        %add3A_1173 = arith.addi %add3A_1171, %add3A_1172 : i32
        %add3A_1174 = arith.addi %add3A_1173, %sub3A_879 : i32
        %swap3A_1175 = arith.index_cast %add3A_1174 : i32 to index
        %swap3A_1176 = tpu.vector_load %arg11[%swap3A_1175] {strides = array<i32>} : memref<8192xf32, #tpu.memory_space<vmem>>, vector<16xf32>,
        tpu.vector_store %arg11[%swap3A_1175], %mul3A_823 {strides = array<i32>} : memref<8192xf32, #tpu.memory_space<vmem>>, vector<16xf32>,
        %mul3A_1177 = arith.constant 4 : i32
        %mul3A_1178 = arith.muli %select_n3A, %mul3A_1177 : i32
        %mul3A_1179 = arith.constant 1024 : i32
        %mul3A_1180 = arith.muli %mul3A_1178, %mul3A_1179 : i32
        %add3A_1181 = arith.constant 3072 : i32
        %add3A_1182 = arith.addi %mul3A_1180, %add3A_1181 : i32
        %add3A_1183 = arith.constant 384 : i32
        %add3A_1184 = arith.addi %add3A_1182, %add3A_1183 : i32
        %add3A_1185 = arith.addi %add3A_1184, %sub3A_879 : i32
        %swap3A_1186 = arith.index_cast %add3A_1185 : i32 to index
        %swap3A_1187 = tpu.vector_load %arg11[%swap3A_1186] {strides = array<i32>} : memref<8192xf32, #tpu.memory_space<vmem>>, vector<16xf32>,
        tpu.vector_store %arg11[%swap3A_1186], %mul3A_830 {strides = array<i32>} : memref<8192xf32, #tpu.memory_space<vmem>>, vector<16xf32>,
        %mul3A_1188 = arith.constant 4 : i32
        %mul3A_1189 = arith.muli %select_n3A, %mul3A_1188 : i32
        %mul3A_1190 = arith.constant 1024 : i32
        %mul3A_1191 = arith.muli %mul3A_1189, %mul3A_1190 : i32
        %add3A_1192 = arith.constant 3072 : i32
        %add3A_1193 = arith.addi %mul3A_1191, %add3A_1192 : i32
        %add3A_1194 = arith.constant 512 : i32
        %add3A_1195 = arith.addi %add3A_1193, %add3A_1194 : i32
        %add3A_1196 = arith.addi %add3A_1195, %sub3A_879 : i32
        %swap3A_1197 = arith.index_cast %add3A_1196 : i32 to index
        %swap3A_1198 = tpu.vector_load %arg11[%swap3A_1197] {strides = array<i32>} : memref<8192xf32, #tpu.memory_space<vmem>>, vector<16xf32>,
        tpu.vector_store %arg11[%swap3A_1197], %mul3A_837 {strides = array<i32>} : memref<8192xf32, #tpu.memory_space<vmem>>, vector<16xf32>,
        %mul3A_1199 = arith.constant 4 : i32
        %mul3A_1200 = arith.muli %select_n3A, %mul3A_1199 : i32
        %mul3A_1201 = arith.constant 1024 : i32
        %mul3A_1202 = arith.muli %mul3A_1200, %mul3A_1201 : i32
        %add3A_1203 = arith.constant 3072 : i32
        %add3A_1204 = arith.addi %mul3A_1202, %add3A_1203 : i32
        %add3A_1205 = arith.constant 640 : i32
        %add3A_1206 = arith.addi %add3A_1204, %add3A_1205 : i32
        %add3A_1207 = arith.addi %add3A_1206, %sub3A_879 : i32
        %swap3A_1208 = arith.index_cast %add3A_1207 : i32 to index
        %swap3A_1209 = tpu.vector_load %arg11[%swap3A_1208] {strides = array<i32>} : memref<8192xf32, #tpu.memory_space<vmem>>, vector<16xf32>,
        tpu.vector_store %arg11[%swap3A_1208], %mul3A_844 {strides = array<i32>} : memref<8192xf32, #tpu.memory_space<vmem>>, vector<16xf32>,
        %mul3A_1210 = arith.constant 4 : i32
        %mul3A_1211 = arith.muli %select_n3A, %mul3A_1210 : i32
        %mul3A_1212 = arith.constant 1024 : i32
        %mul3A_1213 = arith.muli %mul3A_1211, %mul3A_1212 : i32
        %add3A_1214 = arith.constant 3072 : i32
        %add3A_1215 = arith.addi %mul3A_1213, %add3A_1214 : i32
        %add3A_1216 = arith.constant 768 : i32
        %add3A_1217 = arith.addi %add3A_1215, %add3A_1216 : i32
        %add3A_1218 = arith.addi %add3A_1217, %sub3A_879 : i32
        %swap3A_1219 = arith.index_cast %add3A_1218 : i32 to index
        %swap3A_1220 = tpu.vector_load %arg11[%swap3A_1219] {strides = array<i32>} : memref<8192xf32, #tpu.memory_space<vmem>>, vector<16xf32>,
        tpu.vector_store %arg11[%swap3A_1219], %mul3A_851 {strides = array<i32>} : memref<8192xf32, #tpu.memory_space<vmem>>, vector<16xf32>,
        %mul3A_1221 = arith.constant 4 : i32
        %mul3A_1222 = arith.muli %select_n3A, %mul3A_1221 : i32
        %mul3A_1223 = arith.constant 1024 : i32
        %mul3A_1224 = arith.muli %mul3A_1222, %mul3A_1223 : i32
        %add3A_1225 = arith.constant 3072 : i32
        %add3A_1226 = arith.addi %mul3A_1224, %add3A_1225 : i32
        %add3A_1227 = arith.constant 896 : i32
        %add3A_1228 = arith.addi %add3A_1226, %add3A_1227 : i32
        %add3A_1229 = arith.addi %add3A_1228, %sub3A_879 : i32
        %swap3A_1230 = arith.index_cast %add3A_1229 : i32 to index
        %swap3A_1231 = tpu.vector_load %arg11[%swap3A_1230] {strides = array<i32>} : memref<8192xf32, #tpu.memory_space<vmem>>, vector<16xf32>,
        tpu.vector_store %arg11[%swap3A_1230], %mul3A_858 {strides = array<i32>} : memref<8192xf32, #tpu.memory_space<vmem>>, vector<16xf32>,
        %scan3A_1232 = arith.constant 0 : i32
        scf.yield %scan3A_1232 : i32
      }
      %scan3A_281 = arith.constant 16 : i32
      %mul3A_282 = arith.constant 2 : i32
      %mul3A_283 = arith.muli %mul3A_282, %mul3A_113 : i32
      %add3A_284 = arith.constant 0 : i32
      %add3A_285 = arith.addi %mul3A_283, %add3A_284 : i32
      %mul3A_286 = arith.constant 131072 : i32
      %mul3A_287 = arith.muli %add3A_285, %mul3A_286 : i32
      %mul3A_288 = arith.constant 1024 : i32
      %mul3A_289 = arith.muli %add3A, %mul3A_288 : i32
      %add3A_290 = arith.addi %mul3A_287, %mul3A_289 : i32
      %add3A_291 = arith.constant 0 : i32
      %add3A_292 = arith.addi %add3A_290, %add3A_291 : i32
      %dma_start3A_293 = arith.constant 0 : i32
      %dma_start3A_294 = tpu.memref_slice %arg11[%dma_start3A_293] : memref<8192xf32, #tpu.memory_space<vmem>> -> memref<1024xf32, #tpu.memory_space<vmem>>
      %dma_start3A_295 = tpu.memref_slice %arg4[%add3A_292] : memref<26214400xf32, #tpu.memory_space<hbm>> -> memref<1024xf32, #tpu.memory_space<hbm>>
      %dma_start3A_296 = tpu.memref_slice %arg4[%add3A_292] : memref<26214400xf32, #tpu.memory_space<hbm>> -> memref<1024xf32, #tpu.memory_space<hbm>>
      %dma_start3A_297 = arith.constant 0 : i32
      %dma_start3A_298 = tpu.memref_slice %arg11[%dma_start3A_297] : memref<8192xf32, #tpu.memory_space<vmem>> -> memref<1024xf32, #tpu.memory_space<vmem>>
      tpu.enqueue_dma source(%dma_start3A_298 : memref<1024xf32, #tpu.memory_space<vmem>>) target(%dma_start3A_296 : memref<1024xf32, #tpu.memory_space<hbm>>) target_semaphore(%arg15 : memref<!tpu.dma_semaphore, #tpu.memory_space<semaphore_mem>>)
      %add3A_299 = arith.constant 32768 : i32
      %add3A_300 = arith.addi %add3A_290, %add3A_299 : i32
      %dma_start3A_301 = arith.constant 1024 : i32
      %dma_start3A_302 = tpu.memref_slice %arg11[%dma_start3A_301] : memref<8192xf32, #tpu.memory_space<vmem>> -> memref<1024xf32, #tpu.memory_space<vmem>>
      %dma_start3A_303 = tpu.memref_slice %arg4[%add3A_300] : memref<26214400xf32, #tpu.memory_space<hbm>> -> memref<1024xf32, #tpu.memory_space<hbm>>
      %dma_start3A_304 = tpu.memref_slice %arg4[%add3A_300] : memref<26214400xf32, #tpu.memory_space<hbm>> -> memref<1024xf32, #tpu.memory_space<hbm>>
      %dma_start3A_305 = arith.constant 1024 : i32
      %dma_start3A_306 = tpu.memref_slice %arg11[%dma_start3A_305] : memref<8192xf32, #tpu.memory_space<vmem>> -> memref<1024xf32, #tpu.memory_space<vmem>>
      tpu.enqueue_dma source(%dma_start3A_306 : memref<1024xf32, #tpu.memory_space<vmem>>) target(%dma_start3A_304 : memref<1024xf32, #tpu.memory_space<hbm>>) target_semaphore(%arg15 : memref<!tpu.dma_semaphore, #tpu.memory_space<semaphore_mem>>)
      %add3A_307 = arith.constant 65536 : i32
      %add3A_308 = arith.addi %add3A_290, %add3A_307 : i32
      %dma_start3A_309 = arith.constant 2048 : i32
      %dma_start3A_310 = tpu.memref_slice %arg11[%dma_start3A_309] : memref<8192xf32, #tpu.memory_space<vmem>> -> memref<1024xf32, #tpu.memory_space<vmem>>
      %dma_start3A_311 = tpu.memref_slice %arg4[%add3A_308] : memref<26214400xf32, #tpu.memory_space<hbm>> -> memref<1024xf32, #tpu.memory_space<hbm>>
      %dma_start3A_312 = tpu.memref_slice %arg4[%add3A_308] : memref<26214400xf32, #tpu.memory_space<hbm>> -> memref<1024xf32, #tpu.memory_space<hbm>>
      %dma_start3A_313 = arith.constant 2048 : i32
      %dma_start3A_314 = tpu.memref_slice %arg11[%dma_start3A_313] : memref<8192xf32, #tpu.memory_space<vmem>> -> memref<1024xf32, #tpu.memory_space<vmem>>
      tpu.enqueue_dma source(%dma_start3A_314 : memref<1024xf32, #tpu.memory_space<vmem>>) target(%dma_start3A_312 : memref<1024xf32, #tpu.memory_space<hbm>>) target_semaphore(%arg15 : memref<!tpu.dma_semaphore, #tpu.memory_space<semaphore_mem>>)
      %add3A_315 = arith.constant 98304 : i32
      %add3A_316 = arith.addi %add3A_290, %add3A_315 : i32
      %dma_start3A_317 = arith.constant 3072 : i32
      %dma_start3A_318 = tpu.memref_slice %arg11[%dma_start3A_317] : memref<8192xf32, #tpu.memory_space<vmem>> -> memref<1024xf32, #tpu.memory_space<vmem>>
      %dma_start3A_319 = tpu.memref_slice %arg4[%add3A_316] : memref<26214400xf32, #tpu.memory_space<hbm>> -> memref<1024xf32, #tpu.memory_space<hbm>>
      %dma_start3A_320 = tpu.memref_slice %arg4[%add3A_316] : memref<26214400xf32, #tpu.memory_space<hbm>> -> memref<1024xf32, #tpu.memory_space<hbm>>
      %dma_start3A_321 = arith.constant 3072 : i32
      %dma_start3A_322 = tpu.memref_slice %arg11[%dma_start3A_321] : memref<8192xf32, #tpu.memory_space<vmem>> -> memref<1024xf32, #tpu.memory_space<vmem>>
      tpu.enqueue_dma source(%dma_start3A_322 : memref<1024xf32, #tpu.memory_space<vmem>>) target(%dma_start3A_320 : memref<1024xf32, #tpu.memory_space<hbm>>) target_semaphore(%arg15 : memref<!tpu.dma_semaphore, #tpu.memory_space<semaphore_mem>>)
      %mul3A_323 = arith.constant 2 : i32
      %mul3A_324 = arith.muli %mul3A_323, %mul3A_113 : i32
      %add3A_325 = arith.constant 1 : i32
      %add3A_326 = arith.addi %mul3A_324, %add3A_325 : i32
      %mul3A_327 = arith.constant 131072 : i32
      %mul3A_328 = arith.muli %add3A_326, %mul3A_327 : i32
      %mul3A_329 = arith.constant 1024 : i32
      %mul3A_330 = arith.muli %add3A, %mul3A_329 : i32
      %add3A_331 = arith.addi %mul3A_328, %mul3A_330 : i32
      %add3A_332 = arith.constant 0 : i32
      %add3A_333 = arith.addi %add3A_331, %add3A_332 : i32
      %dma_start3A_334 = arith.constant 4096 : i32
      %dma_start3A_335 = tpu.memref_slice %arg11[%dma_start3A_334] : memref<8192xf32, #tpu.memory_space<vmem>> -> memref<1024xf32, #tpu.memory_space<vmem>>
      %dma_start3A_336 = tpu.memref_slice %arg4[%add3A_333] : memref<26214400xf32, #tpu.memory_space<hbm>> -> memref<1024xf32, #tpu.memory_space<hbm>>
      %dma_start3A_337 = tpu.memref_slice %arg4[%add3A_333] : memref<26214400xf32, #tpu.memory_space<hbm>> -> memref<1024xf32, #tpu.memory_space<hbm>>
      %dma_start3A_338 = arith.constant 4096 : i32
      %dma_start3A_339 = tpu.memref_slice %arg11[%dma_start3A_338] : memref<8192xf32, #tpu.memory_space<vmem>> -> memref<1024xf32, #tpu.memory_space<vmem>>
      tpu.enqueue_dma source(%dma_start3A_339 : memref<1024xf32, #tpu.memory_space<vmem>>) target(%dma_start3A_337 : memref<1024xf32, #tpu.memory_space<hbm>>) target_semaphore(%arg15 : memref<!tpu.dma_semaphore, #tpu.memory_space<semaphore_mem>>)
      %add3A_340 = arith.constant 32768 : i32
      %add3A_341 = arith.addi %add3A_331, %add3A_340 : i32
      %dma_start3A_342 = arith.constant 5120 : i32
      %dma_start3A_343 = tpu.memref_slice %arg11[%dma_start3A_342] : memref<8192xf32, #tpu.memory_space<vmem>> -> memref<1024xf32, #tpu.memory_space<vmem>>
      %dma_start3A_344 = tpu.memref_slice %arg4[%add3A_341] : memref<26214400xf32, #tpu.memory_space<hbm>> -> memref<1024xf32, #tpu.memory_space<hbm>>
      %dma_start3A_345 = tpu.memref_slice %arg4[%add3A_341] : memref<26214400xf32, #tpu.memory_space<hbm>> -> memref<1024xf32, #tpu.memory_space<hbm>>
      %dma_start3A_346 = arith.constant 5120 : i32
      %dma_start3A_347 = tpu.memref_slice %arg11[%dma_start3A_346] : memref<8192xf32, #tpu.memory_space<vmem>> -> memref<1024xf32, #tpu.memory_space<vmem>>
      tpu.enqueue_dma source(%dma_start3A_347 : memref<1024xf32, #tpu.memory_space<vmem>>) target(%dma_start3A_345 : memref<1024xf32, #tpu.memory_space<hbm>>) target_semaphore(%arg15 : memref<!tpu.dma_semaphore, #tpu.memory_space<semaphore_mem>>)
      %add3A_348 = arith.constant 65536 : i32
      %add3A_349 = arith.addi %add3A_331, %add3A_348 : i32
      %dma_start3A_350 = arith.constant 6144 : i32
      %dma_start3A_351 = tpu.memref_slice %arg11[%dma_start3A_350] : memref<8192xf32, #tpu.memory_space<vmem>> -> memref<1024xf32, #tpu.memory_space<vmem>>
      %dma_start3A_352 = tpu.memref_slice %arg4[%add3A_349] : memref<26214400xf32, #tpu.memory_space<hbm>> -> memref<1024xf32, #tpu.memory_space<hbm>>
      %dma_start3A_353 = tpu.memref_slice %arg4[%add3A_349] : memref<26214400xf32, #tpu.memory_space<hbm>> -> memref<1024xf32, #tpu.memory_space<hbm>>
      %dma_start3A_354 = arith.constant 6144 : i32
      %dma_start3A_355 = tpu.memref_slice %arg11[%dma_start3A_354] : memref<8192xf32, #tpu.memory_space<vmem>> -> memref<1024xf32, #tpu.memory_space<vmem>>
      tpu.enqueue_dma source(%dma_start3A_355 : memref<1024xf32, #tpu.memory_space<vmem>>) target(%dma_start3A_353 : memref<1024xf32, #tpu.memory_space<hbm>>) target_semaphore(%arg15 : memref<!tpu.dma_semaphore, #tpu.memory_space<semaphore_mem>>)
      %add3A_356 = arith.constant 98304 : i32
      %add3A_357 = arith.addi %add3A_331, %add3A_356 : i32
      %dma_start3A_358 = arith.constant 7168 : i32
      %dma_start3A_359 = tpu.memref_slice %arg11[%dma_start3A_358] : memref<8192xf32, #tpu.memory_space<vmem>> -> memref<1024xf32, #tpu.memory_space<vmem>>
      %dma_start3A_360 = tpu.memref_slice %arg4[%add3A_357] : memref<26214400xf32, #tpu.memory_space<hbm>> -> memref<1024xf32, #tpu.memory_space<hbm>>
      %dma_start3A_361 = tpu.memref_slice %arg4[%add3A_357] : memref<26214400xf32, #tpu.memory_space<hbm>> -> memref<1024xf32, #tpu.memory_space<hbm>>
      %dma_start3A_362 = arith.constant 7168 : i32
      %dma_start3A_363 = tpu.memref_slice %arg11[%dma_start3A_362] : memref<8192xf32, #tpu.memory_space<vmem>> -> memref<1024xf32, #tpu.memory_space<vmem>>
      tpu.enqueue_dma source(%dma_start3A_363 : memref<1024xf32, #tpu.memory_space<vmem>>) target(%dma_start3A_361 : memref<1024xf32, #tpu.memory_space<hbm>>) target_semaphore(%arg15 : memref<!tpu.dma_semaphore, #tpu.memory_space<semaphore_mem>>)
      %add3A_364 = arith.constant 2 : i32
      %add3A_365 = arith.addi %mul3A_113, %add3A_364 : i32
      %min3A = arith.constant 98 : i32
      %min3A_366 = arith.minsi %add3A_365, %min3A : i32
      %mul3A_367 = arith.constant 2 : i32
      %mul3A_368 = arith.muli %mul3A_367, %min3A_366 : i32
      %add3A_369 = arith.constant 0 : i32
      %add3A_370 = arith.addi %add3A_369, %mul3A_368 : i32
      %add3A_371 = arith.constant 0 : i32
      %add3A_372 = arith.addi %add3A_370, %add3A_371 : i32
      %add3A_373 = vector.broadcast %add3A_372 : i32 to vector<16xi32>
      %add3A_374 = arith.addi %mul3A_5, %add3A_373 : vector<16xi32>
      %gather3A_375 = tpu.vector_load_idx %arg5[%add3A_374] : memref<25600xi32, #tpu.memory_space<vmem>>[vector<16xi32>], vector<16xi32>,
      %swap3A_376 = arith.constant 0 : index
      %swap3A_377 = tpu.vector_load %arg6[%swap3A_376] {strides = array<i32>} : memref<256xi32, #tpu.memory_space<vmem>>, vector<16xi32>,
      tpu.vector_store %arg6[%swap3A_376], %gather3A_375 {strides = array<i32>} : memref<256xi32, #tpu.memory_space<vmem>>, vector<16xi32>,
      %add3A_378 = arith.constant 3200 : i32
      %add3A_379 = arith.addi %add3A_378, %mul3A_368 : i32
      %add3A_380 = arith.constant 0 : i32
      %add3A_381 = arith.addi %add3A_379, %add3A_380 : i32
      %add3A_382 = vector.broadcast %add3A_381 : i32 to vector<16xi32>
      %add3A_383 = arith.addi %mul3A_5, %add3A_382 : vector<16xi32>
      %gather3A_384 = tpu.vector_load_idx %arg5[%add3A_383] : memref<25600xi32, #tpu.memory_space<vmem>>[vector<16xi32>], vector<16xi32>,
      %swap3A_385 = arith.constant 16 : index
      %swap3A_386 = tpu.vector_load %arg6[%swap3A_385] {strides = array<i32>} : memref<256xi32, #tpu.memory_space<vmem>>, vector<16xi32>,
      tpu.vector_store %arg6[%swap3A_385], %gather3A_384 {strides = array<i32>} : memref<256xi32, #tpu.memory_space<vmem>>, vector<16xi32>,
      %add3A_387 = arith.constant 6400 : i32
      %add3A_388 = arith.addi %add3A_387, %mul3A_368 : i32
      %add3A_389 = arith.constant 0 : i32
      %add3A_390 = arith.addi %add3A_388, %add3A_389 : i32
      %add3A_391 = vector.broadcast %add3A_390 : i32 to vector<16xi32>
      %add3A_392 = arith.addi %mul3A_5, %add3A_391 : vector<16xi32>
      %gather3A_393 = tpu.vector_load_idx %arg5[%add3A_392] : memref<25600xi32, #tpu.memory_space<vmem>>[vector<16xi32>], vector<16xi32>,
      %swap3A_394 = arith.constant 32 : index
      %swap3A_395 = tpu.vector_load %arg6[%swap3A_394] {strides = array<i32>} : memref<256xi32, #tpu.memory_space<vmem>>, vector<16xi32>,
      tpu.vector_store %arg6[%swap3A_394], %gather3A_393 {strides = array<i32>} : memref<256xi32, #tpu.memory_space<vmem>>, vector<16xi32>,
      %add3A_396 = arith.constant 9600 : i32
      %add3A_397 = arith.addi %add3A_396, %mul3A_368 : i32
      %add3A_398 = arith.constant 0 : i32
      %add3A_399 = arith.addi %add3A_397, %add3A_398 : i32
      %add3A_400 = vector.broadcast %add3A_399 : i32 to vector<16xi32>
      %add3A_401 = arith.addi %mul3A_5, %add3A_400 : vector<16xi32>
      %gather3A_402 = tpu.vector_load_idx %arg5[%add3A_401] : memref<25600xi32, #tpu.memory_space<vmem>>[vector<16xi32>], vector<16xi32>,
      %swap3A_403 = arith.constant 48 : index
      %swap3A_404 = tpu.vector_load %arg6[%swap3A_403] {strides = array<i32>} : memref<256xi32, #tpu.memory_space<vmem>>, vector<16xi32>,
      tpu.vector_store %arg6[%swap3A_403], %gather3A_402 {strides = array<i32>} : memref<256xi32, #tpu.memory_space<vmem>>, vector<16xi32>,
      %add3A_405 = arith.constant 12800 : i32
      %add3A_406 = arith.addi %add3A_405, %mul3A_368 : i32
      %add3A_407 = arith.constant 0 : i32
      %add3A_408 = arith.addi %add3A_406, %add3A_407 : i32
      %add3A_409 = vector.broadcast %add3A_408 : i32 to vector<16xi32>
      %add3A_410 = arith.addi %mul3A_5, %add3A_409 : vector<16xi32>
      %gather3A_411 = tpu.vector_load_idx %arg5[%add3A_410] : memref<25600xi32, #tpu.memory_space<vmem>>[vector<16xi32>], vector<16xi32>,
      %swap3A_412 = arith.constant 64 : index
      %swap3A_413 = tpu.vector_load %arg6[%swap3A_412] {strides = array<i32>} : memref<256xi32, #tpu.memory_space<vmem>>, vector<16xi32>,
      tpu.vector_store %arg6[%swap3A_412], %gather3A_411 {strides = array<i32>} : memref<256xi32, #tpu.memory_space<vmem>>, vector<16xi32>,
      %add3A_414 = arith.constant 16000 : i32
      %add3A_415 = arith.addi %add3A_414, %mul3A_368 : i32
      %add3A_416 = arith.constant 0 : i32
      %add3A_417 = arith.addi %add3A_415, %add3A_416 : i32
      %add3A_418 = vector.broadcast %add3A_417 : i32 to vector<16xi32>
      %add3A_419 = arith.addi %mul3A_5, %add3A_418 : vector<16xi32>
      %gather3A_420 = tpu.vector_load_idx %arg5[%add3A_419] : memref<25600xi32, #tpu.memory_space<vmem>>[vector<16xi32>], vector<16xi32>,
      %swap3A_421 = arith.constant 80 : index
      %swap3A_422 = tpu.vector_load %arg6[%swap3A_421] {strides = array<i32>} : memref<256xi32, #tpu.memory_space<vmem>>, vector<16xi32>,
      tpu.vector_store %arg6[%swap3A_421], %gather3A_420 {strides = array<i32>} : memref<256xi32, #tpu.memory_space<vmem>>, vector<16xi32>,
      %add3A_423 = arith.constant 19200 : i32
      %add3A_424 = arith.addi %add3A_423, %mul3A_368 : i32
      %add3A_425 = arith.constant 0 : i32
      %add3A_426 = arith.addi %add3A_424, %add3A_425 : i32
      %add3A_427 = vector.broadcast %add3A_426 : i32 to vector<16xi32>
      %add3A_428 = arith.addi %mul3A_5, %add3A_427 : vector<16xi32>
      %gather3A_429 = tpu.vector_load_idx %arg5[%add3A_428] : memref<25600xi32, #tpu.memory_space<vmem>>[vector<16xi32>], vector<16xi32>,
      %swap3A_430 = arith.constant 96 : index
      %swap3A_431 = tpu.vector_load %arg6[%swap3A_430] {strides = array<i32>} : memref<256xi32, #tpu.memory_space<vmem>>, vector<16xi32>,
      tpu.vector_store %arg6[%swap3A_430], %gather3A_429 {strides = array<i32>} : memref<256xi32, #tpu.memory_space<vmem>>, vector<16xi32>,
      %add3A_432 = arith.constant 22400 : i32
      %add3A_433 = arith.addi %add3A_432, %mul3A_368 : i32
      %add3A_434 = arith.constant 0 : i32
      %add3A_435 = arith.addi %add3A_433, %add3A_434 : i32
      %add3A_436 = vector.broadcast %add3A_435 : i32 to vector<16xi32>
      %add3A_437 = arith.addi %mul3A_5, %add3A_436 : vector<16xi32>
      %gather3A_438 = tpu.vector_load_idx %arg5[%add3A_437] : memref<25600xi32, #tpu.memory_space<vmem>>[vector<16xi32>], vector<16xi32>,
      %swap3A_439 = arith.constant 112 : index
      %swap3A_440 = tpu.vector_load %arg6[%swap3A_439] {strides = array<i32>} : memref<256xi32, #tpu.memory_space<vmem>>, vector<16xi32>,
      tpu.vector_store %arg6[%swap3A_439], %gather3A_438 {strides = array<i32>} : memref<256xi32, #tpu.memory_space<vmem>>, vector<16xi32>,
      %add3A_441 = arith.constant 0 : i32
      %add3A_442 = arith.addi %add3A_441, %mul3A_368 : i32
      %add3A_443 = arith.constant 1 : i32
      %add3A_444 = arith.addi %add3A_442, %add3A_443 : i32
      %add3A_445 = vector.broadcast %add3A_444 : i32 to vector<16xi32>
      %add3A_446 = arith.addi %mul3A_5, %add3A_445 : vector<16xi32>
      %gather3A_447 = tpu.vector_load_idx %arg5[%add3A_446] : memref<25600xi32, #tpu.memory_space<vmem>>[vector<16xi32>], vector<16xi32>,
      %swap3A_448 = arith.constant 128 : index
      %swap3A_449 = tpu.vector_load %arg6[%swap3A_448] {strides = array<i32>} : memref<256xi32, #tpu.memory_space<vmem>>, vector<16xi32>,
      tpu.vector_store %arg6[%swap3A_448], %gather3A_447 {strides = array<i32>} : memref<256xi32, #tpu.memory_space<vmem>>, vector<16xi32>,
      %add3A_450 = arith.constant 3200 : i32
      %add3A_451 = arith.addi %add3A_450, %mul3A_368 : i32
      %add3A_452 = arith.constant 1 : i32
      %add3A_453 = arith.addi %add3A_451, %add3A_452 : i32
      %add3A_454 = vector.broadcast %add3A_453 : i32 to vector<16xi32>
      %add3A_455 = arith.addi %mul3A_5, %add3A_454 : vector<16xi32>
      %gather3A_456 = tpu.vector_load_idx %arg5[%add3A_455] : memref<25600xi32, #tpu.memory_space<vmem>>[vector<16xi32>], vector<16xi32>,
      %swap3A_457 = arith.constant 144 : index
      %swap3A_458 = tpu.vector_load %arg6[%swap3A_457] {strides = array<i32>} : memref<256xi32, #tpu.memory_space<vmem>>, vector<16xi32>,
      tpu.vector_store %arg6[%swap3A_457], %gather3A_456 {strides = array<i32>} : memref<256xi32, #tpu.memory_space<vmem>>, vector<16xi32>,
      %add3A_459 = arith.constant 6400 : i32
      %add3A_460 = arith.addi %add3A_459, %mul3A_368 : i32
      %add3A_461 = arith.constant 1 : i32
      %add3A_462 = arith.addi %add3A_460, %add3A_461 : i32
      %add3A_463 = vector.broadcast %add3A_462 : i32 to vector<16xi32>
      %add3A_464 = arith.addi %mul3A_5, %add3A_463 : vector<16xi32>
      %gather3A_465 = tpu.vector_load_idx %arg5[%add3A_464] : memref<25600xi32, #tpu.memory_space<vmem>>[vector<16xi32>], vector<16xi32>,
      %swap3A_466 = arith.constant 160 : index
      %swap3A_467 = tpu.vector_load %arg6[%swap3A_466] {strides = array<i32>} : memref<256xi32, #tpu.memory_space<vmem>>, vector<16xi32>,
      tpu.vector_store %arg6[%swap3A_466], %gather3A_465 {strides = array<i32>} : memref<256xi32, #tpu.memory_space<vmem>>, vector<16xi32>,
      %add3A_468 = arith.constant 9600 : i32
      %add3A_469 = arith.addi %add3A_468, %mul3A_368 : i32
      %add3A_470 = arith.constant 1 : i32
      %add3A_471 = arith.addi %add3A_469, %add3A_470 : i32
      %add3A_472 = vector.broadcast %add3A_471 : i32 to vector<16xi32>
      %add3A_473 = arith.addi %mul3A_5, %add3A_472 : vector<16xi32>
      %gather3A_474 = tpu.vector_load_idx %arg5[%add3A_473] : memref<25600xi32, #tpu.memory_space<vmem>>[vector<16xi32>], vector<16xi32>,
      %swap3A_475 = arith.constant 176 : index
      %swap3A_476 = tpu.vector_load %arg6[%swap3A_475] {strides = array<i32>} : memref<256xi32, #tpu.memory_space<vmem>>, vector<16xi32>,
      tpu.vector_store %arg6[%swap3A_475], %gather3A_474 {strides = array<i32>} : memref<256xi32, #tpu.memory_space<vmem>>, vector<16xi32>,
      %add3A_477 = arith.constant 12800 : i32
      %add3A_478 = arith.addi %add3A_477, %mul3A_368 : i32
      %add3A_479 = arith.constant 1 : i32
      %add3A_480 = arith.addi %add3A_478, %add3A_479 : i32
      %add3A_481 = vector.broadcast %add3A_480 : i32 to vector<16xi32>
      %add3A_482 = arith.addi %mul3A_5, %add3A_481 : vector<16xi32>
      %gather3A_483 = tpu.vector_load_idx %arg5[%add3A_482] : memref<25600xi32, #tpu.memory_space<vmem>>[vector<16xi32>], vector<16xi32>,
      %swap3A_484 = arith.constant 192 : index
      %swap3A_485 = tpu.vector_load %arg6[%swap3A_484] {strides = array<i32>} : memref<256xi32, #tpu.memory_space<vmem>>, vector<16xi32>,
      tpu.vector_store %arg6[%swap3A_484], %gather3A_483 {strides = array<i32>} : memref<256xi32, #tpu.memory_space<vmem>>, vector<16xi32>,
      %add3A_486 = arith.constant 16000 : i32
      %add3A_487 = arith.addi %add3A_486, %mul3A_368 : i32
      %add3A_488 = arith.constant 1 : i32
      %add3A_489 = arith.addi %add3A_487, %add3A_488 : i32
      %add3A_490 = vector.broadcast %add3A_489 : i32 to vector<16xi32>
      %add3A_491 = arith.addi %mul3A_5, %add3A_490 : vector<16xi32>
      %gather3A_492 = tpu.vector_load_idx %arg5[%add3A_491] : memref<25600xi32, #tpu.memory_space<vmem>>[vector<16xi32>], vector<16xi32>,
      %swap3A_493 = arith.constant 208 : index
      %swap3A_494 = tpu.vector_load %arg6[%swap3A_493] {strides = array<i32>} : memref<256xi32, #tpu.memory_space<vmem>>, vector<16xi32>,
      tpu.vector_store %arg6[%swap3A_493], %gather3A_492 {strides = array<i32>} : memref<256xi32, #tpu.memory_space<vmem>>, vector<16xi32>,
      %add3A_495 = arith.constant 19200 : i32
      %add3A_496 = arith.addi %add3A_495, %mul3A_368 : i32
      %add3A_497 = arith.constant 1 : i32
      %add3A_498 = arith.addi %add3A_496, %add3A_497 : i32
      %add3A_499 = vector.broadcast %add3A_498 : i32 to vector<16xi32>
      %add3A_500 = arith.addi %mul3A_5, %add3A_499 : vector<16xi32>
      %gather3A_501 = tpu.vector_load_idx %arg5[%add3A_500] : memref<25600xi32, #tpu.memory_space<vmem>>[vector<16xi32>], vector<16xi32>,
      %swap3A_502 = arith.constant 224 : index
      %swap3A_503 = tpu.vector_load %arg6[%swap3A_502] {strides = array<i32>} : memref<256xi32, #tpu.memory_space<vmem>>, vector<16xi32>,
      tpu.vector_store %arg6[%swap3A_502], %gather3A_501 {strides = array<i32>} : memref<256xi32, #tpu.memory_space<vmem>>, vector<16xi32>,
      %add3A_504 = arith.constant 22400 : i32
      %add3A_505 = arith.addi %add3A_504, %mul3A_368 : i32
      %add3A_506 = arith.constant 1 : i32
      %add3A_507 = arith.addi %add3A_505, %add3A_506 : i32
      %add3A_508 = vector.broadcast %add3A_507 : i32 to vector<16xi32>
      %add3A_509 = arith.addi %mul3A_5, %add3A_508 : vector<16xi32>
      %gather3A_510 = tpu.vector_load_idx %arg5[%add3A_509] : memref<25600xi32, #tpu.memory_space<vmem>>[vector<16xi32>], vector<16xi32>,
      %swap3A_511 = arith.constant 240 : index
      %swap3A_512 = tpu.vector_load %arg6[%swap3A_511] {strides = array<i32>} : memref<256xi32, #tpu.memory_space<vmem>>, vector<16xi32>,
      tpu.vector_store %arg6[%swap3A_511], %gather3A_510 {strides = array<i32>} : memref<256xi32, #tpu.memory_space<vmem>>, vector<16xi32>,
      %dma_start3A_513 = arith.constant 0 : i32
      %dma_start3A_514 = arith.constant 0 : i32
      %dma_start3A_515 = tpu.memref_slice %arg3[%dma_start3A_513, %dma_start3A_514] : memref<1000000x32xf32, #tpu.memory_space<hbm>> -> memref<1000000x32xf32, #tpu.memory_space<hbm>>
      tpu.enqueue_indirect_dma source(%dma_start3A_515 : memref<1000000x32xf32, #tpu.memory_space<hbm>>) target(%arg8 : memref<256x32xf32, #tpu.memory_space<vmem>>) offsets(%arg6 : memref<256xi32, #tpu.memory_space<vmem>>) semaphore(%arg13 : memref<!tpu.dma_semaphore, #tpu.memory_space<semaphore_mem>>)
      %dma_wait3A_516 = arith.constant 0 : i32
      %dma_wait3A_517 = arith.constant 0 : i32
      %dma_wait3A_518 = tpu.memref_slice %arg3[%dma_wait3A_516, %dma_wait3A_517] : memref<1000000x32xf32, #tpu.memory_space<hbm>> -> memref<1000000x32xf32, #tpu.memory_space<hbm>>
      tpu.wait_indirect_dma semaphore(%arg14 : memref<!tpu.dma_semaphore, #tpu.memory_space<semaphore_mem>>) src(%dma_wait3A_518 : memref<1000000x32xf32, #tpu.memory_space<hbm>>) dst(%arg9 : memref<256x32xf32, #tpu.memory_space<vmem>>)
      %scan3A_519 = arith.constant 0 : i32
      %scan3A_520 = arith.constant 0 : i32
      %scan3A_521 = arith.constant 16 : i32
      %scan3A_522 = arith.addi %scan3A_520, %scan3A_521 : i32
      %scan3A_523 = arith.constant 1 : i32
      %scan3A_524 = scf.for %scan3A_626 = %scan3A_520 to %scan3A_522 step %scan3A_523 iter_args(%scan3A_627 = %scan3A_519) -> (i32)  : i32 {
        %mul3A_628 = arith.constant 16 : i32
        %mul3A_629 = arith.muli %mul3A_628, %scan3A_626 : i32
        %add3A_630 = arith.constant 0 : i32
        %add3A_631 = arith.addi %mul3A_629, %add3A_630 : i32
        %get3A = arith.index_cast %add3A_631 : i32 to index
        %get3A_632 = arith.constant 0 : index
        %get3A_633 = tpu.vector_load %arg9[%get3A, %get3A_632] {strides = array<i32>} : memref<256x32xf32, #tpu.memory_space<vmem>>, vector<16xf32>,
        %add3A_634 = arith.constant 0 : i32
        %add3A_635 = arith.addi %mul3A_629, %add3A_634 : i32
        %get3A_636 = arith.index_cast %add3A_635 : i32 to index
        %get3A_637 = arith.constant 16 : index
        %get3A_638 = tpu.vector_load %arg9[%get3A_636, %get3A_637] {strides = array<i32>} : memref<256x32xf32, #tpu.memory_space<vmem>>, vector<16xf32>,
        %add3A_639 = arith.constant 1 : i32
        %add3A_640 = arith.addi %mul3A_629, %add3A_639 : i32
        %get3A_641 = arith.index_cast %add3A_640 : i32 to index
        %get3A_642 = arith.constant 0 : index
        %get3A_643 = tpu.vector_load %arg9[%get3A_641, %get3A_642] {strides = array<i32>} : memref<256x32xf32, #tpu.memory_space<vmem>>, vector<16xf32>,
        %add3A_644 = arith.constant 1 : i32
        %add3A_645 = arith.addi %mul3A_629, %add3A_644 : i32
        %get3A_646 = arith.index_cast %add3A_645 : i32 to index
        %get3A_647 = arith.constant 16 : index
        %get3A_648 = tpu.vector_load %arg9[%get3A_646, %get3A_647] {strides = array<i32>} : memref<256x32xf32, #tpu.memory_space<vmem>>, vector<16xf32>,
        %add3A_649 = arith.constant 2 : i32
        %add3A_650 = arith.addi %mul3A_629, %add3A_649 : i32
        %get3A_651 = arith.index_cast %add3A_650 : i32 to index
        %get3A_652 = arith.constant 0 : index
        %get3A_653 = tpu.vector_load %arg9[%get3A_651, %get3A_652] {strides = array<i32>} : memref<256x32xf32, #tpu.memory_space<vmem>>, vector<16xf32>,
        %add3A_654 = arith.constant 2 : i32
        %add3A_655 = arith.addi %mul3A_629, %add3A_654 : i32
        %get3A_656 = arith.index_cast %add3A_655 : i32 to index
        %get3A_657 = arith.constant 16 : index
        %get3A_658 = tpu.vector_load %arg9[%get3A_656, %get3A_657] {strides = array<i32>} : memref<256x32xf32, #tpu.memory_space<vmem>>, vector<16xf32>,
        %add3A_659 = arith.constant 3 : i32
        %add3A_660 = arith.addi %mul3A_629, %add3A_659 : i32
        %get3A_661 = arith.index_cast %add3A_660 : i32 to index
        %get3A_662 = arith.constant 0 : index
        %get3A_663 = tpu.vector_load %arg9[%get3A_661, %get3A_662] {strides = array<i32>} : memref<256x32xf32, #tpu.memory_space<vmem>>, vector<16xf32>,
        %add3A_664 = arith.constant 3 : i32
        %add3A_665 = arith.addi %mul3A_629, %add3A_664 : i32
        %get3A_666 = arith.index_cast %add3A_665 : i32 to index
        %get3A_667 = arith.constant 16 : index
        %get3A_668 = tpu.vector_load %arg9[%get3A_666, %get3A_667] {strides = array<i32>} : memref<256x32xf32, #tpu.memory_space<vmem>>, vector<16xf32>,
        %add3A_669 = arith.constant 4 : i32
        %add3A_670 = arith.addi %mul3A_629, %add3A_669 : i32
        %get3A_671 = arith.index_cast %add3A_670 : i32 to index
        %get3A_672 = arith.constant 0 : index
        %get3A_673 = tpu.vector_load %arg9[%get3A_671, %get3A_672] {strides = array<i32>} : memref<256x32xf32, #tpu.memory_space<vmem>>, vector<16xf32>,
        %add3A_674 = arith.constant 4 : i32
        %add3A_675 = arith.addi %mul3A_629, %add3A_674 : i32
        %get3A_676 = arith.index_cast %add3A_675 : i32 to index
        %get3A_677 = arith.constant 16 : index
        %get3A_678 = tpu.vector_load %arg9[%get3A_676, %get3A_677] {strides = array<i32>} : memref<256x32xf32, #tpu.memory_space<vmem>>, vector<16xf32>,
        %add3A_679 = arith.constant 5 : i32
        %add3A_680 = arith.addi %mul3A_629, %add3A_679 : i32
        %get3A_681 = arith.index_cast %add3A_680 : i32 to index
        %get3A_682 = arith.constant 0 : index
        %get3A_683 = tpu.vector_load %arg9[%get3A_681, %get3A_682] {strides = array<i32>} : memref<256x32xf32, #tpu.memory_space<vmem>>, vector<16xf32>,
        %add3A_684 = arith.constant 5 : i32
        %add3A_685 = arith.addi %mul3A_629, %add3A_684 : i32
        %get3A_686 = arith.index_cast %add3A_685 : i32 to index
        %get3A_687 = arith.constant 16 : index
        %get3A_688 = tpu.vector_load %arg9[%get3A_686, %get3A_687] {strides = array<i32>} : memref<256x32xf32, #tpu.memory_space<vmem>>, vector<16xf32>,
        %add3A_689 = arith.constant 6 : i32
        %add3A_690 = arith.addi %mul3A_629, %add3A_689 : i32
        %get3A_691 = arith.index_cast %add3A_690 : i32 to index
        %get3A_692 = arith.constant 0 : index
        %get3A_693 = tpu.vector_load %arg9[%get3A_691, %get3A_692] {strides = array<i32>} : memref<256x32xf32, #tpu.memory_space<vmem>>, vector<16xf32>,
        %add3A_694 = arith.constant 6 : i32
        %add3A_695 = arith.addi %mul3A_629, %add3A_694 : i32
        %get3A_696 = arith.index_cast %add3A_695 : i32 to index
        %get3A_697 = arith.constant 16 : index
        %get3A_698 = tpu.vector_load %arg9[%get3A_696, %get3A_697] {strides = array<i32>} : memref<256x32xf32, #tpu.memory_space<vmem>>, vector<16xf32>,
        %add3A_699 = arith.constant 7 : i32
        %add3A_700 = arith.addi %mul3A_629, %add3A_699 : i32
        %get3A_701 = arith.index_cast %add3A_700 : i32 to index
        %get3A_702 = arith.constant 0 : index
        %get3A_703 = tpu.vector_load %arg9[%get3A_701, %get3A_702] {strides = array<i32>} : memref<256x32xf32, #tpu.memory_space<vmem>>, vector<16xf32>,
        %add3A_704 = arith.constant 7 : i32
        %add3A_705 = arith.addi %mul3A_629, %add3A_704 : i32
        %get3A_706 = arith.index_cast %add3A_705 : i32 to index
        %get3A_707 = arith.constant 16 : index
        %get3A_708 = tpu.vector_load %arg9[%get3A_706, %get3A_707] {strides = array<i32>} : memref<256x32xf32, #tpu.memory_space<vmem>>, vector<16xf32>,
        %add3A_709 = arith.constant 8 : i32
        %add3A_710 = arith.addi %mul3A_629, %add3A_709 : i32
        %get3A_711 = arith.index_cast %add3A_710 : i32 to index
        %get3A_712 = arith.constant 0 : index
        %get3A_713 = tpu.vector_load %arg9[%get3A_711, %get3A_712] {strides = array<i32>} : memref<256x32xf32, #tpu.memory_space<vmem>>, vector<16xf32>,
        %add3A_714 = arith.constant 8 : i32
        %add3A_715 = arith.addi %mul3A_629, %add3A_714 : i32
        %get3A_716 = arith.index_cast %add3A_715 : i32 to index
        %get3A_717 = arith.constant 16 : index
        %get3A_718 = tpu.vector_load %arg9[%get3A_716, %get3A_717] {strides = array<i32>} : memref<256x32xf32, #tpu.memory_space<vmem>>, vector<16xf32>,
        %add3A_719 = arith.constant 9 : i32
        %add3A_720 = arith.addi %mul3A_629, %add3A_719 : i32
        %get3A_721 = arith.index_cast %add3A_720 : i32 to index
        %get3A_722 = arith.constant 0 : index
        %get3A_723 = tpu.vector_load %arg9[%get3A_721, %get3A_722] {strides = array<i32>} : memref<256x32xf32, #tpu.memory_space<vmem>>, vector<16xf32>,
        %add3A_724 = arith.constant 9 : i32
        %add3A_725 = arith.addi %mul3A_629, %add3A_724 : i32
        %get3A_726 = arith.index_cast %add3A_725 : i32 to index
        %get3A_727 = arith.constant 16 : index
        %get3A_728 = tpu.vector_load %arg9[%get3A_726, %get3A_727] {strides = array<i32>} : memref<256x32xf32, #tpu.memory_space<vmem>>, vector<16xf32>,
        %add3A_729 = arith.constant 10 : i32
        %add3A_730 = arith.addi %mul3A_629, %add3A_729 : i32
        %get3A_731 = arith.index_cast %add3A_730 : i32 to index
        %get3A_732 = arith.constant 0 : index
        %get3A_733 = tpu.vector_load %arg9[%get3A_731, %get3A_732] {strides = array<i32>} : memref<256x32xf32, #tpu.memory_space<vmem>>, vector<16xf32>,
        %add3A_734 = arith.constant 10 : i32
        %add3A_735 = arith.addi %mul3A_629, %add3A_734 : i32
        %get3A_736 = arith.index_cast %add3A_735 : i32 to index
        %get3A_737 = arith.constant 16 : index
        %get3A_738 = tpu.vector_load %arg9[%get3A_736, %get3A_737] {strides = array<i32>} : memref<256x32xf32, #tpu.memory_space<vmem>>, vector<16xf32>,
        %add3A_739 = arith.constant 11 : i32
        %add3A_740 = arith.addi %mul3A_629, %add3A_739 : i32
        %get3A_741 = arith.index_cast %add3A_740 : i32 to index
        %get3A_742 = arith.constant 0 : index
        %get3A_743 = tpu.vector_load %arg9[%get3A_741, %get3A_742] {strides = array<i32>} : memref<256x32xf32, #tpu.memory_space<vmem>>, vector<16xf32>,
        %add3A_744 = arith.constant 11 : i32
        %add3A_745 = arith.addi %mul3A_629, %add3A_744 : i32
        %get3A_746 = arith.index_cast %add3A_745 : i32 to index
        %get3A_747 = arith.constant 16 : index
        %get3A_748 = tpu.vector_load %arg9[%get3A_746, %get3A_747] {strides = array<i32>} : memref<256x32xf32, #tpu.memory_space<vmem>>, vector<16xf32>,
        %add3A_749 = arith.constant 12 : i32
        %add3A_750 = arith.addi %mul3A_629, %add3A_749 : i32
        %get3A_751 = arith.index_cast %add3A_750 : i32 to index
        %get3A_752 = arith.constant 0 : index
        %get3A_753 = tpu.vector_load %arg9[%get3A_751, %get3A_752] {strides = array<i32>} : memref<256x32xf32, #tpu.memory_space<vmem>>, vector<16xf32>,
        %add3A_754 = arith.constant 12 : i32
        %add3A_755 = arith.addi %mul3A_629, %add3A_754 : i32
        %get3A_756 = arith.index_cast %add3A_755 : i32 to index
        %get3A_757 = arith.constant 16 : index
        %get3A_758 = tpu.vector_load %arg9[%get3A_756, %get3A_757] {strides = array<i32>} : memref<256x32xf32, #tpu.memory_space<vmem>>, vector<16xf32>,
        %add3A_759 = arith.constant 13 : i32
        %add3A_760 = arith.addi %mul3A_629, %add3A_759 : i32
        %get3A_761 = arith.index_cast %add3A_760 : i32 to index
        %get3A_762 = arith.constant 0 : index
        %get3A_763 = tpu.vector_load %arg9[%get3A_761, %get3A_762] {strides = array<i32>} : memref<256x32xf32, #tpu.memory_space<vmem>>, vector<16xf32>,
        %add3A_764 = arith.constant 13 : i32
        %add3A_765 = arith.addi %mul3A_629, %add3A_764 : i32
        %get3A_766 = arith.index_cast %add3A_765 : i32 to index
        %get3A_767 = arith.constant 16 : index
        %get3A_768 = tpu.vector_load %arg9[%get3A_766, %get3A_767] {strides = array<i32>} : memref<256x32xf32, #tpu.memory_space<vmem>>, vector<16xf32>,
        %add3A_769 = arith.constant 14 : i32
        %add3A_770 = arith.addi %mul3A_629, %add3A_769 : i32
        %get3A_771 = arith.index_cast %add3A_770 : i32 to index
        %get3A_772 = arith.constant 0 : index
        %get3A_773 = tpu.vector_load %arg9[%get3A_771, %get3A_772] {strides = array<i32>} : memref<256x32xf32, #tpu.memory_space<vmem>>, vector<16xf32>,
        %add3A_774 = arith.constant 14 : i32
        %add3A_775 = arith.addi %mul3A_629, %add3A_774 : i32
        %get3A_776 = arith.index_cast %add3A_775 : i32 to index
        %get3A_777 = arith.constant 16 : index
        %get3A_778 = tpu.vector_load %arg9[%get3A_776, %get3A_777] {strides = array<i32>} : memref<256x32xf32, #tpu.memory_space<vmem>>, vector<16xf32>,
        %add3A_779 = arith.constant 15 : i32
        %add3A_780 = arith.addi %mul3A_629, %add3A_779 : i32
        %get3A_781 = arith.index_cast %add3A_780 : i32 to index
        %get3A_782 = arith.constant 0 : index
        %get3A_783 = tpu.vector_load %arg9[%get3A_781, %get3A_782] {strides = array<i32>} : memref<256x32xf32, #tpu.memory_space<vmem>>, vector<16xf32>,
        %add3A_784 = arith.constant 15 : i32
        %add3A_785 = arith.addi %mul3A_629, %add3A_784 : i32
        %get3A_786 = arith.index_cast %add3A_785 : i32 to index
        %get3A_787 = arith.constant 16 : index
        %get3A_788 = tpu.vector_load %arg9[%get3A_786, %get3A_787] {strides = array<i32>} : memref<256x32xf32, #tpu.memory_space<vmem>>, vector<16xf32>,
        %add3A_789 = arith.constant 0 : i32
        %add3A_790 = arith.addi %mul3A_629, %add3A_789 : i32
        %mul3A_791 = arith.constant 33 : i32
        %mul3A_792 = arith.muli %add3A_790, %mul3A_791 : i32
        %swap3A_793 = arith.index_cast %mul3A_792 : i32 to index
        %swap3A_794 = tpu.vector_load %arg10[%swap3A_793] {strides = array<i32>} : memref<8448xf32, #tpu.memory_space<vmem>>, vector<16xf32>,
        tpu.vector_store %arg10[%swap3A_793], %get3A_633 {strides = array<i32>} : memref<8448xf32, #tpu.memory_space<vmem>>, vector<16xf32>,
        %add3A_795 = arith.constant 0 : i32
        %add3A_796 = arith.addi %mul3A_629, %add3A_795 : i32
        %mul3A_797 = arith.constant 33 : i32
        %mul3A_798 = arith.muli %add3A_796, %mul3A_797 : i32
        %add3A_799 = arith.constant 16 : i32
        %add3A_800 = arith.addi %mul3A_798, %add3A_799 : i32
        %swap3A_801 = arith.index_cast %add3A_800 : i32 to index
        %swap3A_802 = tpu.vector_load %arg10[%swap3A_801] {strides = array<i32>} : memref<8448xf32, #tpu.memory_space<vmem>>, vector<16xf32>,
        tpu.vector_store %arg10[%swap3A_801], %get3A_638 {strides = array<i32>} : memref<8448xf32, #tpu.memory_space<vmem>>, vector<16xf32>,
        %add3A_803 = arith.constant 1 : i32
        %add3A_804 = arith.addi %mul3A_629, %add3A_803 : i32
        %mul3A_805 = arith.constant 33 : i32
        %mul3A_806 = arith.muli %add3A_804, %mul3A_805 : i32
        %swap3A_807 = arith.index_cast %mul3A_806 : i32 to index
        %swap3A_808 = tpu.vector_load %arg10[%swap3A_807] {strides = array<i32>} : memref<8448xf32, #tpu.memory_space<vmem>>, vector<16xf32>,
        tpu.vector_store %arg10[%swap3A_807], %get3A_643 {strides = array<i32>} : memref<8448xf32, #tpu.memory_space<vmem>>, vector<16xf32>,
        %add3A_809 = arith.constant 1 : i32
        %add3A_810 = arith.addi %mul3A_629, %add3A_809 : i32
        %mul3A_811 = arith.constant 33 : i32
        %mul3A_812 = arith.muli %add3A_810, %mul3A_811 : i32
        %add3A_813 = arith.constant 16 : i32
        %add3A_814 = arith.addi %mul3A_812, %add3A_813 : i32
        %swap3A_815 = arith.index_cast %add3A_814 : i32 to index
        %swap3A_816 = tpu.vector_load %arg10[%swap3A_815] {strides = array<i32>} : memref<8448xf32, #tpu.memory_space<vmem>>, vector<16xf32>,
        tpu.vector_store %arg10[%swap3A_815], %get3A_648 {strides = array<i32>} : memref<8448xf32, #tpu.memory_space<vmem>>, vector<16xf32>,
        %add3A_817 = arith.constant 2 : i32
        %add3A_818 = arith.addi %mul3A_629, %add3A_817 : i32
        %mul3A_819 = arith.constant 33 : i32
        %mul3A_820 = arith.muli %add3A_818, %mul3A_819 : i32
        %swap3A_821 = arith.index_cast %mul3A_820 : i32 to index
        %swap3A_822 = tpu.vector_load %arg10[%swap3A_821] {strides = array<i32>} : memref<8448xf32, #tpu.memory_space<vmem>>, vector<16xf32>,
        tpu.vector_store %arg10[%swap3A_821], %get3A_653 {strides = array<i32>} : memref<8448xf32, #tpu.memory_space<vmem>>, vector<16xf32>,
        %add3A_823 = arith.constant 2 : i32
        %add3A_824 = arith.addi %mul3A_629, %add3A_823 : i32
        %mul3A_825 = arith.constant 33 : i32
        %mul3A_826 = arith.muli %add3A_824, %mul3A_825 : i32
        %add3A_827 = arith.constant 16 : i32
        %add3A_828 = arith.addi %mul3A_826, %add3A_827 : i32
        %swap3A_829 = arith.index_cast %add3A_828 : i32 to index
        %swap3A_830 = tpu.vector_load %arg10[%swap3A_829] {strides = array<i32>} : memref<8448xf32, #tpu.memory_space<vmem>>, vector<16xf32>,
        tpu.vector_store %arg10[%swap3A_829], %get3A_658 {strides = array<i32>} : memref<8448xf32, #tpu.memory_space<vmem>>, vector<16xf32>,
        %add3A_831 = arith.constant 3 : i32
        %add3A_832 = arith.addi %mul3A_629, %add3A_831 : i32
        %mul3A_833 = arith.constant 33 : i32
        %mul3A_834 = arith.muli %add3A_832, %mul3A_833 : i32
        %swap3A_835 = arith.index_cast %mul3A_834 : i32 to index
        %swap3A_836 = tpu.vector_load %arg10[%swap3A_835] {strides = array<i32>} : memref<8448xf32, #tpu.memory_space<vmem>>, vector<16xf32>,
        tpu.vector_store %arg10[%swap3A_835], %get3A_663 {strides = array<i32>} : memref<8448xf32, #tpu.memory_space<vmem>>, vector<16xf32>,
        %add3A_837 = arith.constant 3 : i32
        %add3A_838 = arith.addi %mul3A_629, %add3A_837 : i32
        %mul3A_839 = arith.constant 33 : i32
        %mul3A_840 = arith.muli %add3A_838, %mul3A_839 : i32
        %add3A_841 = arith.constant 16 : i32
        %add3A_842 = arith.addi %mul3A_840, %add3A_841 : i32
        %swap3A_843 = arith.index_cast %add3A_842 : i32 to index
        %swap3A_844 = tpu.vector_load %arg10[%swap3A_843] {strides = array<i32>} : memref<8448xf32, #tpu.memory_space<vmem>>, vector<16xf32>,
        tpu.vector_store %arg10[%swap3A_843], %get3A_668 {strides = array<i32>} : memref<8448xf32, #tpu.memory_space<vmem>>, vector<16xf32>,
        %add3A_845 = arith.constant 4 : i32
        %add3A_846 = arith.addi %mul3A_629, %add3A_845 : i32
        %mul3A_847 = arith.constant 33 : i32
        %mul3A_848 = arith.muli %add3A_846, %mul3A_847 : i32
        %swap3A_849 = arith.index_cast %mul3A_848 : i32 to index
        %swap3A_850 = tpu.vector_load %arg10[%swap3A_849] {strides = array<i32>} : memref<8448xf32, #tpu.memory_space<vmem>>, vector<16xf32>,
        tpu.vector_store %arg10[%swap3A_849], %get3A_673 {strides = array<i32>} : memref<8448xf32, #tpu.memory_space<vmem>>, vector<16xf32>,
        %add3A_851 = arith.constant 4 : i32
        %add3A_852 = arith.addi %mul3A_629, %add3A_851 : i32
        %mul3A_853 = arith.constant 33 : i32
        %mul3A_854 = arith.muli %add3A_852, %mul3A_853 : i32
        %add3A_855 = arith.constant 16 : i32
        %add3A_856 = arith.addi %mul3A_854, %add3A_855 : i32
        %swap3A_857 = arith.index_cast %add3A_856 : i32 to index
        %swap3A_858 = tpu.vector_load %arg10[%swap3A_857] {strides = array<i32>} : memref<8448xf32, #tpu.memory_space<vmem>>, vector<16xf32>,
        tpu.vector_store %arg10[%swap3A_857], %get3A_678 {strides = array<i32>} : memref<8448xf32, #tpu.memory_space<vmem>>, vector<16xf32>,
        %add3A_859 = arith.constant 5 : i32
        %add3A_860 = arith.addi %mul3A_629, %add3A_859 : i32
        %mul3A_861 = arith.constant 33 : i32
        %mul3A_862 = arith.muli %add3A_860, %mul3A_861 : i32
        %swap3A_863 = arith.index_cast %mul3A_862 : i32 to index
        %swap3A_864 = tpu.vector_load %arg10[%swap3A_863] {strides = array<i32>} : memref<8448xf32, #tpu.memory_space<vmem>>, vector<16xf32>,
        tpu.vector_store %arg10[%swap3A_863], %get3A_683 {strides = array<i32>} : memref<8448xf32, #tpu.memory_space<vmem>>, vector<16xf32>,
        %add3A_865 = arith.constant 5 : i32
        %add3A_866 = arith.addi %mul3A_629, %add3A_865 : i32
        %mul3A_867 = arith.constant 33 : i32
        %mul3A_868 = arith.muli %add3A_866, %mul3A_867 : i32
        %add3A_869 = arith.constant 16 : i32
        %add3A_870 = arith.addi %mul3A_868, %add3A_869 : i32
        %swap3A_871 = arith.index_cast %add3A_870 : i32 to index
        %swap3A_872 = tpu.vector_load %arg10[%swap3A_871] {strides = array<i32>} : memref<8448xf32, #tpu.memory_space<vmem>>, vector<16xf32>,
        tpu.vector_store %arg10[%swap3A_871], %get3A_688 {strides = array<i32>} : memref<8448xf32, #tpu.memory_space<vmem>>, vector<16xf32>,
        %add3A_873 = arith.constant 6 : i32
        %add3A_874 = arith.addi %mul3A_629, %add3A_873 : i32
        %mul3A_875 = arith.constant 33 : i32
        %mul3A_876 = arith.muli %add3A_874, %mul3A_875 : i32
        %swap3A_877 = arith.index_cast %mul3A_876 : i32 to index
        %swap3A_878 = tpu.vector_load %arg10[%swap3A_877] {strides = array<i32>} : memref<8448xf32, #tpu.memory_space<vmem>>, vector<16xf32>,
        tpu.vector_store %arg10[%swap3A_877], %get3A_693 {strides = array<i32>} : memref<8448xf32, #tpu.memory_space<vmem>>, vector<16xf32>,
        %add3A_879 = arith.constant 6 : i32
        %add3A_880 = arith.addi %mul3A_629, %add3A_879 : i32
        %mul3A_881 = arith.constant 33 : i32
        %mul3A_882 = arith.muli %add3A_880, %mul3A_881 : i32
        %add3A_883 = arith.constant 16 : i32
        %add3A_884 = arith.addi %mul3A_882, %add3A_883 : i32
        %swap3A_885 = arith.index_cast %add3A_884 : i32 to index
        %swap3A_886 = tpu.vector_load %arg10[%swap3A_885] {strides = array<i32>} : memref<8448xf32, #tpu.memory_space<vmem>>, vector<16xf32>,
        tpu.vector_store %arg10[%swap3A_885], %get3A_698 {strides = array<i32>} : memref<8448xf32, #tpu.memory_space<vmem>>, vector<16xf32>,
        %add3A_887 = arith.constant 7 : i32
        %add3A_888 = arith.addi %mul3A_629, %add3A_887 : i32
        %mul3A_889 = arith.constant 33 : i32
        %mul3A_890 = arith.muli %add3A_888, %mul3A_889 : i32
        %swap3A_891 = arith.index_cast %mul3A_890 : i32 to index
        %swap3A_892 = tpu.vector_load %arg10[%swap3A_891] {strides = array<i32>} : memref<8448xf32, #tpu.memory_space<vmem>>, vector<16xf32>,
        tpu.vector_store %arg10[%swap3A_891], %get3A_703 {strides = array<i32>} : memref<8448xf32, #tpu.memory_space<vmem>>, vector<16xf32>,
        %add3A_893 = arith.constant 7 : i32
        %add3A_894 = arith.addi %mul3A_629, %add3A_893 : i32
        %mul3A_895 = arith.constant 33 : i32
        %mul3A_896 = arith.muli %add3A_894, %mul3A_895 : i32
        %add3A_897 = arith.constant 16 : i32
        %add3A_898 = arith.addi %mul3A_896, %add3A_897 : i32
        %swap3A_899 = arith.index_cast %add3A_898 : i32 to index
        %swap3A_900 = tpu.vector_load %arg10[%swap3A_899] {strides = array<i32>} : memref<8448xf32, #tpu.memory_space<vmem>>, vector<16xf32>,
        tpu.vector_store %arg10[%swap3A_899], %get3A_708 {strides = array<i32>} : memref<8448xf32, #tpu.memory_space<vmem>>, vector<16xf32>,
        %add3A_901 = arith.constant 8 : i32
        %add3A_902 = arith.addi %mul3A_629, %add3A_901 : i32
        %mul3A_903 = arith.constant 33 : i32
        %mul3A_904 = arith.muli %add3A_902, %mul3A_903 : i32
        %swap3A_905 = arith.index_cast %mul3A_904 : i32 to index
        %swap3A_906 = tpu.vector_load %arg10[%swap3A_905] {strides = array<i32>} : memref<8448xf32, #tpu.memory_space<vmem>>, vector<16xf32>,
        tpu.vector_store %arg10[%swap3A_905], %get3A_713 {strides = array<i32>} : memref<8448xf32, #tpu.memory_space<vmem>>, vector<16xf32>,
        %add3A_907 = arith.constant 8 : i32
        %add3A_908 = arith.addi %mul3A_629, %add3A_907 : i32
        %mul3A_909 = arith.constant 33 : i32
        %mul3A_910 = arith.muli %add3A_908, %mul3A_909 : i32
        %add3A_911 = arith.constant 16 : i32
        %add3A_912 = arith.addi %mul3A_910, %add3A_911 : i32
        %swap3A_913 = arith.index_cast %add3A_912 : i32 to index
        %swap3A_914 = tpu.vector_load %arg10[%swap3A_913] {strides = array<i32>} : memref<8448xf32, #tpu.memory_space<vmem>>, vector<16xf32>,
        tpu.vector_store %arg10[%swap3A_913], %get3A_718 {strides = array<i32>} : memref<8448xf32, #tpu.memory_space<vmem>>, vector<16xf32>,
        %add3A_915 = arith.constant 9 : i32
        %add3A_916 = arith.addi %mul3A_629, %add3A_915 : i32
        %mul3A_917 = arith.constant 33 : i32
        %mul3A_918 = arith.muli %add3A_916, %mul3A_917 : i32
        %swap3A_919 = arith.index_cast %mul3A_918 : i32 to index
        %swap3A_920 = tpu.vector_load %arg10[%swap3A_919] {strides = array<i32>} : memref<8448xf32, #tpu.memory_space<vmem>>, vector<16xf32>,
        tpu.vector_store %arg10[%swap3A_919], %get3A_723 {strides = array<i32>} : memref<8448xf32, #tpu.memory_space<vmem>>, vector<16xf32>,
        %add3A_921 = arith.constant 9 : i32
        %add3A_922 = arith.addi %mul3A_629, %add3A_921 : i32
        %mul3A_923 = arith.constant 33 : i32
        %mul3A_924 = arith.muli %add3A_922, %mul3A_923 : i32
        %add3A_925 = arith.constant 16 : i32
        %add3A_926 = arith.addi %mul3A_924, %add3A_925 : i32
        %swap3A_927 = arith.index_cast %add3A_926 : i32 to index
        %swap3A_928 = tpu.vector_load %arg10[%swap3A_927] {strides = array<i32>} : memref<8448xf32, #tpu.memory_space<vmem>>, vector<16xf32>,
        tpu.vector_store %arg10[%swap3A_927], %get3A_728 {strides = array<i32>} : memref<8448xf32, #tpu.memory_space<vmem>>, vector<16xf32>,
        %add3A_929 = arith.constant 10 : i32
        %add3A_930 = arith.addi %mul3A_629, %add3A_929 : i32
        %mul3A_931 = arith.constant 33 : i32
        %mul3A_932 = arith.muli %add3A_930, %mul3A_931 : i32
        %swap3A_933 = arith.index_cast %mul3A_932 : i32 to index
        %swap3A_934 = tpu.vector_load %arg10[%swap3A_933] {strides = array<i32>} : memref<8448xf32, #tpu.memory_space<vmem>>, vector<16xf32>,
        tpu.vector_store %arg10[%swap3A_933], %get3A_733 {strides = array<i32>} : memref<8448xf32, #tpu.memory_space<vmem>>, vector<16xf32>,
        %add3A_935 = arith.constant 10 : i32
        %add3A_936 = arith.addi %mul3A_629, %add3A_935 : i32
        %mul3A_937 = arith.constant 33 : i32
        %mul3A_938 = arith.muli %add3A_936, %mul3A_937 : i32
        %add3A_939 = arith.constant 16 : i32
        %add3A_940 = arith.addi %mul3A_938, %add3A_939 : i32
        %swap3A_941 = arith.index_cast %add3A_940 : i32 to index
        %swap3A_942 = tpu.vector_load %arg10[%swap3A_941] {strides = array<i32>} : memref<8448xf32, #tpu.memory_space<vmem>>, vector<16xf32>,
        tpu.vector_store %arg10[%swap3A_941], %get3A_738 {strides = array<i32>} : memref<8448xf32, #tpu.memory_space<vmem>>, vector<16xf32>,
        %add3A_943 = arith.constant 11 : i32
        %add3A_944 = arith.addi %mul3A_629, %add3A_943 : i32
        %mul3A_945 = arith.constant 33 : i32
        %mul3A_946 = arith.muli %add3A_944, %mul3A_945 : i32
        %swap3A_947 = arith.index_cast %mul3A_946 : i32 to index
        %swap3A_948 = tpu.vector_load %arg10[%swap3A_947] {strides = array<i32>} : memref<8448xf32, #tpu.memory_space<vmem>>, vector<16xf32>,
        tpu.vector_store %arg10[%swap3A_947], %get3A_743 {strides = array<i32>} : memref<8448xf32, #tpu.memory_space<vmem>>, vector<16xf32>,
        %add3A_949 = arith.constant 11 : i32
        %add3A_950 = arith.addi %mul3A_629, %add3A_949 : i32
        %mul3A_951 = arith.constant 33 : i32
        %mul3A_952 = arith.muli %add3A_950, %mul3A_951 : i32
        %add3A_953 = arith.constant 16 : i32
        %add3A_954 = arith.addi %mul3A_952, %add3A_953 : i32
        %swap3A_955 = arith.index_cast %add3A_954 : i32 to index
        %swap3A_956 = tpu.vector_load %arg10[%swap3A_955] {strides = array<i32>} : memref<8448xf32, #tpu.memory_space<vmem>>, vector<16xf32>,
        tpu.vector_store %arg10[%swap3A_955], %get3A_748 {strides = array<i32>} : memref<8448xf32, #tpu.memory_space<vmem>>, vector<16xf32>,
        %add3A_957 = arith.constant 12 : i32
        %add3A_958 = arith.addi %mul3A_629, %add3A_957 : i32
        %mul3A_959 = arith.constant 33 : i32
        %mul3A_960 = arith.muli %add3A_958, %mul3A_959 : i32
        %swap3A_961 = arith.index_cast %mul3A_960 : i32 to index
        %swap3A_962 = tpu.vector_load %arg10[%swap3A_961] {strides = array<i32>} : memref<8448xf32, #tpu.memory_space<vmem>>, vector<16xf32>,
        tpu.vector_store %arg10[%swap3A_961], %get3A_753 {strides = array<i32>} : memref<8448xf32, #tpu.memory_space<vmem>>, vector<16xf32>,
        %add3A_963 = arith.constant 12 : i32
        %add3A_964 = arith.addi %mul3A_629, %add3A_963 : i32
        %mul3A_965 = arith.constant 33 : i32
        %mul3A_966 = arith.muli %add3A_964, %mul3A_965 : i32
        %add3A_967 = arith.constant 16 : i32
        %add3A_968 = arith.addi %mul3A_966, %add3A_967 : i32
        %swap3A_969 = arith.index_cast %add3A_968 : i32 to index
        %swap3A_970 = tpu.vector_load %arg10[%swap3A_969] {strides = array<i32>} : memref<8448xf32, #tpu.memory_space<vmem>>, vector<16xf32>,
        tpu.vector_store %arg10[%swap3A_969], %get3A_758 {strides = array<i32>} : memref<8448xf32, #tpu.memory_space<vmem>>, vector<16xf32>,
        %add3A_971 = arith.constant 13 : i32
        %add3A_972 = arith.addi %mul3A_629, %add3A_971 : i32
        %mul3A_973 = arith.constant 33 : i32
        %mul3A_974 = arith.muli %add3A_972, %mul3A_973 : i32
        %swap3A_975 = arith.index_cast %mul3A_974 : i32 to index
        %swap3A_976 = tpu.vector_load %arg10[%swap3A_975] {strides = array<i32>} : memref<8448xf32, #tpu.memory_space<vmem>>, vector<16xf32>,
        tpu.vector_store %arg10[%swap3A_975], %get3A_763 {strides = array<i32>} : memref<8448xf32, #tpu.memory_space<vmem>>, vector<16xf32>,
        %add3A_977 = arith.constant 13 : i32
        %add3A_978 = arith.addi %mul3A_629, %add3A_977 : i32
        %mul3A_979 = arith.constant 33 : i32
        %mul3A_980 = arith.muli %add3A_978, %mul3A_979 : i32
        %add3A_981 = arith.constant 16 : i32
        %add3A_982 = arith.addi %mul3A_980, %add3A_981 : i32
        %swap3A_983 = arith.index_cast %add3A_982 : i32 to index
        %swap3A_984 = tpu.vector_load %arg10[%swap3A_983] {strides = array<i32>} : memref<8448xf32, #tpu.memory_space<vmem>>, vector<16xf32>,
        tpu.vector_store %arg10[%swap3A_983], %get3A_768 {strides = array<i32>} : memref<8448xf32, #tpu.memory_space<vmem>>, vector<16xf32>,
        %add3A_985 = arith.constant 14 : i32
        %add3A_986 = arith.addi %mul3A_629, %add3A_985 : i32
        %mul3A_987 = arith.constant 33 : i32
        %mul3A_988 = arith.muli %add3A_986, %mul3A_987 : i32
        %swap3A_989 = arith.index_cast %mul3A_988 : i32 to index
        %swap3A_990 = tpu.vector_load %arg10[%swap3A_989] {strides = array<i32>} : memref<8448xf32, #tpu.memory_space<vmem>>, vector<16xf32>,
        tpu.vector_store %arg10[%swap3A_989], %get3A_773 {strides = array<i32>} : memref<8448xf32, #tpu.memory_space<vmem>>, vector<16xf32>,
        %add3A_991 = arith.constant 14 : i32
        %add3A_992 = arith.addi %mul3A_629, %add3A_991 : i32
        %mul3A_993 = arith.constant 33 : i32
        %mul3A_994 = arith.muli %add3A_992, %mul3A_993 : i32
        %add3A_995 = arith.constant 16 : i32
        %add3A_996 = arith.addi %mul3A_994, %add3A_995 : i32
        %swap3A_997 = arith.index_cast %add3A_996 : i32 to index
        %swap3A_998 = tpu.vector_load %arg10[%swap3A_997] {strides = array<i32>} : memref<8448xf32, #tpu.memory_space<vmem>>, vector<16xf32>,
        tpu.vector_store %arg10[%swap3A_997], %get3A_778 {strides = array<i32>} : memref<8448xf32, #tpu.memory_space<vmem>>, vector<16xf32>,
        %add3A_999 = arith.constant 15 : i32
        %add3A_1000 = arith.addi %mul3A_629, %add3A_999 : i32
        %mul3A_1001 = arith.constant 33 : i32
        %mul3A_1002 = arith.muli %add3A_1000, %mul3A_1001 : i32
        %swap3A_1003 = arith.index_cast %mul3A_1002 : i32 to index
        %swap3A_1004 = tpu.vector_load %arg10[%swap3A_1003] {strides = array<i32>} : memref<8448xf32, #tpu.memory_space<vmem>>, vector<16xf32>,
        tpu.vector_store %arg10[%swap3A_1003], %get3A_783 {strides = array<i32>} : memref<8448xf32, #tpu.memory_space<vmem>>, vector<16xf32>,
        %add3A_1005 = arith.constant 15 : i32
        %add3A_1006 = arith.addi %mul3A_629, %add3A_1005 : i32
        %mul3A_1007 = arith.constant 33 : i32
        %mul3A_1008 = arith.muli %add3A_1006, %mul3A_1007 : i32
        %add3A_1009 = arith.constant 16 : i32
        %add3A_1010 = arith.addi %mul3A_1008, %add3A_1009 : i32
        %swap3A_1011 = arith.index_cast %add3A_1010 : i32 to index
        %swap3A_1012 = tpu.vector_load %arg10[%swap3A_1011] {strides = array<i32>} : memref<8448xf32, #tpu.memory_space<vmem>>, vector<16xf32>,
        tpu.vector_store %arg10[%swap3A_1011], %get3A_788 {strides = array<i32>} : memref<8448xf32, #tpu.memory_space<vmem>>, vector<16xf32>,
        %scan3A_1013 = arith.constant 0 : i32
        scf.yield %scan3A_1013 : i32
      }
      %scan3A_525 = arith.constant 16 : i32
      %scan3A_526 = arith.constant 0 : i32
      %scan3A_527 = arith.constant 0 : i32
      %scan3A_528 = arith.constant 16 : i32
      %scan3A_529 = arith.addi %scan3A_527, %scan3A_528 : i32
      %scan3A_530 = arith.constant 1 : i32
      %scan3A_531 = scf.for %scan3A_626 = %scan3A_527 to %scan3A_529 step %scan3A_530 iter_args(%scan3A_627 = %scan3A_526) -> (i32)  : i32 {
        %mul3A_628 = arith.constant 16 : i32
        %mul3A_629 = arith.muli %mul3A_628, %scan3A_626 : i32
        %add3A_630 = vector.broadcast %mul3A_629 : i32 to vector<16xi32>
        %add3A_631 = arith.addi %iota3A, %add3A_630 : vector<16xi32>
        %mul3A_632 = arith.constant 33 : i32
        %mul3A_633 = vector.broadcast %mul3A_632 : i32 to vector<16xi32>
        %mul3A_634 = arith.muli %add3A_631, %mul3A_633 : vector<16xi32>
        %add3A_635 = arith.constant 0 : i32
        %add3A_636 = vector.broadcast %add3A_635 : i32 to vector<16xi32>
        %add3A_637 = arith.addi %mul3A_634, %add3A_636 : vector<16xi32>
        %gather3A_638 = tpu.vector_load_idx %arg10[%add3A_637] : memref<8448xf32, #tpu.memory_space<vmem>>[vector<16xi32>], vector<16xf32>,
        %mul3A_639 = arith.constant 5.65685415 : f32
        %mul3A_640 = vector.broadcast %mul3A_639 : f32 to vector<16xf32>
        %mul3A_641 = arith.mulf %gather3A_638, %mul3A_640 : vector<16xf32>
        %add3A_642 = arith.constant 1 : i32
        %add3A_643 = vector.broadcast %add3A_642 : i32 to vector<16xi32>
        %add3A_644 = arith.addi %mul3A_634, %add3A_643 : vector<16xi32>
        %gather3A_645 = tpu.vector_load_idx %arg10[%add3A_644] : memref<8448xf32, #tpu.memory_space<vmem>>[vector<16xi32>], vector<16xf32>,
        %mul3A_646 = arith.constant 5.65685415 : f32
        %mul3A_647 = vector.broadcast %mul3A_646 : f32 to vector<16xf32>
        %mul3A_648 = arith.mulf %gather3A_645, %mul3A_647 : vector<16xf32>
        %add3A_649 = arith.constant 2 : i32
        %add3A_650 = vector.broadcast %add3A_649 : i32 to vector<16xi32>
        %add3A_651 = arith.addi %mul3A_634, %add3A_650 : vector<16xi32>
        %gather3A_652 = tpu.vector_load_idx %arg10[%add3A_651] : memref<8448xf32, #tpu.memory_space<vmem>>[vector<16xi32>], vector<16xf32>,
        %mul3A_653 = arith.constant 5.65685415 : f32
        %mul3A_654 = vector.broadcast %mul3A_653 : f32 to vector<16xf32>
        %mul3A_655 = arith.mulf %gather3A_652, %mul3A_654 : vector<16xf32>
        %add3A_656 = arith.constant 3 : i32
        %add3A_657 = vector.broadcast %add3A_656 : i32 to vector<16xi32>
        %add3A_658 = arith.addi %mul3A_634, %add3A_657 : vector<16xi32>
        %gather3A_659 = tpu.vector_load_idx %arg10[%add3A_658] : memref<8448xf32, #tpu.memory_space<vmem>>[vector<16xi32>], vector<16xf32>,
        %mul3A_660 = arith.constant 5.65685415 : f32
        %mul3A_661 = vector.broadcast %mul3A_660 : f32 to vector<16xf32>
        %mul3A_662 = arith.mulf %gather3A_659, %mul3A_661 : vector<16xf32>
        %add3A_663 = arith.constant 4 : i32
        %add3A_664 = vector.broadcast %add3A_663 : i32 to vector<16xi32>
        %add3A_665 = arith.addi %mul3A_634, %add3A_664 : vector<16xi32>
        %gather3A_666 = tpu.vector_load_idx %arg10[%add3A_665] : memref<8448xf32, #tpu.memory_space<vmem>>[vector<16xi32>], vector<16xf32>,
        %mul3A_667 = arith.constant 5.65685415 : f32
        %mul3A_668 = vector.broadcast %mul3A_667 : f32 to vector<16xf32>
        %mul3A_669 = arith.mulf %gather3A_666, %mul3A_668 : vector<16xf32>
        %add3A_670 = arith.constant 5 : i32
        %add3A_671 = vector.broadcast %add3A_670 : i32 to vector<16xi32>
        %add3A_672 = arith.addi %mul3A_634, %add3A_671 : vector<16xi32>
        %gather3A_673 = tpu.vector_load_idx %arg10[%add3A_672] : memref<8448xf32, #tpu.memory_space<vmem>>[vector<16xi32>], vector<16xf32>,
        %mul3A_674 = arith.constant 5.65685415 : f32
        %mul3A_675 = vector.broadcast %mul3A_674 : f32 to vector<16xf32>
        %mul3A_676 = arith.mulf %gather3A_673, %mul3A_675 : vector<16xf32>
        %add3A_677 = arith.constant 6 : i32
        %add3A_678 = vector.broadcast %add3A_677 : i32 to vector<16xi32>
        %add3A_679 = arith.addi %mul3A_634, %add3A_678 : vector<16xi32>
        %gather3A_680 = tpu.vector_load_idx %arg10[%add3A_679] : memref<8448xf32, #tpu.memory_space<vmem>>[vector<16xi32>], vector<16xf32>,
        %mul3A_681 = arith.constant 5.65685415 : f32
        %mul3A_682 = vector.broadcast %mul3A_681 : f32 to vector<16xf32>
        %mul3A_683 = arith.mulf %gather3A_680, %mul3A_682 : vector<16xf32>
        %add3A_684 = arith.constant 7 : i32
        %add3A_685 = vector.broadcast %add3A_684 : i32 to vector<16xi32>
        %add3A_686 = arith.addi %mul3A_634, %add3A_685 : vector<16xi32>
        %gather3A_687 = tpu.vector_load_idx %arg10[%add3A_686] : memref<8448xf32, #tpu.memory_space<vmem>>[vector<16xi32>], vector<16xf32>,
        %mul3A_688 = arith.constant 5.65685415 : f32
        %mul3A_689 = vector.broadcast %mul3A_688 : f32 to vector<16xf32>
        %mul3A_690 = arith.mulf %gather3A_687, %mul3A_689 : vector<16xf32>
        %add3A_691 = arith.constant 8 : i32
        %add3A_692 = vector.broadcast %add3A_691 : i32 to vector<16xi32>
        %add3A_693 = arith.addi %mul3A_634, %add3A_692 : vector<16xi32>
        %gather3A_694 = tpu.vector_load_idx %arg10[%add3A_693] : memref<8448xf32, #tpu.memory_space<vmem>>[vector<16xi32>], vector<16xf32>,
        %mul3A_695 = arith.constant 5.65685415 : f32
        %mul3A_696 = vector.broadcast %mul3A_695 : f32 to vector<16xf32>
        %mul3A_697 = arith.mulf %gather3A_694, %mul3A_696 : vector<16xf32>
        %add3A_698 = arith.constant 9 : i32
        %add3A_699 = vector.broadcast %add3A_698 : i32 to vector<16xi32>
        %add3A_700 = arith.addi %mul3A_634, %add3A_699 : vector<16xi32>
        %gather3A_701 = tpu.vector_load_idx %arg10[%add3A_700] : memref<8448xf32, #tpu.memory_space<vmem>>[vector<16xi32>], vector<16xf32>,
        %mul3A_702 = arith.constant 5.65685415 : f32
        %mul3A_703 = vector.broadcast %mul3A_702 : f32 to vector<16xf32>
        %mul3A_704 = arith.mulf %gather3A_701, %mul3A_703 : vector<16xf32>
        %add3A_705 = arith.constant 10 : i32
        %add3A_706 = vector.broadcast %add3A_705 : i32 to vector<16xi32>
        %add3A_707 = arith.addi %mul3A_634, %add3A_706 : vector<16xi32>
        %gather3A_708 = tpu.vector_load_idx %arg10[%add3A_707] : memref<8448xf32, #tpu.memory_space<vmem>>[vector<16xi32>], vector<16xf32>,
        %mul3A_709 = arith.constant 5.65685415 : f32
        %mul3A_710 = vector.broadcast %mul3A_709 : f32 to vector<16xf32>
        %mul3A_711 = arith.mulf %gather3A_708, %mul3A_710 : vector<16xf32>
        %add3A_712 = arith.constant 11 : i32
        %add3A_713 = vector.broadcast %add3A_712 : i32 to vector<16xi32>
        %add3A_714 = arith.addi %mul3A_634, %add3A_713 : vector<16xi32>
        %gather3A_715 = tpu.vector_load_idx %arg10[%add3A_714] : memref<8448xf32, #tpu.memory_space<vmem>>[vector<16xi32>], vector<16xf32>,
        %mul3A_716 = arith.constant 5.65685415 : f32
        %mul3A_717 = vector.broadcast %mul3A_716 : f32 to vector<16xf32>
        %mul3A_718 = arith.mulf %gather3A_715, %mul3A_717 : vector<16xf32>
        %add3A_719 = arith.constant 12 : i32
        %add3A_720 = vector.broadcast %add3A_719 : i32 to vector<16xi32>
        %add3A_721 = arith.addi %mul3A_634, %add3A_720 : vector<16xi32>
        %gather3A_722 = tpu.vector_load_idx %arg10[%add3A_721] : memref<8448xf32, #tpu.memory_space<vmem>>[vector<16xi32>], vector<16xf32>,
        %mul3A_723 = arith.constant 5.65685415 : f32
        %mul3A_724 = vector.broadcast %mul3A_723 : f32 to vector<16xf32>
        %mul3A_725 = arith.mulf %gather3A_722, %mul3A_724 : vector<16xf32>
        %add3A_726 = arith.constant 13 : i32
        %add3A_727 = vector.broadcast %add3A_726 : i32 to vector<16xi32>
        %add3A_728 = arith.addi %mul3A_634, %add3A_727 : vector<16xi32>
        %gather3A_729 = tpu.vector_load_idx %arg10[%add3A_728] : memref<8448xf32, #tpu.memory_space<vmem>>[vector<16xi32>], vector<16xf32>,
        %mul3A_730 = arith.constant 5.65685415 : f32
        %mul3A_731 = vector.broadcast %mul3A_730 : f32 to vector<16xf32>
        %mul3A_732 = arith.mulf %gather3A_729, %mul3A_731 : vector<16xf32>
        %add3A_733 = arith.constant 14 : i32
        %add3A_734 = vector.broadcast %add3A_733 : i32 to vector<16xi32>
        %add3A_735 = arith.addi %mul3A_634, %add3A_734 : vector<16xi32>
        %gather3A_736 = tpu.vector_load_idx %arg10[%add3A_735] : memref<8448xf32, #tpu.memory_space<vmem>>[vector<16xi32>], vector<16xf32>,
        %mul3A_737 = arith.constant 5.65685415 : f32
        %mul3A_738 = vector.broadcast %mul3A_737 : f32 to vector<16xf32>
        %mul3A_739 = arith.mulf %gather3A_736, %mul3A_738 : vector<16xf32>
        %add3A_740 = arith.constant 15 : i32
        %add3A_741 = vector.broadcast %add3A_740 : i32 to vector<16xi32>
        %add3A_742 = arith.addi %mul3A_634, %add3A_741 : vector<16xi32>
        %gather3A_743 = tpu.vector_load_idx %arg10[%add3A_742] : memref<8448xf32, #tpu.memory_space<vmem>>[vector<16xi32>], vector<16xf32>,
        %mul3A_744 = arith.constant 5.65685415 : f32
        %mul3A_745 = vector.broadcast %mul3A_744 : f32 to vector<16xf32>
        %mul3A_746 = arith.mulf %gather3A_743, %mul3A_745 : vector<16xf32>
        %add3A_747 = arith.constant 16 : i32
        %add3A_748 = vector.broadcast %add3A_747 : i32 to vector<16xi32>
        %add3A_749 = arith.addi %mul3A_634, %add3A_748 : vector<16xi32>
        %gather3A_750 = tpu.vector_load_idx %arg10[%add3A_749] : memref<8448xf32, #tpu.memory_space<vmem>>[vector<16xi32>], vector<16xf32>,
        %mul3A_751 = arith.constant 5.65685415 : f32
        %mul3A_752 = vector.broadcast %mul3A_751 : f32 to vector<16xf32>
        %mul3A_753 = arith.mulf %gather3A_750, %mul3A_752 : vector<16xf32>
        %add3A_754 = arith.constant 17 : i32
        %add3A_755 = vector.broadcast %add3A_754 : i32 to vector<16xi32>
        %add3A_756 = arith.addi %mul3A_634, %add3A_755 : vector<16xi32>
        %gather3A_757 = tpu.vector_load_idx %arg10[%add3A_756] : memref<8448xf32, #tpu.memory_space<vmem>>[vector<16xi32>], vector<16xf32>,
        %mul3A_758 = arith.constant 5.65685415 : f32
        %mul3A_759 = vector.broadcast %mul3A_758 : f32 to vector<16xf32>
        %mul3A_760 = arith.mulf %gather3A_757, %mul3A_759 : vector<16xf32>
        %add3A_761 = arith.constant 18 : i32
        %add3A_762 = vector.broadcast %add3A_761 : i32 to vector<16xi32>
        %add3A_763 = arith.addi %mul3A_634, %add3A_762 : vector<16xi32>
        %gather3A_764 = tpu.vector_load_idx %arg10[%add3A_763] : memref<8448xf32, #tpu.memory_space<vmem>>[vector<16xi32>], vector<16xf32>,
        %mul3A_765 = arith.constant 5.65685415 : f32
        %mul3A_766 = vector.broadcast %mul3A_765 : f32 to vector<16xf32>
        %mul3A_767 = arith.mulf %gather3A_764, %mul3A_766 : vector<16xf32>
        %add3A_768 = arith.constant 19 : i32
        %add3A_769 = vector.broadcast %add3A_768 : i32 to vector<16xi32>
        %add3A_770 = arith.addi %mul3A_634, %add3A_769 : vector<16xi32>
        %gather3A_771 = tpu.vector_load_idx %arg10[%add3A_770] : memref<8448xf32, #tpu.memory_space<vmem>>[vector<16xi32>], vector<16xf32>,
        %mul3A_772 = arith.constant 5.65685415 : f32
        %mul3A_773 = vector.broadcast %mul3A_772 : f32 to vector<16xf32>
        %mul3A_774 = arith.mulf %gather3A_771, %mul3A_773 : vector<16xf32>
        %add3A_775 = arith.constant 20 : i32
        %add3A_776 = vector.broadcast %add3A_775 : i32 to vector<16xi32>
        %add3A_777 = arith.addi %mul3A_634, %add3A_776 : vector<16xi32>
        %gather3A_778 = tpu.vector_load_idx %arg10[%add3A_777] : memref<8448xf32, #tpu.memory_space<vmem>>[vector<16xi32>], vector<16xf32>,
        %mul3A_779 = arith.constant 5.65685415 : f32
        %mul3A_780 = vector.broadcast %mul3A_779 : f32 to vector<16xf32>
        %mul3A_781 = arith.mulf %gather3A_778, %mul3A_780 : vector<16xf32>
        %add3A_782 = arith.constant 21 : i32
        %add3A_783 = vector.broadcast %add3A_782 : i32 to vector<16xi32>
        %add3A_784 = arith.addi %mul3A_634, %add3A_783 : vector<16xi32>
        %gather3A_785 = tpu.vector_load_idx %arg10[%add3A_784] : memref<8448xf32, #tpu.memory_space<vmem>>[vector<16xi32>], vector<16xf32>,
        %mul3A_786 = arith.constant 5.65685415 : f32
        %mul3A_787 = vector.broadcast %mul3A_786 : f32 to vector<16xf32>
        %mul3A_788 = arith.mulf %gather3A_785, %mul3A_787 : vector<16xf32>
        %add3A_789 = arith.constant 22 : i32
        %add3A_790 = vector.broadcast %add3A_789 : i32 to vector<16xi32>
        %add3A_791 = arith.addi %mul3A_634, %add3A_790 : vector<16xi32>
        %gather3A_792 = tpu.vector_load_idx %arg10[%add3A_791] : memref<8448xf32, #tpu.memory_space<vmem>>[vector<16xi32>], vector<16xf32>,
        %mul3A_793 = arith.constant 5.65685415 : f32
        %mul3A_794 = vector.broadcast %mul3A_793 : f32 to vector<16xf32>
        %mul3A_795 = arith.mulf %gather3A_792, %mul3A_794 : vector<16xf32>
        %add3A_796 = arith.constant 23 : i32
        %add3A_797 = vector.broadcast %add3A_796 : i32 to vector<16xi32>
        %add3A_798 = arith.addi %mul3A_634, %add3A_797 : vector<16xi32>
        %gather3A_799 = tpu.vector_load_idx %arg10[%add3A_798] : memref<8448xf32, #tpu.memory_space<vmem>>[vector<16xi32>], vector<16xf32>,
        %mul3A_800 = arith.constant 5.65685415 : f32
        %mul3A_801 = vector.broadcast %mul3A_800 : f32 to vector<16xf32>
        %mul3A_802 = arith.mulf %gather3A_799, %mul3A_801 : vector<16xf32>
        %add3A_803 = arith.constant 24 : i32
        %add3A_804 = vector.broadcast %add3A_803 : i32 to vector<16xi32>
        %add3A_805 = arith.addi %mul3A_634, %add3A_804 : vector<16xi32>
        %gather3A_806 = tpu.vector_load_idx %arg10[%add3A_805] : memref<8448xf32, #tpu.memory_space<vmem>>[vector<16xi32>], vector<16xf32>,
        %mul3A_807 = arith.constant 5.65685415 : f32
        %mul3A_808 = vector.broadcast %mul3A_807 : f32 to vector<16xf32>
        %mul3A_809 = arith.mulf %gather3A_806, %mul3A_808 : vector<16xf32>
        %add3A_810 = arith.constant 25 : i32
        %add3A_811 = vector.broadcast %add3A_810 : i32 to vector<16xi32>
        %add3A_812 = arith.addi %mul3A_634, %add3A_811 : vector<16xi32>
        %gather3A_813 = tpu.vector_load_idx %arg10[%add3A_812] : memref<8448xf32, #tpu.memory_space<vmem>>[vector<16xi32>], vector<16xf32>,
        %mul3A_814 = arith.constant 5.65685415 : f32
        %mul3A_815 = vector.broadcast %mul3A_814 : f32 to vector<16xf32>
        %mul3A_816 = arith.mulf %gather3A_813, %mul3A_815 : vector<16xf32>
        %add3A_817 = arith.constant 26 : i32
        %add3A_818 = vector.broadcast %add3A_817 : i32 to vector<16xi32>
        %add3A_819 = arith.addi %mul3A_634, %add3A_818 : vector<16xi32>
        %gather3A_820 = tpu.vector_load_idx %arg10[%add3A_819] : memref<8448xf32, #tpu.memory_space<vmem>>[vector<16xi32>], vector<16xf32>,
        %mul3A_821 = arith.constant 5.65685415 : f32
        %mul3A_822 = vector.broadcast %mul3A_821 : f32 to vector<16xf32>
        %mul3A_823 = arith.mulf %gather3A_820, %mul3A_822 : vector<16xf32>
        %add3A_824 = arith.constant 27 : i32
        %add3A_825 = vector.broadcast %add3A_824 : i32 to vector<16xi32>
        %add3A_826 = arith.addi %mul3A_634, %add3A_825 : vector<16xi32>
        %gather3A_827 = tpu.vector_load_idx %arg10[%add3A_826] : memref<8448xf32, #tpu.memory_space<vmem>>[vector<16xi32>], vector<16xf32>,
        %mul3A_828 = arith.constant 5.65685415 : f32
        %mul3A_829 = vector.broadcast %mul3A_828 : f32 to vector<16xf32>
        %mul3A_830 = arith.mulf %gather3A_827, %mul3A_829 : vector<16xf32>
        %add3A_831 = arith.constant 28 : i32
        %add3A_832 = vector.broadcast %add3A_831 : i32 to vector<16xi32>
        %add3A_833 = arith.addi %mul3A_634, %add3A_832 : vector<16xi32>
        %gather3A_834 = tpu.vector_load_idx %arg10[%add3A_833] : memref<8448xf32, #tpu.memory_space<vmem>>[vector<16xi32>], vector<16xf32>,
        %mul3A_835 = arith.constant 5.65685415 : f32
        %mul3A_836 = vector.broadcast %mul3A_835 : f32 to vector<16xf32>
        %mul3A_837 = arith.mulf %gather3A_834, %mul3A_836 : vector<16xf32>
        %add3A_838 = arith.constant 29 : i32
        %add3A_839 = vector.broadcast %add3A_838 : i32 to vector<16xi32>
        %add3A_840 = arith.addi %mul3A_634, %add3A_839 : vector<16xi32>
        %gather3A_841 = tpu.vector_load_idx %arg10[%add3A_840] : memref<8448xf32, #tpu.memory_space<vmem>>[vector<16xi32>], vector<16xf32>,
        %mul3A_842 = arith.constant 5.65685415 : f32
        %mul3A_843 = vector.broadcast %mul3A_842 : f32 to vector<16xf32>
        %mul3A_844 = arith.mulf %gather3A_841, %mul3A_843 : vector<16xf32>
        %add3A_845 = arith.constant 30 : i32
        %add3A_846 = vector.broadcast %add3A_845 : i32 to vector<16xi32>
        %add3A_847 = arith.addi %mul3A_634, %add3A_846 : vector<16xi32>
        %gather3A_848 = tpu.vector_load_idx %arg10[%add3A_847] : memref<8448xf32, #tpu.memory_space<vmem>>[vector<16xi32>], vector<16xf32>,
        %mul3A_849 = arith.constant 5.65685415 : f32
        %mul3A_850 = vector.broadcast %mul3A_849 : f32 to vector<16xf32>
        %mul3A_851 = arith.mulf %gather3A_848, %mul3A_850 : vector<16xf32>
        %add3A_852 = arith.constant 31 : i32
        %add3A_853 = vector.broadcast %add3A_852 : i32 to vector<16xi32>
        %add3A_854 = arith.addi %mul3A_634, %add3A_853 : vector<16xi32>
        %gather3A_855 = tpu.vector_load_idx %arg10[%add3A_854] : memref<8448xf32, #tpu.memory_space<vmem>>[vector<16xi32>], vector<16xf32>,
        %mul3A_856 = arith.constant 5.65685415 : f32
        %mul3A_857 = vector.broadcast %mul3A_856 : f32 to vector<16xf32>
        %mul3A_858 = arith.mulf %gather3A_855, %mul3A_857 : vector<16xf32>
        %jit3A = arith.constant 8 : i32
        %div3A = arith.divsi %scan3A_626, %jit3A : i32
        %sign3A = arith.constant 0 : i32
        %sign3A_859 = arith.cmpi sgt, %scan3A_626, %sign3A : i32
        %sign3A_860 = arith.extui %sign3A_859 : i1 to i32
        %sign3A_861 = arith.constant 0 : i32
        %sign3A_862 = arith.cmpi slt, %scan3A_626, %sign3A_861 : i32
        %sign3A_863 = arith.extui %sign3A_862 : i1 to i32
        %sign3A_864 = arith.subi %sign3A_860, %sign3A_863 : i32
        %sign3A_865 = arith.constant 0 : i32
        %sign3A_866 = arith.cmpi sgt, %jit3A, %sign3A_865 : i32
        %sign3A_867 = arith.extui %sign3A_866 : i1 to i32
        %sign3A_868 = arith.constant 0 : i32
        %sign3A_869 = arith.cmpi slt, %jit3A, %sign3A_868 : i32
        %sign3A_870 = arith.extui %sign3A_869 : i1 to i32
        %sign3A_871 = arith.subi %sign3A_867, %sign3A_870 : i32
        %ne3A = arith.cmpi ne, %sign3A_864, %sign3A_871 : i32
        %rem3A = arith.remsi %scan3A_626, %jit3A : i32
        %ne3A_872 = arith.constant 0 : i32
        %ne3A_873 = arith.cmpi ne, %rem3A, %ne3A_872 : i32
        %and3A = arith.andi %ne3A, %ne3A_873 : i1
        %sub3A = arith.constant 1 : i32
        %sub3A_874 = arith.subi %div3A, %sub3A : i32
        %select_n3A = arith.select %and3A, %sub3A_874, %div3A : i32
        %mul3A_875 = arith.constant 16 : i32
        %mul3A_876 = arith.muli %mul3A_875, %scan3A_626 : i32
        %mul3A_877 = arith.constant 128 : i32
        %mul3A_878 = arith.muli %mul3A_877, %select_n3A : i32
        %sub3A_879 = arith.subi %mul3A_876, %mul3A_878 : i32
        %mul3A_880 = arith.constant 4 : i32
        %mul3A_881 = arith.muli %select_n3A, %mul3A_880 : i32
        %mul3A_882 = arith.constant 1024 : i32
        %mul3A_883 = arith.muli %mul3A_881, %mul3A_882 : i32
        %add3A_884 = arith.constant 0 : i32
        %add3A_885 = arith.addi %mul3A_883, %add3A_884 : i32
        %add3A_886 = arith.constant 0 : i32
        %add3A_887 = arith.addi %add3A_885, %add3A_886 : i32
        %add3A_888 = arith.addi %add3A_887, %sub3A_879 : i32
        %swap3A_889 = arith.index_cast %add3A_888 : i32 to index
        %swap3A_890 = tpu.vector_load %arg12[%swap3A_889] {strides = array<i32>} : memref<8192xf32, #tpu.memory_space<vmem>>, vector<16xf32>,
        tpu.vector_store %arg12[%swap3A_889], %mul3A_641 {strides = array<i32>} : memref<8192xf32, #tpu.memory_space<vmem>>, vector<16xf32>,
        %mul3A_891 = arith.constant 4 : i32
        %mul3A_892 = arith.muli %select_n3A, %mul3A_891 : i32
        %mul3A_893 = arith.constant 1024 : i32
        %mul3A_894 = arith.muli %mul3A_892, %mul3A_893 : i32
        %add3A_895 = arith.constant 0 : i32
        %add3A_896 = arith.addi %mul3A_894, %add3A_895 : i32
        %add3A_897 = arith.constant 128 : i32
        %add3A_898 = arith.addi %add3A_896, %add3A_897 : i32
        %add3A_899 = arith.addi %add3A_898, %sub3A_879 : i32
        %swap3A_900 = arith.index_cast %add3A_899 : i32 to index
        %swap3A_901 = tpu.vector_load %arg12[%swap3A_900] {strides = array<i32>} : memref<8192xf32, #tpu.memory_space<vmem>>, vector<16xf32>,
        tpu.vector_store %arg12[%swap3A_900], %mul3A_648 {strides = array<i32>} : memref<8192xf32, #tpu.memory_space<vmem>>, vector<16xf32>,
        %mul3A_902 = arith.constant 4 : i32
        %mul3A_903 = arith.muli %select_n3A, %mul3A_902 : i32
        %mul3A_904 = arith.constant 1024 : i32
        %mul3A_905 = arith.muli %mul3A_903, %mul3A_904 : i32
        %add3A_906 = arith.constant 0 : i32
        %add3A_907 = arith.addi %mul3A_905, %add3A_906 : i32
        %add3A_908 = arith.constant 256 : i32
        %add3A_909 = arith.addi %add3A_907, %add3A_908 : i32
        %add3A_910 = arith.addi %add3A_909, %sub3A_879 : i32
        %swap3A_911 = arith.index_cast %add3A_910 : i32 to index
        %swap3A_912 = tpu.vector_load %arg12[%swap3A_911] {strides = array<i32>} : memref<8192xf32, #tpu.memory_space<vmem>>, vector<16xf32>,
        tpu.vector_store %arg12[%swap3A_911], %mul3A_655 {strides = array<i32>} : memref<8192xf32, #tpu.memory_space<vmem>>, vector<16xf32>,
        %mul3A_913 = arith.constant 4 : i32
        %mul3A_914 = arith.muli %select_n3A, %mul3A_913 : i32
        %mul3A_915 = arith.constant 1024 : i32
        %mul3A_916 = arith.muli %mul3A_914, %mul3A_915 : i32
        %add3A_917 = arith.constant 0 : i32
        %add3A_918 = arith.addi %mul3A_916, %add3A_917 : i32
        %add3A_919 = arith.constant 384 : i32
        %add3A_920 = arith.addi %add3A_918, %add3A_919 : i32
        %add3A_921 = arith.addi %add3A_920, %sub3A_879 : i32
        %swap3A_922 = arith.index_cast %add3A_921 : i32 to index
        %swap3A_923 = tpu.vector_load %arg12[%swap3A_922] {strides = array<i32>} : memref<8192xf32, #tpu.memory_space<vmem>>, vector<16xf32>,
        tpu.vector_store %arg12[%swap3A_922], %mul3A_662 {strides = array<i32>} : memref<8192xf32, #tpu.memory_space<vmem>>, vector<16xf32>,
        %mul3A_924 = arith.constant 4 : i32
        %mul3A_925 = arith.muli %select_n3A, %mul3A_924 : i32
        %mul3A_926 = arith.constant 1024 : i32
        %mul3A_927 = arith.muli %mul3A_925, %mul3A_926 : i32
        %add3A_928 = arith.constant 0 : i32
        %add3A_929 = arith.addi %mul3A_927, %add3A_928 : i32
        %add3A_930 = arith.constant 512 : i32
        %add3A_931 = arith.addi %add3A_929, %add3A_930 : i32
        %add3A_932 = arith.addi %add3A_931, %sub3A_879 : i32
        %swap3A_933 = arith.index_cast %add3A_932 : i32 to index
        %swap3A_934 = tpu.vector_load %arg12[%swap3A_933] {strides = array<i32>} : memref<8192xf32, #tpu.memory_space<vmem>>, vector<16xf32>,
        tpu.vector_store %arg12[%swap3A_933], %mul3A_669 {strides = array<i32>} : memref<8192xf32, #tpu.memory_space<vmem>>, vector<16xf32>,
        %mul3A_935 = arith.constant 4 : i32
        %mul3A_936 = arith.muli %select_n3A, %mul3A_935 : i32
        %mul3A_937 = arith.constant 1024 : i32
        %mul3A_938 = arith.muli %mul3A_936, %mul3A_937 : i32
        %add3A_939 = arith.constant 0 : i32
        %add3A_940 = arith.addi %mul3A_938, %add3A_939 : i32
        %add3A_941 = arith.constant 640 : i32
        %add3A_942 = arith.addi %add3A_940, %add3A_941 : i32
        %add3A_943 = arith.addi %add3A_942, %sub3A_879 : i32
        %swap3A_944 = arith.index_cast %add3A_943 : i32 to index
        %swap3A_945 = tpu.vector_load %arg12[%swap3A_944] {strides = array<i32>} : memref<8192xf32, #tpu.memory_space<vmem>>, vector<16xf32>,
        tpu.vector_store %arg12[%swap3A_944], %mul3A_676 {strides = array<i32>} : memref<8192xf32, #tpu.memory_space<vmem>>, vector<16xf32>,
        %mul3A_946 = arith.constant 4 : i32
        %mul3A_947 = arith.muli %select_n3A, %mul3A_946 : i32
        %mul3A_948 = arith.constant 1024 : i32
        %mul3A_949 = arith.muli %mul3A_947, %mul3A_948 : i32
        %add3A_950 = arith.constant 0 : i32
        %add3A_951 = arith.addi %mul3A_949, %add3A_950 : i32
        %add3A_952 = arith.constant 768 : i32
        %add3A_953 = arith.addi %add3A_951, %add3A_952 : i32
        %add3A_954 = arith.addi %add3A_953, %sub3A_879 : i32
        %swap3A_955 = arith.index_cast %add3A_954 : i32 to index
        %swap3A_956 = tpu.vector_load %arg12[%swap3A_955] {strides = array<i32>} : memref<8192xf32, #tpu.memory_space<vmem>>, vector<16xf32>,
        tpu.vector_store %arg12[%swap3A_955], %mul3A_683 {strides = array<i32>} : memref<8192xf32, #tpu.memory_space<vmem>>, vector<16xf32>,
        %mul3A_957 = arith.constant 4 : i32
        %mul3A_958 = arith.muli %select_n3A, %mul3A_957 : i32
        %mul3A_959 = arith.constant 1024 : i32
        %mul3A_960 = arith.muli %mul3A_958, %mul3A_959 : i32
        %add3A_961 = arith.constant 0 : i32
        %add3A_962 = arith.addi %mul3A_960, %add3A_961 : i32
        %add3A_963 = arith.constant 896 : i32
        %add3A_964 = arith.addi %add3A_962, %add3A_963 : i32
        %add3A_965 = arith.addi %add3A_964, %sub3A_879 : i32
        %swap3A_966 = arith.index_cast %add3A_965 : i32 to index
        %swap3A_967 = tpu.vector_load %arg12[%swap3A_966] {strides = array<i32>} : memref<8192xf32, #tpu.memory_space<vmem>>, vector<16xf32>,
        tpu.vector_store %arg12[%swap3A_966], %mul3A_690 {strides = array<i32>} : memref<8192xf32, #tpu.memory_space<vmem>>, vector<16xf32>,
        %mul3A_968 = arith.constant 4 : i32
        %mul3A_969 = arith.muli %select_n3A, %mul3A_968 : i32
        %mul3A_970 = arith.constant 1024 : i32
        %mul3A_971 = arith.muli %mul3A_969, %mul3A_970 : i32
        %add3A_972 = arith.constant 1024 : i32
        %add3A_973 = arith.addi %mul3A_971, %add3A_972 : i32
        %add3A_974 = arith.constant 0 : i32
        %add3A_975 = arith.addi %add3A_973, %add3A_974 : i32
        %add3A_976 = arith.addi %add3A_975, %sub3A_879 : i32
        %swap3A_977 = arith.index_cast %add3A_976 : i32 to index
        %swap3A_978 = tpu.vector_load %arg12[%swap3A_977] {strides = array<i32>} : memref<8192xf32, #tpu.memory_space<vmem>>, vector<16xf32>,
        tpu.vector_store %arg12[%swap3A_977], %mul3A_697 {strides = array<i32>} : memref<8192xf32, #tpu.memory_space<vmem>>, vector<16xf32>,
        %mul3A_979 = arith.constant 4 : i32
        %mul3A_980 = arith.muli %select_n3A, %mul3A_979 : i32
        %mul3A_981 = arith.constant 1024 : i32
        %mul3A_982 = arith.muli %mul3A_980, %mul3A_981 : i32
        %add3A_983 = arith.constant 1024 : i32
        %add3A_984 = arith.addi %mul3A_982, %add3A_983 : i32
        %add3A_985 = arith.constant 128 : i32
        %add3A_986 = arith.addi %add3A_984, %add3A_985 : i32
        %add3A_987 = arith.addi %add3A_986, %sub3A_879 : i32
        %swap3A_988 = arith.index_cast %add3A_987 : i32 to index
        %swap3A_989 = tpu.vector_load %arg12[%swap3A_988] {strides = array<i32>} : memref<8192xf32, #tpu.memory_space<vmem>>, vector<16xf32>,
        tpu.vector_store %arg12[%swap3A_988], %mul3A_704 {strides = array<i32>} : memref<8192xf32, #tpu.memory_space<vmem>>, vector<16xf32>,
        %mul3A_990 = arith.constant 4 : i32
        %mul3A_991 = arith.muli %select_n3A, %mul3A_990 : i32
        %mul3A_992 = arith.constant 1024 : i32
        %mul3A_993 = arith.muli %mul3A_991, %mul3A_992 : i32
        %add3A_994 = arith.constant 1024 : i32
        %add3A_995 = arith.addi %mul3A_993, %add3A_994 : i32
        %add3A_996 = arith.constant 256 : i32
        %add3A_997 = arith.addi %add3A_995, %add3A_996 : i32
        %add3A_998 = arith.addi %add3A_997, %sub3A_879 : i32
        %swap3A_999 = arith.index_cast %add3A_998 : i32 to index
        %swap3A_1000 = tpu.vector_load %arg12[%swap3A_999] {strides = array<i32>} : memref<8192xf32, #tpu.memory_space<vmem>>, vector<16xf32>,
        tpu.vector_store %arg12[%swap3A_999], %mul3A_711 {strides = array<i32>} : memref<8192xf32, #tpu.memory_space<vmem>>, vector<16xf32>,
        %mul3A_1001 = arith.constant 4 : i32
        %mul3A_1002 = arith.muli %select_n3A, %mul3A_1001 : i32
        %mul3A_1003 = arith.constant 1024 : i32
        %mul3A_1004 = arith.muli %mul3A_1002, %mul3A_1003 : i32
        %add3A_1005 = arith.constant 1024 : i32
        %add3A_1006 = arith.addi %mul3A_1004, %add3A_1005 : i32
        %add3A_1007 = arith.constant 384 : i32
        %add3A_1008 = arith.addi %add3A_1006, %add3A_1007 : i32
        %add3A_1009 = arith.addi %add3A_1008, %sub3A_879 : i32
        %swap3A_1010 = arith.index_cast %add3A_1009 : i32 to index
        %swap3A_1011 = tpu.vector_load %arg12[%swap3A_1010] {strides = array<i32>} : memref<8192xf32, #tpu.memory_space<vmem>>, vector<16xf32>,
        tpu.vector_store %arg12[%swap3A_1010], %mul3A_718 {strides = array<i32>} : memref<8192xf32, #tpu.memory_space<vmem>>, vector<16xf32>,
        %mul3A_1012 = arith.constant 4 : i32
        %mul3A_1013 = arith.muli %select_n3A, %mul3A_1012 : i32
        %mul3A_1014 = arith.constant 1024 : i32
        %mul3A_1015 = arith.muli %mul3A_1013, %mul3A_1014 : i32
        %add3A_1016 = arith.constant 1024 : i32
        %add3A_1017 = arith.addi %mul3A_1015, %add3A_1016 : i32
        %add3A_1018 = arith.constant 512 : i32
        %add3A_1019 = arith.addi %add3A_1017, %add3A_1018 : i32
        %add3A_1020 = arith.addi %add3A_1019, %sub3A_879 : i32
        %swap3A_1021 = arith.index_cast %add3A_1020 : i32 to index
        %swap3A_1022 = tpu.vector_load %arg12[%swap3A_1021] {strides = array<i32>} : memref<8192xf32, #tpu.memory_space<vmem>>, vector<16xf32>,
        tpu.vector_store %arg12[%swap3A_1021], %mul3A_725 {strides = array<i32>} : memref<8192xf32, #tpu.memory_space<vmem>>, vector<16xf32>,
        %mul3A_1023 = arith.constant 4 : i32
        %mul3A_1024 = arith.muli %select_n3A, %mul3A_1023 : i32
        %mul3A_1025 = arith.constant 1024 : i32
        %mul3A_1026 = arith.muli %mul3A_1024, %mul3A_1025 : i32
        %add3A_1027 = arith.constant 1024 : i32
        %add3A_1028 = arith.addi %mul3A_1026, %add3A_1027 : i32
        %add3A_1029 = arith.constant 640 : i32
        %add3A_1030 = arith.addi %add3A_1028, %add3A_1029 : i32
        %add3A_1031 = arith.addi %add3A_1030, %sub3A_879 : i32
        %swap3A_1032 = arith.index_cast %add3A_1031 : i32 to index
        %swap3A_1033 = tpu.vector_load %arg12[%swap3A_1032] {strides = array<i32>} : memref<8192xf32, #tpu.memory_space<vmem>>, vector<16xf32>,
        tpu.vector_store %arg12[%swap3A_1032], %mul3A_732 {strides = array<i32>} : memref<8192xf32, #tpu.memory_space<vmem>>, vector<16xf32>,
        %mul3A_1034 = arith.constant 4 : i32
        %mul3A_1035 = arith.muli %select_n3A, %mul3A_1034 : i32
        %mul3A_1036 = arith.constant 1024 : i32
        %mul3A_1037 = arith.muli %mul3A_1035, %mul3A_1036 : i32
        %add3A_1038 = arith.constant 1024 : i32
        %add3A_1039 = arith.addi %mul3A_1037, %add3A_1038 : i32
        %add3A_1040 = arith.constant 768 : i32
        %add3A_1041 = arith.addi %add3A_1039, %add3A_1040 : i32
        %add3A_1042 = arith.addi %add3A_1041, %sub3A_879 : i32
        %swap3A_1043 = arith.index_cast %add3A_1042 : i32 to index
        %swap3A_1044 = tpu.vector_load %arg12[%swap3A_1043] {strides = array<i32>} : memref<8192xf32, #tpu.memory_space<vmem>>, vector<16xf32>,
        tpu.vector_store %arg12[%swap3A_1043], %mul3A_739 {strides = array<i32>} : memref<8192xf32, #tpu.memory_space<vmem>>, vector<16xf32>,
        %mul3A_1045 = arith.constant 4 : i32
        %mul3A_1046 = arith.muli %select_n3A, %mul3A_1045 : i32
        %mul3A_1047 = arith.constant 1024 : i32
        %mul3A_1048 = arith.muli %mul3A_1046, %mul3A_1047 : i32
        %add3A_1049 = arith.constant 1024 : i32
        %add3A_1050 = arith.addi %mul3A_1048, %add3A_1049 : i32
        %add3A_1051 = arith.constant 896 : i32
        %add3A_1052 = arith.addi %add3A_1050, %add3A_1051 : i32
        %add3A_1053 = arith.addi %add3A_1052, %sub3A_879 : i32
        %swap3A_1054 = arith.index_cast %add3A_1053 : i32 to index
        %swap3A_1055 = tpu.vector_load %arg12[%swap3A_1054] {strides = array<i32>} : memref<8192xf32, #tpu.memory_space<vmem>>, vector<16xf32>,
        tpu.vector_store %arg12[%swap3A_1054], %mul3A_746 {strides = array<i32>} : memref<8192xf32, #tpu.memory_space<vmem>>, vector<16xf32>,
        %mul3A_1056 = arith.constant 4 : i32
        %mul3A_1057 = arith.muli %select_n3A, %mul3A_1056 : i32
        %mul3A_1058 = arith.constant 1024 : i32
        %mul3A_1059 = arith.muli %mul3A_1057, %mul3A_1058 : i32
        %add3A_1060 = arith.constant 2048 : i32
        %add3A_1061 = arith.addi %mul3A_1059, %add3A_1060 : i32
        %add3A_1062 = arith.constant 0 : i32
        %add3A_1063 = arith.addi %add3A_1061, %add3A_1062 : i32
        %add3A_1064 = arith.addi %add3A_1063, %sub3A_879 : i32
        %swap3A_1065 = arith.index_cast %add3A_1064 : i32 to index
        %swap3A_1066 = tpu.vector_load %arg12[%swap3A_1065] {strides = array<i32>} : memref<8192xf32, #tpu.memory_space<vmem>>, vector<16xf32>,
        tpu.vector_store %arg12[%swap3A_1065], %mul3A_753 {strides = array<i32>} : memref<8192xf32, #tpu.memory_space<vmem>>, vector<16xf32>,
        %mul3A_1067 = arith.constant 4 : i32
        %mul3A_1068 = arith.muli %select_n3A, %mul3A_1067 : i32
        %mul3A_1069 = arith.constant 1024 : i32
        %mul3A_1070 = arith.muli %mul3A_1068, %mul3A_1069 : i32
        %add3A_1071 = arith.constant 2048 : i32
        %add3A_1072 = arith.addi %mul3A_1070, %add3A_1071 : i32
        %add3A_1073 = arith.constant 128 : i32
        %add3A_1074 = arith.addi %add3A_1072, %add3A_1073 : i32
        %add3A_1075 = arith.addi %add3A_1074, %sub3A_879 : i32
        %swap3A_1076 = arith.index_cast %add3A_1075 : i32 to index
        %swap3A_1077 = tpu.vector_load %arg12[%swap3A_1076] {strides = array<i32>} : memref<8192xf32, #tpu.memory_space<vmem>>, vector<16xf32>,
        tpu.vector_store %arg12[%swap3A_1076], %mul3A_760 {strides = array<i32>} : memref<8192xf32, #tpu.memory_space<vmem>>, vector<16xf32>,
        %mul3A_1078 = arith.constant 4 : i32
        %mul3A_1079 = arith.muli %select_n3A, %mul3A_1078 : i32
        %mul3A_1080 = arith.constant 1024 : i32
        %mul3A_1081 = arith.muli %mul3A_1079, %mul3A_1080 : i32
        %add3A_1082 = arith.constant 2048 : i32
        %add3A_1083 = arith.addi %mul3A_1081, %add3A_1082 : i32
        %add3A_1084 = arith.constant 256 : i32
        %add3A_1085 = arith.addi %add3A_1083, %add3A_1084 : i32
        %add3A_1086 = arith.addi %add3A_1085, %sub3A_879 : i32
        %swap3A_1087 = arith.index_cast %add3A_1086 : i32 to index
        %swap3A_1088 = tpu.vector_load %arg12[%swap3A_1087] {strides = array<i32>} : memref<8192xf32, #tpu.memory_space<vmem>>, vector<16xf32>,
        tpu.vector_store %arg12[%swap3A_1087], %mul3A_767 {strides = array<i32>} : memref<8192xf32, #tpu.memory_space<vmem>>, vector<16xf32>,
        %mul3A_1089 = arith.constant 4 : i32
        %mul3A_1090 = arith.muli %select_n3A, %mul3A_1089 : i32
        %mul3A_1091 = arith.constant 1024 : i32
        %mul3A_1092 = arith.muli %mul3A_1090, %mul3A_1091 : i32
        %add3A_1093 = arith.constant 2048 : i32
        %add3A_1094 = arith.addi %mul3A_1092, %add3A_1093 : i32
        %add3A_1095 = arith.constant 384 : i32
        %add3A_1096 = arith.addi %add3A_1094, %add3A_1095 : i32
        %add3A_1097 = arith.addi %add3A_1096, %sub3A_879 : i32
        %swap3A_1098 = arith.index_cast %add3A_1097 : i32 to index
        %swap3A_1099 = tpu.vector_load %arg12[%swap3A_1098] {strides = array<i32>} : memref<8192xf32, #tpu.memory_space<vmem>>, vector<16xf32>,
        tpu.vector_store %arg12[%swap3A_1098], %mul3A_774 {strides = array<i32>} : memref<8192xf32, #tpu.memory_space<vmem>>, vector<16xf32>,
        %mul3A_1100 = arith.constant 4 : i32
        %mul3A_1101 = arith.muli %select_n3A, %mul3A_1100 : i32
        %mul3A_1102 = arith.constant 1024 : i32
        %mul3A_1103 = arith.muli %mul3A_1101, %mul3A_1102 : i32
        %add3A_1104 = arith.constant 2048 : i32
        %add3A_1105 = arith.addi %mul3A_1103, %add3A_1104 : i32
        %add3A_1106 = arith.constant 512 : i32
        %add3A_1107 = arith.addi %add3A_1105, %add3A_1106 : i32
        %add3A_1108 = arith.addi %add3A_1107, %sub3A_879 : i32
        %swap3A_1109 = arith.index_cast %add3A_1108 : i32 to index
        %swap3A_1110 = tpu.vector_load %arg12[%swap3A_1109] {strides = array<i32>} : memref<8192xf32, #tpu.memory_space<vmem>>, vector<16xf32>,
        tpu.vector_store %arg12[%swap3A_1109], %mul3A_781 {strides = array<i32>} : memref<8192xf32, #tpu.memory_space<vmem>>, vector<16xf32>,
        %mul3A_1111 = arith.constant 4 : i32
        %mul3A_1112 = arith.muli %select_n3A, %mul3A_1111 : i32
        %mul3A_1113 = arith.constant 1024 : i32
        %mul3A_1114 = arith.muli %mul3A_1112, %mul3A_1113 : i32
        %add3A_1115 = arith.constant 2048 : i32
        %add3A_1116 = arith.addi %mul3A_1114, %add3A_1115 : i32
        %add3A_1117 = arith.constant 640 : i32
        %add3A_1118 = arith.addi %add3A_1116, %add3A_1117 : i32
        %add3A_1119 = arith.addi %add3A_1118, %sub3A_879 : i32
        %swap3A_1120 = arith.index_cast %add3A_1119 : i32 to index
        %swap3A_1121 = tpu.vector_load %arg12[%swap3A_1120] {strides = array<i32>} : memref<8192xf32, #tpu.memory_space<vmem>>, vector<16xf32>,
        tpu.vector_store %arg12[%swap3A_1120], %mul3A_788 {strides = array<i32>} : memref<8192xf32, #tpu.memory_space<vmem>>, vector<16xf32>,
        %mul3A_1122 = arith.constant 4 : i32
        %mul3A_1123 = arith.muli %select_n3A, %mul3A_1122 : i32
        %mul3A_1124 = arith.constant 1024 : i32
        %mul3A_1125 = arith.muli %mul3A_1123, %mul3A_1124 : i32
        %add3A_1126 = arith.constant 2048 : i32
        %add3A_1127 = arith.addi %mul3A_1125, %add3A_1126 : i32
        %add3A_1128 = arith.constant 768 : i32
        %add3A_1129 = arith.addi %add3A_1127, %add3A_1128 : i32
        %add3A_1130 = arith.addi %add3A_1129, %sub3A_879 : i32
        %swap3A_1131 = arith.index_cast %add3A_1130 : i32 to index
        %swap3A_1132 = tpu.vector_load %arg12[%swap3A_1131] {strides = array<i32>} : memref<8192xf32, #tpu.memory_space<vmem>>, vector<16xf32>,
        tpu.vector_store %arg12[%swap3A_1131], %mul3A_795 {strides = array<i32>} : memref<8192xf32, #tpu.memory_space<vmem>>, vector<16xf32>,
        %mul3A_1133 = arith.constant 4 : i32
        %mul3A_1134 = arith.muli %select_n3A, %mul3A_1133 : i32
        %mul3A_1135 = arith.constant 1024 : i32
        %mul3A_1136 = arith.muli %mul3A_1134, %mul3A_1135 : i32
        %add3A_1137 = arith.constant 2048 : i32
        %add3A_1138 = arith.addi %mul3A_1136, %add3A_1137 : i32
        %add3A_1139 = arith.constant 896 : i32
        %add3A_1140 = arith.addi %add3A_1138, %add3A_1139 : i32
        %add3A_1141 = arith.addi %add3A_1140, %sub3A_879 : i32
        %swap3A_1142 = arith.index_cast %add3A_1141 : i32 to index
        %swap3A_1143 = tpu.vector_load %arg12[%swap3A_1142] {strides = array<i32>} : memref<8192xf32, #tpu.memory_space<vmem>>, vector<16xf32>,
        tpu.vector_store %arg12[%swap3A_1142], %mul3A_802 {strides = array<i32>} : memref<8192xf32, #tpu.memory_space<vmem>>, vector<16xf32>,
        %mul3A_1144 = arith.constant 4 : i32
        %mul3A_1145 = arith.muli %select_n3A, %mul3A_1144 : i32
        %mul3A_1146 = arith.constant 1024 : i32
        %mul3A_1147 = arith.muli %mul3A_1145, %mul3A_1146 : i32
        %add3A_1148 = arith.constant 3072 : i32
        %add3A_1149 = arith.addi %mul3A_1147, %add3A_1148 : i32
        %add3A_1150 = arith.constant 0 : i32
        %add3A_1151 = arith.addi %add3A_1149, %add3A_1150 : i32
        %add3A_1152 = arith.addi %add3A_1151, %sub3A_879 : i32
        %swap3A_1153 = arith.index_cast %add3A_1152 : i32 to index
        %swap3A_1154 = tpu.vector_load %arg12[%swap3A_1153] {strides = array<i32>} : memref<8192xf32, #tpu.memory_space<vmem>>, vector<16xf32>,
        tpu.vector_store %arg12[%swap3A_1153], %mul3A_809 {strides = array<i32>} : memref<8192xf32, #tpu.memory_space<vmem>>, vector<16xf32>,
        %mul3A_1155 = arith.constant 4 : i32
        %mul3A_1156 = arith.muli %select_n3A, %mul3A_1155 : i32
        %mul3A_1157 = arith.constant 1024 : i32
        %mul3A_1158 = arith.muli %mul3A_1156, %mul3A_1157 : i32
        %add3A_1159 = arith.constant 3072 : i32
        %add3A_1160 = arith.addi %mul3A_1158, %add3A_1159 : i32
        %add3A_1161 = arith.constant 128 : i32
        %add3A_1162 = arith.addi %add3A_1160, %add3A_1161 : i32
        %add3A_1163 = arith.addi %add3A_1162, %sub3A_879 : i32
        %swap3A_1164 = arith.index_cast %add3A_1163 : i32 to index
        %swap3A_1165 = tpu.vector_load %arg12[%swap3A_1164] {strides = array<i32>} : memref<8192xf32, #tpu.memory_space<vmem>>, vector<16xf32>,
        tpu.vector_store %arg12[%swap3A_1164], %mul3A_816 {strides = array<i32>} : memref<8192xf32, #tpu.memory_space<vmem>>, vector<16xf32>,
        %mul3A_1166 = arith.constant 4 : i32
        %mul3A_1167 = arith.muli %select_n3A, %mul3A_1166 : i32
        %mul3A_1168 = arith.constant 1024 : i32
        %mul3A_1169 = arith.muli %mul3A_1167, %mul3A_1168 : i32
        %add3A_1170 = arith.constant 3072 : i32
        %add3A_1171 = arith.addi %mul3A_1169, %add3A_1170 : i32
        %add3A_1172 = arith.constant 256 : i32
        %add3A_1173 = arith.addi %add3A_1171, %add3A_1172 : i32
        %add3A_1174 = arith.addi %add3A_1173, %sub3A_879 : i32
        %swap3A_1175 = arith.index_cast %add3A_1174 : i32 to index
        %swap3A_1176 = tpu.vector_load %arg12[%swap3A_1175] {strides = array<i32>} : memref<8192xf32, #tpu.memory_space<vmem>>, vector<16xf32>,
        tpu.vector_store %arg12[%swap3A_1175], %mul3A_823 {strides = array<i32>} : memref<8192xf32, #tpu.memory_space<vmem>>, vector<16xf32>,
        %mul3A_1177 = arith.constant 4 : i32
        %mul3A_1178 = arith.muli %select_n3A, %mul3A_1177 : i32
        %mul3A_1179 = arith.constant 1024 : i32
        %mul3A_1180 = arith.muli %mul3A_1178, %mul3A_1179 : i32
        %add3A_1181 = arith.constant 3072 : i32
        %add3A_1182 = arith.addi %mul3A_1180, %add3A_1181 : i32
        %add3A_1183 = arith.constant 384 : i32
        %add3A_1184 = arith.addi %add3A_1182, %add3A_1183 : i32
        %add3A_1185 = arith.addi %add3A_1184, %sub3A_879 : i32
        %swap3A_1186 = arith.index_cast %add3A_1185 : i32 to index
        %swap3A_1187 = tpu.vector_load %arg12[%swap3A_1186] {strides = array<i32>} : memref<8192xf32, #tpu.memory_space<vmem>>, vector<16xf32>,
        tpu.vector_store %arg12[%swap3A_1186], %mul3A_830 {strides = array<i32>} : memref<8192xf32, #tpu.memory_space<vmem>>, vector<16xf32>,
        %mul3A_1188 = arith.constant 4 : i32
        %mul3A_1189 = arith.muli %select_n3A, %mul3A_1188 : i32
        %mul3A_1190 = arith.constant 1024 : i32
        %mul3A_1191 = arith.muli %mul3A_1189, %mul3A_1190 : i32
        %add3A_1192 = arith.constant 3072 : i32
        %add3A_1193 = arith.addi %mul3A_1191, %add3A_1192 : i32
        %add3A_1194 = arith.constant 512 : i32
        %add3A_1195 = arith.addi %add3A_1193, %add3A_1194 : i32
        %add3A_1196 = arith.addi %add3A_1195, %sub3A_879 : i32
        %swap3A_1197 = arith.index_cast %add3A_1196 : i32 to index
        %swap3A_1198 = tpu.vector_load %arg12[%swap3A_1197] {strides = array<i32>} : memref<8192xf32, #tpu.memory_space<vmem>>, vector<16xf32>,
        tpu.vector_store %arg12[%swap3A_1197], %mul3A_837 {strides = array<i32>} : memref<8192xf32, #tpu.memory_space<vmem>>, vector<16xf32>,
        %mul3A_1199 = arith.constant 4 : i32
        %mul3A_1200 = arith.muli %select_n3A, %mul3A_1199 : i32
        %mul3A_1201 = arith.constant 1024 : i32
        %mul3A_1202 = arith.muli %mul3A_1200, %mul3A_1201 : i32
        %add3A_1203 = arith.constant 3072 : i32
        %add3A_1204 = arith.addi %mul3A_1202, %add3A_1203 : i32
        %add3A_1205 = arith.constant 640 : i32
        %add3A_1206 = arith.addi %add3A_1204, %add3A_1205 : i32
        %add3A_1207 = arith.addi %add3A_1206, %sub3A_879 : i32
        %swap3A_1208 = arith.index_cast %add3A_1207 : i32 to index
        %swap3A_1209 = tpu.vector_load %arg12[%swap3A_1208] {strides = array<i32>} : memref<8192xf32, #tpu.memory_space<vmem>>, vector<16xf32>,
        tpu.vector_store %arg12[%swap3A_1208], %mul3A_844 {strides = array<i32>} : memref<8192xf32, #tpu.memory_space<vmem>>, vector<16xf32>,
        %mul3A_1210 = arith.constant 4 : i32
        %mul3A_1211 = arith.muli %select_n3A, %mul3A_1210 : i32
        %mul3A_1212 = arith.constant 1024 : i32
        %mul3A_1213 = arith.muli %mul3A_1211, %mul3A_1212 : i32
        %add3A_1214 = arith.constant 3072 : i32
        %add3A_1215 = arith.addi %mul3A_1213, %add3A_1214 : i32
        %add3A_1216 = arith.constant 768 : i32
        %add3A_1217 = arith.addi %add3A_1215, %add3A_1216 : i32
        %add3A_1218 = arith.addi %add3A_1217, %sub3A_879 : i32
        %swap3A_1219 = arith.index_cast %add3A_1218 : i32 to index
        %swap3A_1220 = tpu.vector_load %arg12[%swap3A_1219] {strides = array<i32>} : memref<8192xf32, #tpu.memory_space<vmem>>, vector<16xf32>,
        tpu.vector_store %arg12[%swap3A_1219], %mul3A_851 {strides = array<i32>} : memref<8192xf32, #tpu.memory_space<vmem>>, vector<16xf32>,
        %mul3A_1221 = arith.constant 4 : i32
        %mul3A_1222 = arith.muli %select_n3A, %mul3A_1221 : i32
        %mul3A_1223 = arith.constant 1024 : i32
        %mul3A_1224 = arith.muli %mul3A_1222, %mul3A_1223 : i32
        %add3A_1225 = arith.constant 3072 : i32
        %add3A_1226 = arith.addi %mul3A_1224, %add3A_1225 : i32
        %add3A_1227 = arith.constant 896 : i32
        %add3A_1228 = arith.addi %add3A_1226, %add3A_1227 : i32
        %add3A_1229 = arith.addi %add3A_1228, %sub3A_879 : i32
        %swap3A_1230 = arith.index_cast %add3A_1229 : i32 to index
        %swap3A_1231 = tpu.vector_load %arg12[%swap3A_1230] {strides = array<i32>} : memref<8192xf32, #tpu.memory_space<vmem>>, vector<16xf32>,
        tpu.vector_store %arg12[%swap3A_1230], %mul3A_858 {strides = array<i32>} : memref<8192xf32, #tpu.memory_space<vmem>>, vector<16xf32>,
        %scan3A_1232 = arith.constant 0 : i32
        scf.yield %scan3A_1232 : i32
      }
      %scan3A_532 = arith.constant 16 : i32
      %add3A_533 = arith.constant 1 : i32
      %add3A_534 = arith.addi %mul3A_113, %add3A_533 : i32
      %mul3A_535 = arith.constant 2 : i32
      %mul3A_536 = arith.muli %mul3A_535, %add3A_534 : i32
      %add3A_537 = arith.constant 0 : i32
      %add3A_538 = arith.addi %mul3A_536, %add3A_537 : i32
      %mul3A_539 = arith.constant 131072 : i32
      %mul3A_540 = arith.muli %add3A_538, %mul3A_539 : i32
      %mul3A_541 = arith.constant 1024 : i32
      %mul3A_542 = arith.muli %add3A, %mul3A_541 : i32
      %add3A_543 = arith.addi %mul3A_540, %mul3A_542 : i32
      %add3A_544 = arith.constant 0 : i32
      %add3A_545 = arith.addi %add3A_543, %add3A_544 : i32
      %dma_start3A_546 = arith.constant 0 : i32
      %dma_start3A_547 = tpu.memref_slice %arg12[%dma_start3A_546] : memref<8192xf32, #tpu.memory_space<vmem>> -> memref<1024xf32, #tpu.memory_space<vmem>>
      %dma_start3A_548 = tpu.memref_slice %arg4[%add3A_545] : memref<26214400xf32, #tpu.memory_space<hbm>> -> memref<1024xf32, #tpu.memory_space<hbm>>
      %dma_start3A_549 = tpu.memref_slice %arg4[%add3A_545] : memref<26214400xf32, #tpu.memory_space<hbm>> -> memref<1024xf32, #tpu.memory_space<hbm>>
      %dma_start3A_550 = arith.constant 0 : i32
      %dma_start3A_551 = tpu.memref_slice %arg12[%dma_start3A_550] : memref<8192xf32, #tpu.memory_space<vmem>> -> memref<1024xf32, #tpu.memory_space<vmem>>
      tpu.enqueue_dma source(%dma_start3A_551 : memref<1024xf32, #tpu.memory_space<vmem>>) target(%dma_start3A_549 : memref<1024xf32, #tpu.memory_space<hbm>>) target_semaphore(%arg16 : memref<!tpu.dma_semaphore, #tpu.memory_space<semaphore_mem>>)
      %add3A_552 = arith.constant 32768 : i32
      %add3A_553 = arith.addi %add3A_543, %add3A_552 : i32
      %dma_start3A_554 = arith.constant 1024 : i32
      %dma_start3A_555 = tpu.memref_slice %arg12[%dma_start3A_554] : memref<8192xf32, #tpu.memory_space<vmem>> -> memref<1024xf32, #tpu.memory_space<vmem>>
      %dma_start3A_556 = tpu.memref_slice %arg4[%add3A_553] : memref<26214400xf32, #tpu.memory_space<hbm>> -> memref<1024xf32, #tpu.memory_space<hbm>>
      %dma_start3A_557 = tpu.memref_slice %arg4[%add3A_553] : memref<26214400xf32, #tpu.memory_space<hbm>> -> memref<1024xf32, #tpu.memory_space<hbm>>
      %dma_start3A_558 = arith.constant 1024 : i32
      %dma_start3A_559 = tpu.memref_slice %arg12[%dma_start3A_558] : memref<8192xf32, #tpu.memory_space<vmem>> -> memref<1024xf32, #tpu.memory_space<vmem>>
      tpu.enqueue_dma source(%dma_start3A_559 : memref<1024xf32, #tpu.memory_space<vmem>>) target(%dma_start3A_557 : memref<1024xf32, #tpu.memory_space<hbm>>) target_semaphore(%arg16 : memref<!tpu.dma_semaphore, #tpu.memory_space<semaphore_mem>>)
      %add3A_560 = arith.constant 65536 : i32
      %add3A_561 = arith.addi %add3A_543, %add3A_560 : i32
      %dma_start3A_562 = arith.constant 2048 : i32
      %dma_start3A_563 = tpu.memref_slice %arg12[%dma_start3A_562] : memref<8192xf32, #tpu.memory_space<vmem>> -> memref<1024xf32, #tpu.memory_space<vmem>>
      %dma_start3A_564 = tpu.memref_slice %arg4[%add3A_561] : memref<26214400xf32, #tpu.memory_space<hbm>> -> memref<1024xf32, #tpu.memory_space<hbm>>
      %dma_start3A_565 = tpu.memref_slice %arg4[%add3A_561] : memref<26214400xf32, #tpu.memory_space<hbm>> -> memref<1024xf32, #tpu.memory_space<hbm>>
      %dma_start3A_566 = arith.constant 2048 : i32
      %dma_start3A_567 = tpu.memref_slice %arg12[%dma_start3A_566] : memref<8192xf32, #tpu.memory_space<vmem>> -> memref<1024xf32, #tpu.memory_space<vmem>>
      tpu.enqueue_dma source(%dma_start3A_567 : memref<1024xf32, #tpu.memory_space<vmem>>) target(%dma_start3A_565 : memref<1024xf32, #tpu.memory_space<hbm>>) target_semaphore(%arg16 : memref<!tpu.dma_semaphore, #tpu.memory_space<semaphore_mem>>)
      %add3A_568 = arith.constant 98304 : i32
      %add3A_569 = arith.addi %add3A_543, %add3A_568 : i32
      %dma_start3A_570 = arith.constant 3072 : i32
      %dma_start3A_571 = tpu.memref_slice %arg12[%dma_start3A_570] : memref<8192xf32, #tpu.memory_space<vmem>> -> memref<1024xf32, #tpu.memory_space<vmem>>
      %dma_start3A_572 = tpu.memref_slice %arg4[%add3A_569] : memref<26214400xf32, #tpu.memory_space<hbm>> -> memref<1024xf32, #tpu.memory_space<hbm>>
      %dma_start3A_573 = tpu.memref_slice %arg4[%add3A_569] : memref<26214400xf32, #tpu.memory_space<hbm>> -> memref<1024xf32, #tpu.memory_space<hbm>>
      %dma_start3A_574 = arith.constant 3072 : i32
      %dma_start3A_575 = tpu.memref_slice %arg12[%dma_start3A_574] : memref<8192xf32, #tpu.memory_space<vmem>> -> memref<1024xf32, #tpu.memory_space<vmem>>
      tpu.enqueue_dma source(%dma_start3A_575 : memref<1024xf32, #tpu.memory_space<vmem>>) target(%dma_start3A_573 : memref<1024xf32, #tpu.memory_space<hbm>>) target_semaphore(%arg16 : memref<!tpu.dma_semaphore, #tpu.memory_space<semaphore_mem>>)
      %mul3A_576 = arith.constant 2 : i32
      %mul3A_577 = arith.muli %mul3A_576, %add3A_534 : i32
      %add3A_578 = arith.constant 1 : i32
      %add3A_579 = arith.addi %mul3A_577, %add3A_578 : i32
      %mul3A_580 = arith.constant 131072 : i32
      %mul3A_581 = arith.muli %add3A_579, %mul3A_580 : i32
      %mul3A_582 = arith.constant 1024 : i32
      %mul3A_583 = arith.muli %add3A, %mul3A_582 : i32
      %add3A_584 = arith.addi %mul3A_581, %mul3A_583 : i32
      %add3A_585 = arith.constant 0 : i32
      %add3A_586 = arith.addi %add3A_584, %add3A_585 : i32
      %dma_start3A_587 = arith.constant 4096 : i32
      %dma_start3A_588 = tpu.memref_slice %arg12[%dma_start3A_587] : memref<8192xf32, #tpu.memory_space<vmem>> -> memref<1024xf32, #tpu.memory_space<vmem>>
      %dma_start3A_589 = tpu.memref_slice %arg4[%add3A_586] : memref<26214400xf32, #tpu.memory_space<hbm>> -> memref<1024xf32, #tpu.memory_space<hbm>>
      %dma_start3A_590 = tpu.memref_slice %arg4[%add3A_586] : memref<26214400xf32, #tpu.memory_space<hbm>> -> memref<1024xf32, #tpu.memory_space<hbm>>
      %dma_start3A_591 = arith.constant 4096 : i32
      %dma_start3A_592 = tpu.memref_slice %arg12[%dma_start3A_591] : memref<8192xf32, #tpu.memory_space<vmem>> -> memref<1024xf32, #tpu.memory_space<vmem>>
      tpu.enqueue_dma source(%dma_start3A_592 : memref<1024xf32, #tpu.memory_space<vmem>>) target(%dma_start3A_590 : memref<1024xf32, #tpu.memory_space<hbm>>) target_semaphore(%arg16 : memref<!tpu.dma_semaphore, #tpu.memory_space<semaphore_mem>>)
      %add3A_593 = arith.constant 32768 : i32
      %add3A_594 = arith.addi %add3A_584, %add3A_593 : i32
      %dma_start3A_595 = arith.constant 5120 : i32
      %dma_start3A_596 = tpu.memref_slice %arg12[%dma_start3A_595] : memref<8192xf32, #tpu.memory_space<vmem>> -> memref<1024xf32, #tpu.memory_space<vmem>>
      %dma_start3A_597 = tpu.memref_slice %arg4[%add3A_594] : memref<26214400xf32, #tpu.memory_space<hbm>> -> memref<1024xf32, #tpu.memory_space<hbm>>
      %dma_start3A_598 = tpu.memref_slice %arg4[%add3A_594] : memref<26214400xf32, #tpu.memory_space<hbm>> -> memref<1024xf32, #tpu.memory_space<hbm>>
      %dma_start3A_599 = arith.constant 5120 : i32
      %dma_start3A_600 = tpu.memref_slice %arg12[%dma_start3A_599] : memref<8192xf32, #tpu.memory_space<vmem>> -> memref<1024xf32, #tpu.memory_space<vmem>>
      tpu.enqueue_dma source(%dma_start3A_600 : memref<1024xf32, #tpu.memory_space<vmem>>) target(%dma_start3A_598 : memref<1024xf32, #tpu.memory_space<hbm>>) target_semaphore(%arg16 : memref<!tpu.dma_semaphore, #tpu.memory_space<semaphore_mem>>)
      %add3A_601 = arith.constant 65536 : i32
      %add3A_602 = arith.addi %add3A_584, %add3A_601 : i32
      %dma_start3A_603 = arith.constant 6144 : i32
      %dma_start3A_604 = tpu.memref_slice %arg12[%dma_start3A_603] : memref<8192xf32, #tpu.memory_space<vmem>> -> memref<1024xf32, #tpu.memory_space<vmem>>
      %dma_start3A_605 = tpu.memref_slice %arg4[%add3A_602] : memref<26214400xf32, #tpu.memory_space<hbm>> -> memref<1024xf32, #tpu.memory_space<hbm>>
      %dma_start3A_606 = tpu.memref_slice %arg4[%add3A_602] : memref<26214400xf32, #tpu.memory_space<hbm>> -> memref<1024xf32, #tpu.memory_space<hbm>>
      %dma_start3A_607 = arith.constant 6144 : i32
      %dma_start3A_608 = tpu.memref_slice %arg12[%dma_start3A_607] : memref<8192xf32, #tpu.memory_space<vmem>> -> memref<1024xf32, #tpu.memory_space<vmem>>
      tpu.enqueue_dma source(%dma_start3A_608 : memref<1024xf32, #tpu.memory_space<vmem>>) target(%dma_start3A_606 : memref<1024xf32, #tpu.memory_space<hbm>>) target_semaphore(%arg16 : memref<!tpu.dma_semaphore, #tpu.memory_space<semaphore_mem>>)
      %add3A_609 = arith.constant 98304 : i32
      %add3A_610 = arith.addi %add3A_584, %add3A_609 : i32
      %dma_start3A_611 = arith.constant 7168 : i32
      %dma_start3A_612 = tpu.memref_slice %arg12[%dma_start3A_611] : memref<8192xf32, #tpu.memory_space<vmem>> -> memref<1024xf32, #tpu.memory_space<vmem>>
      %dma_start3A_613 = tpu.memref_slice %arg4[%add3A_610] : memref<26214400xf32, #tpu.memory_space<hbm>> -> memref<1024xf32, #tpu.memory_space<hbm>>
      %dma_start3A_614 = tpu.memref_slice %arg4[%add3A_610] : memref<26214400xf32, #tpu.memory_space<hbm>> -> memref<1024xf32, #tpu.memory_space<hbm>>
      %dma_start3A_615 = arith.constant 7168 : i32
      %dma_start3A_616 = tpu.memref_slice %arg12[%dma_start3A_615] : memref<8192xf32, #tpu.memory_space<vmem>> -> memref<1024xf32, #tpu.memory_space<vmem>>
      tpu.enqueue_dma source(%dma_start3A_616 : memref<1024xf32, #tpu.memory_space<vmem>>) target(%dma_start3A_614 : memref<1024xf32, #tpu.memory_space<hbm>>) target_semaphore(%arg16 : memref<!tpu.dma_semaphore, #tpu.memory_space<semaphore_mem>>)
      %dma_wait3A_617 = arith.constant 0 : i32
      %dma_wait3A_618 = tpu.memref_slice %arg4[%dma_wait3A_617] : memref<26214400xf32, #tpu.memory_space<hbm>> -> memref<8192xf32, #tpu.memory_space<hbm>>
      %dma_wait3A_619 = arith.constant 0 : i32
      %dma_wait3A_620 = tpu.memref_slice %arg4[%dma_wait3A_619] : memref<26214400xf32, #tpu.memory_space<hbm>> -> memref<8192xf32, #tpu.memory_space<hbm>>
      tpu.wait_dma2 semaphore(%arg15 : memref<!tpu.dma_semaphore, #tpu.memory_space<semaphore_mem>>) src(%dma_wait3A_620 : memref<8192xf32, #tpu.memory_space<hbm>>) dst(%arg11 : memref<8192xf32, #tpu.memory_space<vmem>>)
      %dma_wait3A_621 = arith.constant 0 : i32
      %dma_wait3A_622 = tpu.memref_slice %arg4[%dma_wait3A_621] : memref<26214400xf32, #tpu.memory_space<hbm>> -> memref<8192xf32, #tpu.memory_space<hbm>>
      %dma_wait3A_623 = arith.constant 0 : i32
      %dma_wait3A_624 = tpu.memref_slice %arg4[%dma_wait3A_623] : memref<26214400xf32, #tpu.memory_space<hbm>> -> memref<8192xf32, #tpu.memory_space<hbm>>
      tpu.wait_dma2 semaphore(%arg16 : memref<!tpu.dma_semaphore, #tpu.memory_space<semaphore_mem>>) src(%dma_wait3A_624 : memref<8192xf32, #tpu.memory_space<hbm>>) dst(%arg12 : memref<8192xf32, #tpu.memory_space<vmem>>)
      %scan3A_625 = arith.constant 0 : i32
      scf.yield %scan3A_625 : i32
    }
    %scan3A_107 = arith.constant 50 : i32
    %dma_wait3A = arith.constant 0 : i32
    %dma_wait3A_108 = arith.constant 0 : i32
    %dma_wait3A_109 = tpu.memref_slice %arg3[%dma_wait3A, %dma_wait3A_108] : memref<1000000x32xf32, #tpu.memory_space<hbm>> -> memref<1000000x32xf32, #tpu.memory_space<hbm>>
    tpu.wait_indirect_dma semaphore(%arg13 : memref<!tpu.dma_semaphore, #tpu.memory_space<semaphore_mem>>) src(%dma_wait3A_109 : memref<1000000x32xf32, #tpu.memory_space<hbm>>) dst(%arg8 : memref<256x32xf32, #tpu.memory_space<vmem>>)
    return
  }
}

</mosaic_0001>

<sc_bundles>
// kernel: kernel.4.cloned.1.call-start
scs
__scs_entry_jumppad:
0x0: {  	(pc) =	sbr.rel $0x88, $3  }
0x1: {  	(tag) =	ssettag $0x0;
	lr =	simm.s32 $0x1  }
0x2: {  	[smem:$0x3F9F] =	sst lr;
	_ =	strace $0xD0000000  }
0x3: {  	_ = 	snop  }
0x4: {  	_ = 	snop  }
0x5: {  	_ = 	snop  }
0x6: {  	_ = 	snop  }
0x7: {  	_ = 	snop  }
__scs_overlays_trampoline_lowered:
0x8: {  	[smem:$0x3FAE] =	sst s0  }
0x9: {  	[smem:$0x3FAF] =	sst s1  }
0xa: {  	[smem:$0x3FB0] =	sst s2  }
0xb: {  	[smem:$0x3FB1] =	sst s3  }
0xc: {  	[smem:$0x3FB2] =	sst s4  }
0xd: {  	[smem:$0x3FB3] =	sst s5  }
0xe: {  	[smem:$0x3FB4] =	sst s6  }
0xf: {  	[smem:$0x3FB5] =	sst s7  }
0x10: {  	[smem:$0x3FB6] =	sst s8  }
0x11: {  	[smem:$0x3FB7] =	sst s9;
	s0 =	simm.s32 @!p0 $0x0  }
0x12: {  	s1 =	sld [smem:$0x3F9D];
	s0 =	simm.s32 @p0 $0x1  }
0x13: {  	[smem:$0x3FB8] =	sst s0;
	s0 =	simm.s32 @!p1 $0x0  }
0x14: {  	s2 =	sld [smem:$0x3F9C];
	s0 =	simm.s32 @p1 $0x1  }
0x15: {  	[smem:$0x3FB9] =	sst s0;
	s0 =	simm.s32 @!p2 $0x0  }
0x16: {  	s3 =	sld [smem:$0x3FDB];
	s0 =	simm.s32 @p2 $0x1  }
0x17: {  	s4 =	simm.s32 $0x1BF5;
	[smem:$0x3FBB] =	sst s0  }
0x18: {  	s0 =	sld [smem:$0x3F9E];
	_ =	swait.ge [sflag:s4], $0x0  }
0x19: {  	s7 =	sld [smem:$0x3F9F]  }
0x1a: {  	s8 =	sadd.s32 $0xFFFFE003, lr  }
0x1b: {  	s9 =	sadd.s32 $0xFFFFFEF7, lr;
	s5 =	simm.s32 $0xFFFFFFFF;
	p2 =	slt.u32 s8, $0xFFFFF086  }
0x1c: {  	p1 =	slt.u32 s9, $0xF7A;
	s5 =	simm.s32 @!p2 $0x0  }
0x1d: {  	s5 =	simm.s32 @p1 $0x1;
	p0 =	seq.s32 s7, s2  }
0x1e: {  	s7 =	smul.u32 @!p0 $0xF7A, s2;
	p2 =	seq.s32 @!p0 s5, $0x0  }
0x1f: {  	s9 =	smul.u32 $0xF7A, s1;
	s8 =	simm.s32 @!p0 $0x1BF5;
	p2 =	por !p2, p0  }
0x20: {  	[sflag:s8] =	ssyncset.s32 @!p0 $0xFFFFF086;
	s6 =	sadd.s32 @!p0 s3, s7;
	s7 =	simm.s32 @!p0 $0x108  }
0x21: {  	s3 =	sadd.s32 s3, s9;
	s6 =	sadd.s32 @!p0 $0x88, s6;
	s7 =	simm.s32 @p2 $0x1082  }
0x22: {  	[simem:s7], [sflag:s8] =	dma.local @!p0 [hbm:s6], $0xF7A  }
0x23: {  	s9 =	sor.u32 $0xD0000000, s2;
	s6 =	simm.s32 $0x108;
	_ =	swait.ge @!p0 [sflag:s8], $0x0  }
0x24: {  	s3 =	sadd.s32 $0x88, s3;
	s6 =	simm.s32 @!p1 $0x1082;
	[sflag:s4] =	ssyncset.s32 $0xFFFFF086  }
0x25: {  	[simem:s6], [sflag:s4] =	dma.local [hbm:s3], $0xF7A  }
0x26: {  	[smem:$0x3F9F] =	sst s1;
	(tag) =	ssettag s2;
	_ =	strace s9  }
0x27: {  	s1 =	sld [smem:$0x3FAF]  }
0x28: {  	s2 =	sld [smem:$0x3FB0]  }
0x29: {  	s4 =	sld [smem:$0x3FB2]  }
0x2a: {  	p0 =	seq.s32 s5, $0x0;
	s5 =	sld [smem:$0x3FB3]  }
0x2b: {  	s6 =	sld [smem:$0x3FB4]  }
0x2c: {  	s7 =	sld [smem:$0x3FB5]  }
0x2d: {  	s3 =	simm.s32 $0x108;
	s8 =	sld [smem:$0x3FB6]  }
0x2e: {  	s3 =	simm.s32 @!p0 $0x1082;
	s9 =	sld [smem:$0x3FB7]  }
0x2f: {  	lr =	sadd.s32 s0, s3;
	s0 =	sld [smem:$0x3FAE]  }
0x30: {  	s3 =	sld [smem:$0x3FB1]  }
0x31: {  	[smem:$0x3FBA] =	sst s10  }
0x32: {  	s10 =	sld [smem:$0x3FB8];
	_ =	sdelay $0x3  }
0x33: {  	p0 =	seq.s32 s10, $0x1;
	s10 =	sld [smem:$0x3FBA];
	_ =	sdelay $0x3  }
0x34: {  	[smem:$0x3FBA] =	sst s10  }
0x35: {  	s10 =	sld [smem:$0x3FB9];
	_ =	sdelay $0x3  }
0x36: {  	p1 =	seq.s32 s10, $0x1;
	s10 =	sld [smem:$0x3FBA];
	_ =	sdelay $0x3  }
0x37: {  	[smem:$0x3FBA] =	sst s10  }
0x38: {  	s10 =	sld [smem:$0x3FBB]  }
0x39: {  	_ = 	snop;
	(pc) =	sbr.ind lr, $3  }
0x3a: {  	_ = 	snop  }
0x3b: {  	_ = 	snop  }
0x3c: {  	p2 =	seq.s32 s10, $0x1;
	s10 =	sld [smem:$0x3FBA]  }
0x3d: {  	_ =	shalt  }
0x3e: {  	_ =	shalt  }
0x3f: {  	_ =	shalt  }
0x40: {  	_ =	shalt  }
0x41: {  	_ =	shalt  }
0x42: {  	_ =	shalt  }
0x43: {  	_ =	shalt  }
0x44: {  	_ =	shalt  }
0x45: {  	_ =	shalt  }
0x46: {  	_ =	shalt  }
0x47: {  	_ =	shalt  }
0x48: {  	_ =	shalt  }
0x49: {  	_ =	shalt  }
0x4a: {  	_ =	shalt  }
0x4b: {  	_ =	shalt  }
0x4c: {  	_ =	shalt  }
0x4d: {  	_ =	shalt  }
0x4e: {  	_ =	shalt  }
0x4f: {  	_ =	shalt  }
0x50: {  	_ =	shalt  }
0x51: {  	_ =	shalt  }
0x52: {  	_ =	shalt  }
0x53: {  	_ =	shalt  }
0x54: {  	_ =	shalt  }
0x55: {  	_ =	shalt  }
0x56: {  	_ =	shalt  }
0x57: {  	_ =	shalt  }
0x58: {  	_ =	shalt  }
0x59: {  	_ =	shalt  }
0x5a: {  	_ =	shalt  }
0x5b: {  	_ =	shalt  }
0x5c: {  	_ =	shalt  }
0x5d: {  	_ =	shalt  }
0x5e: {  	_ =	shalt  }
0x5f: {  	_ =	shalt  }
0x60: {  	_ =	shalt  }
0x61: {  	_ =	shalt  }
0x62: {  	_ =	shalt  }
0x63: {  	_ =	shalt  }
0x64: {  	_ =	shalt  }
0x65: {  	_ =	shalt  }
0x66: {  	_ =	shalt  }
0x67: {  	_ =	shalt  }
0x68: {  	_ =	shalt  }
0x69: {  	_ =	shalt  }
0x6a: {  	_ =	shalt  }
0x6b: {  	_ =	shalt  }
0x6c: {  	_ =	shalt  }
0x6d: {  	_ =	shalt  }
0x6e: {  	_ =	shalt  }
0x6f: {  	_ =	shalt  }
0x70: {  	_ =	shalt  }
0x71: {  	_ =	shalt  }
0x72: {  	_ =	shalt  }
0x73: {  	_ =	shalt  }
0x74: {  	_ =	shalt  }
0x75: {  	_ =	shalt  }
0x76: {  	_ =	shalt  }
0x77: {  	_ =	shalt  }
0x78: {  	_ =	shalt  }
0x79: {  	_ =	shalt  }
0x7a: {  	_ =	shalt  }
0x7b: {  	_ =	shalt  }
0x7c: {  	_ =	shalt  }
0x7d: {  	_ =	shalt  }
0x7e: {  	_ =	shalt  }
0x7f: {  	_ =	shalt  }
0x80: {  	_ =	shalt  }
0x81: {  	_ =	shalt  }
0x82: {  	_ =	shalt  }
0x83: {  	_ =	shalt  }
0x84: {  	_ =	shalt  }
0x85: {  	_ =	shalt  }
0x86: {  	_ =	shalt  }
0x87: {  	_ =	shalt  }
.Lfunc_end0:
.L_simem_size_0:
called_computation_lowered:
.L_overlay_start_0:
0x88: {  	s2 =	sld [smem:$0x3FD9]  }
0x89: {  	s3 =	sld [smem:$0x3FFE];
	_ =	sdelay $0x1  }
0x8a: {  	s1 =	srdreg.scid  }
0x8b: {  	s0 =	sand.u32 $0x1, s1  }
0x8c: {  	s17 =	sshll.u32 s0, $0xA;
	s2 =	sadd.s32 s3, s2  }
0x8d: {  	s2 =	sadd.s32 s2, s17  }
0x8e: {  	[smem:$0x3FC6] =	sst s2  }
0x8f: {  	_ = 	snop  }
0x90: {  	s2 =	sld [smem:$0x3FC8];
	(tm) =	ssettm $0x1  }
0x91: {  	s18 =	sld [smem:$0x3FFB];
	_ =	sdelay $0x3  }
0x92: {  	_ =	strace s18  }
0x93: {  	s3 =	sld [smem:$0x3FFC];
	_ =	sdelay $0x3  }
0x94: {  	_ =	strace s3  }
0x95: {  	s3 =	sld [smem:$0x3FFD];
	_ =	sdelay $0x3  }
0x96: {  	_ =	strace s3  }
0x97: {  	_ =	strace $0x8FFFFFFF  }
0x98: {  	s19 =	sld [smem:$0x3FDB];
	_ =	sdelay $0x1  }
0x99: {  	s4 =	simm.s32 $_scs_section_size  }
0x9a: {  	s5 =	simm.s32 $_size__tile_overlayer_lowered;
	s6 =	simm.s32 $_tile_overlayer_lowered  }
0x9b: {  	s22 =	simm.s32 $0x1BFF;
	s21 =	sshll.u32 s6, $0x1;
	s3 =	sadd.s32 s4, s19  }
0x9c: {  	s7 =	simm.s32 $0x0;
	s20 =	sshll.u32 s5, $0x1;
	s5 =	sadd.s32 s21, s3  }
0x9d: {  	[timem:s7], [sflag:s22] =	dma.local [hbm:s5], s20  }
0x9e: {  	_ =	swait.ge [sflag:s22], s20  }
0x9f: {  	s4 =	ssub.s32 $0x0, s20;
	[sflag:s22] =	ssyncset.done $0x0  }
0xa0: {  	[sflag:s22] =	ssyncadd.s32 s4;
	_ =	sdelay $0x1  }
0xa1: {  	s23 =	simm.s32 $0x1B8B  }
0xa2: {  	_ =	swait.ge [sflag:s23], $0x1  }
0xa3: {  	[sflag:s23] =	ssyncset.done $0x0  }
0xa4: {  	s25 =	simm.s32 $0x1B8E;
	s24 =	sld [smem:$0x3FFE];
	[sflag:s23] =	ssyncadd.s32 $0xFFFFFFFF  }
0xa5: {  	s26 =	simm.s32 $execute0_lowered;
	[smem:$0x3FD2] =	sst s25  }
0xa6: {  	s5 =	sshll.u32 s26, $0x1;
	_ =	strace $0x80000046;
	[dreg:$0x1] =	wrdreg $0xFFFFFFFF  }
0xa7: {  	s28 =	simm.s32 $_size_execute0_lowered;
	s3 =	sadd.s32 s3, s5;
	[dreg:$0x0] =	wrdreg $0x0  }
0xa8: {  	s5 =	sshll.u32 s28, $0x1;
	[dreg:$0x2] =	wrdreg s3  }
0xa9: {  	[dreg:$0x3] =	wrdreg s5  }
0xaa: {  	[dreg:$0x4] =	wrdreg $0xC0  }
0xab: {  	_ =	task [dreg:s7], $0x5FFFF  }
0xac: {  	[dreg:$0x1] =	wrdreg $0xFFFFFFFF  }
0xad: {  	[dreg:$0x0] =	wrdreg $0x60  }
0xae: {  	[dreg:$0x2] =	wrdreg s2  }
0xaf: {  	[dreg:$0x3] =	wrdreg s24  }
0xb0: {  	[dreg:$0x4] =	wrdreg $0x9  }
0xb1: {  	_ =	task.clear_ibuf [dreg:s7], $0x5FFFF;
	_ =	strace $0x90000046  }
0xb2: {  	s29 =	simm.s32 $0x9;
	_ =	strace $0x80000048  }
0xb3: {  	_ =	swait.ge [sflag:s29], $0x1  }
0xb4: {  	[sflag:s29] =	ssyncadd.s32 $0xFFFFFFFF  }
0xb5: {  	_ =	strace $0x90000048  }
0xb6: {  	_ =	sfence  }
0xb7: {  	s30 =	sld [smem:$0x0];
	_ =	sdelay $0x2  }
0xb8: {  	s31 =	sshll.u32 s1, $0xD;
	s1 =	sshrl.u32 s1, $0x2  }
0xb9: {  	s3 =	sand.u32 $0x4000, s31;
	s1 =	sadd.s32 s1, s30  }
0xba: {  	s0 =	sor.u32 s3, s0;
	s1 =	sshll.u32 s1, $0x11  }
0xbb: {  	s0 =	sor.u32 s1, s0  }
0xbc: {  	s0 =	sadd.s32 $0x8F2B, s0  }
0xbd: {  	[sflag:s0] =	ssyncadd.remote.s32 $0x1  }
0xbe: {  	_ =	sfence.sel $0xFFFF  }
0xbf: {  	[dreg:$0x0] =	wrdreg $0xFFFFFFFF;
	(pc) =	sbr.abs _section_cstart, $3  }
0xc0: {  	[dreg:$0x1] =	wrdreg $0xFFFFFFFF  }
0xc1: {  	_ =	task.clear_ibuf [dreg:s7], $0x2FFFF;
	_ =	strace $0x9FFFFFFF  }
0xc2: {  	(tm) =	ssettm $0x7FFFFFFF  }
0xc3: {  	_ =	shalt  }
tec
execute0_lowered:
.L_overlay_start_1:
0x0: {  	(tag) =	ssettag $0x1  }
0x1: {  	s1 =	rddreg [dreg:$0x0]  }
0x2: {  	s0 =	rddreg [dreg:$0x1];
	s3 =	simm.s32 $0x0;
	s2 =	srdreg.scid  }
0x3: {  	s4 =	stileid.u32;
	s11 =	simm.s32 $0x800;
	s12 =	simm.s32 $0x7A1400  }
0x4: {  	s14 =	simm.s32 $0x1;
	s15 =	simm.s32 $0x4000;
	s16 =	simm.s32 $0x6080  }
0x5: {  	s17 =	simm.s32 $0x2;
	s18 =	simm.s32 $0x8080;
	s19 =	simm.s32 $0x3  }
0x6: {  	[smem:$0x7FF] =	sst s3;
	s2 =	sand.u32 $0x1, s2;
	s4 =	sshll.u32 s4, $0x1  }
0x7: {  	s5 =	sadd.s32 $0xA00, s0;
	s30 =	sadd.s32 $0xF4200, s1;
	s0 =	sadd.s32 $0x3D1200, s0  }
0x8: {  	_ =	strace $0x80000047;
	s6 =	ssub.s32 $0x2, s2;
	s4 =	sor.u32 s2, s4  }
0x9: {  	v1 =	vlaneseq.u32;
	[dreg:$0x4] =	wrdreg s30;
	s28 =	sshrl.u32 s6, $0x1;
	s7 =	sshll.u32 s4, $0x8  }
0xa: {  	v0 =	vmul.u32 $0x101, v1;
	v1 =	vmul.u32 $0x41, v1;
	[dreg:$0x5] =	wrdreg s0;
	s2 =	ssub.s32 s6, s28;
	s29 =	sadd.s32 s1, s7  }
0xb: {  	s20 =	simm.s32 $0x4;
	[dreg:$0x3] =	wrdreg s29;
	s31 =	smax.u32 s2, $0x1  }
0xc: {  	v2 =	vadd.s32 $0x1010, v0;
	v3 =	vadd.s32 $0x410, v1;
	s7 =	sor.u32 $0x40, s4;
	s2 =	simm.s32 $0x0;
	[dreg:$0x6] =	wrdreg s31  }
.LBB2_1:
0xd: {  	[dreg:$0x7] =	wrdreg s2  }
0xe: {  	s0 =	rddreg [dreg:$0x3];
	s26 =	simm.s32 $0x0  }
0xf: {  	[tilespmem:s3], [sflag:$0x1] =	stream.strided.gather [hbm4b:s0+s11], $0x2000, s12, s11, $0x38;
	[tilespmem:$0xB880] =	vst v63  }
.LBB2_2:
0x10: {  	s29 =	sshll.u32 s26, $0x6  }
0x11: {  	s30 =	sor.u32 s29, s4  }
0x12: {  	s0 =	sor.u32 $0x20, s30  }
0x13: {  	s28 =	smin.u32 s0, $0xF41  }
0x14: {  	s0 =	sshll.u32 s28, $0x8  }
0x15: {  	s2 =	simm.s32 $0x2000;
	s0 =	sadd.s32 s1, s0  }
0x16: {  	[tilespmem:s2], [sflag:$0x2] =	stream.strided.gather [hbm4b:s0+s11], $0x2000, s12, s11, $0x38;
	[tilespmem:$0xB880] =	vst v63  }
0x17: {  	s6 =	simm.s32 $0x0;
	_ =	swait.ge [sflag:s14], $0x2000  }
0x18: {  	s25 =	sand.u32 $0x1800, s6;
	s31 =	sand.u32 $0x380, s6;
	[sflag:s14] =	ssyncset.done $0x0  }
0x19: {  	s24 =	sor.u32 s31, s25;
	[sflag:s14] =	ssyncadd.s32 $0xFFFFE000  }
0x1a: {  	v4 =	vld [tilespmem:s24+$0x470]  }
0x1b: {  	v5 =	vld [tilespmem:s24+$0x460]  }
0x1c: {  	v6 =	vld [tilespmem:s24+$0x450]  }
0x1d: {  	v7 =	vld [tilespmem:s24+$0x440]  }
0x1e: {  	s9 =	simm.s32 $0x4080;
	v8 =	vld [tilespmem:s24+$0x430]  }
0x1f: {  	s10 =	simm.s32 $0x100;
	s21 =	simm.s32 $0x4191;
	s22 =	simm.s32 $0x0;
	v9 =	vld [tilespmem:s24+$0x420]  }
0x20: {  	s8 =	simm.s32 $0x4080;
	s0 =	simm.s32 $0x4090;
	s2 =	sand.u32 $0x3FFFFF80, s6;
	v10 =	vld [tilespmem:s24+$0x410]  }
.LBB2_3:
0x21: {  	s6 =	sadd.s32 $0x101, s6  }
0x22: {  	v11 =	vld [tilespmem:s24+$0x400];
	s9 =	sadd.s32 $0x1, s9;
	s22 =	sadd.s32 $0x80, s22;
	s31 =	smov.u32 s10  }
0x23: {  	p0 =	sne.s32 s10, $0x1F00;
	s10 =	sadd.s32 $0x100, s10;
	s23 =	sand.u32 $0x3FFFFF80, s6;
	v12 =	vld [tilespmem:s24+$0x70]  }
0x24: {  	v13 =	vld [tilespmem:s24+$0x50]  }
0x25: {  	v14 =	vld [tilespmem:s24+$0x60]  }
0x26: {  	v15 =	vld [tilespmem:s24+$0x40]  }
0x27: {  	v16 =	vld [tilespmem:s24+$0x20]  }
0x28: {  	v17 =	vld [tilespmem:s24+$0x30]  }
0x29: {  	v18 =	vld [tilespmem:s24+$0x0]  }
0x2a: {  	v19 =	vld [tilespmem:s24+$0x10]  }
0x2b: {  	[tilespmem:s0+$0xFFFFFFC0] =	vst v13  }
0x2c: {  	[tilespmem:s0+$0xFFFFFFE0] =	vst v12  }
0x2d: {  	[tilespmem:s0+$0xFFFFFFD0] =	vst v14  }
0x2e: {  	[tilespmem:s0+$0xFFFFFFB0] =	vst v15  }
0x2f: {  	[tilespmem:s0+$0xFFFFFF80] =	vst v19  }
0x30: {  	[tilespmem:s0+$0xFFFFFF90] =	vst v16  }
0x31: {  	[tilespmem:s0+$0xFFFFFFA0] =	vst v17  }
0x32: {  	s24 =	sadd.s32 s2, s8;
	s8 =	smov.u32 s9;
	s2 =	smov.u32 s23;
	[tilespmem:s0+$0xFFFFFF70] =	vst v18  }
0x33: {  	[tilespmem:s24+$0x0] =	vst v11  }
0x34: {  	[tilespmem:s0+$0x0] =	vst v10  }
0x35: {  	[tilespmem:s0+$0x10] =	vst v9  }
0x36: {  	[tilespmem:s0+$0x20] =	vst v8  }
0x37: {  	[tilespmem:s0+$0x30] =	vst v7  }
0x38: {  	[tilespmem:s0+$0x40] =	vst v6  }
0x39: {  	s23 =	sand.u32 $0x1800, s31;
	s24 =	sand.u32 $0x380, s22;
	[tilespmem:s0+$0x50] =	vst v5  }
0x3a: {  	s24 =	sor.u32 s24, s23;
	[tilespmem:s0+$0x60] =	vst v4;
	s0 =	smov.u32 s21  }
0x3b: {  	v4 =	vld [tilespmem:s24+$0x470]  }
0x3c: {  	v5 =	vld [tilespmem:s24+$0x460]  }
.Ltmp0:
0x3d: {  	v6 =	vld [tilespmem:s24+$0x450];
	(pc) =	sbr.rel @p0 .LBB2_3-.Ltmp0, $4  }
0x3e: {  	v7 =	vld [tilespmem:s24+$0x440]  }
0x3f: {  	v8 =	vld [tilespmem:s24+$0x430]  }
0x40: {  	v9 =	vld [tilespmem:s24+$0x420]  }
0x41: {  	s21 =	sadd.s32 $0x101, s21;
	v10 =	vld [tilespmem:s24+$0x410]  }
0x42: {  	v11 =	vld [tilespmem:s24+$0x400]  }
0x43: {  	v12 =	vld [tilespmem:s24+$0x70]  }
0x44: {  	v13 =	vld [tilespmem:s24+$0x50]  }
0x45: {  	v14 =	vld [tilespmem:s24+$0x60]  }
0x46: {  	v15 =	vld [tilespmem:s24+$0x40]  }
0x47: {  	v16 =	vld [tilespmem:s24+$0x20]  }
0x48: {  	v17 =	vld [tilespmem:s24+$0x30]  }
0x49: {  	v19 =	vld [tilespmem:s24+$0x10]  }
0x4a: {  	v18 =	vld [tilespmem:s24+$0x0];
	[tilespmem:s0+$0xFFFFFFC0] =	vst v13  }
0x4b: {  	[tilespmem:s0+$0xFFFFFFE0] =	vst v12  }
0x4c: {  	[tilespmem:s0+$0xFFFFFFD0] =	vst v14  }
0x4d: {  	[tilespmem:s0+$0xFFFFFFB0] =	vst v15  }
0x4e: {  	[tilespmem:s0+$0xFFFFFF80] =	vst v19  }
0x4f: {  	[tilespmem:s0+$0xFFFFFF90] =	vst v16  }
0x50: {  	[tilespmem:s0+$0xFFFFFFA0] =	vst v17  }
0x51: {  	s2 =	sadd.s32 s2, s8;
	[tilespmem:s0+$0xFFFFFF70] =	vst v18  }
0x52: {  	[tilespmem:s2+$0x0] =	vst v11  }
0x53: {  	[tilespmem:s0+$0x0] =	vst v10  }
0x54: {  	s21 =	simm.s32 $0x7;
	[tilespmem:s0+$0x10] =	vst v9  }
0x55: {  	s22 =	simm.s32 $0x6;
	v20 =	vadd.s32 s21, v2;
	[tilespmem:s0+$0x20] =	vst v8  }
0x56: {  	s23 =	simm.s32 $0x5;
	v21 =	vadd.s32 s22, v0;
	[tilespmem:s0+$0x30] =	vst v7  }
0x57: {  	v22 =	vadd.s32 s23, v2;
	[tilespmem:s0+$0x40] =	vst v6  }
0x58: {  	s24 =	simm.s32 $0x4;
	v23 =	vadd.s32 s23, v0;
	[tilespmem:s0+$0x50] =	vst v5  }
0x59: {  	s10 =	simm.s32 $0x9;
	v24 =	vadd.s32 s24, v2;
	[tilespmem:s0+$0x60] =	vst v4  }
0x5a: {  	s13 =	simm.s32 $0x8;
	v17 =	vadd.s32 s10, v0;
	v20 =	vld.idx.msk [tilespmem:v20+s15+$0x0], $0xffff  }
0x5b: {  	s8 =	simm.s32 $0xB;
	v18 =	vadd.s32 s13, v2;
	v21 =	vld.idx.msk [tilespmem:v21+s15+$0x0], $0xffff  }
0x5c: {  	v12 =	vadd.s32 s8, v2;
	v13 =	vadd.s32 s8, v0;
	v19 =	vadd.s32 s13, v0;
	s8 =	simm.s32 $0x0;
	v22 =	vld.idx.msk [tilespmem:v22+s15+$0x0], $0xffff  }
0x5d: {  	s25 =	simm.s32 $0xF;
	v32 =	vor.u32 s8, v0;
	v23 =	vld.idx.msk [tilespmem:v23+s15+$0x0], $0xffff  }
0x5e: {  	s2 =	simm.s32 $0xD;
	v8 =	vadd.s32 s25, v2;
	v24 =	vld.idx.msk [tilespmem:v24+s15+$0x0], $0xffff  }
0x5f: {  	v10 =	vadd.s32 s2, v2;
	v17 =	vld.idx.msk [tilespmem:v17+s15+$0x0], $0xffff  }
0x60: {  	s9 =	simm.s32 $0xA;
	v18 =	vld.idx.msk [tilespmem:v18+s15+$0x0], $0xffff  }
0x61: {  	v14 =	vadd.s32 s9, v2;
	v19 =	vld.idx.msk [tilespmem:v19+s15+$0x0], $0xffff  }
0x62: {  	v16 =	vadd.s32 s10, v2;
	v32 =	vld.idx.msk [tilespmem:v32+s15+$0x0], $0xffff  }
0x63: {  	s6 =	simm.s32 $0xE;
	v7 =	vadd.s32 s25, v0;
	v4 =	vld.idx.msk [tilespmem:v8+s15+$0x0], $0xffff  }
0x64: {  	v9 =	vadd.s32 s6, v0;
	s0 =	simm.s32 $0xC;
	v8 =	vld.idx.msk [tilespmem:v10+s15+$0x0], $0xffff  }
0x65: {  	v11 =	vadd.s32 s0, v0;
	v10 =	vld.idx.msk [tilespmem:v12+s15+$0x0], $0xffff  }
0x66: {  	v12 =	vld.idx.msk [tilespmem:v14+s15+$0x0], $0xffff  }
0x67: {  	v14 =	vld.idx.msk [tilespmem:v16+s15+$0x0], $0xffff;
	v16 =	vadd.s32 s22, v2  }
0x68: {  	v15 =	vadd.s32 s9, v0;
	s9 =	simm.s32 $0x2;
	v5 =	vld.idx.msk [tilespmem:v7+s15+$0x0], $0xffff  }
0x69: {  	v34 =	vadd.s32 s9, v2;
	v7 =	vld.idx.msk [tilespmem:v9+s15+$0x0], $0xffff  }
0x6a: {  	v6 =	vadd.s32 s6, v2;
	s25 =	simm.s32 $0x3;
	v9 =	vld.idx.msk [tilespmem:v11+s15+$0x0], $0xffff  }
0x6b: {  	v27 =	vadd.s32 s25, v0;
	v11 =	vld.idx.msk [tilespmem:v13+s15+$0x0], $0xffff  }
0x6c: {  	v26 =	vld.idx.msk [tilespmem:v16+s15+$0x0], $0xffff;
	v16 =	vadd.s32 s25, v2  }
0x6d: {  	s6 =	simm.s32 $0x1;
	v13 =	vld.idx.msk [tilespmem:v15+s15+$0x0], $0xffff;
	v15 =	vadd.s32 s21, v0  }
0x6e: {  	v29 =	vadd.s32 s6, v2;
	v34 =	vld.idx.msk [tilespmem:v34+s15+$0x0], $0xffff  }
0x6f: {  	v30 =	vadd.s32 s6, v0;
	v6 =	vld.idx.msk [tilespmem:v6+s15+$0x0], $0xffff  }
0x70: {  	v63 =	vadd.s32 s9, v0;
	v27 =	vld.idx.msk [tilespmem:v27+s15+$0x0], $0xffff  }
0x71: {  	v33 =	vld.idx.msk [tilespmem:v16+s15+$0x0], $0xffff;
	v16 =	vadd.s32 s8, v2  }
0x72: {  	v25 =	vld.idx.msk [tilespmem:v15+s15+$0x0], $0xffff;
	v15 =	vadd.s32 s24, v0  }
0x73: {  	v28 =	vadd.s32 s0, v2;
	v62 =	vld.idx.msk [tilespmem:v29+s15+$0x0], $0xffff  }
0x74: {  	v35 =	vadd.s32 s2, v0;
	v30 =	vld.idx.msk [tilespmem:v30+s15+$0x0], $0xffff  }
0x75: {  	v29 =	vld.idx.msk [tilespmem:v63+s15+$0x0], $0xffff  }
0x76: {  	v36 =	vld.idx.msk [tilespmem:v16+s15+$0x0], $0xffff  }
0x77: {  	v31 =	vld.idx.msk [tilespmem:v15+s15+$0x0], $0xffff  }
0x78: {  	s31 =	simm.s32 $0x6180;
	v15 =	vld.idx.msk [tilespmem:v28+s15+$0x0], $0xffff  }
0x79: {  	v16 =	vld.idx.msk [tilespmem:v35+s15+$0x0], $0xffff;
	[tilespmem:s31+$0xFFFFFF20] =	vst v30  }
0x7a: {  	s10 =	simm.s32 $0x20;
	[tilespmem:s31+$0xFFFFFF00] =	vst v32  }
0x7b: {  	s0 =	sor.u32 $0x30, s10;
	[tilespmem:s31+$0xFFFFFF10] =	vst v36  }
0x7c: {  	s13 =	simm.s32 $0x40;
	[tilespmem:s0+$0x6080] =	vst v62  }
0x7d: {  	s0 =	sor.u32 $0x50, s13;
	[tilespmem:s31+$0xFFFFFF40] =	vst v29  }
0x7e: {  	s21 =	simm.s32 $0x60;
	[tilespmem:s0+$0x6080] =	vst v34  }
0x7f: {  	s0 =	sor.u32 $0x70, s21;
	[tilespmem:s31+$0xFFFFFF60] =	vst v27  }
0x80: {  	[tilespmem:s0+$0x6080] =	vst v33  }
0x81: {  	[tilespmem:s31+$0xFFFFFF80] =	vst v31  }
0x82: {  	s22 =	simm.s32 $0xA0;
	[tilespmem:s31+$0xFFFFFF90] =	vst v24  }
0x83: {  	s0 =	sor.u32 $0x30, s22;
	[tilespmem:s31+$0xFFFFFFA0] =	vst v23  }
0x84: {  	s23 =	simm.s32 $0xC0;
	[tilespmem:s0+$0x6080] =	vst v22  }
0x85: {  	s0 =	sor.u32 $0x50, s23;
	[tilespmem:s31+$0xFFFFFFC0] =	vst v21  }
0x86: {  	s24 =	simm.s32 $0xE0;
	[tilespmem:s0+$0x6080] =	vst v26  }
0x87: {  	s0 =	sor.u32 $0x70, s24;
	[tilespmem:s31+$0xFFFFFFE0] =	vst v25  }
0x88: {  	[tilespmem:s0+$0x6080] =	vst v20  }
0x89: {  	s2 =	simm.s32 $0x1C0;
	s6 =	simm.s32 $0x1F;
	s25 =	simm.s32 $0x120;
	[tilespmem:s31+$0x0] =	vst v19  }
0x8a: {  	s9 =	sor.u32 $0x30, s25;
	s8 =	simm.s32 $0x1E0;
	s21 =	simm.s32 $0x6180;
	[tilespmem:s31+$0x10] =	vst v18  }
0x8b: {  	s22 =	simm.s32 $0x1A0;
	s24 =	simm.s32 $0x160;
	s0 =	simm.s32 $0x1E0;
	[tilespmem:s31+$0x20] =	vst v17  }
.LBB2_5:
0x8c: {  	s10 =	sadd.s32 $0xFFFFFF60, s0  }
0x8d: {  	[tilespmem:s9+$0x6080] =	vst v14;
	s8 =	sadd.s32 $0x200, s8;
	s31 =	sadd.s32 $0x200, s31;
	s9 =	smov.u32 s6  }
0x8e: {  	p0 =	sne.s32 s6, $0xFF;
	s6 =	sadd.s32 $0x10, s6;
	[tilespmem:s21+$0x40] =	vst v13;
	s10 =	sor.u32 $0x50, s10  }
0x8f: {  	s23 =	sadd.s32 $0xFFFFFF80, s8;
	s25 =	sadd.s32 $0xFFFFFFC0, s8;
	s13 =	sadd.s32 $0xFFFFFFE0, s8;
	[tilespmem:s10+$0x6080] =	vst v12  }
0x90: {  	s10 =	sor.u32 $0x70, s24;
	s24 =	smov.u32 s23;
	[tilespmem:s21+$0x60] =	vst v11  }
0x91: {  	[tilespmem:s10+$0x6080] =	vst v10  }
0x92: {  	[tilespmem:s21+$0x80] =	vst v9  }
0x93: {  	s10 =	sor.u32 $0x30, s22;
	s22 =	smov.u32 s25;
	[tilespmem:s21+$0xA0] =	vst v16  }
0x94: {  	[tilespmem:s21+$0x90] =	vst v15  }
0x95: {  	v9 =	vadd.s32 s9, v2;
	[tilespmem:s10+$0x6080] =	vst v8;
	s10 =	sor.u32 $0x50, s2;
	s2 =	smov.u32 s13  }
0x96: {  	s13 =	sadd.s32 $0xFFFFFFFF, s9;
	v8 =	vadd.s32 s9, v0;
	[tilespmem:s21+$0xC0] =	vst v7  }
0x97: {  	s23 =	sor.u32 $0x70, s0;
	s0 =	smov.u32 s8;
	v7 =	vadd.s32 s13, v2;
	[tilespmem:s10+$0x6080] =	vst v6  }
0x98: {  	v10 =	vadd.s32 s13, v0;
	s10 =	sadd.s32 $0xFFFFFFFE, s9;
	[tilespmem:s21+$0xE0] =	vst v5;
	s21 =	smov.u32 s31  }
0x99: {  	s13 =	sadd.s32 $0xFFFFFFFD, s9;
	v11 =	vadd.s32 s10, v2;
	[tilespmem:s23+$0x6080] =	vst v4  }
0x9a: {  	v12 =	vadd.s32 s13, v0;
	v15 =	vadd.s32 s13, v2;
	s23 =	sadd.s32 $0xFFFFFFFC, s9;
	v4 =	vld.idx.msk [tilespmem:v9+s15+$0x0], $0xffff  }
0x9b: {  	v13 =	vadd.s32 s23, v2;
	v5 =	vld.idx.msk [tilespmem:v8+s15+$0x0], $0xffff  }
0x9c: {  	s13 =	sadd.s32 $0xFFFFFFFB, s9;
	v14 =	vadd.s32 s23, v0;
	v6 =	vld.idx.msk [tilespmem:v7+s15+$0x0], $0xffff  }
0x9d: {  	v16 =	vadd.s32 s13, v2;
	v7 =	vld.idx.msk [tilespmem:v10+s15+$0x0], $0xffff  }
0x9e: {  	v17 =	vadd.s32 s13, v0;
	s23 =	sadd.s32 $0xFFFFFFFA, s9;
	v8 =	vld.idx.msk [tilespmem:v11+s15+$0x0], $0xffff  }
0x9f: {  	v18 =	vadd.s32 s23, v2;
	v9 =	vld.idx.msk [tilespmem:v12+s15+$0x0], $0xffff  }
0xa0: {  	s13 =	sadd.s32 $0xFFFFFFF9, s9;
	v19 =	vadd.s32 s23, v0;
	v10 =	vld.idx.msk [tilespmem:v13+s15+$0x0], $0xffff  }
0xa1: {  	v20 =	vadd.s32 s13, v2;
	v11 =	vld.idx.msk [tilespmem:v14+s15+$0x0], $0xffff  }
0xa2: {  	v21 =	vadd.s32 s13, v0;
	s23 =	sadd.s32 $0xFFFFFFF8, s9;
	v12 =	vld.idx.msk [tilespmem:v16+s15+$0x0], $0xffff  }
0xa3: {  	v16 =	vadd.s32 s23, v2;
	v13 =	vld.idx.msk [tilespmem:v17+s15+$0x0], $0xffff  }
0xa4: {  	s13 =	sadd.s32 $0xFFFFFFF7, s9;
	v17 =	vadd.s32 s23, v0;
	v14 =	vld.idx.msk [tilespmem:v18+s15+$0x0], $0xffff  }
0xa5: {  	v18 =	vadd.s32 s13, v2;
	v19 =	vld.idx.msk [tilespmem:v19+s15+$0x0], $0xffff  }
0xa6: {  	v22 =	vadd.s32 s13, v0;
	s23 =	sadd.s32 $0xFFFFFFF6, s9;
	v20 =	vld.idx.msk [tilespmem:v20+s15+$0x0], $0xffff  }
0xa7: {  	v23 =	vadd.s32 s23, v2;
	v21 =	vld.idx.msk [tilespmem:v21+s15+$0x0], $0xffff  }
0xa8: {  	s13 =	sadd.s32 $0xFFFFFFF5, s9;
	v24 =	vadd.s32 s23, v0;
	v25 =	vld.idx.msk [tilespmem:v16+s15+$0x0], $0xffff  }
0xa9: {  	v16 =	vadd.s32 s13, v2;
	v17 =	vld.idx.msk [tilespmem:v17+s15+$0x0], $0xffff  }
0xaa: {  	s23 =	sadd.s32 $0xFFFFFFF4, s9;
	v26 =	vadd.s32 s13, v0;
	v18 =	vld.idx.msk [tilespmem:v18+s15+$0x0], $0xffff  }
0xab: {  	v27 =	vadd.s32 s23, v2;
	v22 =	vld.idx.msk [tilespmem:v22+s15+$0x0], $0xffff  }
0xac: {  	s25 =	sadd.s32 $0xFFFFFFF2, s9;
	v28 =	vadd.s32 s23, v0;
	s13 =	sadd.s32 $0xFFFFFFF1, s9;
	v23 =	vld.idx.msk [tilespmem:v23+s15+$0x0], $0xffff  }
0xad: {  	v31 =	vadd.s32 s25, v0;
	v29 =	vor.u32 s13, v0;
	v30 =	vadd.s32 s13, v2;
	v24 =	vld.idx.msk [tilespmem:v24+s15+$0x0], $0xffff  }
0xae: {  	v32 =	vadd.s32 s25, v2;
	v33 =	vld.idx.msk [tilespmem:v16+s15+$0x0], $0xffff  }
0xaf: {  	v26 =	vld.idx.msk [tilespmem:v26+s15+$0x0], $0xffff  }
0xb0: {  	v27 =	vld.idx.msk [tilespmem:v27+s15+$0x0], $0xffff  }
0xb1: {  	s9 =	sadd.s32 $0xFFFFFFF3, s9;
	v28 =	vld.idx.msk [tilespmem:v28+s15+$0x0], $0xffff  }
0xb2: {  	v16 =	vadd.s32 s9, v2;
	v15 =	vld.idx.msk [tilespmem:v15+s15+$0x0], $0xffff  }
0xb3: {  	v34 =	vadd.s32 s9, v0;
	v32 =	vld.idx.msk [tilespmem:v32+s15+$0x0], $0xffff  }
0xb4: {  	v35 =	vadd.s32 s10, v0;
	v31 =	vld.idx.msk [tilespmem:v31+s15+$0x0], $0xffff  }
0xb5: {  	v29 =	vld.idx.msk [tilespmem:v29+s15+$0x0], $0xffff  }
0xb6: {  	v30 =	vld.idx.msk [tilespmem:v30+s15+$0x0], $0xffff  }
0xb7: {  	v36 =	vld.idx.msk [tilespmem:v16+s15+$0x0], $0xffff  }
0xb8: {  	v34 =	vld.idx.msk [tilespmem:v34+s15+$0x0], $0xffff  }
0xb9: {  	v16 =	vld.idx.msk [tilespmem:v35+s15+$0x0], $0xffff  }
0xba: {  	[tilespmem:s31+$0xFFFFFF20] =	vst v31  }
0xbb: {  	s9 =	sadd.s32 $0xFFFFFE40, s8;
	[tilespmem:s31+$0xFFFFFF00] =	vst v29  }
0xbc: {  	s9 =	sor.u32 $0x30, s9;
	[tilespmem:s31+$0xFFFFFF10] =	vst v30  }
0xbd: {  	[tilespmem:s9+$0x6080] =	vst v32;
	s9 =	sadd.s32 $0xFFFFFE60, s8  }
0xbe: {  	[tilespmem:s31+$0xFFFFFF40] =	vst v34;
	s9 =	sor.u32 $0x50, s9  }
0xbf: {  	[tilespmem:s9+$0x6080] =	vst v36;
	s9 =	sadd.s32 $0xFFFFFE80, s8  }
0xc0: {  	[tilespmem:s31+$0xFFFFFF60] =	vst v28;
	s9 =	sor.u32 $0x70, s9  }
0xc1: {  	[tilespmem:s9+$0x6080] =	vst v27  }
0xc2: {  	[tilespmem:s31+$0xFFFFFF80] =	vst v26  }
0xc3: {  	[tilespmem:s31+$0xFFFFFF90] =	vst v33;
	_ =	sdelay $0x1  }
0xc4: {  	s9 =	sadd.s32 $0xFFFFFEC0, s8  }
0xc5: {  	s9 =	sor.u32 $0x30, s9;
	[tilespmem:s31+$0xFFFFFFA0] =	vst v24  }
0xc6: {  	[tilespmem:s9+$0x6080] =	vst v23;
	s9 =	sadd.s32 $0xFFFFFEE0, s8  }
0xc7: {  	[tilespmem:s31+$0xFFFFFFC0] =	vst v22;
	s9 =	sor.u32 $0x50, s9  }
0xc8: {  	[tilespmem:s9+$0x6080] =	vst v18;
	s9 =	sadd.s32 $0xFFFFFF00, s8  }
.Ltmp1:
0xc9: {  	[tilespmem:s31+$0xFFFFFFE0] =	vst v17;
	s9 =	sor.u32 $0x70, s9;
	(pc) =	sbr.rel @p0 .LBB2_5-.Ltmp1, $4  }
0xca: {  	[tilespmem:s9+$0x6080] =	vst v25  }
0xcb: {  	[tilespmem:s31+$0x0] =	vst v21  }
0xcc: {  	s9 =	sadd.s32 $0xFFFFFF40, s8;
	[tilespmem:s31+$0x10] =	vst v20  }
0xcd: {  	s9 =	sor.u32 $0x30, s9;
	[tilespmem:s31+$0x20] =	vst v19  }
0xce: {  	[tilespmem:s9+$0x6080] =	vst v14;
	s6 =	sadd.s32 $0xFFFFFF60, s0  }
0xcf: {  	[tilespmem:s21+$0x40] =	vst v13;
	s6 =	sor.u32 $0x50, s6  }
0xd0: {  	[tilespmem:s6+$0x6080] =	vst v12  }
0xd1: {  	s13 =	sor.u32 $0x70, s24;
	[tilespmem:s21+$0x60] =	vst v11  }
0xd2: {  	[tilespmem:s13+$0x6080] =	vst v10  }
0xd3: {  	[tilespmem:s21+$0x80] =	vst v9  }
0xd4: {  	[tilespmem:s21+$0xA0] =	vst v16  }
0xd5: {  	s22 =	sor.u32 $0x30, s22;
	[tilespmem:s21+$0x90] =	vst v15  }
0xd6: {  	[tilespmem:s22+$0x6080] =	vst v8  }
0xd7: {  	s2 =	sor.u32 $0x50, s2;
	[tilespmem:s21+$0xC0] =	vst v7  }
0xd8: {  	s23 =	smin.u32 s30, $0xF41;
	s29 =	sadd.s32 s7, s29;
	[tilespmem:s2+$0x6080] =	vst v6  }
0xd9: {  	s24 =	sor.u32 $0x70, s0;
	s0 =	smin.u32 s29, $0xF41;
	s2 =	sshll.u32 s23, $0xA;
	[tilespmem:s21+$0xE0] =	vst v5  }
0xda: {  	s0 =	sshll.u32 s0, $0x8;
	s25 =	sadd.s32 s5, s2;
	s2 =	simm.s32 $0x0;
	[tilespmem:s24+$0x6080] =	vst v4  }
0xdb: {  	[hbm4b:s25+s2] =	stream.linear.scatter [tilespmem:s16], [sflag:$0x3], $0x2000, $0x38;
	[tilespmem:$0xB880] =	vst v63  }
0xdc: {  	s0 =	sadd.s32 s1, s0  }
0xdd: {  	[tilespmem:s2], [sflag:$0x1] =	stream.strided.gather [hbm4b:s0+s11], $0x2000, s12, s11, $0x38;
	[tilespmem:$0xB880] =	vst v63  }
0xde: {  	_ =	swait.ge [sflag:s17], $0x2000  }
0xdf: {  	s30 =	sand.u32 $0x1800, s2;
	s31 =	sand.u32 $0x380, s2;
	[sflag:s17] =	ssyncset.done $0x0  }
0xe0: {  	s24 =	sor.u32 s31, s30;
	[sflag:s17] =	ssyncadd.s32 $0xFFFFE000  }
0xe1: {  	v4 =	vld [tilespmem:s24+$0x2470]  }
0xe2: {  	v5 =	vld [tilespmem:s24+$0x2460]  }
0xe3: {  	v6 =	vld [tilespmem:s24+$0x2450]  }
0xe4: {  	v7 =	vld [tilespmem:s24+$0x2440]  }
0xe5: {  	s9 =	simm.s32 $0x4080;
	v8 =	vld [tilespmem:s24+$0x2430]  }
0xe6: {  	s10 =	simm.s32 $0x100;
	s8 =	simm.s32 $0x4080;
	s22 =	simm.s32 $0x0;
	v9 =	vld [tilespmem:s24+$0x2420]  }
0xe7: {  	s21 =	simm.s32 $0x4191;
	s6 =	sand.u32 $0x3FFFFF80, s2;
	s0 =	simm.s32 $0x4090;
	v10 =	vld [tilespmem:s24+$0x2410]  }
.LBB2_7:
0xe8: {  	s2 =	sadd.s32 $0x101, s2  }
0xe9: {  	v11 =	vld [tilespmem:s24+$0x2400];
	s9 =	sadd.s32 $0x1, s9;
	s22 =	sadd.s32 $0x80, s22;
	s13 =	smov.u32 s10  }
0xea: {  	p0 =	sne.s32 s10, $0x1F00;
	s10 =	sadd.s32 $0x100, s10;
	s23 =	sand.u32 $0x3FFFFF80, s2;
	v12 =	vld [tilespmem:s24+$0x2070]  }
0xeb: {  	v13 =	vld [tilespmem:s24+$0x2050]  }
0xec: {  	v14 =	vld [tilespmem:s24+$0x2060]  }
0xed: {  	v15 =	vld [tilespmem:s24+$0x2040]  }
0xee: {  	v16 =	vld [tilespmem:s24+$0x2020]  }
0xef: {  	v17 =	vld [tilespmem:s24+$0x2030]  }
0xf0: {  	v18 =	vld [tilespmem:s24+$0x2000]  }
0xf1: {  	v19 =	vld [tilespmem:s24+$0x2010]  }
0xf2: {  	[tilespmem:s0+$0xFFFFFFC0] =	vst v13  }
0xf3: {  	[tilespmem:s0+$0xFFFFFFE0] =	vst v12  }
0xf4: {  	[tilespmem:s0+$0xFFFFFFD0] =	vst v14  }
0xf5: {  	[tilespmem:s0+$0xFFFFFFB0] =	vst v15  }
0xf6: {  	[tilespmem:s0+$0xFFFFFF80] =	vst v19  }
0xf7: {  	[tilespmem:s0+$0xFFFFFF90] =	vst v16  }
0xf8: {  	[tilespmem:s0+$0xFFFFFFA0] =	vst v17  }
0xf9: {  	s24 =	sadd.s32 s6, s8;
	s8 =	smov.u32 s9;
	s6 =	smov.u32 s23;
	[tilespmem:s0+$0xFFFFFF70] =	vst v18  }
0xfa: {  	[tilespmem:s24+$0x0] =	vst v11  }
0xfb: {  	[tilespmem:s0+$0x0] =	vst v10  }
0xfc: {  	[tilespmem:s0+$0x10] =	vst v9  }
0xfd: {  	[tilespmem:s0+$0x20] =	vst v8  }
0xfe: {  	[tilespmem:s0+$0x30] =	vst v7  }
0xff: {  	[tilespmem:s0+$0x40] =	vst v6  }
0x100: {  	s13 =	sand.u32 $0x1800, s13;
	s23 =	sand.u32 $0x380, s22;
	[tilespmem:s0+$0x50] =	vst v5  }
0x101: {  	s24 =	sor.u32 s23, s13;
	[tilespmem:s0+$0x60] =	vst v4;
	s0 =	smov.u32 s21  }
0x102: {  	v4 =	vld [tilespmem:s24+$0x2470]  }
0x103: {  	v5 =	vld [tilespmem:s24+$0x2460]  }
.Ltmp2:
0x104: {  	v6 =	vld [tilespmem:s24+$0x2450];
	(pc) =	sbr.rel @p0 .LBB2_7-.Ltmp2, $4  }
0x105: {  	v7 =	vld [tilespmem:s24+$0x2440]  }
0x106: {  	v8 =	vld [tilespmem:s24+$0x2430]  }
0x107: {  	v9 =	vld [tilespmem:s24+$0x2420]  }
0x108: {  	s21 =	sadd.s32 $0x101, s21;
	v10 =	vld [tilespmem:s24+$0x2410]  }
0x109: {  	v11 =	vld [tilespmem:s24+$0x2400]  }
0x10a: {  	v12 =	vld [tilespmem:s24+$0x2070]  }
0x10b: {  	v13 =	vld [tilespmem:s24+$0x2050]  }
0x10c: {  	v14 =	vld [tilespmem:s24+$0x2060]  }
0x10d: {  	v15 =	vld [tilespmem:s24+$0x2040]  }
0x10e: {  	v16 =	vld [tilespmem:s24+$0x2020]  }
0x10f: {  	v17 =	vld [tilespmem:s24+$0x2030]  }
0x110: {  	v19 =	vld [tilespmem:s24+$0x2010]  }
0x111: {  	v18 =	vld [tilespmem:s24+$0x2000];
	[tilespmem:s0+$0xFFFFFFC0] =	vst v13  }
0x112: {  	[tilespmem:s0+$0xFFFFFFE0] =	vst v12  }
0x113: {  	[tilespmem:s0+$0xFFFFFFD0] =	vst v14  }
0x114: {  	[tilespmem:s0+$0xFFFFFFB0] =	vst v15  }
0x115: {  	[tilespmem:s0+$0xFFFFFF80] =	vst v19  }
0x116: {  	[tilespmem:s0+$0xFFFFFF90] =	vst v16  }
0x117: {  	[tilespmem:s0+$0xFFFFFFA0] =	vst v17  }
0x118: {  	s2 =	sadd.s32 s6, s8;
	[tilespmem:s0+$0xFFFFFF70] =	vst v18  }
0x119: {  	[tilespmem:s2+$0x0] =	vst v11  }
0x11a: {  	[tilespmem:s0+$0x0] =	vst v10  }
0x11b: {  	s23 =	simm.s32 $0x7;
	[tilespmem:s0+$0x10] =	vst v9  }
0x11c: {  	s24 =	simm.s32 $0x6;
	v20 =	vadd.s32 s23, v2;
	[tilespmem:s0+$0x20] =	vst v8  }
0x11d: {  	s25 =	simm.s32 $0x5;
	v21 =	vadd.s32 s24, v0;
	[tilespmem:s0+$0x30] =	vst v7  }
0x11e: {  	v22 =	vadd.s32 s25, v2;
	[tilespmem:s0+$0x40] =	vst v6  }
0x11f: {  	s30 =	simm.s32 $0x4;
	v23 =	vadd.s32 s25, v0;
	[tilespmem:s0+$0x50] =	vst v5  }
0x120: {  	s31 =	simm.s32 $0x3;
	v24 =	vadd.s32 s30, v2;
	[tilespmem:s0+$0x60] =	vst v4  }
0x121: {  	s21 =	simm.s32 $0x9;
	v27 =	vadd.s32 s31, v0;
	v20 =	vld.idx.msk [tilespmem:v20+s15+$0x0], $0xffff  }
0x122: {  	s22 =	simm.s32 $0x8;
	v17 =	vadd.s32 s21, v0;
	v21 =	vld.idx.msk [tilespmem:v21+s15+$0x0], $0xffff  }
0x123: {  	v18 =	vadd.s32 s22, v2;
	v22 =	vld.idx.msk [tilespmem:v22+s15+$0x0], $0xffff  }
0x124: {  	s6 =	simm.s32 $0xF;
	v19 =	vadd.s32 s22, v0;
	v23 =	vld.idx.msk [tilespmem:v23+s15+$0x0], $0xffff  }
0x125: {  	s2 =	simm.s32 $0xD;
	v8 =	vadd.s32 s6, v2;
	v24 =	vld.idx.msk [tilespmem:v24+s15+$0x0], $0xffff  }
0x126: {  	s10 =	simm.s32 $0xB;
	v10 =	vadd.s32 s2, v2;
	v27 =	vld.idx.msk [tilespmem:v27+s15+$0x0], $0xffff  }
0x127: {  	s13 =	simm.s32 $0xA;
	v12 =	vadd.s32 s10, v2;
	v17 =	vld.idx.msk [tilespmem:v17+s15+$0x0], $0xffff  }
0x128: {  	v14 =	vadd.s32 s13, v2;
	v18 =	vld.idx.msk [tilespmem:v18+s15+$0x0], $0xffff  }
0x129: {  	v16 =	vadd.s32 s21, v2;
	v19 =	vld.idx.msk [tilespmem:v19+s15+$0x0], $0xffff  }
0x12a: {  	s8 =	simm.s32 $0xE;
	v7 =	vadd.s32 s6, v0;
	v4 =	vld.idx.msk [tilespmem:v8+s15+$0x0], $0xffff  }
0x12b: {  	s9 =	simm.s32 $0xC;
	v9 =	vadd.s32 s8, v0;
	v8 =	vld.idx.msk [tilespmem:v10+s15+$0x0], $0xffff  }
0x12c: {  	v11 =	vadd.s32 s9, v0;
	v10 =	vld.idx.msk [tilespmem:v12+s15+$0x0], $0xffff  }
0x12d: {  	v13 =	vadd.s32 s10, v0;
	v12 =	vld.idx.msk [tilespmem:v14+s15+$0x0], $0xffff  }
0x12e: {  	v14 =	vld.idx.msk [tilespmem:v16+s15+$0x0], $0xffff;
	v16 =	vadd.s32 s24, v2  }
0x12f: {  	v15 =	vadd.s32 s13, v0;
	s10 =	simm.s32 $0x0;
	v5 =	vld.idx.msk [tilespmem:v7+s15+$0x0], $0xffff  }
0x130: {  	s13 =	simm.s32 $0x2;
	v32 =	vor.u32 s10, v0;
	v7 =	vld.idx.msk [tilespmem:v9+s15+$0x0], $0xffff  }
0x131: {  	v34 =	vadd.s32 s13, v2;
	v9 =	vld.idx.msk [tilespmem:v11+s15+$0x0], $0xffff  }
0x132: {  	v6 =	vadd.s32 s8, v2;
	v11 =	vld.idx.msk [tilespmem:v13+s15+$0x0], $0xffff  }
0x133: {  	v26 =	vld.idx.msk [tilespmem:v16+s15+$0x0], $0xffff;
	v16 =	vadd.s32 s31, v2  }
0x134: {  	v28 =	vadd.s32 s9, v2;
	s9 =	simm.s32 $0x1;
	v13 =	vld.idx.msk [tilespmem:v15+s15+$0x0], $0xffff;
	v15 =	vadd.s32 s23, v0  }
0x135: {  	v29 =	vadd.s32 s9, v2;
	v32 =	vld.idx.msk [tilespmem:v32+s15+$0x0], $0xffff  }
0x136: {  	v30 =	vadd.s32 s9, v0;
	v34 =	vld.idx.msk [tilespmem:v34+s15+$0x0], $0xffff  }
0x137: {  	v63 =	vadd.s32 s13, v0;
	v6 =	vld.idx.msk [tilespmem:v6+s15+$0x0], $0xffff  }
0x138: {  	v33 =	vld.idx.msk [tilespmem:v16+s15+$0x0], $0xffff;
	v16 =	vadd.s32 s10, v2  }
0x139: {  	v25 =	vld.idx.msk [tilespmem:v15+s15+$0x0], $0xffff;
	v15 =	vadd.s32 s30, v0  }
0x13a: {  	v62 =	vld.idx.msk [tilespmem:v29+s15+$0x0], $0xffff  }
0x13b: {  	v35 =	vadd.s32 s2, v0;
	v30 =	vld.idx.msk [tilespmem:v30+s15+$0x0], $0xffff  }
0x13c: {  	v29 =	vld.idx.msk [tilespmem:v63+s15+$0x0], $0xffff  }
0x13d: {  	v36 =	vld.idx.msk [tilespmem:v16+s15+$0x0], $0xffff  }
0x13e: {  	v31 =	vld.idx.msk [tilespmem:v15+s15+$0x0], $0xffff  }
0x13f: {  	s29 =	simm.s32 $0x8180;
	v15 =	vld.idx.msk [tilespmem:v28+s15+$0x0], $0xffff  }
0x140: {  	v16 =	vld.idx.msk [tilespmem:v35+s15+$0x0], $0xffff;
	[tilespmem:s29+$0xFFFFFF20] =	vst v30  }
0x141: {  	s21 =	simm.s32 $0x20;
	[tilespmem:s29+$0xFFFFFF00] =	vst v32  }
0x142: {  	s0 =	sor.u32 $0x30, s21;
	[tilespmem:s29+$0xFFFFFF10] =	vst v36  }
0x143: {  	s22 =	simm.s32 $0x40;
	[tilespmem:s0+$0x8080] =	vst v62  }
0x144: {  	s0 =	sor.u32 $0x50, s22;
	[tilespmem:s29+$0xFFFFFF40] =	vst v29  }
0x145: {  	s23 =	simm.s32 $0x60;
	[tilespmem:s0+$0x8080] =	vst v34  }
0x146: {  	s0 =	sor.u32 $0x70, s23;
	[tilespmem:s29+$0xFFFFFF60] =	vst v27  }
0x147: {  	[tilespmem:s0+$0x8080] =	vst v33  }
0x148: {  	[tilespmem:s29+$0xFFFFFF80] =	vst v31  }
0x149: {  	s24 =	simm.s32 $0xA0;
	[tilespmem:s29+$0xFFFFFF90] =	vst v24  }
0x14a: {  	s0 =	sor.u32 $0x30, s24;
	[tilespmem:s29+$0xFFFFFFA0] =	vst v23  }
0x14b: {  	s25 =	simm.s32 $0xC0;
	[tilespmem:s0+$0x8080] =	vst v22  }
0x14c: {  	s0 =	sor.u32 $0x50, s25;
	[tilespmem:s29+$0xFFFFFFC0] =	vst v21  }
0x14d: {  	s30 =	simm.s32 $0xE0;
	[tilespmem:s0+$0x8080] =	vst v26  }
0x14e: {  	s0 =	sor.u32 $0x70, s30;
	[tilespmem:s29+$0xFFFFFFE0] =	vst v25  }
0x14f: {  	[tilespmem:s0+$0x8080] =	vst v20  }
0x150: {  	s6 =	simm.s32 $0x1F;
	s2 =	simm.s32 $0x1C0;
	s31 =	simm.s32 $0x120;
	[tilespmem:s29+$0x0] =	vst v19  }
0x151: {  	s8 =	simm.s32 $0x1E0;
	s21 =	simm.s32 $0x8180;
	s9 =	sor.u32 $0x30, s31;
	[tilespmem:s29+$0x10] =	vst v18  }
0x152: {  	s22 =	simm.s32 $0x1A0;
	s24 =	simm.s32 $0x160;
	s0 =	simm.s32 $0x1E0;
	[tilespmem:s29+$0x20] =	vst v17  }
.LBB2_9:
0x153: {  	s10 =	sadd.s32 $0xFFFFFF60, s0  }
0x154: {  	[tilespmem:s9+$0x8080] =	vst v14;
	s8 =	sadd.s32 $0x200, s8;
	s29 =	sadd.s32 $0x200, s29;
	s9 =	smov.u32 s6  }
0x155: {  	p0 =	sne.s32 s6, $0xFF;
	s6 =	sadd.s32 $0x10, s6;
	[tilespmem:s21+$0x40] =	vst v13;
	s10 =	sor.u32 $0x50, s10  }
0x156: {  	s13 =	sadd.s32 $0xFFFFFF80, s8;
	s23 =	sadd.s32 $0xFFFFFFC0, s8;
	s25 =	sadd.s32 $0xFFFFFFE0, s8;
	[tilespmem:s10+$0x8080] =	vst v12  }
0x157: {  	s10 =	sor.u32 $0x70, s24;
	s24 =	smov.u32 s13;
	[tilespmem:s21+$0x60] =	vst v11  }
0x158: {  	[tilespmem:s10+$0x8080] =	vst v10  }
0x159: {  	[tilespmem:s21+$0x80] =	vst v9  }
0x15a: {  	s10 =	sor.u32 $0x30, s22;
	s22 =	smov.u32 s23;
	[tilespmem:s21+$0xA0] =	vst v16  }
0x15b: {  	[tilespmem:s21+$0x90] =	vst v15  }
0x15c: {  	v9 =	vadd.s32 s9, v2;
	[tilespmem:s10+$0x8080] =	vst v8;
	s10 =	sor.u32 $0x50, s2;
	s2 =	smov.u32 s25  }
0x15d: {  	s13 =	sadd.s32 $0xFFFFFFFF, s9;
	v8 =	vadd.s32 s9, v0;
	[tilespmem:s21+$0xC0] =	vst v7  }
0x15e: {  	s23 =	sor.u32 $0x70, s0;
	s0 =	smov.u32 s8;
	v7 =	vadd.s32 s13, v2;
	[tilespmem:s10+$0x8080] =	vst v6  }
0x15f: {  	v10 =	vadd.s32 s13, v0;
	s10 =	sadd.s32 $0xFFFFFFFE, s9;
	[tilespmem:s21+$0xE0] =	vst v5;
	s21 =	smov.u32 s29  }
0x160: {  	s13 =	sadd.s32 $0xFFFFFFFD, s9;
	v11 =	vadd.s32 s10, v2;
	[tilespmem:s23+$0x8080] =	vst v4  }
0x161: {  	v12 =	vadd.s32 s13, v0;
	v15 =	vadd.s32 s13, v2;
	s23 =	sadd.s32 $0xFFFFFFFC, s9;
	v4 =	vld.idx.msk [tilespmem:v9+s15+$0x0], $0xffff  }
0x162: {  	v13 =	vadd.s32 s23, v2;
	v5 =	vld.idx.msk [tilespmem:v8+s15+$0x0], $0xffff  }
0x163: {  	s13 =	sadd.s32 $0xFFFFFFFB, s9;
	v14 =	vadd.s32 s23, v0;
	v6 =	vld.idx.msk [tilespmem:v7+s15+$0x0], $0xffff  }
0x164: {  	v16 =	vadd.s32 s13, v2;
	v7 =	vld.idx.msk [tilespmem:v10+s15+$0x0], $0xffff  }
0x165: {  	v17 =	vadd.s32 s13, v0;
	s23 =	sadd.s32 $0xFFFFFFFA, s9;
	v8 =	vld.idx.msk [tilespmem:v11+s15+$0x0], $0xffff  }
0x166: {  	v18 =	vadd.s32 s23, v2;
	v9 =	vld.idx.msk [tilespmem:v12+s15+$0x0], $0xffff  }
0x167: {  	s13 =	sadd.s32 $0xFFFFFFF9, s9;
	v19 =	vadd.s32 s23, v0;
	v10 =	vld.idx.msk [tilespmem:v13+s15+$0x0], $0xffff  }
0x168: {  	v20 =	vadd.s32 s13, v2;
	v11 =	vld.idx.msk [tilespmem:v14+s15+$0x0], $0xffff  }
0x169: {  	v21 =	vadd.s32 s13, v0;
	s23 =	sadd.s32 $0xFFFFFFF8, s9;
	v12 =	vld.idx.msk [tilespmem:v16+s15+$0x0], $0xffff  }
0x16a: {  	v16 =	vadd.s32 s23, v2;
	v13 =	vld.idx.msk [tilespmem:v17+s15+$0x0], $0xffff  }
0x16b: {  	s13 =	sadd.s32 $0xFFFFFFF7, s9;
	v17 =	vadd.s32 s23, v0;
	v14 =	vld.idx.msk [tilespmem:v18+s15+$0x0], $0xffff  }
0x16c: {  	v18 =	vadd.s32 s13, v2;
	v19 =	vld.idx.msk [tilespmem:v19+s15+$0x0], $0xffff  }
0x16d: {  	v22 =	vadd.s32 s13, v0;
	s23 =	sadd.s32 $0xFFFFFFF6, s9;
	v20 =	vld.idx.msk [tilespmem:v20+s15+$0x0], $0xffff  }
0x16e: {  	v23 =	vadd.s32 s23, v2;
	v21 =	vld.idx.msk [tilespmem:v21+s15+$0x0], $0xffff  }
0x16f: {  	s13 =	sadd.s32 $0xFFFFFFF5, s9;
	v24 =	vadd.s32 s23, v0;
	v25 =	vld.idx.msk [tilespmem:v16+s15+$0x0], $0xffff  }
0x170: {  	v16 =	vadd.s32 s13, v2;
	v17 =	vld.idx.msk [tilespmem:v17+s15+$0x0], $0xffff  }
0x171: {  	s23 =	sadd.s32 $0xFFFFFFF4, s9;
	v26 =	vadd.s32 s13, v0;
	v18 =	vld.idx.msk [tilespmem:v18+s15+$0x0], $0xffff  }
0x172: {  	v27 =	vadd.s32 s23, v2;
	v22 =	vld.idx.msk [tilespmem:v22+s15+$0x0], $0xffff  }
0x173: {  	s25 =	sadd.s32 $0xFFFFFFF2, s9;
	v28 =	vadd.s32 s23, v0;
	s13 =	sadd.s32 $0xFFFFFFF1, s9;
	v23 =	vld.idx.msk [tilespmem:v23+s15+$0x0], $0xffff  }
0x174: {  	v31 =	vadd.s32 s25, v0;
	v29 =	vor.u32 s13, v0;
	v30 =	vadd.s32 s13, v2;
	v24 =	vld.idx.msk [tilespmem:v24+s15+$0x0], $0xffff  }
0x175: {  	v32 =	vadd.s32 s25, v2;
	v33 =	vld.idx.msk [tilespmem:v16+s15+$0x0], $0xffff  }
0x176: {  	v26 =	vld.idx.msk [tilespmem:v26+s15+$0x0], $0xffff  }
0x177: {  	v27 =	vld.idx.msk [tilespmem:v27+s15+$0x0], $0xffff  }
0x178: {  	s9 =	sadd.s32 $0xFFFFFFF3, s9;
	v28 =	vld.idx.msk [tilespmem:v28+s15+$0x0], $0xffff  }
0x179: {  	v16 =	vadd.s32 s9, v2;
	v15 =	vld.idx.msk [tilespmem:v15+s15+$0x0], $0xffff  }
0x17a: {  	v34 =	vadd.s32 s9, v0;
	v32 =	vld.idx.msk [tilespmem:v32+s15+$0x0], $0xffff  }
0x17b: {  	v35 =	vadd.s32 s10, v0;
	v31 =	vld.idx.msk [tilespmem:v31+s15+$0x0], $0xffff  }
0x17c: {  	v29 =	vld.idx.msk [tilespmem:v29+s15+$0x0], $0xffff  }
0x17d: {  	v30 =	vld.idx.msk [tilespmem:v30+s15+$0x0], $0xffff  }
0x17e: {  	v36 =	vld.idx.msk [tilespmem:v16+s15+$0x0], $0xffff  }
0x17f: {  	v34 =	vld.idx.msk [tilespmem:v34+s15+$0x0], $0xffff  }
0x180: {  	v16 =	vld.idx.msk [tilespmem:v35+s15+$0x0], $0xffff  }
0x181: {  	[tilespmem:s29+$0xFFFFFF20] =	vst v31  }
0x182: {  	s9 =	sadd.s32 $0xFFFFFE40, s8;
	[tilespmem:s29+$0xFFFFFF00] =	vst v29  }
0x183: {  	s9 =	sor.u32 $0x30, s9;
	[tilespmem:s29+$0xFFFFFF10] =	vst v30  }
0x184: {  	[tilespmem:s9+$0x8080] =	vst v32;
	s9 =	sadd.s32 $0xFFFFFE60, s8  }
0x185: {  	[tilespmem:s29+$0xFFFFFF40] =	vst v34;
	s9 =	sor.u32 $0x50, s9  }
0x186: {  	[tilespmem:s9+$0x8080] =	vst v36;
	s9 =	sadd.s32 $0xFFFFFE80, s8  }
0x187: {  	[tilespmem:s29+$0xFFFFFF60] =	vst v28;
	s9 =	sor.u32 $0x70, s9  }
0x188: {  	[tilespmem:s9+$0x8080] =	vst v27  }
0x189: {  	[tilespmem:s29+$0xFFFFFF80] =	vst v26  }
0x18a: {  	[tilespmem:s29+$0xFFFFFF90] =	vst v33;
	_ =	sdelay $0x1  }
0x18b: {  	s9 =	sadd.s32 $0xFFFFFEC0, s8  }
0x18c: {  	s9 =	sor.u32 $0x30, s9;
	[tilespmem:s29+$0xFFFFFFA0] =	vst v24  }
0x18d: {  	[tilespmem:s9+$0x8080] =	vst v23;
	s9 =	sadd.s32 $0xFFFFFEE0, s8  }
0x18e: {  	[tilespmem:s29+$0xFFFFFFC0] =	vst v22;
	s9 =	sor.u32 $0x50, s9  }
0x18f: {  	[tilespmem:s9+$0x8080] =	vst v18;
	s9 =	sadd.s32 $0xFFFFFF00, s8  }
.Ltmp3:
0x190: {  	[tilespmem:s29+$0xFFFFFFE0] =	vst v17;
	s9 =	sor.u32 $0x70, s9;
	(pc) =	sbr.rel @p0 .LBB2_9-.Ltmp3, $4  }
0x191: {  	[tilespmem:s9+$0x8080] =	vst v25  }
0x192: {  	[tilespmem:s29+$0x0] =	vst v21  }
0x193: {  	s9 =	sadd.s32 $0xFFFFFF40, s8;
	[tilespmem:s29+$0x10] =	vst v20  }
0x194: {  	s9 =	sor.u32 $0x30, s9;
	[tilespmem:s29+$0x20] =	vst v19  }
0x195: {  	[tilespmem:s9+$0x8080] =	vst v14;
	s6 =	sadd.s32 $0xFFFFFF60, s0  }
0x196: {  	[tilespmem:s21+$0x40] =	vst v13;
	s6 =	sor.u32 $0x50, s6  }
0x197: {  	[tilespmem:s6+$0x8080] =	vst v12  }
0x198: {  	s24 =	sor.u32 $0x70, s24;
	[tilespmem:s21+$0x60] =	vst v11  }
0x199: {  	[tilespmem:s24+$0x8080] =	vst v10  }
0x19a: {  	[tilespmem:s21+$0x80] =	vst v9  }
0x19b: {  	[tilespmem:s21+$0xA0] =	vst v16  }
0x19c: {  	s25 =	sor.u32 $0x30, s22;
	[tilespmem:s21+$0x90] =	vst v15  }
0x19d: {  	[tilespmem:s25+$0x8080] =	vst v8  }
0x19e: {  	s2 =	sor.u32 $0x50, s2;
	[tilespmem:s21+$0xC0] =	vst v7  }
0x19f: {  	[tilespmem:s2+$0x8080] =	vst v6  }
0x1a0: {  	s29 =	sor.u32 $0x70, s0;
	s30 =	sshll.u32 s28, $0xA;
	[tilespmem:s21+$0xE0] =	vst v5  }
0x1a1: {  	s26 =	sadd.s32 $0x1, s26;
	s31 =	sadd.s32 s5, s30;
	[tilespmem:s29+$0x8080] =	vst v4  }
0x1a2: {  	[hbm4b:s31+s3] =	stream.linear.scatter [tilespmem:s18], [sflag:$0x4], $0x2000, $0x38;
	[tilespmem:$0xB880] =	vst v63  }
0x1a3: {  	p0 =	sne.s32 s26, $0x3E;
	_ =	swait.ge [sflag:s19], $0x2000  }
.Ltmp4:
0x1a4: {  	[sflag:s19] =	ssyncset.done $0x0;
	(pc) =	sbr.rel @p0 .LBB2_2-.Ltmp4, $4  }
0x1a5: {  	[sflag:s19] =	ssyncadd.s32 $0xFFFFE000  }
0x1a6: {  	_ =	swait.ge [sflag:s20], $0x2000  }
0x1a7: {  	[sflag:s20] =	ssyncset.done $0x0  }
0x1a8: {  	[sflag:s20] =	ssyncadd.s32 $0xFFFFE000  }
0x1a9: {  	_ =	swait.ge [sflag:s14], $0x2000  }
0x1aa: {  	s2 =	simm.s32 $0x400;
	s6 =	simm.s32 $0xA080;
	[sflag:s14] =	ssyncset.done $0x0  }
0x1ab: {  	s28 =	simm.s32 $0x5;
	s0 =	rddreg [dreg:$0x4];
	[sflag:s14] =	ssyncadd.s32 $0xFFFFE000  }
0x1ac: {  	[tilespmem:s6], [sflag:$0x5] =	stream.strided.gather [hbm4b:s0+s2], $0x1000, s12, s2, $0x38;
	[tilespmem:$0xB880] =	vst v63  }
0x1ad: {  	_ =	swait.ge [sflag:s28], $0x1000  }
0x1ae: {  	[sflag:s28] =	ssyncset.done $0x0  }
0x1af: {  	s31 =	simm.s32 $0x0;
	[sflag:s28] =	ssyncadd.s32 $0xFFFFF000  }
0x1b0: {  	v7 =	vld [tilespmem:s31+$0xA0B0]  }
0x1b1: {  	v6 =	vld [tilespmem:s31+$0xA080]  }
0x1b2: {  	v5 =	vld [tilespmem:s31+$0xA0A0]  }
0x1b3: {  	s2 =	simm.s32 $0x4020;
	s0 =	simm.s32 $0x200;
	s6 =	simm.s32 $0x4020;
	v4 =	vld [tilespmem:s31+$0xA090]  }
.LBB2_12:
0x1b4: {  	p0 =	sne.s32 s0, $0x3E00  }
0x1b5: {  	s6 =	sadd.s32 $0x41, s6;
	s8 =	smov.u32 s0;
	s0 =	sadd.s32 $0x200, s0;
	[tilespmem:s2+$0x10] =	vst v7  }
0x1b6: {  	[tilespmem:s2+$0xFFFFFFE0] =	vst v6  }
0x1b7: {  	[tilespmem:s2+$0x0] =	vst v5  }
.Ltmp5:
0x1b8: {  	s8 =	sshra.s32 s8, $0x2;
	[tilespmem:s2+$0xFFFFFFF0] =	vst v4;
	s2 =	smov.u32 s6;
	(pc) =	sbr.rel @p0 .LBB2_12-.Ltmp5, $4  }
0x1b9: {  	v7 =	vld [tilespmem:s8+$0xA0B0]  }
0x1ba: {  	v6 =	vld [tilespmem:s8+$0xA080]  }
0x1bb: {  	v5 =	vld [tilespmem:s8+$0xA0A0]  }
0x1bc: {  	v4 =	vld [tilespmem:s8+$0xA090]  }
0x1bd: {  	s0 =	simm.s32 $0xF  }
0x1be: {  	v8 =	vadd.s32 s0, v3  }
0x1bf: {  	s6 =	simm.s32 $0xE;
	[tilespmem:s2+$0x10] =	vst v7;
	v7 =	vadd.s32 s0, v1  }
0x1c0: {  	s22 =	simm.s32 $0xC;
	v9 =	vadd.s32 s6, v1;
	[tilespmem:s2+$0xFFFFFFE0] =	vst v6  }
0x1c1: {  	s23 =	simm.s32 $0xB;
	v11 =	vadd.s32 s22, v1;
	[tilespmem:s2+$0x0] =	vst v5  }
0x1c2: {  	s8 =	simm.s32 $0xA;
	v13 =	vadd.s32 s23, v1;
	[tilespmem:s2+$0xFFFFFFF0] =	vst v4  }
0x1c3: {  	s24 =	simm.s32 $0x9;
	v15 =	vadd.s32 s8, v1;
	v4 =	vld.idx.msk [tilespmem:v8+s15+$0x0], $0xffff  }
0x1c4: {  	s25 =	simm.s32 $0x8;
	v17 =	vadd.s32 s24, v1;
	v5 =	vld.idx.msk [tilespmem:v7+s15+$0x0], $0xffff  }
0x1c5: {  	v18 =	vadd.s32 s25, v3;
	v7 =	vld.idx.msk [tilespmem:v9+s15+$0x0], $0xffff  }
0x1c6: {  	s26 =	simm.s32 $0x7;
	v19 =	vadd.s32 s25, v1;
	v9 =	vld.idx.msk [tilespmem:v11+s15+$0x0], $0xffff  }
0x1c7: {  	s0 =	simm.s32 $0xD;
	v20 =	vadd.s32 s26, v3;
	v11 =	vld.idx.msk [tilespmem:v13+s15+$0x0], $0xffff  }
0x1c8: {  	v10 =	vadd.s32 s0, v3;
	v13 =	vld.idx.msk [tilespmem:v15+s15+$0x0], $0xffff  }
0x1c9: {  	v12 =	vadd.s32 s23, v3;
	v17 =	vld.idx.msk [tilespmem:v17+s15+$0x0], $0xffff  }
0x1ca: {  	v14 =	vadd.s32 s8, v3;
	v18 =	vld.idx.msk [tilespmem:v18+s15+$0x0], $0xffff  }
0x1cb: {  	s29 =	simm.s32 $0x6;
	v16 =	vadd.s32 s24, v3;
	v19 =	vld.idx.msk [tilespmem:v19+s15+$0x0], $0xffff  }
0x1cc: {  	s30 =	simm.s32 $0x5;
	v21 =	vadd.s32 s29, v1;
	v20 =	vld.idx.msk [tilespmem:v20+s15+$0x0], $0xffff  }
0x1cd: {  	v22 =	vadd.s32 s30, v3;
	v8 =	vld.idx.msk [tilespmem:v10+s15+$0x0], $0xffff  }
0x1ce: {  	s31 =	simm.s32 $0x4;
	v23 =	vadd.s32 s30, v1;
	v10 =	vld.idx.msk [tilespmem:v12+s15+$0x0], $0xffff  }
0x1cf: {  	v24 =	vadd.s32 s31, v3;
	v12 =	vld.idx.msk [tilespmem:v14+s15+$0x0], $0xffff  }
0x1d0: {  	s9 =	simm.s32 $0x3;
	v14 =	vld.idx.msk [tilespmem:v16+s15+$0x0], $0xffff;
	v16 =	vadd.s32 s29, v3  }
0x1d1: {  	s10 =	simm.s32 $0x1;
	v27 =	vadd.s32 s9, v1;
	v21 =	vld.idx.msk [tilespmem:v21+s15+$0x0], $0xffff  }
0x1d2: {  	v29 =	vadd.s32 s10, v3;
	v22 =	vld.idx.msk [tilespmem:v22+s15+$0x0], $0xffff  }
0x1d3: {  	s13 =	simm.s32 $0x0;
	v30 =	vadd.s32 s10, v1;
	v23 =	vld.idx.msk [tilespmem:v23+s15+$0x0], $0xffff  }
0x1d4: {  	v32 =	vor.u32 s13, v1;
	v24 =	vld.idx.msk [tilespmem:v24+s15+$0x0], $0xffff  }
0x1d5: {  	v26 =	vld.idx.msk [tilespmem:v16+s15+$0x0], $0xffff;
	v16 =	vadd.s32 s9, v3  }
0x1d6: {  	s21 =	simm.s32 $0x2;
	v15 =	vadd.s32 s26, v1;
	v27 =	vld.idx.msk [tilespmem:v27+s15+$0x0], $0xffff  }
0x1d7: {  	v34 =	vadd.s32 s21, v3;
	v62 =	vld.idx.msk [tilespmem:v29+s15+$0x0], $0xffff  }
0x1d8: {  	v63 =	vadd.s32 s21, v1;
	v30 =	vld.idx.msk [tilespmem:v30+s15+$0x0], $0xffff  }
0x1d9: {  	v6 =	vadd.s32 s6, v3;
	v32 =	vld.idx.msk [tilespmem:v32+s15+$0x0], $0xffff  }
0x1da: {  	v33 =	vld.idx.msk [tilespmem:v16+s15+$0x0], $0xffff;
	v16 =	vadd.s32 s13, v3  }
0x1db: {  	v25 =	vld.idx.msk [tilespmem:v15+s15+$0x0], $0xffff;
	v15 =	vadd.s32 s31, v1  }
0x1dc: {  	v28 =	vadd.s32 s22, v3;
	v34 =	vld.idx.msk [tilespmem:v34+s15+$0x0], $0xffff  }
0x1dd: {  	v35 =	vadd.s32 s0, v1;
	v29 =	vld.idx.msk [tilespmem:v63+s15+$0x0], $0xffff  }
0x1de: {  	v6 =	vld.idx.msk [tilespmem:v6+s15+$0x0], $0xffff  }
0x1df: {  	v36 =	vld.idx.msk [tilespmem:v16+s15+$0x0], $0xffff  }
0x1e0: {  	v31 =	vld.idx.msk [tilespmem:v15+s15+$0x0], $0xffff  }
0x1e1: {  	s26 =	simm.s32 $0xB180;
	v15 =	vld.idx.msk [tilespmem:v28+s15+$0x0], $0xffff  }
0x1e2: {  	v16 =	vld.idx.msk [tilespmem:v35+s15+$0x0], $0xffff;
	[tilespmem:s26+$0xFFFFFF20] =	vst v30  }
0x1e3: {  	s22 =	simm.s32 $0x20;
	[tilespmem:s26+$0xFFFFFF00] =	vst v32  }
0x1e4: {  	s0 =	sor.u32 $0x30, s22;
	[tilespmem:s26+$0xFFFFFF10] =	vst v36  }
0x1e5: {  	s23 =	simm.s32 $0x40;
	[tilespmem:s0+$0xB080] =	vst v62  }
0x1e6: {  	s0 =	sor.u32 $0x50, s23;
	[tilespmem:s26+$0xFFFFFF40] =	vst v29  }
0x1e7: {  	s24 =	simm.s32 $0x60;
	[tilespmem:s0+$0xB080] =	vst v34  }
0x1e8: {  	s0 =	sor.u32 $0x70, s24;
	[tilespmem:s26+$0xFFFFFF60] =	vst v27  }
0x1e9: {  	[tilespmem:s0+$0xB080] =	vst v33  }
0x1ea: {  	[tilespmem:s26+$0xFFFFFF80] =	vst v31  }
0x1eb: {  	s25 =	simm.s32 $0xA0;
	[tilespmem:s26+$0xFFFFFF90] =	vst v24  }
0x1ec: {  	s0 =	sor.u32 $0x30, s25;
	[tilespmem:s26+$0xFFFFFFA0] =	vst v23  }
0x1ed: {  	s29 =	simm.s32 $0xC0;
	[tilespmem:s0+$0xB080] =	vst v22  }
0x1ee: {  	s0 =	sor.u32 $0x50, s29;
	[tilespmem:s26+$0xFFFFFFC0] =	vst v21  }
0x1ef: {  	s30 =	simm.s32 $0xE0;
	[tilespmem:s0+$0xB080] =	vst v26  }
0x1f0: {  	s0 =	sor.u32 $0x70, s30;
	[tilespmem:s26+$0xFFFFFFE0] =	vst v25  }
0x1f1: {  	[tilespmem:s0+$0xB080] =	vst v20  }
0x1f2: {  	s8 =	simm.s32 $0x1E0;
	s21 =	simm.s32 $0xB180;
	s6 =	simm.s32 $0x1F;
	[tilespmem:s26+$0x0] =	vst v19  }
0x1f3: {  	s22 =	simm.s32 $0x1A0;
	s2 =	simm.s32 $0x1C0;
	s31 =	simm.s32 $0x120;
	[tilespmem:s26+$0x10] =	vst v18  }
0x1f4: {  	s9 =	sor.u32 $0x30, s31;
	s24 =	simm.s32 $0x160;
	s0 =	simm.s32 $0x1E0;
	[tilespmem:s26+$0x20] =	vst v17  }
.LBB2_14:
0x1f5: {  	s10 =	sadd.s32 $0xFFFFFF60, s0  }
0x1f6: {  	[tilespmem:s9+$0xB080] =	vst v14;
	s8 =	sadd.s32 $0x200, s8;
	s26 =	sadd.s32 $0x200, s26;
	s9 =	smov.u32 s6  }
0x1f7: {  	p0 =	sne.s32 s6, $0x3F;
	s6 =	sadd.s32 $0x10, s6;
	[tilespmem:s21+$0x40] =	vst v13;
	s10 =	sor.u32 $0x50, s10  }
0x1f8: {  	s13 =	sadd.s32 $0xFFFFFF80, s8;
	s23 =	sadd.s32 $0xFFFFFFC0, s8;
	s25 =	sadd.s32 $0xFFFFFFE0, s8;
	[tilespmem:s10+$0xB080] =	vst v12  }
0x1f9: {  	s10 =	sor.u32 $0x70, s24;
	s24 =	smov.u32 s13;
	[tilespmem:s21+$0x60] =	vst v11  }
0x1fa: {  	[tilespmem:s10+$0xB080] =	vst v10  }
0x1fb: {  	[tilespmem:s21+$0x80] =	vst v9  }
0x1fc: {  	s10 =	sor.u32 $0x30, s22;
	s22 =	smov.u32 s23;
	[tilespmem:s21+$0xA0] =	vst v16  }
0x1fd: {  	[tilespmem:s21+$0x90] =	vst v15  }
0x1fe: {  	v9 =	vadd.s32 s9, v3;
	[tilespmem:s10+$0xB080] =	vst v8;
	s10 =	sor.u32 $0x50, s2;
	s2 =	smov.u32 s25  }
0x1ff: {  	s13 =	sadd.s32 $0xFFFFFFFF, s9;
	v8 =	vadd.s32 s9, v1;
	[tilespmem:s21+$0xC0] =	vst v7  }
0x200: {  	s23 =	sor.u32 $0x70, s0;
	s0 =	smov.u32 s8;
	v7 =	vadd.s32 s13, v3;
	[tilespmem:s10+$0xB080] =	vst v6  }
0x201: {  	v10 =	vadd.s32 s13, v1;
	s10 =	sadd.s32 $0xFFFFFFFE, s9;
	[tilespmem:s21+$0xE0] =	vst v5;
	s21 =	smov.u32 s26  }
0x202: {  	s13 =	sadd.s32 $0xFFFFFFFD, s9;
	v11 =	vadd.s32 s10, v3;
	[tilespmem:s23+$0xB080] =	vst v4  }
0x203: {  	v12 =	vadd.s32 s13, v1;
	v15 =	vadd.s32 s13, v3;
	s23 =	sadd.s32 $0xFFFFFFFC, s9;
	v4 =	vld.idx.msk [tilespmem:v9+s15+$0x0], $0xffff  }
0x204: {  	v13 =	vadd.s32 s23, v3;
	v5 =	vld.idx.msk [tilespmem:v8+s15+$0x0], $0xffff  }
0x205: {  	s13 =	sadd.s32 $0xFFFFFFFB, s9;
	v14 =	vadd.s32 s23, v1;
	v6 =	vld.idx.msk [tilespmem:v7+s15+$0x0], $0xffff  }
0x206: {  	v16 =	vadd.s32 s13, v3;
	v7 =	vld.idx.msk [tilespmem:v10+s15+$0x0], $0xffff  }
0x207: {  	v17 =	vadd.s32 s13, v1;
	s23 =	sadd.s32 $0xFFFFFFFA, s9;
	v8 =	vld.idx.msk [tilespmem:v11+s15+$0x0], $0xffff  }
0x208: {  	v18 =	vadd.s32 s23, v3;
	v9 =	vld.idx.msk [tilespmem:v12+s15+$0x0], $0xffff  }
0x209: {  	s13 =	sadd.s32 $0xFFFFFFF9, s9;
	v19 =	vadd.s32 s23, v1;
	v10 =	vld.idx.msk [tilespmem:v13+s15+$0x0], $0xffff  }
0x20a: {  	v20 =	vadd.s32 s13, v3;
	v11 =	vld.idx.msk [tilespmem:v14+s15+$0x0], $0xffff  }
0x20b: {  	v21 =	vadd.s32 s13, v1;
	s23 =	sadd.s32 $0xFFFFFFF8, s9;
	v12 =	vld.idx.msk [tilespmem:v16+s15+$0x0], $0xffff  }
0x20c: {  	v16 =	vadd.s32 s23, v3;
	v13 =	vld.idx.msk [tilespmem:v17+s15+$0x0], $0xffff  }
0x20d: {  	s13 =	sadd.s32 $0xFFFFFFF7, s9;
	v17 =	vadd.s32 s23, v1;
	v14 =	vld.idx.msk [tilespmem:v18+s15+$0x0], $0xffff  }
0x20e: {  	v18 =	vadd.s32 s13, v3;
	v19 =	vld.idx.msk [tilespmem:v19+s15+$0x0], $0xffff  }
0x20f: {  	v22 =	vadd.s32 s13, v1;
	s23 =	sadd.s32 $0xFFFFFFF6, s9;
	v20 =	vld.idx.msk [tilespmem:v20+s15+$0x0], $0xffff  }
0x210: {  	v23 =	vadd.s32 s23, v3;
	v21 =	vld.idx.msk [tilespmem:v21+s15+$0x0], $0xffff  }
0x211: {  	s13 =	sadd.s32 $0xFFFFFFF5, s9;
	v24 =	vadd.s32 s23, v1;
	v25 =	vld.idx.msk [tilespmem:v16+s15+$0x0], $0xffff  }
0x212: {  	v16 =	vadd.s32 s13, v3;
	v17 =	vld.idx.msk [tilespmem:v17+s15+$0x0], $0xffff  }
0x213: {  	s23 =	sadd.s32 $0xFFFFFFF4, s9;
	v26 =	vadd.s32 s13, v1;
	v18 =	vld.idx.msk [tilespmem:v18+s15+$0x0], $0xffff  }
0x214: {  	v27 =	vadd.s32 s23, v3;
	v22 =	vld.idx.msk [tilespmem:v22+s15+$0x0], $0xffff  }
0x215: {  	s25 =	sadd.s32 $0xFFFFFFF2, s9;
	v28 =	vadd.s32 s23, v1;
	s13 =	sadd.s32 $0xFFFFFFF1, s9;
	v23 =	vld.idx.msk [tilespmem:v23+s15+$0x0], $0xffff  }
0x216: {  	v31 =	vadd.s32 s25, v1;
	v29 =	vor.u32 s13, v1;
	v30 =	vadd.s32 s13, v3;
	v24 =	vld.idx.msk [tilespmem:v24+s15+$0x0], $0xffff  }
0x217: {  	v32 =	vadd.s32 s25, v3;
	v33 =	vld.idx.msk [tilespmem:v16+s15+$0x0], $0xffff  }
0x218: {  	v26 =	vld.idx.msk [tilespmem:v26+s15+$0x0], $0xffff  }
0x219: {  	v27 =	vld.idx.msk [tilespmem:v27+s15+$0x0], $0xffff  }
0x21a: {  	s9 =	sadd.s32 $0xFFFFFFF3, s9;
	v28 =	vld.idx.msk [tilespmem:v28+s15+$0x0], $0xffff  }
0x21b: {  	v16 =	vadd.s32 s9, v3;
	v15 =	vld.idx.msk [tilespmem:v15+s15+$0x0], $0xffff  }
0x21c: {  	v34 =	vadd.s32 s9, v1;
	v32 =	vld.idx.msk [tilespmem:v32+s15+$0x0], $0xffff  }
0x21d: {  	v35 =	vadd.s32 s10, v1;
	v31 =	vld.idx.msk [tilespmem:v31+s15+$0x0], $0xffff  }
0x21e: {  	v29 =	vld.idx.msk [tilespmem:v29+s15+$0x0], $0xffff  }
0x21f: {  	v30 =	vld.idx.msk [tilespmem:v30+s15+$0x0], $0xffff  }
0x220: {  	v36 =	vld.idx.msk [tilespmem:v16+s15+$0x0], $0xffff  }
0x221: {  	v34 =	vld.idx.msk [tilespmem:v34+s15+$0x0], $0xffff  }
0x222: {  	v16 =	vld.idx.msk [tilespmem:v35+s15+$0x0], $0xffff  }
0x223: {  	[tilespmem:s26+$0xFFFFFF20] =	vst v31  }
0x224: {  	s9 =	sadd.s32 $0xFFFFFE40, s8;
	[tilespmem:s26+$0xFFFFFF00] =	vst v29  }
0x225: {  	s9 =	sor.u32 $0x30, s9;
	[tilespmem:s26+$0xFFFFFF10] =	vst v30  }
0x226: {  	[tilespmem:s9+$0xB080] =	vst v32;
	s9 =	sadd.s32 $0xFFFFFE60, s8  }
0x227: {  	[tilespmem:s26+$0xFFFFFF40] =	vst v34;
	s9 =	sor.u32 $0x50, s9  }
0x228: {  	[tilespmem:s9+$0xB080] =	vst v36;
	s9 =	sadd.s32 $0xFFFFFE80, s8  }
0x229: {  	[tilespmem:s26+$0xFFFFFF60] =	vst v28;
	s9 =	sor.u32 $0x70, s9  }
0x22a: {  	[tilespmem:s9+$0xB080] =	vst v27  }
0x22b: {  	[tilespmem:s26+$0xFFFFFF80] =	vst v26  }
0x22c: {  	[tilespmem:s26+$0xFFFFFF90] =	vst v33;
	_ =	sdelay $0x1  }
0x22d: {  	s9 =	sadd.s32 $0xFFFFFEC0, s8  }
0x22e: {  	s9 =	sor.u32 $0x30, s9;
	[tilespmem:s26+$0xFFFFFFA0] =	vst v24  }
0x22f: {  	[tilespmem:s9+$0xB080] =	vst v23;
	s9 =	sadd.s32 $0xFFFFFEE0, s8  }
0x230: {  	[tilespmem:s26+$0xFFFFFFC0] =	vst v22;
	s9 =	sor.u32 $0x50, s9  }
0x231: {  	[tilespmem:s9+$0xB080] =	vst v18;
	s9 =	sadd.s32 $0xFFFFFF00, s8  }
.Ltmp6:
0x232: {  	[tilespmem:s26+$0xFFFFFFE0] =	vst v17;
	s9 =	sor.u32 $0x70, s9;
	(pc) =	sbr.rel @p0 .LBB2_14-.Ltmp6, $4  }
0x233: {  	[tilespmem:s9+$0xB080] =	vst v25  }
0x234: {  	[tilespmem:s26+$0x0] =	vst v21  }
0x235: {  	s9 =	sadd.s32 $0xFFFFFF40, s8;
	[tilespmem:s26+$0x10] =	vst v20  }
0x236: {  	s9 =	sor.u32 $0x30, s9;
	[tilespmem:s26+$0x20] =	vst v19  }
0x237: {  	[tilespmem:s9+$0xB080] =	vst v14;
	s6 =	sadd.s32 $0xFFFFFF60, s0  }
0x238: {  	[tilespmem:s21+$0x40] =	vst v13;
	s6 =	sor.u32 $0x50, s6  }
0x239: {  	[tilespmem:s6+$0xB080] =	vst v12  }
0x23a: {  	s23 =	sor.u32 $0x70, s24;
	[tilespmem:s21+$0x60] =	vst v11  }
0x23b: {  	[tilespmem:s23+$0xB080] =	vst v10  }
0x23c: {  	[tilespmem:s21+$0x80] =	vst v9  }
0x23d: {  	[tilespmem:s21+$0xA0] =	vst v16  }
0x23e: {  	s24 =	sor.u32 $0x30, s22;
	[tilespmem:s21+$0x90] =	vst v15  }
0x23f: {  	[tilespmem:s24+$0xB080] =	vst v8  }
0x240: {  	s2 =	sor.u32 $0x50, s2;
	[tilespmem:s21+$0xC0] =	vst v7  }
0x241: {  	[tilespmem:s2+$0xB080] =	vst v6  }
0x242: {  	s25 =	sor.u32 $0x70, s0;
	[tilespmem:s21+$0xE0] =	vst v5  }
0x243: {  	s26 =	rddreg [dreg:$0x5];
	s29 =	simm.s32 $0xB080;
	[tilespmem:s25+$0xB080] =	vst v4  }
0x244: {  	[hbm4b:s26+s3] =	stream.linear.scatter [tilespmem:s29], [sflag:$0x5], $0x800, $0x38;
	[tilespmem:$0xB880] =	vst v63  }
0x245: {  	_ =	swait.ge [sflag:s28], $0x800  }
0x246: {  	s30 =	rddreg [dreg:$0x7]  }
0x247: {  	s31 =	rddreg [dreg:$0x6];
	s2 =	sadd.s32 $0x1, s30  }
0x248: {  	p0 =	sne.s32 s2, s31  }
.Ltmp7:
0x249: {  	_ = 	snop;
	(pc) =	sbr.rel @p0 .LBB2_1-.Ltmp7, $3  }
0x24a: {  	_ =	sdelay $0x1  }
0x24b: {  	[sflag:s28] =	ssyncset.done $0x0  }
0x24c: {  	[sflag:s28] =	ssyncadd.s32 $0xFFFFF800  }
0x24d: {  	_ =	sfence.sel $0x180000  }
0x24e: {  	[bflag:$0x0] =	sbarrier.arrive $0xFFFF  }
0x24f: {  	_ =	strace $0x90000047  }
0x250: {  	s0 =	stileid.u32;
	[bflag:$0x2] =	sbarrier.arrive $0xFFFF  }
0x251: {  	p0 =	sne.s32 s0, $0x0;
	s0 =	rddreg [dreg:$0x2]  }
0x252: {  	s0 =	sadd.s32 @!p0 $0x100000, s0  }
0x253: {  	[sflag:s0] =	ssyncadd.tile.s32 @!p0 $0x1;
	_ =	shalt  }
.Lfunc_end2:
_tile_overlayer_lowered:
.L_overlay_start_2:
0x254: {  	(tag) =	ssettag $0x2  }
0x255: {  	s0 =	rddreg [dreg:$0x0];
	s2 =	stileid.u32  }
0x256: {  	s1 =	rddreg [dreg:$0x1];
	p0 =	sne.s32 s2, $0x0  }
0x257: {  	s3 =	rddreg [dreg:$0x2];
	[bflag:$0x3] =	sbarrier.arrive $0xFFFF;
	s2 =	simm.s32 @!p0 $0x1C05  }
0x258: {  	[timem:s3], [sflag:s2] =	dma.local @!p0 [hbm:s0], s1  }
0x259: {  	s0 =	simm.s32 @!p0 $0x5  }
0x25a: {  	_ =	swait.ge @!p0 [sflag:s0], s1  }
0x25b: {  	s1 =	ssub.s32 @!p0 $0x0, s1;
	[sflag:s0] =	ssyncset.done @!p0 $0x0  }
0x25c: {  	[sflag:s0] =	ssyncadd.s32 @!p0 s1  }
0x25d: {  	[bflag:$0x3] =	sbarrier.arrive $0xFFFF  }
0x25e: {  	_ =	shalt  }

// kernel: kernel.7.cloned.1.call-start
scs
__scs_entry_jumppad:
0x0: {  	(pc) =	sbr.rel $0x88, $3  }
0x1: {  	(tag) =	ssettag $0x0;
	lr =	simm.s32 $0x1  }
0x2: {  	[smem:$0x3F9F] =	sst lr;
	_ =	strace $0xD0000000  }
0x3: {  	_ = 	snop  }
0x4: {  	_ = 	snop  }
0x5: {  	_ = 	snop  }
0x6: {  	_ = 	snop  }
0x7: {  	_ = 	snop  }
__scs_overlays_trampoline_lowered:
0x8: {  	[smem:$0x3FAE] =	sst s0  }
0x9: {  	[smem:$0x3FAF] =	sst s1  }
0xa: {  	[smem:$0x3FB0] =	sst s2  }
0xb: {  	[smem:$0x3FB1] =	sst s3  }
0xc: {  	[smem:$0x3FB2] =	sst s4  }
0xd: {  	[smem:$0x3FB3] =	sst s5  }
0xe: {  	[smem:$0x3FB4] =	sst s6  }
0xf: {  	[smem:$0x3FB5] =	sst s7  }
0x10: {  	[smem:$0x3FB6] =	sst s8  }
0x11: {  	[smem:$0x3FB7] =	sst s9;
	s0 =	simm.s32 @!p0 $0x0  }
0x12: {  	s1 =	sld [smem:$0x3F9D];
	s0 =	simm.s32 @p0 $0x1  }
0x13: {  	[smem:$0x3FB8] =	sst s0;
	s0 =	simm.s32 @!p1 $0x0  }
0x14: {  	s2 =	sld [smem:$0x3F9C];
	s0 =	simm.s32 @p1 $0x1  }
0x15: {  	[smem:$0x3FB9] =	sst s0;
	s0 =	simm.s32 @!p2 $0x0  }
0x16: {  	s3 =	sld [smem:$0x3FDB];
	s0 =	simm.s32 @p2 $0x1  }
0x17: {  	s4 =	simm.s32 $0x1BF5;
	[smem:$0x3FBB] =	sst s0  }
0x18: {  	s0 =	sld [smem:$0x3F9E];
	_ =	swait.ge [sflag:s4], $0x0  }
0x19: {  	s7 =	sld [smem:$0x3F9F]  }
0x1a: {  	s8 =	sadd.s32 $0xFFFFE003, lr  }
0x1b: {  	s9 =	sadd.s32 $0xFFFFFEF7, lr;
	s5 =	simm.s32 $0xFFFFFFFF;
	p2 =	slt.u32 s8, $0xFFFFF086  }
0x1c: {  	p1 =	slt.u32 s9, $0xF7A;
	s5 =	simm.s32 @!p2 $0x0  }
0x1d: {  	s5 =	simm.s32 @p1 $0x1;
	p0 =	seq.s32 s7, s2  }
0x1e: {  	s7 =	smul.u32 @!p0 $0xF7A, s2;
	p2 =	seq.s32 @!p0 s5, $0x0  }
0x1f: {  	s9 =	smul.u32 $0xF7A, s1;
	s8 =	simm.s32 @!p0 $0x1BF5;
	p2 =	por !p2, p0  }
0x20: {  	[sflag:s8] =	ssyncset.s32 @!p0 $0xFFFFF086;
	s6 =	sadd.s32 @!p0 s3, s7;
	s7 =	simm.s32 @!p0 $0x108  }
0x21: {  	s3 =	sadd.s32 s3, s9;
	s6 =	sadd.s32 @!p0 $0x88, s6;
	s7 =	simm.s32 @p2 $0x1082  }
0x22: {  	[simem:s7], [sflag:s8] =	dma.local @!p0 [hbm:s6], $0xF7A  }
0x23: {  	s9 =	sor.u32 $0xD0000000, s2;
	s6 =	simm.s32 $0x108;
	_ =	swait.ge @!p0 [sflag:s8], $0x0  }
0x24: {  	s3 =	sadd.s32 $0x88, s3;
	s6 =	simm.s32 @!p1 $0x1082;
	[sflag:s4] =	ssyncset.s32 $0xFFFFF086  }
0x25: {  	[simem:s6], [sflag:s4] =	dma.local [hbm:s3], $0xF7A  }
0x26: {  	[smem:$0x3F9F] =	sst s1;
	(tag) =	ssettag s2;
	_ =	strace s9  }
0x27: {  	s1 =	sld [smem:$0x3FAF]  }
0x28: {  	s2 =	sld [smem:$0x3FB0]  }
0x29: {  	s4 =	sld [smem:$0x3FB2]  }
0x2a: {  	p0 =	seq.s32 s5, $0x0;
	s5 =	sld [smem:$0x3FB3]  }
0x2b: {  	s6 =	sld [smem:$0x3FB4]  }
0x2c: {  	s7 =	sld [smem:$0x3FB5]  }
0x2d: {  	s3 =	simm.s32 $0x108;
	s8 =	sld [smem:$0x3FB6]  }
0x2e: {  	s3 =	simm.s32 @!p0 $0x1082;
	s9 =	sld [smem:$0x3FB7]  }
0x2f: {  	lr =	sadd.s32 s0, s3;
	s0 =	sld [smem:$0x3FAE]  }
0x30: {  	s3 =	sld [smem:$0x3FB1]  }
0x31: {  	[smem:$0x3FBA] =	sst s10  }
0x32: {  	s10 =	sld [smem:$0x3FB8];
	_ =	sdelay $0x3  }
0x33: {  	p0 =	seq.s32 s10, $0x1;
	s10 =	sld [smem:$0x3FBA];
	_ =	sdelay $0x3  }
0x34: {  	[smem:$0x3FBA] =	sst s10  }
0x35: {  	s10 =	sld [smem:$0x3FB9];
	_ =	sdelay $0x3  }
0x36: {  	p1 =	seq.s32 s10, $0x1;
	s10 =	sld [smem:$0x3FBA];
	_ =	sdelay $0x3  }
0x37: {  	[smem:$0x3FBA] =	sst s10  }
0x38: {  	s10 =	sld [smem:$0x3FBB]  }
0x39: {  	_ = 	snop;
	(pc) =	sbr.ind lr, $3  }
0x3a: {  	_ = 	snop  }
0x3b: {  	_ = 	snop  }
0x3c: {  	p2 =	seq.s32 s10, $0x1;
	s10 =	sld [smem:$0x3FBA]  }
0x3d: {  	_ =	shalt  }
0x3e: {  	_ =	shalt  }
0x3f: {  	_ =	shalt  }
0x40: {  	_ =	shalt  }
0x41: {  	_ =	shalt  }
0x42: {  	_ =	shalt  }
0x43: {  	_ =	shalt  }
0x44: {  	_ =	shalt  }
0x45: {  	_ =	shalt  }
0x46: {  	_ =	shalt  }
0x47: {  	_ =	shalt  }
0x48: {  	_ =	shalt  }
0x49: {  	_ =	shalt  }
0x4a: {  	_ =	shalt  }
0x4b: {  	_ =	shalt  }
0x4c: {  	_ =	shalt  }
0x4d: {  	_ =	shalt  }
0x4e: {  	_ =	shalt  }
0x4f: {  	_ =	shalt  }
0x50: {  	_ =	shalt  }
0x51: {  	_ =	shalt  }
0x52: {  	_ =	shalt  }
0x53: {  	_ =	shalt  }
0x54: {  	_ =	shalt  }
0x55: {  	_ =	shalt  }
0x56: {  	_ =	shalt  }
0x57: {  	_ =	shalt  }
0x58: {  	_ =	shalt  }
0x59: {  	_ =	shalt  }
0x5a: {  	_ =	shalt  }
0x5b: {  	_ =	shalt  }
0x5c: {  	_ =	shalt  }
0x5d: {  	_ =	shalt  }
0x5e: {  	_ =	shalt  }
0x5f: {  	_ =	shalt  }
0x60: {  	_ =	shalt  }
0x61: {  	_ =	shalt  }
0x62: {  	_ =	shalt  }
0x63: {  	_ =	shalt  }
0x64: {  	_ =	shalt  }
0x65: {  	_ =	shalt  }
0x66: {  	_ =	shalt  }
0x67: {  	_ =	shalt  }
0x68: {  	_ =	shalt  }
0x69: {  	_ =	shalt  }
0x6a: {  	_ =	shalt  }
0x6b: {  	_ =	shalt  }
0x6c: {  	_ =	shalt  }
0x6d: {  	_ =	shalt  }
0x6e: {  	_ =	shalt  }
0x6f: {  	_ =	shalt  }
0x70: {  	_ =	shalt  }
0x71: {  	_ =	shalt  }
0x72: {  	_ =	shalt  }
0x73: {  	_ =	shalt  }
0x74: {  	_ =	shalt  }
0x75: {  	_ =	shalt  }
0x76: {  	_ =	shalt  }
0x77: {  	_ =	shalt  }
0x78: {  	_ =	shalt  }
0x79: {  	_ =	shalt  }
0x7a: {  	_ =	shalt  }
0x7b: {  	_ =	shalt  }
0x7c: {  	_ =	shalt  }
0x7d: {  	_ =	shalt  }
0x7e: {  	_ =	shalt  }
0x7f: {  	_ =	shalt  }
0x80: {  	_ =	shalt  }
0x81: {  	_ =	shalt  }
0x82: {  	_ =	shalt  }
0x83: {  	_ =	shalt  }
0x84: {  	_ =	shalt  }
0x85: {  	_ =	shalt  }
0x86: {  	_ =	shalt  }
0x87: {  	_ =	shalt  }
.Lfunc_end0:
.L_simem_size_0:
called_computation.1_lowered:
.L_overlay_start_0:
0x88: {  	s2 =	sld [smem:$0x3FD9]  }
0x89: {  	s3 =	sld [smem:$0x3FFE];
	_ =	sdelay $0x1  }
0x8a: {  	s1 =	srdreg.scid  }
0x8b: {  	s0 =	sand.u32 $0x1, s1  }
0x8c: {  	s17 =	sshll.u32 s0, $0xA;
	s2 =	sadd.s32 s3, s2  }
0x8d: {  	s2 =	sadd.s32 s2, s17  }
0x8e: {  	[smem:$0x3FC6] =	sst s2  }
0x8f: {  	_ = 	snop  }
0x90: {  	s2 =	sld [smem:$0x3FD0];
	(tm) =	ssettm $0x1  }
0x91: {  	s18 =	sld [smem:$0x3FFB];
	_ =	sdelay $0x3  }
0x92: {  	_ =	strace s18  }
0x93: {  	s3 =	sld [smem:$0x3FFC];
	_ =	sdelay $0x3  }
0x94: {  	_ =	strace s3  }
0x95: {  	s3 =	sld [smem:$0x3FFD];
	_ =	sdelay $0x3  }
0x96: {  	_ =	strace s3  }
0x97: {  	_ =	strace $0x8FFFFFFF  }
0x98: {  	s19 =	sld [smem:$0x3FDB];
	_ =	sdelay $0x1  }
0x99: {  	s4 =	simm.s32 $_scs_section_size  }
0x9a: {  	s5 =	simm.s32 $_size__tile_overlayer_lowered;
	s6 =	simm.s32 $_tile_overlayer_lowered  }
0x9b: {  	s22 =	simm.s32 $0x1BFF;
	s21 =	sshll.u32 s6, $0x1;
	s3 =	sadd.s32 s4, s19  }
0x9c: {  	s7 =	simm.s32 $0x0;
	s20 =	sshll.u32 s5, $0x1;
	s5 =	sadd.s32 s21, s3  }
0x9d: {  	[timem:s7], [sflag:s22] =	dma.local [hbm:s5], s20  }
0x9e: {  	_ =	swait.ge [sflag:s22], s20  }
0x9f: {  	s4 =	ssub.s32 $0x0, s20;
	[sflag:s22] =	ssyncset.done $0x0  }
0xa0: {  	[sflag:s22] =	ssyncadd.s32 s4;
	_ =	sdelay $0x1  }
0xa1: {  	s23 =	simm.s32 $0x1B8B  }
0xa2: {  	_ =	swait.ge [sflag:s23], $0x1  }
0xa3: {  	[sflag:s23] =	ssyncset.done $0x0  }
0xa4: {  	s25 =	simm.s32 $0x1B8E;
	s24 =	sld [smem:$0x3FFE];
	[sflag:s23] =	ssyncadd.s32 $0xFFFFFFFF  }
0xa5: {  	s26 =	simm.s32 $execute0_lowered;
	[smem:$0x3FD2] =	sst s25  }
0xa6: {  	s5 =	sshll.u32 s26, $0x1;
	_ =	strace $0x80000049;
	[dreg:$0x1] =	wrdreg $0xFFFFFFFF  }
0xa7: {  	s28 =	simm.s32 $_size_execute0_lowered;
	s3 =	sadd.s32 s3, s5;
	[dreg:$0x0] =	wrdreg $0x0  }
0xa8: {  	s5 =	sshll.u32 s28, $0x1;
	[dreg:$0x2] =	wrdreg s3  }
0xa9: {  	[dreg:$0x3] =	wrdreg s5  }
0xaa: {  	[dreg:$0x4] =	wrdreg $0xC0  }
0xab: {  	_ =	task [dreg:s7], $0x5FFFF  }
0xac: {  	[dreg:$0x1] =	wrdreg $0xFFFFFFFF  }
0xad: {  	[dreg:$0x0] =	wrdreg $0x60  }
0xae: {  	[dreg:$0x2] =	wrdreg s24  }
0xaf: {  	[dreg:$0x3] =	wrdreg s2  }
0xb0: {  	[dreg:$0x4] =	wrdreg $0x9  }
0xb1: {  	_ =	task.clear_ibuf [dreg:s7], $0x5FFFF;
	_ =	strace $0x90000049  }
0xb2: {  	s29 =	simm.s32 $0x9;
	_ =	strace $0x8000004B  }
0xb3: {  	_ =	swait.ge [sflag:s29], $0x1  }
0xb4: {  	[sflag:s29] =	ssyncadd.s32 $0xFFFFFFFF  }
0xb5: {  	_ =	strace $0x9000004B  }
0xb6: {  	_ =	sfence  }
0xb7: {  	s30 =	sld [smem:$0x0];
	_ =	sdelay $0x2  }
0xb8: {  	s31 =	sshll.u32 s1, $0xD;
	s1 =	sshrl.u32 s1, $0x2  }
0xb9: {  	s3 =	sand.u32 $0x4000, s31;
	s1 =	sadd.s32 s1, s30  }
0xba: {  	s0 =	sor.u32 s3, s0;
	s1 =	sshll.u32 s1, $0x11  }
0xbb: {  	s0 =	sor.u32 s1, s0  }
0xbc: {  	s0 =	sadd.s32 $0x8F2B, s0  }
0xbd: {  	[sflag:s0] =	ssyncadd.remote.s32 $0x1  }
0xbe: {  	_ =	sfence.sel $0xFFFF  }
0xbf: {  	[dreg:$0x0] =	wrdreg $0xFFFFFFFF;
	(pc) =	sbr.abs _section_cstart, $3  }
0xc0: {  	[dreg:$0x1] =	wrdreg $0xFFFFFFFF  }
0xc1: {  	_ =	task.clear_ibuf [dreg:s7], $0x2FFFF;
	_ =	strace $0x9FFFFFFF  }
0xc2: {  	(tm) =	ssettm $0x7FFFFFFF  }
0xc3: {  	_ =	shalt  }
tec
execute0_lowered:
.L_overlay_start_1:
0x0: {  	(tag) =	ssettag $0x1  }
0x1: {  	v0 =	vlaneseq.u32  }
0x2: {  	v1 =	vmul.u32 $0xC8, v0;
	_ =	sdelay $0x1  }
0x3: {  	v2 =	vadd.s32 $0xC80, v1;
	[tilespmem:$0x1FDE0] =	vst v1  }
0x4: {  	v54 =	vadd.s32 $0x1900, v1;
	[tilespmem:$0x1FD00] =	vst v2  }
0x5: {  	v55 =	vadd.s32 $0x2580, v1;
	[tilespmem:$0x1FD10] =	vst v54  }
0x6: {  	v56 =	vadd.s32 $0x3200, v1;
	[tilespmem:$0x1FD20] =	vst v55  }
0x7: {  	v57 =	vadd.s32 $0x3E80, v1;
	[tilespmem:$0x1FD30] =	vst v56  }
0x8: {  	v58 =	vadd.s32 $0x4B00, v1;
	[tilespmem:$0x1FD40] =	vst v57  }
0x9: {  	v59 =	vadd.s32 $0x5780, v1;
	[tilespmem:$0x1FD50] =	vst v58  }
0xa: {  	v60 =	vor.u32 $0x1, v1;
	[tilespmem:$0x1FD60] =	vst v59  }
0xb: {  	v61 =	vadd.s32 $0xC81, v1;
	[tilespmem:$0x1FD70] =	vst v60  }
0xc: {  	v62 =	vadd.s32 $0x1901, v1;
	[tilespmem:$0x1FD80] =	vst v61  }
0xd: {  	v63 =	vadd.s32 $0x2581, v1;
	[tilespmem:$0x1FD90] =	vst v62  }
0xe: {  	v4 =	vadd.s32 $0x3201, v1;
	[tilespmem:$0x1FDA0] =	vst v63  }
0xf: {  	v5 =	vadd.s32 $0x3E81, v1;
	[tilespmem:$0x1FDB0] =	vst v4  }
0x10: {  	v6 =	vadd.s32 $0x4B01, v1;
	[tilespmem:$0x1FDC0] =	vst v5;
	v4 =	vmul.u32 $0x21, v0  }
0x11: {  	s3 =	stileid.u32;
	v1 =	vadd.s32 $0x5781, v1;
	[tilespmem:$0x1FDD0] =	vst v6  }
0x12: {  	s0 =	rddreg [dreg:$0x0];
	s4 =	sshll.u32 s3, $0x1;
	s3 =	simm.s32 $0x0;
	[tilespmem:$0x1FDF0] =	vst v1;
	v9 =	vadd.s32 $0x1, v4  }
0x13: {  	[smem:$0x7FF] =	sst s3;
	v11 =	vadd.s32 $0x2, v4;
	[tilespmem:$0x1FE00] =	vst v9  }
0x14: {  	s2 =	rddreg [dreg:$0x1];
	v12 =	vadd.s32 $0x3, v4;
	_ =	strace $0x8000004A;
	[tilespmem:$0x1FE10] =	vst v11  }
0x15: {  	v14 =	vadd.s32 $0x4, v4;
	[tilespmem:$0x1FE20] =	vst v12  }
0x16: {  	v37 =	vadd.s32 $0x5, v4;
	[tilespmem:$0x1FE30] =	vst v14  }
0x17: {  	v38 =	vadd.s32 $0x6, v4;
	[tilespmem:$0x1FE40] =	vst v37  }
0x18: {  	v39 =	vadd.s32 $0x7, v4;
	[tilespmem:$0x1FE50] =	vst v38  }
0x19: {  	v40 =	vadd.s32 $0x8, v4;
	[tilespmem:$0x1FE60] =	vst v39  }
0x1a: {  	v41 =	vadd.s32 $0x9, v4;
	[tilespmem:$0x1FE70] =	vst v40  }
0x1b: {  	v42 =	vadd.s32 $0xA, v4;
	[tilespmem:$0x1FE80] =	vst v41  }
0x1c: {  	v43 =	vadd.s32 $0xB, v4;
	[tilespmem:$0x1FE90] =	vst v42  }
0x1d: {  	v44 =	vadd.s32 $0xC, v4;
	[tilespmem:$0x1FEA0] =	vst v43  }
0x1e: {  	v45 =	vadd.s32 $0xD, v4;
	[tilespmem:$0x1FEB0] =	vst v44  }
0x1f: {  	v46 =	vadd.s32 $0xE, v4;
	[tilespmem:$0x1FEC0] =	vst v45  }
0x20: {  	v47 =	vadd.s32 $0xF, v4;
	[tilespmem:$0x1FED0] =	vst v46  }
0x21: {  	v48 =	vadd.s32 $0x10, v4;
	[tilespmem:$0x1FEE0] =	vst v47  }
0x22: {  	v49 =	vadd.s32 $0x11, v4;
	[tilespmem:$0x1FEF0] =	vst v48  }
0x23: {  	v50 =	vadd.s32 $0x12, v4;
	[tilespmem:$0x1FF00] =	vst v49  }
0x24: {  	v51 =	vadd.s32 $0x13, v4;
	[tilespmem:$0x1FF10] =	vst v50  }
0x25: {  	v52 =	vadd.s32 $0x14, v4;
	[tilespmem:$0x1FF20] =	vst v51  }
0x26: {  	v53 =	vadd.s32 $0x15, v4;
	[tilespmem:$0x1FF30] =	vst v52  }
0x27: {  	v7 =	vimm.s32 $0x7654321;
	v8 =	vimm.s32 $0x10765432;
	v54 =	vadd.s32 $0x16, v4;
	[tilespmem:$0x1FF40] =	vst v53  }
0x28: {  	s1 =	srdreg.scid;
	v3 =	vimm.s32 $0x21076543;
	v13 =	vimm.s32 $0x32107654;
	s16 =	simm.s32 $0x100;
	s21 =	simm.s32 $0x1;
	v55 =	vadd.s32 $0x17, v4;
	[tilespmem:$0x1FF50] =	vst v54  }
0x29: {  	s22 =	simm.s32 $0xA600;
	s15 =	simm.s32 $0xF300;
	s19 =	simm.s32 $0xF700;
	v56 =	vadd.s32 $0x18, v4;
	[tilespmem:$0x1FF60] =	vst v55  }
0x2a: {  	s20 =	simm.s32 $0xFB00;
	s23 =	simm.s32 $0xFF00;
	s24 =	simm.s32 $0x10300;
	v57 =	vadd.s32 $0x19, v4;
	[tilespmem:$0x1FF70] =	vst v56  }
0x2b: {  	v32 =	vimm.s32 $0x43210765;
	v33 =	vimm.s32 $0x54321076;
	s25 =	simm.s32 $0x3;
	s26 =	simm.s32 $0x4;
	s1 =	sand.u32 $0x1, s1;
	v58 =	vadd.s32 $0x1A, v4;
	[tilespmem:$0x1FF80] =	vst v57  }
0x2c: {  	v34 =	vimm.s32 $0x65432107;
	v17 =	vand.u32 $0x7, v0;
	s7 =	sadd.s32 $0x1000, s2;
	s8 =	sadd.s32 $0x2000, s2;
	s5 =	sor.u32 s1, s4;
	v59 =	vadd.s32 $0x1B, v4;
	[tilespmem:$0x1FF90] =	vst v58  }
0x2d: {  	v10 =	vunpack.c.l.s4.s8 v3;
	s9 =	sadd.s32 $0x3000, s2;
	s10 =	sadd.s32 $0x4000, s2;
	v35 =	vunpack.c.l.s4.s8 v33;
	s4 =	smul.u32 $0xC80, s5;
	v60 =	vadd.s32 $0x1C, v4;
	[tilespmem:$0x1FFA0] =	vst v59  }
0x2e: {  	s11 =	sadd.s32 $0x5000, s2;
	s12 =	sadd.s32 $0x6000, s2;
	v36 =	vunpack.c.l.s4.s8 v34;
	s1 =	ssub.s32 $0x2, s1;
	v1 =	vunpack.c.l.s4.s8 v7;
	v61 =	vadd.s32 $0x1D, v4;
	[tilespmem:$0x1FFB0] =	vst v60  }
0x2f: {  	s13 =	sadd.s32 $0x7000, s2;
	s31 =	sshrl.u32 s1, $0x1;
	v23 =	vunpack.c.0.s8.s32 v10;
	v2 =	vunpack.c.l.s4.s8 v8;
	s6 =	sadd.s32 s4, s0;
	v62 =	vadd.s32 $0x1E, v4;
	[tilespmem:$0x1FFC0] =	vst v61  }
0x30: {  	v0 =	vunpack.c.l.s4.s8 v13;
	s4 =	sadd.s32 $0xA00, s0;
	s0 =	ssub.s32 s1, s31;
	v19 =	vunpack.c.0.s8.s32 v1;
	s6 =	sadd.s32 $0x3D1400, s6;
	v1 =	vunpack.c.l.s4.s8 v32;
	[tilespmem:$0x1FFD0] =	vst v62  }
0x31: {  	v29 =	vunpack.c.0.s8.s32 v35;
	v31 =	vunpack.c.0.s8.s32 v36;
	s1 =	simm.s32 $0x2;
	s0 =	smax.u32 s0, $0x1;
	v63 =	vadd.s32 $0x1F, v4;
	[dreg:$0x3] =	wrdreg s6;
	[tilespmem:$0x1FFE0] =	vst v4  }
0x32: {  	v21 =	vunpack.c.0.s8.s32 v2;
	v25 =	vunpack.c.0.s8.s32 v0;
	s6 =	sshll.u32 s5, $0xA;
	[dreg:$0x4] =	wrdreg s0;
	v27 =	vunpack.c.0.s8.s32 v1;
	[tilespmem:$0x1FFF0] =	vst v63;
	s5 =	simm.s32 $0x0  }
.LBB2_1:
0x33: {  	[dreg:$0x5] =	wrdreg s5  }
0x34: {  	s0 =	rddreg [dreg:$0x3];
	s29 =	simm.s32 $0x5  }
0x35: {  	[tilespmem:s3], [sflag:$0x5] =	stream.linear.gather [hbm4b:s0+s3], $0x6400, $0x38;
	[tilespmem:$0x10700] =	vst v63  }
0x36: {  	_ =	swait.ge [sflag:s29], $0x6400  }
0x37: {  	v0 =	vld [tilespmem:$0x1FDE0];
	_ =	sdelay $0x5  }
0x38: {  	[sflag:s29] =	ssyncset.done $0x0;
	v49 =	vld [tilespmem:$0x1FD00]  }
0x39: {  	[sflag:s29] =	ssyncadd.s32 $0xFFFF9C00  }
0x3a: {  	v0 =	vld.idx.msk [tilespmem:v0+s3+$0x0], $0xffff;
	_ =	sdelay $0x3  }
0x3b: {  	v50 =	vld [tilespmem:$0x1FD10]  }
0x3c: {  	[tilespmem:$0x6400] =	vst v0  }
0x3d: {  	v0 =	vld.idx.msk [tilespmem:v49+s3+$0x0], $0xffff;
	_ =	sdelay $0x3  }
0x3e: {  	v51 =	vld [tilespmem:$0x1FD20]  }
0x3f: {  	[tilespmem:$0x6410] =	vst v0  }
0x40: {  	v0 =	vld.idx.msk [tilespmem:v50+s3+$0x0], $0xffff;
	_ =	sdelay $0x3  }
0x41: {  	v52 =	vld [tilespmem:$0x1FD30]  }
0x42: {  	[tilespmem:$0x6420] =	vst v0  }
0x43: {  	v0 =	vld.idx.msk [tilespmem:v51+s3+$0x0], $0xffff;
	_ =	sdelay $0x3  }
0x44: {  	v53 =	vld [tilespmem:$0x1FD40]  }
0x45: {  	[tilespmem:$0x6430] =	vst v0  }
0x46: {  	v0 =	vld.idx.msk [tilespmem:v52+s3+$0x0], $0xffff;
	_ =	sdelay $0x3  }
0x47: {  	v54 =	vld [tilespmem:$0x1FD50]  }
0x48: {  	[tilespmem:$0x6440] =	vst v0  }
0x49: {  	v0 =	vld.idx.msk [tilespmem:v53+s3+$0x0], $0xffff;
	_ =	sdelay $0x3  }
0x4a: {  	v55 =	vld [tilespmem:$0x1FD60]  }
0x4b: {  	[tilespmem:$0x6450] =	vst v0  }
0x4c: {  	v0 =	vld.idx.msk [tilespmem:v54+s3+$0x0], $0xffff;
	_ =	sdelay $0x3  }
0x4d: {  	v56 =	vld [tilespmem:$0x1FD70]  }
0x4e: {  	[tilespmem:$0x6460] =	vst v0  }
0x4f: {  	v0 =	vld.idx.msk [tilespmem:v55+s3+$0x0], $0xffff;
	_ =	sdelay $0x3  }
0x50: {  	v57 =	vld [tilespmem:$0x1FD80]  }
0x51: {  	[tilespmem:$0x6470] =	vst v0  }
0x52: {  	v0 =	vld.idx.msk [tilespmem:v56+s3+$0x0], $0xffff;
	_ =	sdelay $0x3  }
0x53: {  	v58 =	vld [tilespmem:$0x1FD90]  }
0x54: {  	[tilespmem:$0x6480] =	vst v0  }
0x55: {  	v0 =	vld.idx.msk [tilespmem:v57+s3+$0x0], $0xffff;
	_ =	sdelay $0x3  }
0x56: {  	v59 =	vld [tilespmem:$0x1FDA0]  }
0x57: {  	[tilespmem:$0x6490] =	vst v0  }
0x58: {  	v0 =	vld.idx.msk [tilespmem:v58+s3+$0x0], $0xffff;
	_ =	sdelay $0x3  }
0x59: {  	v60 =	vld [tilespmem:$0x1FDB0]  }
0x5a: {  	[tilespmem:$0x64A0] =	vst v0  }
0x5b: {  	v0 =	vld.idx.msk [tilespmem:v59+s3+$0x0], $0xffff;
	_ =	sdelay $0x3  }
0x5c: {  	v61 =	vld [tilespmem:$0x1FDC0]  }
0x5d: {  	[tilespmem:$0x64B0] =	vst v0  }
0x5e: {  	v0 =	vld.idx.msk [tilespmem:v60+s3+$0x0], $0xffff;
	_ =	sdelay $0x3  }
0x5f: {  	v62 =	vld [tilespmem:$0x1FDD0]  }
0x60: {  	[tilespmem:$0x64C0] =	vst v0  }
0x61: {  	v0 =	vld.idx.msk [tilespmem:v61+s3+$0x0], $0xffff;
	_ =	sdelay $0x3  }
0x62: {  	v63 =	vld [tilespmem:$0x1FDF0]  }
0x63: {  	[tilespmem:$0x64D0] =	vst v0  }
0x64: {  	v0 =	vld.idx.msk [tilespmem:v62+s3+$0x0], $0xffff;
	_ =	sdelay $0x4  }
0x65: {  	[tilespmem:$0x64E0] =	vst v0  }
0x66: {  	v0 =	vld.idx.msk [tilespmem:v63+s3+$0x0], $0xffff;
	_ =	sdelay $0x4  }
0x67: {  	s30 =	simm.s32 $0x6400;
	s31 =	simm.s32 $0x6600;
	s28 =	simm.s32 $0x0;
	[tilespmem:$0x64F0] =	vst v0  }
0x68: {  	[tilespmem:s31], [sflag:$0x1] =	stream.indirect.gather [hbm4b:s4+s16], $0x20, s30, s16, $0xb8;
	[tilespmem:$0x10700] =	vst v63  }
.LBB2_2:
0x69: {  	v3 =	vld [tilespmem:$0x1FDE0];
	_ =	sdelay $0x2  }
0x6a: {  	s29 =	sshllo.u32 s28, $0x1  }
0x6b: {  	s0 =	sshll.u32 s29, $0x1  }
0x6c: {  	v0 =	vmov s0;
	v1 =	vadd.s32 s0, v3  }
0x6d: {  	v0 =	vand.u32 $0x6, v0;
	v1 =	vand.u32 $0x7FFFFFF8, v1  }
0x6e: {  	v0 =	vor.u32 v0, v1;
	_ =	sdelay $0x2  }
0x6f: {  	s5 =	sadd.s32 $0xC80, s0  }
0x70: {  	v2 =	vadd.s32 s5, v3;
	v1 =	vmov s5  }
0x71: {  	v2 =	vand.u32 $0x7FFFFFF8, v2;
	v1 =	vand.u32 $0x6, v1;
	v0 =	vld.idx.msk [tilespmem:v0+s3+$0x0], $0xffff  }
0x72: {  	v1 =	vor.u32 v1, v2;
	_ =	sdelay $0x2  }
0x73: {  	s17 =	sor.u32 $0x1900, s0  }
0x74: {  	v2 =	vadd.s32 s17, v3;
	[tilespmem:$0x6500] =	vst v0;
	v0 =	vmov s17  }
0x75: {  	v2 =	vand.u32 $0x7FFFFFF8, v2;
	v1 =	vld.idx.msk [tilespmem:v1+s3+$0x0], $0xffff;
	v0 =	vand.u32 $0x6, v0  }
0x76: {  	v0 =	vor.u32 v0, v2;
	_ =	sdelay $0x2  }
0x77: {  	s18 =	sadd.s32 $0x2580, s0  }
0x78: {  	v2 =	vadd.s32 s18, v3;
	[tilespmem:$0x6510] =	vst v1;
	v1 =	vmov s18  }
0x79: {  	v2 =	vand.u32 $0x7FFFFFF8, v2;
	v0 =	vld.idx.msk [tilespmem:v0+s3+$0x0], $0xffff;
	v1 =	vand.u32 $0x6, v1  }
0x7a: {  	v1 =	vor.u32 v1, v2;
	_ =	sdelay $0x2  }
0x7b: {  	s14 =	sor.u32 $0x3200, s0  }
0x7c: {  	v2 =	vadd.s32 s14, v3;
	[tilespmem:$0x6520] =	vst v0;
	v0 =	vmov s14  }
0x7d: {  	v2 =	vand.u32 $0x7FFFFFF8, v2;
	v1 =	vld.idx.msk [tilespmem:v1+s3+$0x0], $0xffff;
	v0 =	vand.u32 $0x6, v0  }
0x7e: {  	v0 =	vor.u32 v0, v2;
	_ =	sdelay $0x2  }
0x7f: {  	s17 =	sadd.s32 $0x3E80, s0  }
0x80: {  	v2 =	vadd.s32 s17, v3;
	[tilespmem:$0x6530] =	vst v1;
	v1 =	vmov s17  }
0x81: {  	v2 =	vand.u32 $0x7FFFFFF8, v2;
	v0 =	vld.idx.msk [tilespmem:v0+s3+$0x0], $0xffff;
	v1 =	vand.u32 $0x6, v1  }
0x82: {  	v1 =	vor.u32 v1, v2;
	_ =	sdelay $0x2  }
0x83: {  	s18 =	sor.u32 $0x4B00, s0  }
0x84: {  	v2 =	vadd.s32 s18, v3;
	[tilespmem:$0x6540] =	vst v0;
	v0 =	vmov s18  }
0x85: {  	v2 =	vand.u32 $0x7FFFFFF8, v2;
	v1 =	vld.idx.msk [tilespmem:v1+s3+$0x0], $0xffff;
	v0 =	vand.u32 $0x6, v0  }
0x86: {  	v0 =	vor.u32 v0, v2;
	_ =	sdelay $0x2  }
0x87: {  	s14 =	sadd.s32 $0x5780, s0  }
0x88: {  	v2 =	vadd.s32 s14, v3;
	[tilespmem:$0x6550] =	vst v1;
	v1 =	vmov s14  }
0x89: {  	v2 =	vand.u32 $0x7FFFFFF8, v2;
	v0 =	vld.idx.msk [tilespmem:v0+s3+$0x0], $0xffff;
	v1 =	vand.u32 $0x6, v1  }
0x8a: {  	v1 =	vor.u32 v1, v2;
	_ =	sdelay $0x3  }
0x8b: {  	[tilespmem:$0x6560] =	vst v0  }
0x8c: {  	s30 =	sshllo.u32 s29, $0x1;
	v0 =	vld.idx.msk [tilespmem:v1+s3+$0x0], $0xffff  }
0x8d: {  	v1 =	vadd.s32 s30, v3;
	_ =	sdelay $0x3  }
0x8e: {  	[tilespmem:$0x6570] =	vst v0  }
0x8f: {  	s17 =	sadd.s32 $0xC81, s0;
	v0 =	vld.idx.msk [tilespmem:v1+s3+$0x0], $0xffff  }
0x90: {  	v1 =	vadd.s32 s17, v3;
	_ =	sdelay $0x3  }
0x91: {  	[tilespmem:$0x6580] =	vst v0  }
0x92: {  	s18 =	sor.u32 $0x1901, s0;
	v0 =	vld.idx.msk [tilespmem:v1+s3+$0x0], $0xffff  }
0x93: {  	v1 =	vadd.s32 s18, v3;
	_ =	sdelay $0x3  }
0x94: {  	[tilespmem:$0x6590] =	vst v0  }
0x95: {  	s14 =	sadd.s32 $0x2581, s0;
	v0 =	vld.idx.msk [tilespmem:v1+s3+$0x0], $0xffff  }
0x96: {  	v1 =	vadd.s32 s14, v3;
	_ =	sdelay $0x3  }
0x97: {  	[tilespmem:$0x65A0] =	vst v0  }
0x98: {  	s17 =	sor.u32 $0x3201, s0;
	v0 =	vld.idx.msk [tilespmem:v1+s3+$0x0], $0xffff  }
0x99: {  	v1 =	vadd.s32 s17, v3;
	_ =	sdelay $0x3  }
0x9a: {  	[tilespmem:$0x65B0] =	vst v0  }
0x9b: {  	s18 =	sadd.s32 $0x3E81, s0;
	v0 =	vld.idx.msk [tilespmem:v1+s3+$0x0], $0xffff  }
0x9c: {  	v1 =	vadd.s32 s18, v3;
	_ =	sdelay $0x3  }
0x9d: {  	[tilespmem:$0x65C0] =	vst v0  }
0x9e: {  	s14 =	sor.u32 $0x4B01, s0;
	v0 =	vld.idx.msk [tilespmem:v1+s3+$0x0], $0xffff  }
0x9f: {  	v1 =	vadd.s32 s14, v3;
	_ =	sdelay $0x3  }
0xa0: {  	[tilespmem:$0x65D0] =	vst v0  }
0xa1: {  	s0 =	sadd.s32 $0x5781, s0;
	v0 =	vld.idx.msk [tilespmem:v1+s3+$0x0], $0xffff  }
0xa2: {  	v1 =	vadd.s32 s0, v3;
	_ =	sdelay $0x3  }
0xa3: {  	[tilespmem:$0x65E0] =	vst v0  }
0xa4: {  	v0 =	vld.idx.msk [tilespmem:v1+s3+$0x0], $0xffff;
	_ =	sdelay $0x4  }
0xa5: {  	s17 =	simm.s32 $0x6500;
	s18 =	simm.s32 $0x8600;
	[tilespmem:$0x65F0] =	vst v0  }
0xa6: {  	[tilespmem:s18], [sflag:$0x2] =	stream.indirect.gather [hbm4b:s4+s16], $0x20, s17, s16, $0xb8;
	[tilespmem:$0x10700] =	vst v63  }
0xa7: {  	_ =	swait.ge [sflag:s21], $0x2000  }
0xa8: {  	[sflag:s21] =	ssyncset.done $0x0  }
0xa9: {  	s0 =	simm.s32 $0x6700;
	[sflag:s21] =	ssyncadd.s32 $0xFFFFE000  }
0xaa: {  	v56 =	vld [tilespmem:s0+$0xFFFFFF00]  }
0xab: {  	v57 =	vld [tilespmem:s0+$0xFFFFFF10]  }
0xac: {  	v58 =	vld [tilespmem:s0+$0xFFFFFF20]  }
0xad: {  	v59 =	vld [tilespmem:s0+$0xFFFFFF30]  }
0xae: {  	v60 =	vld [tilespmem:s0+$0xFFFFFF40]  }
0xaf: {  	v61 =	vld [tilespmem:s0+$0xFFFFFF50]  }
0xb0: {  	v62 =	vld [tilespmem:s0+$0xFFFFFF60]  }
0xb1: {  	v63 =	vld [tilespmem:s0+$0xFFFFFF70]  }
0xb2: {  	v1 =	vld [tilespmem:s0+$0xFFFFFF80]  }
0xb3: {  	v2 =	vld [tilespmem:s0+$0xFFFFFF90]  }
0xb4: {  	v3 =	vld [tilespmem:s0+$0xFFFFFFA0]  }
0xb5: {  	v4 =	vld [tilespmem:s0+$0xFFFFFFB0]  }
0xb6: {  	v5 =	vld [tilespmem:s0+$0xFFFFFFC0]  }
0xb7: {  	v6 =	vld [tilespmem:s0+$0xFFFFFFD0]  }
0xb8: {  	v7 =	vld [tilespmem:s0+$0xFFFFFFE0]  }
0xb9: {  	v8 =	vld [tilespmem:s0+$0xFFFFFFF0]  }
0xba: {  	v9 =	vld [tilespmem:s0+$0x0]  }
0xbb: {  	v10 =	vld [tilespmem:s0+$0x10]  }
0xbc: {  	v11 =	vld [tilespmem:s0+$0x20]  }
0xbd: {  	v12 =	vld [tilespmem:s0+$0x30]  }
0xbe: {  	v13 =	vld [tilespmem:s0+$0x40]  }
0xbf: {  	v14 =	vld [tilespmem:s0+$0x50]  }
0xc0: {  	v15 =	vld [tilespmem:s0+$0x60]  }
0xc1: {  	v0 =	vld [tilespmem:s0+$0x70]  }
0xc2: {  	v16 =	vld [tilespmem:s0+$0x80]  }
0xc3: {  	v18 =	vld [tilespmem:s0+$0x90]  }
0xc4: {  	s31 =	sshll.u32 s28, $0x1;
	s5 =	simm.s32 $0x7FC;
	s17 =	simm.s32 $0x103C;
	v20 =	vld [tilespmem:s0+$0xF0]  }
.LBB2_3:
0xc5: {  	p0 =	sne.s32 s17, $0x83BC;
	v22 =	vld [tilespmem:s0+$0xA0]  }
0xc6: {  	v24 =	vld [tilespmem:s0+$0xB0]  }
0xc7: {  	v26 =	vld [tilespmem:s0+$0xC0]  }
0xc8: {  	s18 =	sshra.s32 s5, $0x2;
	s5 =	smov.u32 s17;
	v28 =	vld [tilespmem:s0+$0xD0]  }
0xc9: {  	v30 =	vld [tilespmem:s0+$0xE0];
	[tilespmem:s18+$0xA600] =	vst v20  }
0xca: {  	[tilespmem:s18+$0xA401] =	vst v56  }
0xcb: {  	[tilespmem:s18+$0xA411] =	vst v57  }
0xcc: {  	[tilespmem:s18+$0xA422] =	vst v58  }
0xcd: {  	[tilespmem:s18+$0xA432] =	vst v59  }
0xce: {  	[tilespmem:s18+$0xA443] =	vst v60  }
0xcf: {  	[tilespmem:s18+$0xA453] =	vst v61  }
0xd0: {  	[tilespmem:s18+$0xA464] =	vst v62  }
0xd1: {  	[tilespmem:s18+$0xA474] =	vst v63  }
0xd2: {  	[tilespmem:s18+$0xA485] =	vst v1  }
0xd3: {  	[tilespmem:s18+$0xA495] =	vst v2  }
0xd4: {  	[tilespmem:s18+$0xA4A6] =	vst v3  }
0xd5: {  	[tilespmem:s18+$0xA4B6] =	vst v4  }
0xd6: {  	[tilespmem:s18+$0xA4C7] =	vst v5  }
0xd7: {  	[tilespmem:s18+$0xA4D7] =	vst v6  }
0xd8: {  	[tilespmem:s18+$0xA4E8] =	vst v7  }
0xd9: {  	[tilespmem:s18+$0xA4F8] =	vst v8  }
0xda: {  	[tilespmem:s18+$0xA509] =	vst v9  }
0xdb: {  	[tilespmem:s18+$0xA519] =	vst v10  }
0xdc: {  	[tilespmem:s18+$0xA52A] =	vst v11  }
0xdd: {  	[tilespmem:s18+$0xA53A] =	vst v12  }
0xde: {  	[tilespmem:s18+$0xA54B] =	vst v13  }
0xdf: {  	[tilespmem:s18+$0xA55B] =	vst v14  }
0xe0: {  	[tilespmem:s18+$0xA56C] =	vst v15  }
0xe1: {  	[tilespmem:s18+$0xA57C] =	vst v0  }
0xe2: {  	[tilespmem:s18+$0xA58D] =	vst v16  }
0xe3: {  	[tilespmem:s18+$0xA59D] =	vst v18  }
0xe4: {  	[tilespmem:s18+$0xA5AE] =	vst v22  }
0xe5: {  	[tilespmem:s18+$0xA5BE] =	vst v24  }
0xe6: {  	[tilespmem:s18+$0xA5CF] =	vst v26  }
0xe7: {  	[tilespmem:s18+$0xA5DF] =	vst v28  }
0xe8: {  	s0 =	sadd.s32 $0x200, s0;
	[tilespmem:s18+$0xA5F0] =	vst v30  }
0xe9: {  	v56 =	vld [tilespmem:s0+$0xFFFFFF00]  }
0xea: {  	v57 =	vld [tilespmem:s0+$0xFFFFFF10]  }
0xeb: {  	v58 =	vld [tilespmem:s0+$0xFFFFFF20]  }
0xec: {  	v59 =	vld [tilespmem:s0+$0xFFFFFF30]  }
0xed: {  	v60 =	vld [tilespmem:s0+$0xFFFFFF40]  }
0xee: {  	v61 =	vld [tilespmem:s0+$0xFFFFFF50]  }
0xef: {  	v62 =	vld [tilespmem:s0+$0xFFFFFF60]  }
0xf0: {  	v63 =	vld [tilespmem:s0+$0xFFFFFF70]  }
0xf1: {  	v1 =	vld [tilespmem:s0+$0xFFFFFF80]  }
0xf2: {  	v2 =	vld [tilespmem:s0+$0xFFFFFF90]  }
0xf3: {  	v3 =	vld [tilespmem:s0+$0xFFFFFFA0]  }
0xf4: {  	v4 =	vld [tilespmem:s0+$0xFFFFFFB0]  }
0xf5: {  	v5 =	vld [tilespmem:s0+$0xFFFFFFC0]  }
0xf6: {  	v6 =	vld [tilespmem:s0+$0xFFFFFFD0]  }
0xf7: {  	v7 =	vld [tilespmem:s0+$0xFFFFFFE0]  }
0xf8: {  	v8 =	vld [tilespmem:s0+$0xFFFFFFF0]  }
0xf9: {  	v9 =	vld [tilespmem:s0+$0x0]  }
0xfa: {  	v10 =	vld [tilespmem:s0+$0x10]  }
0xfb: {  	v11 =	vld [tilespmem:s0+$0x20]  }
0xfc: {  	v12 =	vld [tilespmem:s0+$0x30]  }
0xfd: {  	v13 =	vld [tilespmem:s0+$0x40]  }
0xfe: {  	v14 =	vld [tilespmem:s0+$0x50]  }
.Ltmp0:
0xff: {  	v15 =	vld [tilespmem:s0+$0x60];
	(pc) =	sbr.rel @p0 .LBB2_3-.Ltmp0, $4  }
0x100: {  	v0 =	vld [tilespmem:s0+$0x70]  }
0x101: {  	v16 =	vld [tilespmem:s0+$0x80]  }
0x102: {  	v18 =	vld [tilespmem:s0+$0x90]  }
0x103: {  	s17 =	sadd.s32 $0x840, s17;
	v20 =	vld [tilespmem:s0+$0xF0]  }
0x104: {  	v22 =	vld [tilespmem:s0+$0xA0]  }
0x105: {  	v24 =	vld [tilespmem:s0+$0xB0]  }
0x106: {  	v26 =	vld [tilespmem:s0+$0xC0]  }
0x107: {  	v28 =	vld [tilespmem:s0+$0xD0];
	s5 =	sshra.s32 s5, $0x2  }
0x108: {  	v30 =	vld [tilespmem:s0+$0xE0];
	[tilespmem:s5+$0xA401] =	vst v56  }
0x109: {  	[tilespmem:s5+$0xA411] =	vst v57  }
0x10a: {  	[tilespmem:s5+$0xA422] =	vst v58  }
0x10b: {  	[tilespmem:s5+$0xA432] =	vst v59  }
0x10c: {  	[tilespmem:s5+$0xA443] =	vst v60  }
0x10d: {  	[tilespmem:s5+$0xA453] =	vst v61  }
0x10e: {  	[tilespmem:s5+$0xA464] =	vst v62  }
0x10f: {  	[tilespmem:s5+$0xA474] =	vst v63  }
0x110: {  	v40 =	vld [tilespmem:$0x1FE70];
	[tilespmem:s5+$0xA485] =	vst v1  }
0x111: {  	v41 =	vld [tilespmem:$0x1FE80];
	[tilespmem:s5+$0xA495] =	vst v2  }
0x112: {  	v42 =	vld [tilespmem:$0x1FE90];
	[tilespmem:s5+$0xA4A6] =	vst v3  }
0x113: {  	v43 =	vld [tilespmem:$0x1FEA0];
	[tilespmem:s5+$0xA4B6] =	vst v4  }
0x114: {  	v44 =	vld [tilespmem:$0x1FEB0];
	[tilespmem:s5+$0xA4C7] =	vst v5  }
0x115: {  	v45 =	vld [tilespmem:$0x1FEC0];
	[tilespmem:s5+$0xA4D7] =	vst v6  }
0x116: {  	v46 =	vld [tilespmem:$0x1FED0];
	[tilespmem:s5+$0xA4E8] =	vst v7  }
0x117: {  	v47 =	vld [tilespmem:$0x1FEE0];
	[tilespmem:s5+$0xA4F8] =	vst v8  }
0x118: {  	v48 =	vld [tilespmem:$0x1FEF0];
	[tilespmem:s5+$0xA509] =	vst v9  }
0x119: {  	v49 =	vld [tilespmem:$0x1FF00];
	[tilespmem:s5+$0xA519] =	vst v10  }
0x11a: {  	v50 =	vld [tilespmem:$0x1FF10];
	[tilespmem:s5+$0xA52A] =	vst v11  }
0x11b: {  	v51 =	vld [tilespmem:$0x1FF20];
	[tilespmem:s5+$0xA53A] =	vst v12  }
0x11c: {  	v52 =	vld [tilespmem:$0x1FF30];
	[tilespmem:s5+$0xA54B] =	vst v13  }
0x11d: {  	v53 =	vld [tilespmem:$0x1FF40];
	[tilespmem:s5+$0xA55B] =	vst v14  }
0x11e: {  	v54 =	vld [tilespmem:$0x1FF50];
	[tilespmem:s5+$0xA56C] =	vst v15  }
0x11f: {  	v55 =	vld [tilespmem:$0x1FF60];
	[tilespmem:s5+$0xA57C] =	vst v0  }
0x120: {  	v32 =	vld [tilespmem:$0x1FF70];
	[tilespmem:s5+$0xA58D] =	vst v16  }
0x121: {  	v33 =	vld [tilespmem:$0x1FF80];
	[tilespmem:s5+$0xA59D] =	vst v18  }
0x122: {  	v34 =	vld [tilespmem:$0x1FF90];
	[tilespmem:s5+$0xA600] =	vst v20  }
0x123: {  	v35 =	vld [tilespmem:$0x1FFA0];
	[tilespmem:s5+$0xA5AE] =	vst v22  }
0x124: {  	v36 =	vld [tilespmem:$0x1FFB0];
	[tilespmem:s5+$0xA5BE] =	vst v24  }
0x125: {  	v37 =	vld [tilespmem:$0x1FFC0];
	[tilespmem:s5+$0xA5CF] =	vst v26  }
0x126: {  	v38 =	vld [tilespmem:$0x1FFD0];
	[tilespmem:s5+$0xA5DF] =	vst v28  }
0x127: {  	s0 =	simm.s32 $0x0;
	s17 =	simm.s32 $0x0;
	v39 =	vld [tilespmem:$0x1FFF0];
	[tilespmem:s5+$0xA5F0] =	vst v30;
	s5 =	simm.s32 $0x0  }
.LBB2_5:
0x128: {  	v0 =	vmov s0;
	v1 =	vld [tilespmem:$0x1FFE0]  }
0x129: {  	v2 =	vld [tilespmem:$0x1FE00];
	v0 =	vmul.u32 $0x21, v0  }
0x12a: {  	v3 =	vld [tilespmem:$0x1FE10]  }
0x12b: {  	v4 =	vld [tilespmem:$0x1FE20];
	v0 =	vbroadcast v0, $0x0  }
0x12c: {  	v5 =	vld [tilespmem:$0x1FE30]  }
0x12d: {  	v6 =	vld [tilespmem:$0x1FE40];
	v1 =	vadd.s32 v1, v0  }
0x12e: {  	v7 =	vld [tilespmem:$0x1FE50];
	v2 =	vadd.s32 v2, v0;
	v1 =	vand.u32 $0xFFFFFFF8, v1  }
0x12f: {  	v8 =	vld [tilespmem:$0x1FE60];
	v3 =	vadd.s32 v3, v0;
	v2 =	vand.u32 $0xFFFFFFF8, v2;
	v1 =	vor.u32 v17, v1  }
0x130: {  	v4 =	vadd.s32 v4, v0;
	v3 =	vand.u32 $0xFFFFFFF8, v3;
	v2 =	vor.u32 v19, v2  }
0x131: {  	v5 =	vadd.s32 v5, v0;
	v4 =	vand.u32 $0xFFFFFFF8, v4;
	v3 =	vor.u32 v21, v3  }
0x132: {  	v6 =	vadd.s32 v6, v0;
	v5 =	vand.u32 $0xFFFFFFF8, v5;
	v4 =	vor.u32 v23, v4  }
0x133: {  	v7 =	vadd.s32 v7, v0;
	v6 =	vand.u32 $0xFFFFFFF8, v6;
	v5 =	vor.u32 v25, v5  }
0x134: {  	v8 =	vadd.s32 v8, v0;
	v7 =	vand.u32 $0xFFFFFFF8, v7;
	v6 =	vor.u32 v27, v6;
	v1 =	vld.idx.msk [tilespmem:v1+s22+$0x0], $0xffff  }
0x135: {  	v9 =	vadd.s32 v40, v0;
	v8 =	vand.u32 $0xFFFFFFF8, v8;
	v7 =	vor.u32 v29, v7;
	v2 =	vld.idx.msk [tilespmem:v2+s22+$0x0], $0xffff  }
0x136: {  	v10 =	vadd.s32 v41, v0;
	v9 =	vand.u32 $0xFFFFFFF8, v9;
	v8 =	vor.u32 v31, v8;
	v3 =	vld.idx.msk [tilespmem:v3+s22+$0x0], $0xffff  }
0x137: {  	v11 =	vadd.s32 v42, v0;
	v10 =	vand.u32 $0xFFFFFFF8, v10;
	v9 =	vor.u32 v17, v9;
	v4 =	vld.idx.msk [tilespmem:v4+s22+$0x0], $0xffff  }
0x138: {  	v12 =	vadd.s32 v43, v0;
	v11 =	vand.u32 $0xFFFFFFF8, v11;
	v10 =	vor.u32 v19, v10;
	v5 =	vld.idx.msk [tilespmem:v5+s22+$0x0], $0xffff  }
0x139: {  	v13 =	vadd.s32 v44, v0;
	v12 =	vand.u32 $0xFFFFFFF8, v12;
	v11 =	vor.u32 v21, v11;
	v6 =	vld.idx.msk [tilespmem:v6+s22+$0x0], $0xffff  }
0x13a: {  	v14 =	vadd.s32 v45, v0;
	v13 =	vand.u32 $0xFFFFFFF8, v13;
	v12 =	vor.u32 v23, v12;
	v7 =	vld.idx.msk [tilespmem:v7+s22+$0x0], $0xffff  }
0x13b: {  	v15 =	vadd.s32 v46, v0;
	v14 =	vand.u32 $0xFFFFFFF8, v14;
	v13 =	vor.u32 v25, v13;
	v8 =	vld.idx.msk [tilespmem:v8+s22+$0x0], $0xffff  }
0x13c: {  	v16 =	vadd.s32 v47, v0;
	v15 =	vand.u32 $0xFFFFFFF8, v15;
	v14 =	vor.u32 v27, v14;
	v9 =	vld.idx.msk [tilespmem:v9+s22+$0x0], $0xffff  }
0x13d: {  	v18 =	vadd.s32 v48, v0;
	v16 =	vand.u32 $0xFFFFFFF8, v16;
	v15 =	vor.u32 v29, v15;
	v10 =	vld.idx.msk [tilespmem:v10+s22+$0x0], $0xffff  }
0x13e: {  	v20 =	vadd.s32 v49, v0;
	v18 =	vand.u32 $0xFFFFFFF8, v18;
	v16 =	vor.u32 v31, v16;
	v11 =	vld.idx.msk [tilespmem:v11+s22+$0x0], $0xffff  }
0x13f: {  	v22 =	vadd.s32 v50, v0;
	v20 =	vand.u32 $0xFFFFFFF8, v20;
	v18 =	vor.u32 v17, v18;
	v12 =	vld.idx.msk [tilespmem:v12+s22+$0x0], $0xffff  }
0x140: {  	v24 =	vadd.s32 v51, v0;
	v22 =	vand.u32 $0xFFFFFFF8, v22;
	v20 =	vor.u32 v19, v20;
	v13 =	vld.idx.msk [tilespmem:v13+s22+$0x0], $0xffff  }
0x141: {  	v26 =	vadd.s32 v52, v0;
	v24 =	vand.u32 $0xFFFFFFF8, v24;
	v22 =	vor.u32 v21, v22;
	v14 =	vld.idx.msk [tilespmem:v14+s22+$0x0], $0xffff  }
0x142: {  	v28 =	vadd.s32 v53, v0;
	v26 =	vand.u32 $0xFFFFFFF8, v26;
	v24 =	vor.u32 v23, v24;
	v15 =	vld.idx.msk [tilespmem:v15+s22+$0x0], $0xffff  }
0x143: {  	v30 =	vadd.s32 v54, v0;
	v28 =	vand.u32 $0xFFFFFFF8, v28;
	v26 =	vor.u32 v25, v26;
	v16 =	vld.idx.msk [tilespmem:v16+s22+$0x0], $0xffff  }
0x144: {  	v56 =	vadd.s32 v55, v0;
	v30 =	vand.u32 $0xFFFFFFF8, v30;
	v28 =	vor.u32 v27, v28;
	v18 =	vld.idx.msk [tilespmem:v18+s22+$0x0], $0xffff  }
0x145: {  	v57 =	vadd.s32 v32, v0;
	v56 =	vand.u32 $0xFFFFFFF8, v56;
	v30 =	vor.u32 v29, v30;
	v20 =	vld.idx.msk [tilespmem:v20+s22+$0x0], $0xffff  }
0x146: {  	v58 =	vadd.s32 v33, v0;
	v57 =	vand.u32 $0xFFFFFFF8, v57;
	v56 =	vor.u32 v31, v56;
	v22 =	vld.idx.msk [tilespmem:v22+s22+$0x0], $0xffff  }
0x147: {  	v59 =	vadd.s32 v34, v0;
	v58 =	vand.u32 $0xFFFFFFF8, v58;
	v57 =	vor.u32 v17, v57;
	v24 =	vld.idx.msk [tilespmem:v24+s22+$0x0], $0xffff  }
0x148: {  	v60 =	vadd.s32 v35, v0;
	v59 =	vand.u32 $0xFFFFFFF8, v59;
	v58 =	vor.u32 v19, v58;
	v26 =	vld.idx.msk [tilespmem:v26+s22+$0x0], $0xffff  }
0x149: {  	v61 =	vadd.s32 v36, v0;
	v60 =	vand.u32 $0xFFFFFFF8, v60;
	v59 =	vor.u32 v21, v59;
	v28 =	vld.idx.msk [tilespmem:v28+s22+$0x0], $0xffff  }
0x14a: {  	v62 =	vadd.s32 v37, v0;
	v61 =	vand.u32 $0xFFFFFFF8, v61;
	v60 =	vor.u32 v23, v60;
	v30 =	vld.idx.msk [tilespmem:v30+s22+$0x0], $0xffff  }
0x14b: {  	v63 =	vadd.s32 v38, v0;
	v62 =	vand.u32 $0xFFFFFFF8, v62;
	v61 =	vor.u32 v25, v61;
	v56 =	vld.idx.msk [tilespmem:v56+s22+$0x0], $0xffff  }
0x14c: {  	v0 =	vadd.s32 v39, v0;
	v63 =	vand.u32 $0xFFFFFFF8, v63;
	v62 =	vor.u32 v27, v62;
	v57 =	vld.idx.msk [tilespmem:v57+s22+$0x0], $0xffff  }
0x14d: {  	v0 =	vand.u32 $0xFFFFFFF8, v0;
	v63 =	vor.u32 v29, v63;
	v58 =	vld.idx.msk [tilespmem:v58+s22+$0x0], $0xffff  }
0x14e: {  	s18 =	sshrl.u32 s17, $0x3;
	v0 =	vor.u32 v31, v0;
	v59 =	vld.idx.msk [tilespmem:v59+s22+$0x0], $0xffff  }
0x14f: {  	s18 =	smul.u32 $0x3E00, s18;
	v60 =	vld.idx.msk [tilespmem:v60+s22+$0x0], $0xffff  }
0x150: {  	v61 =	vld.idx.msk [tilespmem:v61+s22+$0x0], $0xffff  }
0x151: {  	s14 =	sshra.s32 s5, $0x2;
	s18 =	sshra.s32 s18, $0x2;
	v62 =	vld.idx.msk [tilespmem:v62+s22+$0x0], $0xffff;
	v1 =	vmul.f32 $5.656854150e+00, v1  }
0x152: {  	s18 =	sadd.s32 s14, s18;
	v63 =	vld.idx.msk [tilespmem:v63+s22+$0x0], $0xffff;
	v2 =	vmul.f32 $5.656854150e+00, v2  }
0x153: {  	v0 =	vld.idx.msk [tilespmem:v0+s22+$0x0], $0xffff;
	v4 =	vmul.f32 $5.656854150e+00, v4;
	[tilespmem:s18+$0xC700] =	vst v1  }
0x154: {  	v5 =	vmul.f32 $5.656854150e+00, v5;
	[tilespmem:s18+$0xC780] =	vst v2  }
0x155: {  	v6 =	vmul.f32 $5.656854150e+00, v6;
	[tilespmem:s18+$0xC880] =	vst v4  }
0x156: {  	v7 =	vmul.f32 $5.656854150e+00, v7;
	[tilespmem:s18+$0xC900] =	vst v5  }
0x157: {  	v8 =	vmul.f32 $5.656854150e+00, v8;
	[tilespmem:s18+$0xC980] =	vst v6  }
0x158: {  	v9 =	vmul.f32 $5.656854150e+00, v9;
	[tilespmem:s18+$0xCA00] =	vst v7  }
0x159: {  	v10 =	vmul.f32 $5.656854150e+00, v10;
	[tilespmem:s18+$0xCA80] =	vst v8  }
0x15a: {  	v11 =	vmul.f32 $5.656854150e+00, v11;
	[tilespmem:s18+$0xCB00] =	vst v9  }
0x15b: {  	v12 =	vmul.f32 $5.656854150e+00, v12;
	[tilespmem:s18+$0xCB80] =	vst v10  }
0x15c: {  	v56 =	vmul.f32 $5.656854150e+00, v56;
	[tilespmem:s18+$0xCC00] =	vst v11  }
0x15d: {  	v57 =	vmul.f32 $5.656854150e+00, v57;
	[tilespmem:s18+$0xCC80] =	vst v12  }
0x15e: {  	v58 =	vmul.f32 $5.656854150e+00, v58;
	[tilespmem:s18+$0xD280] =	vst v56  }
0x15f: {  	v59 =	vmul.f32 $5.656854150e+00, v59;
	[tilespmem:s18+$0xD300] =	vst v57  }
0x160: {  	v60 =	vmul.f32 $5.656854150e+00, v60;
	[tilespmem:s18+$0xD380] =	vst v58  }
0x161: {  	v61 =	vmul.f32 $5.656854150e+00, v61;
	[tilespmem:s18+$0xD400] =	vst v59  }
0x162: {  	v62 =	vmul.f32 $5.656854150e+00, v62;
	[tilespmem:s18+$0xD480] =	vst v60  }
0x163: {  	v63 =	vmul.f32 $5.656854150e+00, v63;
	[tilespmem:s18+$0xD500] =	vst v61  }
0x164: {  	v0 =	vmul.f32 $5.656854150e+00, v0;
	[tilespmem:s18+$0xD580] =	vst v62  }
0x165: {  	v1 =	vmul.f32 $5.656854150e+00, v3;
	[tilespmem:s18+$0xD600] =	vst v63  }
0x166: {  	v4 =	vmul.f32 $5.656854150e+00, v13;
	[tilespmem:s18+$0xD680] =	vst v0  }
0x167: {  	v5 =	vmul.f32 $5.656854150e+00, v14;
	[tilespmem:s18+$0xC800] =	vst v1  }
0x168: {  	v6 =	vmul.f32 $5.656854150e+00, v15;
	[tilespmem:s18+$0xCD00] =	vst v4  }
0x169: {  	v7 =	vmul.f32 $5.656854150e+00, v16;
	[tilespmem:s18+$0xCD80] =	vst v5  }
0x16a: {  	v8 =	vmul.f32 $5.656854150e+00, v18;
	[tilespmem:s18+$0xCE00] =	vst v6  }
0x16b: {  	v9 =	vmul.f32 $5.656854150e+00, v20;
	[tilespmem:s18+$0xCE80] =	vst v7  }
0x16c: {  	v10 =	vmul.f32 $5.656854150e+00, v22;
	[tilespmem:s18+$0xCF00] =	vst v8  }
0x16d: {  	p0 =	sne.s32 s5, $0x3C0;
	v11 =	vmul.f32 $5.656854150e+00, v24;
	[tilespmem:s18+$0xCF80] =	vst v9  }
.Ltmp1:
0x16e: {  	v12 =	vmul.f32 $5.656854150e+00, v26;
	[tilespmem:s18+$0xD000] =	vst v10;
	(pc) =	sbr.rel @p0 .LBB2_5-.Ltmp1, $4  }
0x16f: {  	v13 =	vmul.f32 $5.656854150e+00, v28;
	[tilespmem:s18+$0xD080] =	vst v11  }
0x170: {  	v14 =	vmul.f32 $5.656854150e+00, v30;
	[tilespmem:s18+$0xD100] =	vst v12  }
0x171: {  	[tilespmem:s18+$0xD180] =	vst v13  }
0x172: {  	s17 =	sadd.s32 $0x1, s17;
	s0 =	sadd.s32 $0x10, s0;
	s5 =	sadd.s32 $0x40, s5;
	[tilespmem:s18+$0xD200] =	vst v14  }
0x173: {  	s0 =	sshll.u32 s28, $0x13  }
0x174: {  	s0 =	sor.u32 s6, s0  }
0x175: {  	s5 =	sshrl.u32 s0, $0x3  }
0x176: {  	s14 =	simm.s32 $0xC700;
	s0 =	sadd.s32 s2, s5  }
0x177: {  	[hbm4b:s0+s3] =	stream.linear.scatter [tilespmem:s14], [sflag:$0x3], $0x400, $0x38;
	[tilespmem:$0x10700] =	vst v63  }
0x178: {  	s18 =	simm.s32 $0xCB00;
	s17 =	sadd.s32 s5, s7  }
0x179: {  	[hbm4b:s17+s3] =	stream.linear.scatter [tilespmem:s18], [sflag:$0x3], $0x400, $0x38;
	[tilespmem:$0x10700] =	vst v63  }
0x17a: {  	s17 =	sadd.s32 s5, s8;
	s18 =	simm.s32 $0xCF00  }
0x17b: {  	v3 =	vld [tilespmem:$0x1FDE0];
	[hbm4b:s17+s3] =	stream.linear.scatter [tilespmem:s18], [sflag:$0x3], $0x400, $0x38  }
0x17c: {  	s18 =	smin.u32 s31, $0x60  }
0x17d: {  	s14 =	sadd.s32 s5, s9;
	s17 =	simm.s32 $0xD300;
	s0 =	sshll.u32 s18, $0x1  }
0x17e: {  	[hbm4b:s14+s3] =	stream.linear.scatter [tilespmem:s17], [sflag:$0x3], $0x400, $0x38;
	[tilespmem:$0x10700] =	vst v63  }
0x17f: {  	s31 =	sadd.s32 s5, s10;
	s18 =	simm.s32 $0xD700;
	s17 =	sadd.s32 $0x4, s0  }
0x180: {  	v0 =	vmov s17;
	v1 =	vadd.s32 s17, v3;
	[hbm4b:s31+s3] =	stream.linear.scatter [tilespmem:s18], [sflag:$0x3], $0x400, $0x38;
	[tilespmem:$0x10700] =	vst v63  }
0x181: {  	s18 =	sadd.s32 s5, s11;
	v1 =	vand.u32 $0x7FFFFFF8, v1;
	v0 =	vand.u32 $0x4, v0;
	s31 =	simm.s32 $0xDB00  }
0x182: {  	v0 =	vor.u32 v0, v1;
	[hbm4b:s18+s3] =	stream.linear.scatter [tilespmem:s31], [sflag:$0x3], $0x400, $0x38;
	[tilespmem:$0x10700] =	vst v63  }
0x183: {  	s18 =	sadd.s32 s5, s12;
	s31 =	simm.s32 $0xDF00  }
0x184: {  	[hbm4b:s18+s3] =	stream.linear.scatter [tilespmem:s31], [sflag:$0x3], $0x400, $0x38;
	[tilespmem:$0x10700] =	vst v63  }
0x185: {  	s5 =	sadd.s32 s5, s13;
	s18 =	sadd.s32 $0xC84, s0;
	s31 =	simm.s32 $0xE300  }
0x186: {  	v1 =	vmov s18;
	v2 =	vadd.s32 s18, v3;
	[hbm4b:s5+s3] =	stream.linear.scatter [tilespmem:s31], [sflag:$0x3], $0x400, $0x38;
	[tilespmem:$0x10700] =	vst v63  }
0x187: {  	v2 =	vand.u32 $0x7FFFFFF8, v2;
	v1 =	vand.u32 $0x4, v1;
	v0 =	vld.idx.msk [tilespmem:v0+s3+$0x0], $0xffff  }
0x188: {  	v1 =	vor.u32 v1, v2;
	_ =	sdelay $0x2  }
0x189: {  	s17 =	sadd.s32 $0x1904, s0  }
0x18a: {  	v2 =	vadd.s32 s17, v3;
	[tilespmem:$0x6400] =	vst v0;
	v0 =	vmov s17  }
0x18b: {  	v2 =	vand.u32 $0x7FFFFFF8, v2;
	v1 =	vld.idx.msk [tilespmem:v1+s3+$0x0], $0xffff;
	v0 =	vand.u32 $0x4, v0  }
0x18c: {  	v0 =	vor.u32 v0, v2;
	_ =	sdelay $0x2  }
0x18d: {  	s18 =	sadd.s32 $0x2584, s0  }
0x18e: {  	v2 =	vadd.s32 s18, v3;
	[tilespmem:$0x6410] =	vst v1;
	v1 =	vmov s18  }
0x18f: {  	v2 =	vand.u32 $0x7FFFFFF8, v2;
	v0 =	vld.idx.msk [tilespmem:v0+s3+$0x0], $0xffff;
	v1 =	vand.u32 $0x4, v1  }
0x190: {  	v1 =	vor.u32 v1, v2;
	_ =	sdelay $0x2  }
0x191: {  	s31 =	sadd.s32 $0x3204, s0  }
0x192: {  	v2 =	vadd.s32 s31, v3;
	[tilespmem:$0x6420] =	vst v0;
	v0 =	vmov s31  }
0x193: {  	v2 =	vand.u32 $0x7FFFFFF8, v2;
	v1 =	vld.idx.msk [tilespmem:v1+s3+$0x0], $0xffff;
	v0 =	vand.u32 $0x4, v0  }
0x194: {  	v0 =	vor.u32 v0, v2;
	_ =	sdelay $0x2  }
0x195: {  	s14 =	sadd.s32 $0x3E84, s0  }
0x196: {  	v2 =	vadd.s32 s14, v3;
	[tilespmem:$0x6430] =	vst v1;
	v1 =	vmov s14  }
0x197: {  	v2 =	vand.u32 $0x7FFFFFF8, v2;
	v0 =	vld.idx.msk [tilespmem:v0+s3+$0x0], $0xffff;
	v1 =	vand.u32 $0x4, v1  }
0x198: {  	v1 =	vor.u32 v1, v2;
	_ =	sdelay $0x2  }
0x199: {  	s17 =	sadd.s32 $0x4B04, s0  }
0x19a: {  	v2 =	vadd.s32 s17, v3;
	[tilespmem:$0x6440] =	vst v0;
	v0 =	vmov s17  }
0x19b: {  	v2 =	vand.u32 $0x7FFFFFF8, v2;
	v1 =	vld.idx.msk [tilespmem:v1+s3+$0x0], $0xffff;
	v0 =	vand.u32 $0x4, v0  }
0x19c: {  	v0 =	vor.u32 v0, v2;
	_ =	sdelay $0x2  }
0x19d: {  	s18 =	sadd.s32 $0x5784, s0  }
0x19e: {  	v2 =	vadd.s32 s18, v3;
	[tilespmem:$0x6450] =	vst v1;
	v1 =	vmov s18  }
0x19f: {  	v2 =	vand.u32 $0x7FFFFFF8, v2;
	v0 =	vld.idx.msk [tilespmem:v0+s3+$0x0], $0xffff;
	v1 =	vand.u32 $0x4, v1  }
0x1a0: {  	v1 =	vor.u32 v1, v2;
	_ =	sdelay $0x3  }
0x1a1: {  	[tilespmem:$0x6460] =	vst v0  }
0x1a2: {  	s31 =	sadd.s32 $0x5, s0;
	v0 =	vld.idx.msk [tilespmem:v1+s3+$0x0], $0xffff  }
0x1a3: {  	v1 =	vadd.s32 s31, v3;
	_ =	sdelay $0x3  }
0x1a4: {  	[tilespmem:$0x6470] =	vst v0  }
0x1a5: {  	s14 =	sadd.s32 $0xC85, s0;
	v0 =	vld.idx.msk [tilespmem:v1+s3+$0x0], $0xffff  }
0x1a6: {  	v1 =	vadd.s32 s14, v3;
	_ =	sdelay $0x3  }
0x1a7: {  	[tilespmem:$0x6480] =	vst v0  }
0x1a8: {  	s17 =	sadd.s32 $0x1905, s0;
	v0 =	vld.idx.msk [tilespmem:v1+s3+$0x0], $0xffff  }
0x1a9: {  	v1 =	vadd.s32 s17, v3;
	_ =	sdelay $0x3  }
0x1aa: {  	[tilespmem:$0x6490] =	vst v0  }
0x1ab: {  	s18 =	sadd.s32 $0x2585, s0;
	v0 =	vld.idx.msk [tilespmem:v1+s3+$0x0], $0xffff  }
0x1ac: {  	v1 =	vadd.s32 s18, v3;
	_ =	sdelay $0x3  }
0x1ad: {  	[tilespmem:$0x64A0] =	vst v0  }
0x1ae: {  	s31 =	sadd.s32 $0x3205, s0;
	v0 =	vld.idx.msk [tilespmem:v1+s3+$0x0], $0xffff  }
0x1af: {  	v1 =	vadd.s32 s31, v3;
	_ =	sdelay $0x3  }
0x1b0: {  	[tilespmem:$0x64B0] =	vst v0  }
0x1b1: {  	s14 =	sadd.s32 $0x3E85, s0;
	v0 =	vld.idx.msk [tilespmem:v1+s3+$0x0], $0xffff  }
0x1b2: {  	v1 =	vadd.s32 s14, v3;
	_ =	sdelay $0x3  }
0x1b3: {  	[tilespmem:$0x64C0] =	vst v0  }
0x1b4: {  	s17 =	sadd.s32 $0x4B05, s0;
	v0 =	vld.idx.msk [tilespmem:v1+s3+$0x0], $0xffff  }
0x1b5: {  	v1 =	vadd.s32 s17, v3;
	_ =	sdelay $0x3  }
0x1b6: {  	[tilespmem:$0x64D0] =	vst v0  }
0x1b7: {  	s0 =	sadd.s32 $0x5785, s0;
	v0 =	vld.idx.msk [tilespmem:v1+s3+$0x0], $0xffff  }
0x1b8: {  	v1 =	vadd.s32 s0, v3;
	_ =	sdelay $0x3  }
0x1b9: {  	[tilespmem:$0x64E0] =	vst v0  }
0x1ba: {  	v0 =	vld.idx.msk [tilespmem:v1+s3+$0x0], $0xffff;
	_ =	sdelay $0x4  }
0x1bb: {  	s18 =	simm.s32 $0x6400;
	s31 =	simm.s32 $0x6600;
	[tilespmem:$0x64F0] =	vst v0  }
0x1bc: {  	[tilespmem:s31], [sflag:$0x1] =	stream.indirect.gather [hbm4b:s4+s16], $0x20, s18, s16, $0xb8;
	[tilespmem:$0x10700] =	vst v63  }
0x1bd: {  	_ =	swait.ge [sflag:s1], $0x2000  }
0x1be: {  	[sflag:s1] =	ssyncset.done $0x0  }
0x1bf: {  	s0 =	simm.s32 $0x8700;
	[sflag:s1] =	ssyncadd.s32 $0xFFFFE000  }
0x1c0: {  	v0 =	vld [tilespmem:s0+$0xFFFFFF00]  }
0x1c1: {  	v1 =	vld [tilespmem:s0+$0xFFFFFF10]  }
0x1c2: {  	v2 =	vld [tilespmem:s0+$0xFFFFFF20]  }
0x1c3: {  	v3 =	vld [tilespmem:s0+$0xFFFFFF30]  }
0x1c4: {  	v4 =	vld [tilespmem:s0+$0xFFFFFF40]  }
0x1c5: {  	v5 =	vld [tilespmem:s0+$0xFFFFFF50]  }
0x1c6: {  	v6 =	vld [tilespmem:s0+$0xFFFFFF60]  }
0x1c7: {  	v7 =	vld [tilespmem:s0+$0xFFFFFF70]  }
0x1c8: {  	v8 =	vld [tilespmem:s0+$0xFFFFFF80]  }
0x1c9: {  	v9 =	vld [tilespmem:s0+$0xFFFFFF90]  }
0x1ca: {  	v10 =	vld [tilespmem:s0+$0xFFFFFFA0]  }
0x1cb: {  	v11 =	vld [tilespmem:s0+$0xFFFFFFB0]  }
0x1cc: {  	v12 =	vld [tilespmem:s0+$0xFFFFFFC0]  }
0x1cd: {  	v13 =	vld [tilespmem:s0+$0xFFFFFFD0]  }
0x1ce: {  	v14 =	vld [tilespmem:s0+$0xFFFFFFE0]  }
0x1cf: {  	v15 =	vld [tilespmem:s0+$0xFFFFFFF0]  }
0x1d0: {  	v16 =	vld [tilespmem:s0+$0x0]  }
0x1d1: {  	v18 =	vld [tilespmem:s0+$0x10]  }
0x1d2: {  	v56 =	vld [tilespmem:s0+$0x20]  }
0x1d3: {  	v57 =	vld [tilespmem:s0+$0x30]  }
0x1d4: {  	v58 =	vld [tilespmem:s0+$0x40]  }
0x1d5: {  	v59 =	vld [tilespmem:s0+$0x50]  }
0x1d6: {  	v60 =	vld [tilespmem:s0+$0x60]  }
0x1d7: {  	v61 =	vld [tilespmem:s0+$0x70]  }
0x1d8: {  	v62 =	vld [tilespmem:s0+$0x80]  }
0x1d9: {  	v63 =	vld [tilespmem:s0+$0x90]  }
0x1da: {  	s5 =	simm.s32 $0x7FC;
	s17 =	simm.s32 $0x103C;
	v20 =	vld [tilespmem:s0+$0xF0]  }
.LBB2_7:
0x1db: {  	p0 =	sne.s32 s17, $0x83BC;
	v22 =	vld [tilespmem:s0+$0xA0]  }
0x1dc: {  	v24 =	vld [tilespmem:s0+$0xB0]  }
0x1dd: {  	v26 =	vld [tilespmem:s0+$0xC0]  }
0x1de: {  	s18 =	sshra.s32 s5, $0x2;
	s5 =	smov.u32 s17;
	v28 =	vld [tilespmem:s0+$0xD0]  }
0x1df: {  	v30 =	vld [tilespmem:s0+$0xE0];
	[tilespmem:s18+$0xA600] =	vst v20  }
0x1e0: {  	[tilespmem:s18+$0xA401] =	vst v0  }
0x1e1: {  	[tilespmem:s18+$0xA411] =	vst v1  }
0x1e2: {  	[tilespmem:s18+$0xA422] =	vst v2  }
0x1e3: {  	[tilespmem:s18+$0xA432] =	vst v3  }
0x1e4: {  	[tilespmem:s18+$0xA443] =	vst v4  }
0x1e5: {  	[tilespmem:s18+$0xA453] =	vst v5  }
0x1e6: {  	[tilespmem:s18+$0xA464] =	vst v6  }
0x1e7: {  	[tilespmem:s18+$0xA474] =	vst v7  }
0x1e8: {  	[tilespmem:s18+$0xA485] =	vst v8  }
0x1e9: {  	[tilespmem:s18+$0xA495] =	vst v9  }
0x1ea: {  	[tilespmem:s18+$0xA4A6] =	vst v10  }
0x1eb: {  	[tilespmem:s18+$0xA4B6] =	vst v11  }
0x1ec: {  	[tilespmem:s18+$0xA4C7] =	vst v12  }
0x1ed: {  	[tilespmem:s18+$0xA4D7] =	vst v13  }
0x1ee: {  	[tilespmem:s18+$0xA4E8] =	vst v14  }
0x1ef: {  	[tilespmem:s18+$0xA4F8] =	vst v15  }
0x1f0: {  	[tilespmem:s18+$0xA509] =	vst v16  }
0x1f1: {  	[tilespmem:s18+$0xA519] =	vst v18  }
0x1f2: {  	[tilespmem:s18+$0xA52A] =	vst v56  }
0x1f3: {  	[tilespmem:s18+$0xA53A] =	vst v57  }
0x1f4: {  	[tilespmem:s18+$0xA54B] =	vst v58  }
0x1f5: {  	[tilespmem:s18+$0xA55B] =	vst v59  }
0x1f6: {  	[tilespmem:s18+$0xA56C] =	vst v60  }
0x1f7: {  	[tilespmem:s18+$0xA57C] =	vst v61  }
0x1f8: {  	[tilespmem:s18+$0xA58D] =	vst v62  }
0x1f9: {  	[tilespmem:s18+$0xA59D] =	vst v63  }
0x1fa: {  	[tilespmem:s18+$0xA5AE] =	vst v22  }
0x1fb: {  	[tilespmem:s18+$0xA5BE] =	vst v24  }
0x1fc: {  	[tilespmem:s18+$0xA5CF] =	vst v26  }
0x1fd: {  	[tilespmem:s18+$0xA5DF] =	vst v28  }
0x1fe: {  	s0 =	sadd.s32 $0x200, s0;
	[tilespmem:s18+$0xA5F0] =	vst v30  }
0x1ff: {  	v0 =	vld [tilespmem:s0+$0xFFFFFF00]  }
0x200: {  	v1 =	vld [tilespmem:s0+$0xFFFFFF10]  }
0x201: {  	v2 =	vld [tilespmem:s0+$0xFFFFFF20]  }
0x202: {  	v3 =	vld [tilespmem:s0+$0xFFFFFF30]  }
0x203: {  	v4 =	vld [tilespmem:s0+$0xFFFFFF40]  }
0x204: {  	v5 =	vld [tilespmem:s0+$0xFFFFFF50]  }
0x205: {  	v6 =	vld [tilespmem:s0+$0xFFFFFF60]  }
0x206: {  	v7 =	vld [tilespmem:s0+$0xFFFFFF70]  }
0x207: {  	v8 =	vld [tilespmem:s0+$0xFFFFFF80]  }
0x208: {  	v9 =	vld [tilespmem:s0+$0xFFFFFF90]  }
0x209: {  	v10 =	vld [tilespmem:s0+$0xFFFFFFA0]  }
0x20a: {  	v11 =	vld [tilespmem:s0+$0xFFFFFFB0]  }
0x20b: {  	v12 =	vld [tilespmem:s0+$0xFFFFFFC0]  }
0x20c: {  	v13 =	vld [tilespmem:s0+$0xFFFFFFD0]  }
0x20d: {  	v14 =	vld [tilespmem:s0+$0xFFFFFFE0]  }
0x20e: {  	v15 =	vld [tilespmem:s0+$0xFFFFFFF0]  }
0x20f: {  	v16 =	vld [tilespmem:s0+$0x0]  }
0x210: {  	v18 =	vld [tilespmem:s0+$0x10]  }
0x211: {  	v56 =	vld [tilespmem:s0+$0x20]  }
0x212: {  	v57 =	vld [tilespmem:s0+$0x30]  }
0x213: {  	v58 =	vld [tilespmem:s0+$0x40]  }
0x214: {  	v59 =	vld [tilespmem:s0+$0x50]  }
.Ltmp2:
0x215: {  	v60 =	vld [tilespmem:s0+$0x60];
	(pc) =	sbr.rel @p0 .LBB2_7-.Ltmp2, $4  }
0x216: {  	v61 =	vld [tilespmem:s0+$0x70]  }
0x217: {  	v62 =	vld [tilespmem:s0+$0x80]  }
0x218: {  	v63 =	vld [tilespmem:s0+$0x90]  }
0x219: {  	s17 =	sadd.s32 $0x840, s17;
	v20 =	vld [tilespmem:s0+$0xF0]  }
0x21a: {  	v22 =	vld [tilespmem:s0+$0xA0]  }
0x21b: {  	v24 =	vld [tilespmem:s0+$0xB0]  }
0x21c: {  	v26 =	vld [tilespmem:s0+$0xC0]  }
0x21d: {  	v28 =	vld [tilespmem:s0+$0xD0];
	s5 =	sshra.s32 s5, $0x2  }
0x21e: {  	v30 =	vld [tilespmem:s0+$0xE0];
	[tilespmem:s5+$0xA401] =	vst v0  }
0x21f: {  	[tilespmem:s5+$0xA411] =	vst v1  }
0x220: {  	[tilespmem:s5+$0xA422] =	vst v2  }
0x221: {  	[tilespmem:s5+$0xA432] =	vst v3  }
0x222: {  	[tilespmem:s5+$0xA443] =	vst v4  }
0x223: {  	[tilespmem:s5+$0xA453] =	vst v5  }
0x224: {  	[tilespmem:s5+$0xA464] =	vst v6  }
0x225: {  	[tilespmem:s5+$0xA474] =	vst v7  }
0x226: {  	v40 =	vld [tilespmem:$0x1FE70];
	[tilespmem:s5+$0xA485] =	vst v8  }
0x227: {  	v41 =	vld [tilespmem:$0x1FE80];
	[tilespmem:s5+$0xA495] =	vst v9  }
0x228: {  	v42 =	vld [tilespmem:$0x1FE90];
	[tilespmem:s5+$0xA4A6] =	vst v10  }
0x229: {  	v43 =	vld [tilespmem:$0x1FEA0];
	[tilespmem:s5+$0xA4B6] =	vst v11  }
0x22a: {  	v44 =	vld [tilespmem:$0x1FEB0];
	[tilespmem:s5+$0xA4C7] =	vst v12  }
0x22b: {  	v45 =	vld [tilespmem:$0x1FEC0];
	[tilespmem:s5+$0xA4D7] =	vst v13  }
0x22c: {  	v46 =	vld [tilespmem:$0x1FED0];
	[tilespmem:s5+$0xA4E8] =	vst v14  }
0x22d: {  	v47 =	vld [tilespmem:$0x1FEE0];
	[tilespmem:s5+$0xA4F8] =	vst v15  }
0x22e: {  	v48 =	vld [tilespmem:$0x1FEF0];
	[tilespmem:s5+$0xA509] =	vst v16  }
0x22f: {  	v49 =	vld [tilespmem:$0x1FF00];
	[tilespmem:s5+$0xA519] =	vst v18  }
0x230: {  	v50 =	vld [tilespmem:$0x1FF10];
	[tilespmem:s5+$0xA52A] =	vst v56  }
0x231: {  	v51 =	vld [tilespmem:$0x1FF20];
	[tilespmem:s5+$0xA53A] =	vst v57  }
0x232: {  	v52 =	vld [tilespmem:$0x1FF30];
	[tilespmem:s5+$0xA54B] =	vst v58  }
0x233: {  	v53 =	vld [tilespmem:$0x1FF40];
	[tilespmem:s5+$0xA55B] =	vst v59  }
0x234: {  	v54 =	vld [tilespmem:$0x1FF50];
	[tilespmem:s5+$0xA56C] =	vst v60  }
0x235: {  	v55 =	vld [tilespmem:$0x1FF60];
	[tilespmem:s5+$0xA57C] =	vst v61  }
0x236: {  	v32 =	vld [tilespmem:$0x1FF70];
	[tilespmem:s5+$0xA58D] =	vst v62  }
0x237: {  	v33 =	vld [tilespmem:$0x1FF80];
	[tilespmem:s5+$0xA59D] =	vst v63  }
0x238: {  	v34 =	vld [tilespmem:$0x1FF90];
	[tilespmem:s5+$0xA600] =	vst v20  }
0x239: {  	v35 =	vld [tilespmem:$0x1FFA0];
	[tilespmem:s5+$0xA5AE] =	vst v22  }
0x23a: {  	v36 =	vld [tilespmem:$0x1FFB0];
	[tilespmem:s5+$0xA5BE] =	vst v24  }
0x23b: {  	v37 =	vld [tilespmem:$0x1FFC0];
	[tilespmem:s5+$0xA5CF] =	vst v26  }
0x23c: {  	v38 =	vld [tilespmem:$0x1FFD0];
	[tilespmem:s5+$0xA5DF] =	vst v28  }
0x23d: {  	s0 =	simm.s32 $0x0;
	s17 =	simm.s32 $0x0;
	v39 =	vld [tilespmem:$0x1FFF0];
	[tilespmem:s5+$0xA5F0] =	vst v30;
	s5 =	simm.s32 $0x0  }
.LBB2_9:
0x23e: {  	v0 =	vmov s0;
	v1 =	vld [tilespmem:$0x1FFE0]  }
0x23f: {  	v2 =	vld [tilespmem:$0x1FE00];
	v0 =	vmul.u32 $0x21, v0  }
0x240: {  	v3 =	vld [tilespmem:$0x1FE10]  }
0x241: {  	v4 =	vld [tilespmem:$0x1FE20];
	v0 =	vbroadcast v0, $0x0  }
0x242: {  	v5 =	vld [tilespmem:$0x1FE30]  }
0x243: {  	v6 =	vld [tilespmem:$0x1FE40];
	v1 =	vadd.s32 v1, v0  }
0x244: {  	v7 =	vld [tilespmem:$0x1FE50];
	v2 =	vadd.s32 v2, v0;
	v1 =	vand.u32 $0xFFFFFFF8, v1  }
0x245: {  	v8 =	vld [tilespmem:$0x1FE60];
	v3 =	vadd.s32 v3, v0;
	v2 =	vand.u32 $0xFFFFFFF8, v2;
	v1 =	vor.u32 v17, v1  }
0x246: {  	v4 =	vadd.s32 v4, v0;
	v3 =	vand.u32 $0xFFFFFFF8, v3;
	v2 =	vor.u32 v19, v2  }
0x247: {  	v5 =	vadd.s32 v5, v0;
	v4 =	vand.u32 $0xFFFFFFF8, v4;
	v3 =	vor.u32 v21, v3  }
0x248: {  	v6 =	vadd.s32 v6, v0;
	v5 =	vand.u32 $0xFFFFFFF8, v5;
	v4 =	vor.u32 v23, v4  }
0x249: {  	v7 =	vadd.s32 v7, v0;
	v6 =	vand.u32 $0xFFFFFFF8, v6;
	v5 =	vor.u32 v25, v5  }
0x24a: {  	v8 =	vadd.s32 v8, v0;
	v7 =	vand.u32 $0xFFFFFFF8, v7;
	v6 =	vor.u32 v27, v6;
	v1 =	vld.idx.msk [tilespmem:v1+s22+$0x0], $0xffff  }
0x24b: {  	v9 =	vadd.s32 v40, v0;
	v8 =	vand.u32 $0xFFFFFFF8, v8;
	v7 =	vor.u32 v29, v7;
	v2 =	vld.idx.msk [tilespmem:v2+s22+$0x0], $0xffff  }
0x24c: {  	v10 =	vadd.s32 v41, v0;
	v9 =	vand.u32 $0xFFFFFFF8, v9;
	v8 =	vor.u32 v31, v8;
	v3 =	vld.idx.msk [tilespmem:v3+s22+$0x0], $0xffff  }
0x24d: {  	v11 =	vadd.s32 v42, v0;
	v10 =	vand.u32 $0xFFFFFFF8, v10;
	v9 =	vor.u32 v17, v9;
	v4 =	vld.idx.msk [tilespmem:v4+s22+$0x0], $0xffff  }
0x24e: {  	v12 =	vadd.s32 v43, v0;
	v11 =	vand.u32 $0xFFFFFFF8, v11;
	v10 =	vor.u32 v19, v10;
	v5 =	vld.idx.msk [tilespmem:v5+s22+$0x0], $0xffff  }
0x24f: {  	v13 =	vadd.s32 v44, v0;
	v12 =	vand.u32 $0xFFFFFFF8, v12;
	v11 =	vor.u32 v21, v11;
	v6 =	vld.idx.msk [tilespmem:v6+s22+$0x0], $0xffff  }
0x250: {  	v14 =	vadd.s32 v45, v0;
	v13 =	vand.u32 $0xFFFFFFF8, v13;
	v12 =	vor.u32 v23, v12;
	v7 =	vld.idx.msk [tilespmem:v7+s22+$0x0], $0xffff  }
0x251: {  	v15 =	vadd.s32 v46, v0;
	v14 =	vand.u32 $0xFFFFFFF8, v14;
	v13 =	vor.u32 v25, v13;
	v8 =	vld.idx.msk [tilespmem:v8+s22+$0x0], $0xffff  }
0x252: {  	v16 =	vadd.s32 v47, v0;
	v15 =	vand.u32 $0xFFFFFFF8, v15;
	v14 =	vor.u32 v27, v14;
	v9 =	vld.idx.msk [tilespmem:v9+s22+$0x0], $0xffff  }
0x253: {  	v18 =	vadd.s32 v48, v0;
	v16 =	vand.u32 $0xFFFFFFF8, v16;
	v15 =	vor.u32 v29, v15;
	v10 =	vld.idx.msk [tilespmem:v10+s22+$0x0], $0xffff  }
0x254: {  	v20 =	vadd.s32 v49, v0;
	v18 =	vand.u32 $0xFFFFFFF8, v18;
	v16 =	vor.u32 v31, v16;
	v11 =	vld.idx.msk [tilespmem:v11+s22+$0x0], $0xffff  }
0x255: {  	v22 =	vadd.s32 v50, v0;
	v20 =	vand.u32 $0xFFFFFFF8, v20;
	v18 =	vor.u32 v17, v18;
	v12 =	vld.idx.msk [tilespmem:v12+s22+$0x0], $0xffff  }
0x256: {  	v24 =	vadd.s32 v51, v0;
	v22 =	vand.u32 $0xFFFFFFF8, v22;
	v20 =	vor.u32 v19, v20;
	v13 =	vld.idx.msk [tilespmem:v13+s22+$0x0], $0xffff  }
0x257: {  	v26 =	vadd.s32 v52, v0;
	v24 =	vand.u32 $0xFFFFFFF8, v24;
	v22 =	vor.u32 v21, v22;
	v14 =	vld.idx.msk [tilespmem:v14+s22+$0x0], $0xffff  }
0x258: {  	v28 =	vadd.s32 v53, v0;
	v26 =	vand.u32 $0xFFFFFFF8, v26;
	v24 =	vor.u32 v23, v24;
	v15 =	vld.idx.msk [tilespmem:v15+s22+$0x0], $0xffff  }
0x259: {  	v30 =	vadd.s32 v54, v0;
	v28 =	vand.u32 $0xFFFFFFF8, v28;
	v26 =	vor.u32 v25, v26;
	v16 =	vld.idx.msk [tilespmem:v16+s22+$0x0], $0xffff  }
0x25a: {  	v56 =	vadd.s32 v55, v0;
	v30 =	vand.u32 $0xFFFFFFF8, v30;
	v28 =	vor.u32 v27, v28;
	v18 =	vld.idx.msk [tilespmem:v18+s22+$0x0], $0xffff  }
0x25b: {  	v57 =	vadd.s32 v32, v0;
	v56 =	vand.u32 $0xFFFFFFF8, v56;
	v30 =	vor.u32 v29, v30;
	v20 =	vld.idx.msk [tilespmem:v20+s22+$0x0], $0xffff  }
0x25c: {  	v58 =	vadd.s32 v33, v0;
	v57 =	vand.u32 $0xFFFFFFF8, v57;
	v56 =	vor.u32 v31, v56;
	v22 =	vld.idx.msk [tilespmem:v22+s22+$0x0], $0xffff  }
0x25d: {  	v59 =	vadd.s32 v34, v0;
	v58 =	vand.u32 $0xFFFFFFF8, v58;
	v57 =	vor.u32 v17, v57;
	v24 =	vld.idx.msk [tilespmem:v24+s22+$0x0], $0xffff  }
0x25e: {  	v60 =	vadd.s32 v35, v0;
	v59 =	vand.u32 $0xFFFFFFF8, v59;
	v58 =	vor.u32 v19, v58;
	v26 =	vld.idx.msk [tilespmem:v26+s22+$0x0], $0xffff  }
0x25f: {  	v61 =	vadd.s32 v36, v0;
	v60 =	vand.u32 $0xFFFFFFF8, v60;
	v59 =	vor.u32 v21, v59;
	v28 =	vld.idx.msk [tilespmem:v28+s22+$0x0], $0xffff  }
0x260: {  	v62 =	vadd.s32 v37, v0;
	v61 =	vand.u32 $0xFFFFFFF8, v61;
	v60 =	vor.u32 v23, v60;
	v30 =	vld.idx.msk [tilespmem:v30+s22+$0x0], $0xffff  }
0x261: {  	v63 =	vadd.s32 v38, v0;
	v62 =	vand.u32 $0xFFFFFFF8, v62;
	v61 =	vor.u32 v25, v61;
	v56 =	vld.idx.msk [tilespmem:v56+s22+$0x0], $0xffff  }
0x262: {  	v0 =	vadd.s32 v39, v0;
	v63 =	vand.u32 $0xFFFFFFF8, v63;
	v62 =	vor.u32 v27, v62;
	v57 =	vld.idx.msk [tilespmem:v57+s22+$0x0], $0xffff  }
0x263: {  	v0 =	vand.u32 $0xFFFFFFF8, v0;
	v63 =	vor.u32 v29, v63;
	v58 =	vld.idx.msk [tilespmem:v58+s22+$0x0], $0xffff  }
0x264: {  	s14 =	sshrl.u32 s17, $0x3;
	v0 =	vor.u32 v31, v0;
	v59 =	vld.idx.msk [tilespmem:v59+s22+$0x0], $0xffff  }
0x265: {  	s14 =	smul.u32 $0x3E00, s14;
	v60 =	vld.idx.msk [tilespmem:v60+s22+$0x0], $0xffff  }
0x266: {  	v61 =	vld.idx.msk [tilespmem:v61+s22+$0x0], $0xffff  }
0x267: {  	s18 =	sshra.s32 s5, $0x2;
	s14 =	sshra.s32 s14, $0x2;
	v62 =	vld.idx.msk [tilespmem:v62+s22+$0x0], $0xffff;
	v1 =	vmul.f32 $5.656854150e+00, v1  }
0x268: {  	s18 =	sadd.s32 s18, s14;
	v63 =	vld.idx.msk [tilespmem:v63+s22+$0x0], $0xffff;
	v2 =	vmul.f32 $5.656854150e+00, v2  }
0x269: {  	v0 =	vld.idx.msk [tilespmem:v0+s22+$0x0], $0xffff;
	v4 =	vmul.f32 $5.656854150e+00, v4;
	[tilespmem:s18+$0xE700] =	vst v1  }
0x26a: {  	v5 =	vmul.f32 $5.656854150e+00, v5;
	[tilespmem:s18+$0xE780] =	vst v2  }
0x26b: {  	v6 =	vmul.f32 $5.656854150e+00, v6;
	[tilespmem:s18+$0xE880] =	vst v4  }
0x26c: {  	v7 =	vmul.f32 $5.656854150e+00, v7;
	[tilespmem:s18+$0xE900] =	vst v5  }
0x26d: {  	v8 =	vmul.f32 $5.656854150e+00, v8;
	[tilespmem:s18+$0xE980] =	vst v6  }
0x26e: {  	v9 =	vmul.f32 $5.656854150e+00, v9;
	[tilespmem:s18+$0xEA00] =	vst v7  }
0x26f: {  	v10 =	vmul.f32 $5.656854150e+00, v10;
	[tilespmem:s18+$0xEA80] =	vst v8  }
0x270: {  	v11 =	vmul.f32 $5.656854150e+00, v11;
	[tilespmem:s18+$0xEB00] =	vst v9  }
0x271: {  	v12 =	vmul.f32 $5.656854150e+00, v12;
	[tilespmem:s18+$0xEB80] =	vst v10  }
0x272: {  	v56 =	vmul.f32 $5.656854150e+00, v56;
	[tilespmem:s18+$0xEC00] =	vst v11  }
0x273: {  	v57 =	vmul.f32 $5.656854150e+00, v57;
	[tilespmem:s18+$0xEC80] =	vst v12  }
0x274: {  	v58 =	vmul.f32 $5.656854150e+00, v58;
	[tilespmem:s18+$0xF280] =	vst v56  }
0x275: {  	v59 =	vmul.f32 $5.656854150e+00, v59;
	[tilespmem:s18+$0xF300] =	vst v57  }
0x276: {  	v60 =	vmul.f32 $5.656854150e+00, v60;
	[tilespmem:s18+$0xF380] =	vst v58  }
0x277: {  	v61 =	vmul.f32 $5.656854150e+00, v61;
	[tilespmem:s18+$0xF400] =	vst v59  }
0x278: {  	v62 =	vmul.f32 $5.656854150e+00, v62;
	[tilespmem:s18+$0xF480] =	vst v60  }
0x279: {  	v63 =	vmul.f32 $5.656854150e+00, v63;
	[tilespmem:s18+$0xF500] =	vst v61  }
0x27a: {  	v0 =	vmul.f32 $5.656854150e+00, v0;
	[tilespmem:s18+$0xF580] =	vst v62  }
0x27b: {  	v1 =	vmul.f32 $5.656854150e+00, v3;
	[tilespmem:s18+$0xF600] =	vst v63  }
0x27c: {  	v4 =	vmul.f32 $5.656854150e+00, v13;
	[tilespmem:s18+$0xF680] =	vst v0  }
0x27d: {  	v5 =	vmul.f32 $5.656854150e+00, v14;
	[tilespmem:s18+$0xE800] =	vst v1  }
0x27e: {  	v6 =	vmul.f32 $5.656854150e+00, v15;
	[tilespmem:s18+$0xED00] =	vst v4  }
0x27f: {  	v7 =	vmul.f32 $5.656854150e+00, v16;
	[tilespmem:s18+$0xED80] =	vst v5  }
0x280: {  	v8 =	vmul.f32 $5.656854150e+00, v18;
	[tilespmem:s18+$0xEE00] =	vst v6  }
0x281: {  	v9 =	vmul.f32 $5.656854150e+00, v20;
	[tilespmem:s18+$0xEE80] =	vst v7  }
0x282: {  	v10 =	vmul.f32 $5.656854150e+00, v22;
	[tilespmem:s18+$0xEF00] =	vst v8  }
0x283: {  	p0 =	sne.s32 s5, $0x3C0;
	v11 =	vmul.f32 $5.656854150e+00, v24;
	[tilespmem:s18+$0xEF80] =	vst v9  }
.Ltmp3:
0x284: {  	v12 =	vmul.f32 $5.656854150e+00, v26;
	[tilespmem:s18+$0xF000] =	vst v10;
	(pc) =	sbr.rel @p0 .LBB2_9-.Ltmp3, $4  }
0x285: {  	v13 =	vmul.f32 $5.656854150e+00, v28;
	[tilespmem:s18+$0xF080] =	vst v11  }
0x286: {  	v14 =	vmul.f32 $5.656854150e+00, v30;
	[tilespmem:s18+$0xF100] =	vst v12  }
0x287: {  	[tilespmem:s18+$0xF180] =	vst v13  }
0x288: {  	s17 =	sadd.s32 $0x1, s17;
	s0 =	sadd.s32 $0x10, s0;
	s5 =	sadd.s32 $0x40, s5;
	[tilespmem:s18+$0xF200] =	vst v14  }
0x289: {  	s0 =	sshll.u32 s29, $0x12  }
0x28a: {  	s0 =	sor.u32 s6, s0  }
0x28b: {  	s0 =	sshrl.u32 s0, $0x3  }
0x28c: {  	s14 =	simm.s32 $0xE700;
	s5 =	sadd.s32 s2, s0  }
0x28d: {  	[hbm4b:s5+s3] =	stream.linear.scatter [tilespmem:s14], [sflag:$0x4], $0x400, $0x38;
	[tilespmem:$0x10700] =	vst v63  }
0x28e: {  	s31 =	simm.s32 $0xEB00;
	s29 =	sadd.s32 s0, s7  }
0x28f: {  	[hbm4b:s29+s3] =	stream.linear.scatter [tilespmem:s31], [sflag:$0x4], $0x400, $0x38;
	[tilespmem:$0x10700] =	vst v63  }
0x290: {  	s17 =	simm.s32 $0xEF00;
	s14 =	sadd.s32 s0, s8  }
0x291: {  	[hbm4b:s14+s3] =	stream.linear.scatter [tilespmem:s17], [sflag:$0x4], $0x400, $0x38;
	[tilespmem:$0x10700] =	vst v63  }
0x292: {  	s18 =	sshll.u32 s30, $0x11;
	s0 =	sadd.s32 s0, s9  }
0x293: {  	[hbm4b:s0+s3] =	stream.linear.scatter [tilespmem:s15], [sflag:$0x4], $0x400, $0x38;
	[tilespmem:$0x10700] =	vst v63  }
0x294: {  	s0 =	sor.u32 s6, s18  }
0x295: {  	s0 =	sshrl.u32 s0, $0x3  }
0x296: {  	s29 =	sadd.s32 s2, s0  }
0x297: {  	[hbm4b:s29+s3] =	stream.linear.scatter [tilespmem:s19], [sflag:$0x4], $0x400, $0x38;
	[tilespmem:$0x10700] =	vst v63  }
0x298: {  	s30 =	sadd.s32 s0, s7  }
0x299: {  	[hbm4b:s30+s3] =	stream.linear.scatter [tilespmem:s20], [sflag:$0x4], $0x400, $0x38;
	[tilespmem:$0x10700] =	vst v63  }
0x29a: {  	s31 =	sadd.s32 s0, s8  }
0x29b: {  	[hbm4b:s31+s3] =	stream.linear.scatter [tilespmem:s23], [sflag:$0x4], $0x400, $0x38;
	[tilespmem:$0x10700] =	vst v63  }
0x29c: {  	s28 =	sadd.s32 $0x1, s28;
	s0 =	sadd.s32 s0, s9  }
0x29d: {  	[hbm4b:s0+s3] =	stream.linear.scatter [tilespmem:s24], [sflag:$0x4], $0x400, $0x38;
	[tilespmem:$0x10700] =	vst v63  }
0x29e: {  	p0 =	sne.s32 s28, $0x32;
	_ =	swait.ge [sflag:s25], $0x2000  }
.Ltmp4:
0x29f: {  	[sflag:s25] =	ssyncset.done $0x0;
	(pc) =	sbr.rel @p0 .LBB2_2-.Ltmp4, $4  }
0x2a0: {  	[sflag:s25] =	ssyncadd.s32 $0xFFFFE000  }
0x2a1: {  	_ =	swait.ge [sflag:s26], $0x2000  }
0x2a2: {  	[sflag:s26] =	ssyncset.done $0x0  }
0x2a3: {  	[sflag:s26] =	ssyncadd.s32 $0xFFFFE000  }
0x2a4: {  	_ =	swait.ge [sflag:s21], $0x2000  }
0x2a5: {  	s5 =	rddreg [dreg:$0x5]  }
0x2a6: {  	s0 =	rddreg [dreg:$0x4];
	s5 =	sadd.s32 $0x1, s5  }
0x2a7: {  	p0 =	sne.s32 s5, s0  }
.Ltmp5:
0x2a8: {  	_ = 	snop;
	(pc) =	sbr.rel @p0 .LBB2_1-.Ltmp5, $3  }
0x2a9: {  	_ =	sdelay $0x1  }
0x2aa: {  	[sflag:s21] =	ssyncset.done $0x0  }
0x2ab: {  	[sflag:s21] =	ssyncadd.s32 $0xFFFFE000  }
0x2ac: {  	_ =	sfence.sel $0x180000  }
0x2ad: {  	[bflag:$0x0] =	sbarrier.arrive $0xFFFF  }
0x2ae: {  	_ =	strace $0x9000004A  }
0x2af: {  	s0 =	stileid.u32;
	[bflag:$0x2] =	sbarrier.arrive $0xFFFF  }
0x2b0: {  	p0 =	sne.s32 s0, $0x0;
	s0 =	rddreg [dreg:$0x2]  }
0x2b1: {  	s0 =	sadd.s32 @!p0 $0x100000, s0  }
0x2b2: {  	[sflag:s0] =	ssyncadd.tile.s32 @!p0 $0x1;
	_ =	shalt  }
.Lfunc_end2:
_tile_overlayer_lowered:
.L_overlay_start_2:
0x2b3: {  	(tag) =	ssettag $0x2  }
0x2b4: {  	s0 =	rddreg [dreg:$0x0];
	s2 =	stileid.u32  }
0x2b5: {  	s1 =	rddreg [dreg:$0x1];
	p0 =	sne.s32 s2, $0x0  }
0x2b6: {  	s3 =	rddreg [dreg:$0x2];
	[bflag:$0x3] =	sbarrier.arrive $0xFFFF;
	s2 =	simm.s32 @!p0 $0x1C05  }
0x2b7: {  	[timem:s3], [sflag:s2] =	dma.local @!p0 [hbm:s0], s1  }
0x2b8: {  	s0 =	simm.s32 @!p0 $0x5  }
0x2b9: {  	_ =	swait.ge @!p0 [sflag:s0], s1  }
0x2ba: {  	s1 =	ssub.s32 @!p0 $0x0, s1;
	[sflag:s0] =	ssyncset.done @!p0 $0x0  }
0x2bb: {  	[sflag:s0] =	ssyncadd.s32 @!p0 s1  }
0x2bc: {  	[bflag:$0x3] =	sbarrier.arrive $0xFFFF  }
0x2bd: {  	_ =	shalt  }

</sc_bundles>
